<compile_context>
chip_gen: v7x
topology: tpu7x:2x2x1
jax: 0.10.2.dev20260603
libtpu: 0.0.44.dev20260713+nightly
codegen_flags: <defaults>
</compile_context>

<pallas_src>
import functools

import jax
import jax.numpy as jnp
from jax import lax
from jax.experimental import pallas as pl
from jax.experimental.pallas import tpu as pltpu
from jax.experimental.pallas import tpu_sc as plsc

N = 10000
E = 320000
HOPS = 3
HEADS = 8
HID = 128
HD = HID // HEADS
OUT = 128
DECAY = (0.6, 0.3, 0.1)

NWORKERS = 32
PER_TILE = E // NWORKERS
K = 80
NCHUNK = PER_TILE // K
ROWS_A = 640
ROWS_B = N - 15 * ROWS_A
RB = 1000
NB = N // RB


def _leaky(v, slope):
    return jnp.where(v > 0, v, v * slope)


def _prep_body(x_ref, wg_ref, asrcm_ref, adstm_ref,
               h_ref, as_ref, ad_ref, mxs_ref, mxd_ref):
    j = pl.program_id(1)
    h = jnp.dot(x_ref[...], wg_ref[0], preferred_element_type=jnp.float32)
    h_ref[0] = h
    asv = jnp.dot(h, asrcm_ref[0], preferred_element_type=jnp.float32)
    adv = jnp.dot(h, adstm_ref[0], preferred_element_type=jnp.float32)
    as_ref[0] = asv
    ad_ref[0] = adv
    bs = jnp.max(asv, axis=0)[None, None, :]
    bd = jnp.max(adv, axis=0)[None, None, :]

    @pl.when(j == 0)
    def _():
        mxs_ref[...] = bs
        mxd_ref[...] = bd

    @pl.when(j > 0)
    def _():
        mxs_ref[...] = jnp.maximum(mxs_ref[...], bs)
        mxd_ref[...] = jnp.maximum(mxd_ref[...], bd)


def _prep(x, Wg, Asrc, Adst):
    return pl.pallas_call(
        _prep_body,
        grid=(HOPS, NB),
        in_specs=[
            pl.BlockSpec((RB, HID), lambda k, j: (j, 0)),
            pl.BlockSpec((1, HID, HID), lambda k, j: (k, 0, 0)),
            pl.BlockSpec((1, HID, HEADS), lambda k, j: (k, 0, 0)),
            pl.BlockSpec((1, HID, HEADS), lambda k, j: (k, 0, 0)),
        ],
        out_specs=[
            pl.BlockSpec((1, RB, HID), lambda k, j: (k, j, 0)),
            pl.BlockSpec((1, RB, HEADS), lambda k, j: (k, j, 0)),
            pl.BlockSpec((1, RB, HEADS), lambda k, j: (k, j, 0)),
            pl.BlockSpec((1, 1, HEADS), lambda k, j: (k, 0, 0)),
            pl.BlockSpec((1, 1, HEADS), lambda k, j: (k, 0, 0)),
        ],
        out_shape=[
            jax.ShapeDtypeStruct((HOPS, N, HID), jnp.float32),
            jax.ShapeDtypeStruct((HOPS, N, HEADS), jnp.float32),
            jax.ShapeDtypeStruct((HOPS, N, HEADS), jnp.float32),
            jax.ShapeDtypeStruct((HOPS, 1, HEADS), jnp.float32),
            jax.ShapeDtypeStruct((HOPS, 1, HEADS), jnp.float32),
        ],
    )(x, Wg, Asrc, Adst)


def _sc_edges(edges, h_flat, alphaA, barr):
    mesh = plsc.VectorSubcoreMesh(core_axis_name="c", subcore_axis_name="s")

    @functools.partial(
        pl.kernel,
        mesh=mesh,
        out_type=[
            jax.ShapeDtypeStruct((HOPS * 2, N, HID), jnp.float32),
            jax.ShapeDtypeStruct((HOPS * E * 16,), jnp.float32),
        ],
        scratch_types=[
            pltpu.VMEM((K,), jnp.int32),
            pltpu.VMEM((K,), jnp.int32),
            pltpu.VMEM((K,), jnp.int32),
            pltpu.VMEM((K, HID), jnp.float32),
            pltpu.VMEM((K, HID), jnp.float32),
            pltpu.VMEM((K, 16), jnp.float32),
            pltpu.VMEM((K * 16,), jnp.float32),
            pltpu.VMEM((K, HID), jnp.float32),
            pltpu.VMEM((16,), jnp.float32),
            pltpu.VMEM_SHARED((N, HID), jnp.float32),
            pltpu.SemaphoreType.DMA,
            pltpu.SemaphoreType.DMA,
            pltpu.SemaphoreType.DMA,
        ],
    )
    def body(edges_hbm, h_hbm, aA_hbm, b_hbm,
             accp_hbm, ex_hbm,
             srcb, dstb, dstk, gdbuf, gsbuf, exbuf, packed, rows, bbuf,
             acc_sh, sem1, sem2, sem3):
        c = lax.axis_index("c")
        s = lax.axis_index("s")
        wid = s * 2 + c
        zero16 = jnp.zeros((16,), jnp.float32)

        for k in range(HOPS):
            kc = 2 * k + c

            def zrow(e, _):
                for j in range(HEADS):
                    rows[e, pl.ds(16 * j, 16)] = zero16
                exbuf[e, :] = zero16
                return 0

            lax.fori_loop(0, K, zrow, 0)

            @pl.when(s < 15)
            def _():
                for i in range(ROWS_A // K):
                    pltpu.sync_copy(rows, acc_sh.at[pl.ds(s * ROWS_A + K * i, K)])

            @pl.when(s == 15)
            def _():
                for i in range(ROWS_B // K):
                    pltpu.sync_copy(rows, acc_sh.at[pl.ds(15 * ROWS_A + K * i, K)])

            pltpu.sync_copy(b_hbm.at[pl.ds(16 * k, 16)], bbuf)
            plsc.subcore_barrier()

            def chunk(cc, _):
                base = wid * PER_TILE + cc * K
                soff = k * 2 * E + base
                pltpu.sync_copy(edges_hbm.at[pl.ds(soff, K)], srcb)
                pltpu.sync_copy(edges_hbm.at[pl.ds(soff + E, K)], dstb)
                for i in range(K // 16):
                    sl = pl.ds(16 * i, 16)
                    srcb[sl] = srcb[sl] + k * N
                    dstk[sl] = dstb[sl] + k * N
                cp_h = pltpu.async_copy(h_hbm.at[srcb], rows, sem3)
                cp_d = pltpu.async_copy(aA_hbm.at[dstk], gdbuf, sem1)
                cp_s = pltpu.async_copy(aA_hbm.at[srcb], gsbuf, sem2)
                rot = ((lax.iota(jnp.int32, 16) + 8) & 15)[:, None]
                dnums = lax.GatherDimensionNumbers(
                    offset_dims=(), collapsed_slice_dims=(0,),
                    start_index_map=(0,))
                cp_d.wait()
                cp_s.wait()
                bv = bbuf[:]

                def exloop(e, _):
                    gd = lax.gather(
                        gdbuf[e, pl.ds(0, 16)], rot, dimension_numbers=dnums,
                        slice_sizes=(1,),
                        mode=lax.GatherScatterMode.PROMISE_IN_BOUNDS)
                    sv = gsbuf[e, pl.ds(0, 16)] + gd
                    exbuf[e, :] = jnp.exp(_leaky(sv, 0.2) - bv)
                    return 0

                lax.fori_loop(0, K, exloop, 0)
                cp_h.wait()

                def sloop(e, _):
                    ev = exbuf[e, :]
                    packed[pl.ds(16 * e, 16)] = ev
                    for j in range(HEADS):
                        sl = pl.ds(16 * j, 16)
                        rows[e, sl] = rows[e, sl] * ev[j]
                    return 0

                lax.fori_loop(0, K, sloop, 0)
                pltpu.sync_copy(rows, acc_sh.at[dstb], add=True)
                pltpu.sync_copy(packed,
                                ex_hbm.at[pl.ds((k * E + base) * 16, K * 16)])
                return 0

            lax.fori_loop(0, NCHUNK, chunk, 0)
            plsc.subcore_barrier()

            @pl.when(s < 15)
            def _():
                pltpu.sync_copy(acc_sh.at[pl.ds(s * ROWS_A, ROWS_A)],
                                accp_hbm.at[kc, pl.ds(s * ROWS_A, ROWS_A)])

            @pl.when(s == 15)
            def _():
                pltpu.sync_copy(acc_sh.at[pl.ds(15 * ROWS_A, ROWS_B)],
                                accp_hbm.at[kc, pl.ds(15 * ROWS_A, ROWS_B)])

            plsc.subcore_barrier()

    return body(edges, h_flat, alphaA, barr)


def _sc_den(edges, exflat):
    mesh = plsc.VectorSubcoreMesh(core_axis_name="c", subcore_axis_name="s")

    @functools.partial(
        pl.kernel,
        mesh=mesh,
        out_type=[
            jax.ShapeDtypeStruct((HOPS * 2, N, HID), jnp.float32),
        ],
        scratch_types=[
            pltpu.VMEM((K,), jnp.int32),
            pltpu.VMEM((K * 16,), jnp.float32),
            pltpu.VMEM((K, HID), jnp.float32),
            pltpu.VMEM_SHARED((N, HID), jnp.float32),
        ],
    )
    def body(edges_hbm, ex_hbm, denp_hbm,
             dstb, packed, rows, den_sh):
        c = lax.axis_index("c")
        s = lax.axis_index("s")
        wid = s * 2 + c
        zero16 = jnp.zeros((16,), jnp.float32)

        for k in range(HOPS):
            kc = 2 * k + c

            def zrow(e, _):
                for j in range(HEADS):
                    rows[e, pl.ds(16 * j, 16)] = zero16
                return 0

            lax.fori_loop(0, K, zrow, 0)

            @pl.when(s < 15)
            def _():
                for i in range(ROWS_A // K):
                    pltpu.sync_copy(rows, den_sh.at[pl.ds(s * ROWS_A + K * i, K)])

            @pl.when(s == 15)
            def _():
                for i in range(ROWS_B // K):
                    pltpu.sync_copy(rows, den_sh.at[pl.ds(15 * ROWS_A + K * i, K)])

            plsc.subcore_barrier()

            def chunk(cc, _):
                base = wid * PER_TILE + cc * K
                soff = k * 2 * E + base
                pltpu.sync_copy(edges_hbm.at[pl.ds(soff + E, K)], dstb)
                pltpu.sync_copy(ex_hbm.at[pl.ds((k * E + base) * 16, K * 16)],
                                packed)

                def uloop(e, _):
                    rows[e, pl.ds(0, 16)] = packed[pl.ds(16 * e, 16)]
                    return 0

                lax.fori_loop(0, K, uloop, 0)
                pltpu.sync_copy(rows, den_sh.at[dstb], add=True)
                return 0

            lax.fori_loop(0, NCHUNK, chunk, 0)
            plsc.subcore_barrier()

            @pl.when(s < 15)
            def _():
                pltpu.sync_copy(den_sh.at[pl.ds(s * ROWS_A, ROWS_A)],
                                denp_hbm.at[kc, pl.ds(s * ROWS_A, ROWS_A)])

            @pl.when(s == 15)
            def _():
                pltpu.sync_copy(den_sh.at[pl.ds(15 * ROWS_A, ROWS_B)],
                                denp_hbm.at[kc, pl.ds(15 * ROWS_A, ROWS_B)])

            plsc.subcore_barrier()

    return body(edges, exflat)


def _decode_body(h_ref, as_ref, ad_ref, b_ref, accp_ref, denp_ref,
                 bg_ref, wd_ref, bd_ref, s_ref, out_ref):
    acc = jnp.zeros((RB, OUT), jnp.float32)
    S = s_ref[...]
    for k in range(HOPS):
        exs = jnp.exp(_leaky(as_ref[k] + ad_ref[k], 0.2) - b_ref[k][None, :])
        den = denp_ref[2 * k][:, :HEADS] + denp_ref[2 * k + 1][:, :HEADS] + exs
        exs128 = jnp.dot(exs, S, preferred_element_type=jnp.float32)
        rcp128 = jnp.dot(1.0 / den, S, preferred_element_type=jnp.float32)
        num = accp_ref[2 * k] + accp_ref[2 * k + 1] + h_ref[k] * exs128
        gat = num * rcp128 + bg_ref[k][None, :]
        xk = jnp.dot(gat, wd_ref[k], preferred_element_type=jnp.float32)
        xk = _leaky(xk + bd_ref[k][None, :], 0.01)
        acc = acc + DECAY[k] * xk
    out_ref[...] = acc


def _decode(h3, asrc3, adst3, b3, accp, denp, bg, Wd, bd, S):
    return pl.pallas_call(
        _decode_body,
        grid=(NB,),
        in_specs=[
            pl.BlockSpec((HOPS, RB, HID), lambda j: (0, j, 0)),
            pl.BlockSpec((HOPS, RB, HEADS), lambda j: (0, j, 0)),
            pl.BlockSpec((HOPS, RB, HEADS), lambda j: (0, j, 0)),
            pl.BlockSpec((HOPS, HEADS), lambda j: (0, 0)),
            pl.BlockSpec((HOPS * 2, RB, HID), lambda j: (0, j, 0)),
            pl.BlockSpec((HOPS * 2, RB, HID), lambda j: (0, j, 0)),
            pl.BlockSpec((HOPS, HID), lambda j: (0, 0)),
            pl.BlockSpec((HOPS, HID, OUT), lambda j: (0, 0, 0)),
            pl.BlockSpec((HOPS, OUT), lambda j: (0, 0)),
            pl.BlockSpec((HEADS, HID), lambda j: (0, 0)),
        ],
        out_specs=pl.BlockSpec((RB, OUT), lambda j: (j, 0)),
        out_shape=jax.ShapeDtypeStruct((N, OUT), jnp.float32),
    )(h3, asrc3, adst3, b3, accp, denp, bg, Wd, bd, S)


def kernel(x, edge_index_k_hops, Wg, att_src, att_dst, bg, Wd, bd):
    eye8 = jnp.eye(HEADS, dtype=jnp.float32)
    Asrc = (att_src[:, :, :, None] * eye8[None, :, None, :]).reshape(HOPS, HID, HEADS)
    Adst = (att_dst[:, :, :, None] * eye8[None, :, None, :]).reshape(HOPS, HID, HEADS)
    S = jnp.repeat(eye8, HD, axis=1)

    h3, asrc3, adst3, mxs, mxd = _prep(x, Wg, Asrc, Adst)

    b3 = _leaky(mxs[:, 0, :] + mxd[:, 0, :], 0.2)
    barr = jnp.concatenate([b3, b3], axis=1).reshape(HOPS * 16)
    pad = jnp.zeros((HOPS, N, HID - 16), jnp.float32)
    alphaA = jnp.concatenate([asrc3, adst3, pad], -1).reshape(HOPS * N, HID)
    h_flat = h3.reshape(HOPS * N, HID)
    edges_flat = edge_index_k_hops.reshape(HOPS * 2 * E)

    accp, exflat = _sc_edges(edges_flat, h_flat, alphaA, barr)
    denp, = _sc_den(edges_flat, exflat)

    return _decode(h3, asrc3, adst3, b3, accp, denp, bg, Wd, bd, S)

# --- scband reference (transcript-rebuilt; emitter-appended) ---
"""Pipeline reference for scband-gatk-layer-18013092839767 (READ-ONLY COPY).

The authoritative reference and input builder live on the scoring server;
editing this copy changes nothing except your own understanding.
"""

import jax, jax.numpy as jnp
import numpy as np

N = 10000
E = 320000
HOPS = 3
HEADS = 8
HID = 128
HD = HID // HEADS
OUT = 128
DECAY = (0.6, 0.3, 0.1)


def setup_inputs(seed: int = 0) -> dict:
    key = jax.random.key(seed)
    ks = jax.random.split(key, 9)
    x = jax.random.normal(ks[0], (N, HID), dtype=jnp.float32)
    edge_index_k_hops = jax.random.randint(ks[1], (HOPS, 2, E), 0, N, dtype=jnp.int32)
    Wg = jax.random.normal(ks[2], (HOPS, HID, HEADS * HD), dtype=jnp.float32) * (1.0 / np.sqrt(HID))
    att_src = jax.random.normal(ks[3], (HOPS, HEADS, HD), dtype=jnp.float32) * 0.1
    att_dst = jax.random.normal(ks[4], (HOPS, HEADS, HD), dtype=jnp.float32) * 0.1
    bg = jax.random.normal(ks[5], (HOPS, HEADS * HD), dtype=jnp.float32) * 0.01
    Wd = jax.random.normal(ks[6], (HOPS, HID, OUT), dtype=jnp.float32) * (1.0 / np.sqrt(HID))
    bd = jax.random.normal(ks[7], (HOPS, OUT), dtype=jnp.float32) * 0.01
    return {"x": x, "edge_index_k_hops": edge_index_k_hops, "Wg": Wg, "att_src": att_src, "att_dst": att_dst, "bg": bg, "Wd": Wd, "bd": bd}


def _gat_conv(x, ei, W, a_src, a_dst, b):
    # PyG GATConv (eval mode, concat=True, add_self_loops=True)
    loop = jnp.arange(N, dtype=ei.dtype)
    src = jnp.concatenate([ei[0], loop])
    dst = jnp.concatenate([ei[1], loop])
    h = (x @ W).reshape(N, HEADS, HD)
    alpha_src = (h * a_src[None, :, :]).sum(-1)  # [N, HEADS]
    alpha_dst = (h * a_dst[None, :, :]).sum(-1)  # [N, HEADS]
    alpha = alpha_src[src] + alpha_dst[dst]      # [E+N, HEADS]
    alpha = jax.nn.leaky_relu(alpha, 0.2)
    amax = jax.lax.stop_gradient(jax.ops.segment_max(alpha, dst, num_segments=N))
    amax = jnp.where(jnp.isfinite(amax), amax, 0.0)
    ex = jnp.exp(alpha - amax[dst])
    denom = jax.ops.segment_sum(ex, dst, num_segments=N)
    coef = ex / (denom[dst] + 1e-16)             # softmax over incoming edges
    msg = h[src] * coef[:, :, None]              # [E+N, HEADS, HD]
    out = jax.ops.segment_sum(msg, dst, num_segments=N)
    return out.reshape(N, HEADS * HD) + b


def reference(x, edge_index_k_hops, Wg, att_src, att_dst, bg, Wd, bd):
    acc = jnp.zeros((N, OUT), dtype=x.dtype)
    for k in range(HOPS):
        xk = _gat_conv(x, edge_index_k_hops[k], Wg[k], att_src[k], att_dst[k], bg[k])
        # dropout is a no-op in eval mode
        xk = xk @ Wd[k] + bd[k]
        xk = jax.nn.leaky_relu(xk, 0.01)
        acc = acc + DECAY[k] * xk
    return acc

if __name__ == "__main__":
    import jax
    _d = setup_inputs()
    print(jax.jit(kernel)(*tuple(_d.values())))

</pallas_src>

<mosaic_0001>
#map = affine_map<(d0, d1) -> (0)>
#map1 = affine_map<(d0, d1) -> (0, 0)>
#map2 = affine_map<(d0, d1) -> (0, 0, 0)>
module attributes {stable_mosaic.version = 14 : i64} {
  func.func @body(%arg0: i32, %arg1: i32, %arg2: memref<1920000xi32, #tpu.memory_space<hbm>>, %arg3: memref<30000x128xf32, #tpu.memory_space<hbm>>, %arg4: memref<30000x128xf32, #tpu.memory_space<hbm>>, %arg5: memref<48xf32, #tpu.memory_space<hbm>>, %arg6: memref<6x10000x128xf32, #tpu.memory_space<hbm>>, %arg7: memref<15360000xf32, #tpu.memory_space<hbm>>, %arg8: memref<80xi32, #tpu.memory_space<vmem>>, %arg9: memref<80xi32, #tpu.memory_space<vmem>>, %arg10: memref<80xi32, #tpu.memory_space<vmem>>, %arg11: memref<80x128xf32, #tpu.memory_space<vmem>>, %arg12: memref<80x128xf32, #tpu.memory_space<vmem>>, %arg13: memref<80x16xf32, #tpu.memory_space<vmem>>, %arg14: memref<1280xf32, #tpu.memory_space<vmem>>, %arg15: memref<80x128xf32, #tpu.memory_space<vmem>>, %arg16: memref<16xf32, #tpu.memory_space<vmem>>, %arg17: memref<10000x128xf32, #tpu.memory_space<vmem_shared>>, %arg18: memref<!tpu.dma_semaphore, #tpu.memory_space<semaphore_mem>>, %arg19: memref<!tpu.dma_semaphore, #tpu.memory_space<semaphore_mem>>, %arg20: memref<!tpu.dma_semaphore, #tpu.memory_space<semaphore_mem>>) attributes {dimension_semantics = [#tpu.dimension_semantics<core_parallel>, #tpu.dimension_semantics<subcore_parallel>], iteration_bounds = array<i64: 2, 16>, scalar_prefetch = 0 : i64, scratch_operands = 13 : i64, tpu.core_type = #tpu.core_type<sc_vector_subcore>, window_params = [{transform_indices = #map}, {transform_indices = #map1}, {transform_indices = #map1}, {transform_indices = #map}, {transform_indices = #map2}, {transform_indices = #map}]} {
    %mul3A = arith.constant 2 : i32
    %mul3A_0 = arith.muli %arg1, %mul3A : i32
    %add3A = arith.addi %mul3A_0, %arg0 : i32
    %broadcast_in_dim3A = arith.constant 0.000000e+00 : f32
    %broadcast_in_dim3A_1 = vector.broadcast %broadcast_in_dim3A : f32 to vector<16xf32>
    %add3A_2 = arith.constant 0 : i32
    %add3A_3 = arith.addi %add3A_2, %arg0 : i32
    %scan3A = arith.constant 0 : i32
    %scan3A_4 = arith.constant 0 : i32
    %scan3A_5 = arith.constant 80 : i32
    %scan3A_6 = arith.addi %scan3A_4, %scan3A_5 : i32
    %scan3A_7 = arith.constant 1 : i32
    %scan3A_8 = scf.for %scan3A_113 = %scan3A_4 to %scan3A_6 step %scan3A_7 iter_args(%scan3A_114 = %scan3A) -> (i32)  : i32 {
      %swap3A = arith.index_cast %scan3A_113 : i32 to index
      %swap3A_115 = arith.constant 0 : index
      %swap3A_116 = tpu.vector_load %arg15[%swap3A, %swap3A_115] {strides = array<i32>} : memref<80x128xf32, #tpu.memory_space<vmem>>, vector<1x16xf32>,
      %swap3A_117 = vector.shape_cast %swap3A_116 : vector<1x16xf32> to vector<16xf32>
      %swap3A_118 = vector.shape_cast %broadcast_in_dim3A_1 : vector<16xf32> to vector<1x16xf32>
      tpu.vector_store %arg15[%swap3A, %swap3A_115], %swap3A_118 {strides = array<i32>} : memref<80x128xf32, #tpu.memory_space<vmem>>, vector<1x16xf32>,
      %swap3A_119 = arith.index_cast %scan3A_113 : i32 to index
      %swap3A_120 = arith.constant 16 : index
      %swap3A_121 = tpu.vector_load %arg15[%swap3A_119, %swap3A_120] {strides = array<i32>} : memref<80x128xf32, #tpu.memory_space<vmem>>, vector<1x16xf32>,
      %swap3A_122 = vector.shape_cast %swap3A_121 : vector<1x16xf32> to vector<16xf32>
      %swap3A_123 = vector.shape_cast %broadcast_in_dim3A_1 : vector<16xf32> to vector<1x16xf32>
      tpu.vector_store %arg15[%swap3A_119, %swap3A_120], %swap3A_123 {strides = array<i32>} : memref<80x128xf32, #tpu.memory_space<vmem>>, vector<1x16xf32>,
      %swap3A_124 = arith.index_cast %scan3A_113 : i32 to index
      %swap3A_125 = arith.constant 32 : index
      %swap3A_126 = tpu.vector_load %arg15[%swap3A_124, %swap3A_125] {strides = array<i32>} : memref<80x128xf32, #tpu.memory_space<vmem>>, vector<1x16xf32>,
      %swap3A_127 = vector.shape_cast %swap3A_126 : vector<1x16xf32> to vector<16xf32>
      %swap3A_128 = vector.shape_cast %broadcast_in_dim3A_1 : vector<16xf32> to vector<1x16xf32>
      tpu.vector_store %arg15[%swap3A_124, %swap3A_125], %swap3A_128 {strides = array<i32>} : memref<80x128xf32, #tpu.memory_space<vmem>>, vector<1x16xf32>,
      %swap3A_129 = arith.index_cast %scan3A_113 : i32 to index
      %swap3A_130 = arith.constant 48 : index
      %swap3A_131 = tpu.vector_load %arg15[%swap3A_129, %swap3A_130] {strides = array<i32>} : memref<80x128xf32, #tpu.memory_space<vmem>>, vector<1x16xf32>,
      %swap3A_132 = vector.shape_cast %swap3A_131 : vector<1x16xf32> to vector<16xf32>
      %swap3A_133 = vector.shape_cast %broadcast_in_dim3A_1 : vector<16xf32> to vector<1x16xf32>
      tpu.vector_store %arg15[%swap3A_129, %swap3A_130], %swap3A_133 {strides = array<i32>} : memref<80x128xf32, #tpu.memory_space<vmem>>, vector<1x16xf32>,
      %swap3A_134 = arith.index_cast %scan3A_113 : i32 to index
      %swap3A_135 = arith.constant 64 : index
      %swap3A_136 = tpu.vector_load %arg15[%swap3A_134, %swap3A_135] {strides = array<i32>} : memref<80x128xf32, #tpu.memory_space<vmem>>, vector<1x16xf32>,
      %swap3A_137 = vector.shape_cast %swap3A_136 : vector<1x16xf32> to vector<16xf32>
      %swap3A_138 = vector.shape_cast %broadcast_in_dim3A_1 : vector<16xf32> to vector<1x16xf32>
      tpu.vector_store %arg15[%swap3A_134, %swap3A_135], %swap3A_138 {strides = array<i32>} : memref<80x128xf32, #tpu.memory_space<vmem>>, vector<1x16xf32>,
      %swap3A_139 = arith.index_cast %scan3A_113 : i32 to index
      %swap3A_140 = arith.constant 80 : index
      %swap3A_141 = tpu.vector_load %arg15[%swap3A_139, %swap3A_140] {strides = array<i32>} : memref<80x128xf32, #tpu.memory_space<vmem>>, vector<1x16xf32>,
      %swap3A_142 = vector.shape_cast %swap3A_141 : vector<1x16xf32> to vector<16xf32>
      %swap3A_143 = vector.shape_cast %broadcast_in_dim3A_1 : vector<16xf32> to vector<1x16xf32>
      tpu.vector_store %arg15[%swap3A_139, %swap3A_140], %swap3A_143 {strides = array<i32>} : memref<80x128xf32, #tpu.memory_space<vmem>>, vector<1x16xf32>,
      %swap3A_144 = arith.index_cast %scan3A_113 : i32 to index
      %swap3A_145 = arith.constant 96 : index
      %swap3A_146 = tpu.vector_load %arg15[%swap3A_144, %swap3A_145] {strides = array<i32>} : memref<80x128xf32, #tpu.memory_space<vmem>>, vector<1x16xf32>,
      %swap3A_147 = vector.shape_cast %swap3A_146 : vector<1x16xf32> to vector<16xf32>
      %swap3A_148 = vector.shape_cast %broadcast_in_dim3A_1 : vector<16xf32> to vector<1x16xf32>
      tpu.vector_store %arg15[%swap3A_144, %swap3A_145], %swap3A_148 {strides = array<i32>} : memref<80x128xf32, #tpu.memory_space<vmem>>, vector<1x16xf32>,
      %swap3A_149 = arith.index_cast %scan3A_113 : i32 to index
      %swap3A_150 = arith.constant 112 : index
      %swap3A_151 = tpu.vector_load %arg15[%swap3A_149, %swap3A_150] {strides = array<i32>} : memref<80x128xf32, #tpu.memory_space<vmem>>, vector<1x16xf32>,
      %swap3A_152 = vector.shape_cast %swap3A_151 : vector<1x16xf32> to vector<16xf32>
      %swap3A_153 = vector.shape_cast %broadcast_in_dim3A_1 : vector<16xf32> to vector<1x16xf32>
      tpu.vector_store %arg15[%swap3A_149, %swap3A_150], %swap3A_153 {strides = array<i32>} : memref<80x128xf32, #tpu.memory_space<vmem>>, vector<1x16xf32>,
      %swap3A_154 = arith.index_cast %scan3A_113 : i32 to index
      %swap3A_155 = arith.constant 0 : index
      %swap3A_156 = tpu.vector_load %arg13[%swap3A_154, %swap3A_155] {strides = array<i32>} : memref<80x16xf32, #tpu.memory_space<vmem>>, vector<1x16xf32>,
      %swap3A_157 = vector.shape_cast %swap3A_156 : vector<1x16xf32> to vector<16xf32>
      %swap3A_158 = vector.shape_cast %broadcast_in_dim3A_1 : vector<16xf32> to vector<1x16xf32>
      tpu.vector_store %arg13[%swap3A_154, %swap3A_155], %swap3A_158 {strides = array<i32>} : memref<80x16xf32, #tpu.memory_space<vmem>>, vector<1x16xf32>,
      %scan3A_159 = arith.constant 0 : i32
      scf.yield %scan3A_159 : i32
    }
    %scan3A_9 = arith.constant 80 : i32
    %lt3A = arith.constant 15 : i32
    %lt3A_10 = arith.cmpi slt, %arg1, %lt3A : i32
    %convert_element_type3A = arith.extui %lt3A_10 : i1 to i32
    %cond3A = arith.constant 0 : i32
    %cond3A_11 = arith.cmpi ne, %convert_element_type3A, %cond3A : i32
    scf.if %cond3A_11 {
      %mul3A_113 = arith.constant 640 : i32
      %mul3A_114 = arith.muli %arg1, %mul3A_113 : i32
      %add3A_115 = arith.constant 0 : i32
      %add3A_116 = arith.addi %mul3A_114, %add3A_115 : i32
      "tpu.region"() ({
        %run_scoped3A = tpu.sem_alloc : memref<!tpu.dma_semaphore, #tpu.memory_space<semaphore_mem>>
        %dma_start3A = arith.constant 0 : i32
        %dma_start3A_145 = tpu.memref_slice %arg17[%add3A_116, %dma_start3A] : memref<10000x128xf32, #tpu.memory_space<vmem_shared>> -> memref<80x128xf32, #tpu.memory_space<vmem_shared>>
        %dma_start3A_146 = arith.constant 0 : i32
        %dma_start3A_147 = tpu.memref_slice %arg17[%add3A_116, %dma_start3A_146] : memref<10000x128xf32, #tpu.memory_space<vmem_shared>> -> memref<80x128xf32, #tpu.memory_space<vmem_shared>>
        tpu.enqueue_dma source(%arg15 : memref<80x128xf32, #tpu.memory_space<vmem>>) target(%dma_start3A_147 : memref<80x128xf32, #tpu.memory_space<vmem_shared>>) target_semaphore(%run_scoped3A : memref<!tpu.dma_semaphore, #tpu.memory_space<semaphore_mem>>)
        %dma_wait3A = arith.constant 0 : i32
        %dma_wait3A_148 = tpu.memref_slice %arg17[%add3A_116, %dma_wait3A] : memref<10000x128xf32, #tpu.memory_space<vmem_shared>> -> memref<80x128xf32, #tpu.memory_space<vmem_shared>>
        %dma_wait3A_149 = arith.constant 0 : i32
        %dma_wait3A_150 = tpu.memref_slice %arg17[%add3A_116, %dma_wait3A_149] : memref<10000x128xf32, #tpu.memory_space<vmem_shared>> -> memref<80x128xf32, #tpu.memory_space<vmem_shared>>
        tpu.wait_dma2 semaphore(%run_scoped3A : memref<!tpu.dma_semaphore, #tpu.memory_space<semaphore_mem>>) src(%arg15 : memref<80x128xf32, #tpu.memory_space<vmem>>) dst(%dma_wait3A_150 : memref<80x128xf32, #tpu.memory_space<vmem_shared>>)
        tpu.yield
      }) : () -> ()
      %mul3A_117 = arith.constant 640 : i32
      %mul3A_118 = arith.muli %arg1, %mul3A_117 : i32
      %add3A_119 = arith.constant 80 : i32
      %add3A_120 = arith.addi %mul3A_118, %add3A_119 : i32
      "tpu.region"() ({
        %run_scoped3A = tpu.sem_alloc : memref<!tpu.dma_semaphore, #tpu.memory_space<semaphore_mem>>
        %dma_start3A = arith.constant 0 : i32
        %dma_start3A_145 = tpu.memref_slice %arg17[%add3A_120, %dma_start3A] : memref<10000x128xf32, #tpu.memory_space<vmem_shared>> -> memref<80x128xf32, #tpu.memory_space<vmem_shared>>
        %dma_start3A_146 = arith.constant 0 : i32
        %dma_start3A_147 = tpu.memref_slice %arg17[%add3A_120, %dma_start3A_146] : memref<10000x128xf32, #tpu.memory_space<vmem_shared>> -> memref<80x128xf32, #tpu.memory_space<vmem_shared>>
        tpu.enqueue_dma source(%arg15 : memref<80x128xf32, #tpu.memory_space<vmem>>) target(%dma_start3A_147 : memref<80x128xf32, #tpu.memory_space<vmem_shared>>) target_semaphore(%run_scoped3A : memref<!tpu.dma_semaphore, #tpu.memory_space<semaphore_mem>>)
        %dma_wait3A = arith.constant 0 : i32
        %dma_wait3A_148 = tpu.memref_slice %arg17[%add3A_120, %dma_wait3A] : memref<10000x128xf32, #tpu.memory_space<vmem_shared>> -> memref<80x128xf32, #tpu.memory_space<vmem_shared>>
        %dma_wait3A_149 = arith.constant 0 : i32
        %dma_wait3A_150 = tpu.memref_slice %arg17[%add3A_120, %dma_wait3A_149] : memref<10000x128xf32, #tpu.memory_space<vmem_shared>> -> memref<80x128xf32, #tpu.memory_space<vmem_shared>>
        tpu.wait_dma2 semaphore(%run_scoped3A : memref<!tpu.dma_semaphore, #tpu.memory_space<semaphore_mem>>) src(%arg15 : memref<80x128xf32, #tpu.memory_space<vmem>>) dst(%dma_wait3A_150 : memref<80x128xf32, #tpu.memory_space<vmem_shared>>)
        tpu.yield
      }) : () -> ()
      %mul3A_121 = arith.constant 640 : i32
      %mul3A_122 = arith.muli %arg1, %mul3A_121 : i32
      %add3A_123 = arith.constant 160 : i32
      %add3A_124 = arith.addi %mul3A_122, %add3A_123 : i32
      "tpu.region"() ({
        %run_scoped3A = tpu.sem_alloc : memref<!tpu.dma_semaphore, #tpu.memory_space<semaphore_mem>>
        %dma_start3A = arith.constant 0 : i32
        %dma_start3A_145 = tpu.memref_slice %arg17[%add3A_124, %dma_start3A] : memref<10000x128xf32, #tpu.memory_space<vmem_shared>> -> memref<80x128xf32, #tpu.memory_space<vmem_shared>>
        %dma_start3A_146 = arith.constant 0 : i32
        %dma_start3A_147 = tpu.memref_slice %arg17[%add3A_124, %dma_start3A_146] : memref<10000x128xf32, #tpu.memory_space<vmem_shared>> -> memref<80x128xf32, #tpu.memory_space<vmem_shared>>
        tpu.enqueue_dma source(%arg15 : memref<80x128xf32, #tpu.memory_space<vmem>>) target(%dma_start3A_147 : memref<80x128xf32, #tpu.memory_space<vmem_shared>>) target_semaphore(%run_scoped3A : memref<!tpu.dma_semaphore, #tpu.memory_space<semaphore_mem>>)
        %dma_wait3A = arith.constant 0 : i32
        %dma_wait3A_148 = tpu.memref_slice %arg17[%add3A_124, %dma_wait3A] : memref<10000x128xf32, #tpu.memory_space<vmem_shared>> -> memref<80x128xf32, #tpu.memory_space<vmem_shared>>
        %dma_wait3A_149 = arith.constant 0 : i32
        %dma_wait3A_150 = tpu.memref_slice %arg17[%add3A_124, %dma_wait3A_149] : memref<10000x128xf32, #tpu.memory_space<vmem_shared>> -> memref<80x128xf32, #tpu.memory_space<vmem_shared>>
        tpu.wait_dma2 semaphore(%run_scoped3A : memref<!tpu.dma_semaphore, #tpu.memory_space<semaphore_mem>>) src(%arg15 : memref<80x128xf32, #tpu.memory_space<vmem>>) dst(%dma_wait3A_150 : memref<80x128xf32, #tpu.memory_space<vmem_shared>>)
        tpu.yield
      }) : () -> ()
      %mul3A_125 = arith.constant 640 : i32
      %mul3A_126 = arith.muli %arg1, %mul3A_125 : i32
      %add3A_127 = arith.constant 240 : i32
      %add3A_128 = arith.addi %mul3A_126, %add3A_127 : i32
      "tpu.region"() ({
        %run_scoped3A = tpu.sem_alloc : memref<!tpu.dma_semaphore, #tpu.memory_space<semaphore_mem>>
        %dma_start3A = arith.constant 0 : i32
        %dma_start3A_145 = tpu.memref_slice %arg17[%add3A_128, %dma_start3A] : memref<10000x128xf32, #tpu.memory_space<vmem_shared>> -> memref<80x128xf32, #tpu.memory_space<vmem_shared>>
        %dma_start3A_146 = arith.constant 0 : i32
        %dma_start3A_147 = tpu.memref_slice %arg17[%add3A_128, %dma_start3A_146] : memref<10000x128xf32, #tpu.memory_space<vmem_shared>> -> memref<80x128xf32, #tpu.memory_space<vmem_shared>>
        tpu.enqueue_dma source(%arg15 : memref<80x128xf32, #tpu.memory_space<vmem>>) target(%dma_start3A_147 : memref<80x128xf32, #tpu.memory_space<vmem_shared>>) target_semaphore(%run_scoped3A : memref<!tpu.dma_semaphore, #tpu.memory_space<semaphore_mem>>)
        %dma_wait3A = arith.constant 0 : i32
        %dma_wait3A_148 = tpu.memref_slice %arg17[%add3A_128, %dma_wait3A] : memref<10000x128xf32, #tpu.memory_space<vmem_shared>> -> memref<80x128xf32, #tpu.memory_space<vmem_shared>>
        %dma_wait3A_149 = arith.constant 0 : i32
        %dma_wait3A_150 = tpu.memref_slice %arg17[%add3A_128, %dma_wait3A_149] : memref<10000x128xf32, #tpu.memory_space<vmem_shared>> -> memref<80x128xf32, #tpu.memory_space<vmem_shared>>
        tpu.wait_dma2 semaphore(%run_scoped3A : memref<!tpu.dma_semaphore, #tpu.memory_space<semaphore_mem>>) src(%arg15 : memref<80x128xf32, #tpu.memory_space<vmem>>) dst(%dma_wait3A_150 : memref<80x128xf32, #tpu.memory_space<vmem_shared>>)
        tpu.yield
      }) : () -> ()
      %mul3A_129 = arith.constant 640 : i32
      %mul3A_130 = arith.muli %arg1, %mul3A_129 : i32
      %add3A_131 = arith.constant 320 : i32
      %add3A_132 = arith.addi %mul3A_130, %add3A_131 : i32
      "tpu.region"() ({
        %run_scoped3A = tpu.sem_alloc : memref<!tpu.dma_semaphore, #tpu.memory_space<semaphore_mem>>
        %dma_start3A = arith.constant 0 : i32
        %dma_start3A_145 = tpu.memref_slice %arg17[%add3A_132, %dma_start3A] : memref<10000x128xf32, #tpu.memory_space<vmem_shared>> -> memref<80x128xf32, #tpu.memory_space<vmem_shared>>
        %dma_start3A_146 = arith.constant 0 : i32
        %dma_start3A_147 = tpu.memref_slice %arg17[%add3A_132, %dma_start3A_146] : memref<10000x128xf32, #tpu.memory_space<vmem_shared>> -> memref<80x128xf32, #tpu.memory_space<vmem_shared>>
        tpu.enqueue_dma source(%arg15 : memref<80x128xf32, #tpu.memory_space<vmem>>) target(%dma_start3A_147 : memref<80x128xf32, #tpu.memory_space<vmem_shared>>) target_semaphore(%run_scoped3A : memref<!tpu.dma_semaphore, #tpu.memory_space<semaphore_mem>>)
        %dma_wait3A = arith.constant 0 : i32
        %dma_wait3A_148 = tpu.memref_slice %arg17[%add3A_132, %dma_wait3A] : memref<10000x128xf32, #tpu.memory_space<vmem_shared>> -> memref<80x128xf32, #tpu.memory_space<vmem_shared>>
        %dma_wait3A_149 = arith.constant 0 : i32
        %dma_wait3A_150 = tpu.memref_slice %arg17[%add3A_132, %dma_wait3A_149] : memref<10000x128xf32, #tpu.memory_space<vmem_shared>> -> memref<80x128xf32, #tpu.memory_space<vmem_shared>>
        tpu.wait_dma2 semaphore(%run_scoped3A : memref<!tpu.dma_semaphore, #tpu.memory_space<semaphore_mem>>) src(%arg15 : memref<80x128xf32, #tpu.memory_space<vmem>>) dst(%dma_wait3A_150 : memref<80x128xf32, #tpu.memory_space<vmem_shared>>)
        tpu.yield
      }) : () -> ()
      %mul3A_133 = arith.constant 640 : i32
      %mul3A_134 = arith.muli %arg1, %mul3A_133 : i32
      %add3A_135 = arith.constant 400 : i32
      %add3A_136 = arith.addi %mul3A_134, %add3A_135 : i32
      "tpu.region"() ({
        %run_scoped3A = tpu.sem_alloc : memref<!tpu.dma_semaphore, #tpu.memory_space<semaphore_mem>>
        %dma_start3A = arith.constant 0 : i32
        %dma_start3A_145 = tpu.memref_slice %arg17[%add3A_136, %dma_start3A] : memref<10000x128xf32, #tpu.memory_space<vmem_shared>> -> memref<80x128xf32, #tpu.memory_space<vmem_shared>>
        %dma_start3A_146 = arith.constant 0 : i32
        %dma_start3A_147 = tpu.memref_slice %arg17[%add3A_136, %dma_start3A_146] : memref<10000x128xf32, #tpu.memory_space<vmem_shared>> -> memref<80x128xf32, #tpu.memory_space<vmem_shared>>
        tpu.enqueue_dma source(%arg15 : memref<80x128xf32, #tpu.memory_space<vmem>>) target(%dma_start3A_147 : memref<80x128xf32, #tpu.memory_space<vmem_shared>>) target_semaphore(%run_scoped3A : memref<!tpu.dma_semaphore, #tpu.memory_space<semaphore_mem>>)
        %dma_wait3A = arith.constant 0 : i32
        %dma_wait3A_148 = tpu.memref_slice %arg17[%add3A_136, %dma_wait3A] : memref<10000x128xf32, #tpu.memory_space<vmem_shared>> -> memref<80x128xf32, #tpu.memory_space<vmem_shared>>
        %dma_wait3A_149 = arith.constant 0 : i32
        %dma_wait3A_150 = tpu.memref_slice %arg17[%add3A_136, %dma_wait3A_149] : memref<10000x128xf32, #tpu.memory_space<vmem_shared>> -> memref<80x128xf32, #tpu.memory_space<vmem_shared>>
        tpu.wait_dma2 semaphore(%run_scoped3A : memref<!tpu.dma_semaphore, #tpu.memory_space<semaphore_mem>>) src(%arg15 : memref<80x128xf32, #tpu.memory_space<vmem>>) dst(%dma_wait3A_150 : memref<80x128xf32, #tpu.memory_space<vmem_shared>>)
        tpu.yield
      }) : () -> ()
      %mul3A_137 = arith.constant 640 : i32
      %mul3A_138 = arith.muli %arg1, %mul3A_137 : i32
      %add3A_139 = arith.constant 480 : i32
      %add3A_140 = arith.addi %mul3A_138, %add3A_139 : i32
      "tpu.region"() ({
        %run_scoped3A = tpu.sem_alloc : memref<!tpu.dma_semaphore, #tpu.memory_space<semaphore_mem>>
        %dma_start3A = arith.constant 0 : i32
        %dma_start3A_145 = tpu.memref_slice %arg17[%add3A_140, %dma_start3A] : memref<10000x128xf32, #tpu.memory_space<vmem_shared>> -> memref<80x128xf32, #tpu.memory_space<vmem_shared>>
        %dma_start3A_146 = arith.constant 0 : i32
        %dma_start3A_147 = tpu.memref_slice %arg17[%add3A_140, %dma_start3A_146] : memref<10000x128xf32, #tpu.memory_space<vmem_shared>> -> memref<80x128xf32, #tpu.memory_space<vmem_shared>>
        tpu.enqueue_dma source(%arg15 : memref<80x128xf32, #tpu.memory_space<vmem>>) target(%dma_start3A_147 : memref<80x128xf32, #tpu.memory_space<vmem_shared>>) target_semaphore(%run_scoped3A : memref<!tpu.dma_semaphore, #tpu.memory_space<semaphore_mem>>)
        %dma_wait3A = arith.constant 0 : i32
        %dma_wait3A_148 = tpu.memref_slice %arg17[%add3A_140, %dma_wait3A] : memref<10000x128xf32, #tpu.memory_space<vmem_shared>> -> memref<80x128xf32, #tpu.memory_space<vmem_shared>>
        %dma_wait3A_149 = arith.constant 0 : i32
        %dma_wait3A_150 = tpu.memref_slice %arg17[%add3A_140, %dma_wait3A_149] : memref<10000x128xf32, #tpu.memory_space<vmem_shared>> -> memref<80x128xf32, #tpu.memory_space<vmem_shared>>
        tpu.wait_dma2 semaphore(%run_scoped3A : memref<!tpu.dma_semaphore, #tpu.memory_space<semaphore_mem>>) src(%arg15 : memref<80x128xf32, #tpu.memory_space<vmem>>) dst(%dma_wait3A_150 : memref<80x128xf32, #tpu.memory_space<vmem_shared>>)
        tpu.yield
      }) : () -> ()
      %mul3A_141 = arith.constant 640 : i32
      %mul3A_142 = arith.muli %arg1, %mul3A_141 : i32
      %add3A_143 = arith.constant 560 : i32
      %add3A_144 = arith.addi %mul3A_142, %add3A_143 : i32
      "tpu.region"() ({
        %run_scoped3A = tpu.sem_alloc : memref<!tpu.dma_semaphore, #tpu.memory_space<semaphore_mem>>
        %dma_start3A = arith.constant 0 : i32
        %dma_start3A_145 = tpu.memref_slice %arg17[%add3A_144, %dma_start3A] : memref<10000x128xf32, #tpu.memory_space<vmem_shared>> -> memref<80x128xf32, #tpu.memory_space<vmem_shared>>
        %dma_start3A_146 = arith.constant 0 : i32
        %dma_start3A_147 = tpu.memref_slice %arg17[%add3A_144, %dma_start3A_146] : memref<10000x128xf32, #tpu.memory_space<vmem_shared>> -> memref<80x128xf32, #tpu.memory_space<vmem_shared>>
        tpu.enqueue_dma source(%arg15 : memref<80x128xf32, #tpu.memory_space<vmem>>) target(%dma_start3A_147 : memref<80x128xf32, #tpu.memory_space<vmem_shared>>) target_semaphore(%run_scoped3A : memref<!tpu.dma_semaphore, #tpu.memory_space<semaphore_mem>>)
        %dma_wait3A = arith.constant 0 : i32
        %dma_wait3A_148 = tpu.memref_slice %arg17[%add3A_144, %dma_wait3A] : memref<10000x128xf32, #tpu.memory_space<vmem_shared>> -> memref<80x128xf32, #tpu.memory_space<vmem_shared>>
        %dma_wait3A_149 = arith.constant 0 : i32
        %dma_wait3A_150 = tpu.memref_slice %arg17[%add3A_144, %dma_wait3A_149] : memref<10000x128xf32, #tpu.memory_space<vmem_shared>> -> memref<80x128xf32, #tpu.memory_space<vmem_shared>>
        tpu.wait_dma2 semaphore(%run_scoped3A : memref<!tpu.dma_semaphore, #tpu.memory_space<semaphore_mem>>) src(%arg15 : memref<80x128xf32, #tpu.memory_space<vmem>>) dst(%dma_wait3A_150 : memref<80x128xf32, #tpu.memory_space<vmem_shared>>)
        tpu.yield
      }) : () -> ()
    } else {
    }
    %eq3A = arith.constant 15 : i32
    %eq3A_12 = arith.cmpi eq, %arg1, %eq3A : i32
    %convert_element_type3A_13 = arith.extui %eq3A_12 : i1 to i32
    %cond3A_14 = arith.constant 0 : i32
    %cond3A_15 = arith.cmpi ne, %convert_element_type3A_13, %cond3A_14 : i32
    scf.if %cond3A_15 {
      "tpu.region"() ({
        %run_scoped3A = tpu.sem_alloc : memref<!tpu.dma_semaphore, #tpu.memory_space<semaphore_mem>>
        %dma_start3A = arith.constant 9600 : i32
        %dma_start3A_113 = arith.constant 0 : i32
        %dma_start3A_114 = tpu.memref_slice %arg17[%dma_start3A, %dma_start3A_113] : memref<10000x128xf32, #tpu.memory_space<vmem_shared>> -> memref<80x128xf32, #tpu.memory_space<vmem_shared>>
        %dma_start3A_115 = arith.constant 9600 : i32
        %dma_start3A_116 = arith.constant 0 : i32
        %dma_start3A_117 = tpu.memref_slice %arg17[%dma_start3A_115, %dma_start3A_116] : memref<10000x128xf32, #tpu.memory_space<vmem_shared>> -> memref<80x128xf32, #tpu.memory_space<vmem_shared>>
        tpu.enqueue_dma source(%arg15 : memref<80x128xf32, #tpu.memory_space<vmem>>) target(%dma_start3A_117 : memref<80x128xf32, #tpu.memory_space<vmem_shared>>) target_semaphore(%run_scoped3A : memref<!tpu.dma_semaphore, #tpu.memory_space<semaphore_mem>>)
        %dma_wait3A = arith.constant 9600 : i32
        %dma_wait3A_118 = arith.constant 0 : i32
        %dma_wait3A_119 = tpu.memref_slice %arg17[%dma_wait3A, %dma_wait3A_118] : memref<10000x128xf32, #tpu.memory_space<vmem_shared>> -> memref<80x128xf32, #tpu.memory_space<vmem_shared>>
        %dma_wait3A_120 = arith.constant 9600 : i32
        %dma_wait3A_121 = arith.constant 0 : i32
        %dma_wait3A_122 = tpu.memref_slice %arg17[%dma_wait3A_120, %dma_wait3A_121] : memref<10000x128xf32, #tpu.memory_space<vmem_shared>> -> memref<80x128xf32, #tpu.memory_space<vmem_shared>>
        tpu.wait_dma2 semaphore(%run_scoped3A : memref<!tpu.dma_semaphore, #tpu.memory_space<semaphore_mem>>) src(%arg15 : memref<80x128xf32, #tpu.memory_space<vmem>>) dst(%dma_wait3A_122 : memref<80x128xf32, #tpu.memory_space<vmem_shared>>)
        tpu.yield
      }) : () -> ()
      "tpu.region"() ({
        %run_scoped3A = tpu.sem_alloc : memref<!tpu.dma_semaphore, #tpu.memory_space<semaphore_mem>>
        %dma_start3A = arith.constant 9680 : i32
        %dma_start3A_113 = arith.constant 0 : i32
        %dma_start3A_114 = tpu.memref_slice %arg17[%dma_start3A, %dma_start3A_113] : memref<10000x128xf32, #tpu.memory_space<vmem_shared>> -> memref<80x128xf32, #tpu.memory_space<vmem_shared>>
        %dma_start3A_115 = arith.constant 9680 : i32
        %dma_start3A_116 = arith.constant 0 : i32
        %dma_start3A_117 = tpu.memref_slice %arg17[%dma_start3A_115, %dma_start3A_116] : memref<10000x128xf32, #tpu.memory_space<vmem_shared>> -> memref<80x128xf32, #tpu.memory_space<vmem_shared>>
        tpu.enqueue_dma source(%arg15 : memref<80x128xf32, #tpu.memory_space<vmem>>) target(%dma_start3A_117 : memref<80x128xf32, #tpu.memory_space<vmem_shared>>) target_semaphore(%run_scoped3A : memref<!tpu.dma_semaphore, #tpu.memory_space<semaphore_mem>>)
        %dma_wait3A = arith.constant 9680 : i32
        %dma_wait3A_118 = arith.constant 0 : i32
        %dma_wait3A_119 = tpu.memref_slice %arg17[%dma_wait3A, %dma_wait3A_118] : memref<10000x128xf32, #tpu.memory_space<vmem_shared>> -> memref<80x128xf32, #tpu.memory_space<vmem_shared>>
        %dma_wait3A_120 = arith.constant 9680 : i32
        %dma_wait3A_121 = arith.constant 0 : i32
        %dma_wait3A_122 = tpu.memref_slice %arg17[%dma_wait3A_120, %dma_wait3A_121] : memref<10000x128xf32, #tpu.memory_space<vmem_shared>> -> memref<80x128xf32, #tpu.memory_space<vmem_shared>>
        tpu.wait_dma2 semaphore(%run_scoped3A : memref<!tpu.dma_semaphore, #tpu.memory_space<semaphore_mem>>) src(%arg15 : memref<80x128xf32, #tpu.memory_space<vmem>>) dst(%dma_wait3A_122 : memref<80x128xf32, #tpu.memory_space<vmem_shared>>)
        tpu.yield
      }) : () -> ()
      "tpu.region"() ({
        %run_scoped3A = tpu.sem_alloc : memref<!tpu.dma_semaphore, #tpu.memory_space<semaphore_mem>>
        %dma_start3A = arith.constant 9760 : i32
        %dma_start3A_113 = arith.constant 0 : i32
        %dma_start3A_114 = tpu.memref_slice %arg17[%dma_start3A, %dma_start3A_113] : memref<10000x128xf32, #tpu.memory_space<vmem_shared>> -> memref<80x128xf32, #tpu.memory_space<vmem_shared>>
        %dma_start3A_115 = arith.constant 9760 : i32
        %dma_start3A_116 = arith.constant 0 : i32
        %dma_start3A_117 = tpu.memref_slice %arg17[%dma_start3A_115, %dma_start3A_116] : memref<10000x128xf32, #tpu.memory_space<vmem_shared>> -> memref<80x128xf32, #tpu.memory_space<vmem_shared>>
        tpu.enqueue_dma source(%arg15 : memref<80x128xf32, #tpu.memory_space<vmem>>) target(%dma_start3A_117 : memref<80x128xf32, #tpu.memory_space<vmem_shared>>) target_semaphore(%run_scoped3A : memref<!tpu.dma_semaphore, #tpu.memory_space<semaphore_mem>>)
        %dma_wait3A = arith.constant 9760 : i32
        %dma_wait3A_118 = arith.constant 0 : i32
        %dma_wait3A_119 = tpu.memref_slice %arg17[%dma_wait3A, %dma_wait3A_118] : memref<10000x128xf32, #tpu.memory_space<vmem_shared>> -> memref<80x128xf32, #tpu.memory_space<vmem_shared>>
        %dma_wait3A_120 = arith.constant 9760 : i32
        %dma_wait3A_121 = arith.constant 0 : i32
        %dma_wait3A_122 = tpu.memref_slice %arg17[%dma_wait3A_120, %dma_wait3A_121] : memref<10000x128xf32, #tpu.memory_space<vmem_shared>> -> memref<80x128xf32, #tpu.memory_space<vmem_shared>>
        tpu.wait_dma2 semaphore(%run_scoped3A : memref<!tpu.dma_semaphore, #tpu.memory_space<semaphore_mem>>) src(%arg15 : memref<80x128xf32, #tpu.memory_space<vmem>>) dst(%dma_wait3A_122 : memref<80x128xf32, #tpu.memory_space<vmem_shared>>)
        tpu.yield
      }) : () -> ()
      "tpu.region"() ({
        %run_scoped3A = tpu.sem_alloc : memref<!tpu.dma_semaphore, #tpu.memory_space<semaphore_mem>>
        %dma_start3A = arith.constant 9840 : i32
        %dma_start3A_113 = arith.constant 0 : i32
        %dma_start3A_114 = tpu.memref_slice %arg17[%dma_start3A, %dma_start3A_113] : memref<10000x128xf32, #tpu.memory_space<vmem_shared>> -> memref<80x128xf32, #tpu.memory_space<vmem_shared>>
        %dma_start3A_115 = arith.constant 9840 : i32
        %dma_start3A_116 = arith.constant 0 : i32
        %dma_start3A_117 = tpu.memref_slice %arg17[%dma_start3A_115, %dma_start3A_116] : memref<10000x128xf32, #tpu.memory_space<vmem_shared>> -> memref<80x128xf32, #tpu.memory_space<vmem_shared>>
        tpu.enqueue_dma source(%arg15 : memref<80x128xf32, #tpu.memory_space<vmem>>) target(%dma_start3A_117 : memref<80x128xf32, #tpu.memory_space<vmem_shared>>) target_semaphore(%run_scoped3A : memref<!tpu.dma_semaphore, #tpu.memory_space<semaphore_mem>>)
        %dma_wait3A = arith.constant 9840 : i32
        %dma_wait3A_118 = arith.constant 0 : i32
        %dma_wait3A_119 = tpu.memref_slice %arg17[%dma_wait3A, %dma_wait3A_118] : memref<10000x128xf32, #tpu.memory_space<vmem_shared>> -> memref<80x128xf32, #tpu.memory_space<vmem_shared>>
        %dma_wait3A_120 = arith.constant 9840 : i32
        %dma_wait3A_121 = arith.constant 0 : i32
        %dma_wait3A_122 = tpu.memref_slice %arg17[%dma_wait3A_120, %dma_wait3A_121] : memref<10000x128xf32, #tpu.memory_space<vmem_shared>> -> memref<80x128xf32, #tpu.memory_space<vmem_shared>>
        tpu.wait_dma2 semaphore(%run_scoped3A : memref<!tpu.dma_semaphore, #tpu.memory_space<semaphore_mem>>) src(%arg15 : memref<80x128xf32, #tpu.memory_space<vmem>>) dst(%dma_wait3A_122 : memref<80x128xf32, #tpu.memory_space<vmem_shared>>)
        tpu.yield
      }) : () -> ()
      "tpu.region"() ({
        %run_scoped3A = tpu.sem_alloc : memref<!tpu.dma_semaphore, #tpu.memory_space<semaphore_mem>>
        %dma_start3A = arith.constant 9920 : i32
        %dma_start3A_113 = arith.constant 0 : i32
        %dma_start3A_114 = tpu.memref_slice %arg17[%dma_start3A, %dma_start3A_113] : memref<10000x128xf32, #tpu.memory_space<vmem_shared>> -> memref<80x128xf32, #tpu.memory_space<vmem_shared>>
        %dma_start3A_115 = arith.constant 9920 : i32
        %dma_start3A_116 = arith.constant 0 : i32
        %dma_start3A_117 = tpu.memref_slice %arg17[%dma_start3A_115, %dma_start3A_116] : memref<10000x128xf32, #tpu.memory_space<vmem_shared>> -> memref<80x128xf32, #tpu.memory_space<vmem_shared>>
        tpu.enqueue_dma source(%arg15 : memref<80x128xf32, #tpu.memory_space<vmem>>) target(%dma_start3A_117 : memref<80x128xf32, #tpu.memory_space<vmem_shared>>) target_semaphore(%run_scoped3A : memref<!tpu.dma_semaphore, #tpu.memory_space<semaphore_mem>>)
        %dma_wait3A = arith.constant 9920 : i32
        %dma_wait3A_118 = arith.constant 0 : i32
        %dma_wait3A_119 = tpu.memref_slice %arg17[%dma_wait3A, %dma_wait3A_118] : memref<10000x128xf32, #tpu.memory_space<vmem_shared>> -> memref<80x128xf32, #tpu.memory_space<vmem_shared>>
        %dma_wait3A_120 = arith.constant 9920 : i32
        %dma_wait3A_121 = arith.constant 0 : i32
        %dma_wait3A_122 = tpu.memref_slice %arg17[%dma_wait3A_120, %dma_wait3A_121] : memref<10000x128xf32, #tpu.memory_space<vmem_shared>> -> memref<80x128xf32, #tpu.memory_space<vmem_shared>>
        tpu.wait_dma2 semaphore(%run_scoped3A : memref<!tpu.dma_semaphore, #tpu.memory_space<semaphore_mem>>) src(%arg15 : memref<80x128xf32, #tpu.memory_space<vmem>>) dst(%dma_wait3A_122 : memref<80x128xf32, #tpu.memory_space<vmem_shared>>)
        tpu.yield
      }) : () -> ()
    } else {
    }
    "tpu.region"() ({
      %run_scoped3A = tpu.sem_alloc : memref<!tpu.dma_semaphore, #tpu.memory_space<semaphore_mem>>
      %dma_start3A = arith.constant 0 : i32
      %dma_start3A_113 = tpu.memref_slice %arg5[%dma_start3A] : memref<48xf32, #tpu.memory_space<hbm>> -> memref<16xf32, #tpu.memory_space<hbm>>
      %dma_start3A_114 = arith.constant 0 : i32
      %dma_start3A_115 = tpu.memref_slice %arg5[%dma_start3A_114] : memref<48xf32, #tpu.memory_space<hbm>> -> memref<16xf32, #tpu.memory_space<hbm>>
      tpu.enqueue_dma source(%dma_start3A_115 : memref<16xf32, #tpu.memory_space<hbm>>) target(%arg16 : memref<16xf32, #tpu.memory_space<vmem>>) target_semaphore(%run_scoped3A : memref<!tpu.dma_semaphore, #tpu.memory_space<semaphore_mem>>)
      %dma_wait3A = arith.constant 0 : i32
      %dma_wait3A_116 = tpu.memref_slice %arg5[%dma_wait3A] : memref<48xf32, #tpu.memory_space<hbm>> -> memref<16xf32, #tpu.memory_space<hbm>>
      %dma_wait3A_117 = arith.constant 0 : i32
      %dma_wait3A_118 = tpu.memref_slice %arg5[%dma_wait3A_117] : memref<48xf32, #tpu.memory_space<hbm>> -> memref<16xf32, #tpu.memory_space<hbm>>
      tpu.wait_dma2 semaphore(%run_scoped3A : memref<!tpu.dma_semaphore, #tpu.memory_space<semaphore_mem>>) src(%dma_wait3A_118 : memref<16xf32, #tpu.memory_space<hbm>>) dst(%arg16 : memref<16xf32, #tpu.memory_space<vmem>>)
      tpu.yield
    }) : () -> ()
    %barrier3A = arith.constant 0 : index
    tpu.barrier barrier_id(%barrier3A)
    %scan3A_16 = arith.constant 0 : i32
    %scan3A_17 = arith.constant 0 : i32
    %scan3A_18 = arith.constant 125 : i32
    %scan3A_19 = arith.addi %scan3A_17, %scan3A_18 : i32
    %scan3A_20 = arith.constant 1 : i32
    %scan3A_21 = scf.for %scan3A_113 = %scan3A_17 to %scan3A_19 step %scan3A_20 iter_args(%scan3A_114 = %scan3A_16) -> (i32)  : i32 {
      %mul3A_115 = arith.constant 10000 : i32
      %mul3A_116 = arith.muli %add3A, %mul3A_115 : i32
      %mul3A_117 = arith.constant 80 : i32
      %mul3A_118 = arith.muli %scan3A_113, %mul3A_117 : i32
      %add3A_119 = arith.addi %mul3A_116, %mul3A_118 : i32
      %add3A_120 = arith.constant 0 : i32
      %add3A_121 = arith.addi %add3A_120, %add3A_119 : i32
      "tpu.region"() ({
        %run_scoped3A = tpu.sem_alloc : memref<!tpu.dma_semaphore, #tpu.memory_space<semaphore_mem>>
        %dma_start3A_266 = tpu.memref_slice %arg2[%add3A_121] : memref<1920000xi32, #tpu.memory_space<hbm>> -> memref<80xi32, #tpu.memory_space<hbm>>
        %dma_start3A_267 = tpu.memref_slice %arg2[%add3A_121] : memref<1920000xi32, #tpu.memory_space<hbm>> -> memref<80xi32, #tpu.memory_space<hbm>>
        tpu.enqueue_dma source(%dma_start3A_267 : memref<80xi32, #tpu.memory_space<hbm>>) target(%arg8 : memref<80xi32, #tpu.memory_space<vmem>>) target_semaphore(%run_scoped3A : memref<!tpu.dma_semaphore, #tpu.memory_space<semaphore_mem>>)
        %dma_wait3A_268 = tpu.memref_slice %arg2[%add3A_121] : memref<1920000xi32, #tpu.memory_space<hbm>> -> memref<80xi32, #tpu.memory_space<hbm>>
        %dma_wait3A_269 = tpu.memref_slice %arg2[%add3A_121] : memref<1920000xi32, #tpu.memory_space<hbm>> -> memref<80xi32, #tpu.memory_space<hbm>>
        tpu.wait_dma2 semaphore(%run_scoped3A : memref<!tpu.dma_semaphore, #tpu.memory_space<semaphore_mem>>) src(%dma_wait3A_269 : memref<80xi32, #tpu.memory_space<hbm>>) dst(%arg8 : memref<80xi32, #tpu.memory_space<vmem>>)
        tpu.yield
      }) : () -> ()
      %add3A_122 = arith.constant 320000 : i32
      %add3A_123 = arith.addi %add3A_121, %add3A_122 : i32
      "tpu.region"() ({
        %run_scoped3A = tpu.sem_alloc : memref<!tpu.dma_semaphore, #tpu.memory_space<semaphore_mem>>
        %dma_start3A_266 = tpu.memref_slice %arg2[%add3A_123] : memref<1920000xi32, #tpu.memory_space<hbm>> -> memref<80xi32, #tpu.memory_space<hbm>>
        %dma_start3A_267 = tpu.memref_slice %arg2[%add3A_123] : memref<1920000xi32, #tpu.memory_space<hbm>> -> memref<80xi32, #tpu.memory_space<hbm>>
        tpu.enqueue_dma source(%dma_start3A_267 : memref<80xi32, #tpu.memory_space<hbm>>) target(%arg9 : memref<80xi32, #tpu.memory_space<vmem>>) target_semaphore(%run_scoped3A : memref<!tpu.dma_semaphore, #tpu.memory_space<semaphore_mem>>)
        %dma_wait3A_268 = tpu.memref_slice %arg2[%add3A_123] : memref<1920000xi32, #tpu.memory_space<hbm>> -> memref<80xi32, #tpu.memory_space<hbm>>
        %dma_wait3A_269 = tpu.memref_slice %arg2[%add3A_123] : memref<1920000xi32, #tpu.memory_space<hbm>> -> memref<80xi32, #tpu.memory_space<hbm>>
        tpu.wait_dma2 semaphore(%run_scoped3A : memref<!tpu.dma_semaphore, #tpu.memory_space<semaphore_mem>>) src(%dma_wait3A_269 : memref<80xi32, #tpu.memory_space<hbm>>) dst(%arg9 : memref<80xi32, #tpu.memory_space<vmem>>)
        tpu.yield
      }) : () -> ()
      %get3A = arith.constant 0 : index
      %get3A_124 = tpu.vector_load %arg8[%get3A] {strides = array<i32>} : memref<80xi32, #tpu.memory_space<vmem>>, vector<16xi32>,
      %get3A_125 = vector.shape_cast %get3A_124 : vector<16xi32> to vector<16xi32>
      %add3A_126 = arith.constant 0 : i32
      %add3A_127 = vector.broadcast %add3A_126 : i32 to vector<16xi32>
      %add3A_128 = arith.addi %get3A_125, %add3A_127 : vector<16xi32>
      %swap3A = arith.constant 0 : index
      %swap3A_129 = tpu.vector_load %arg8[%swap3A] {strides = array<i32>} : memref<80xi32, #tpu.memory_space<vmem>>, vector<16xi32>,
      %swap3A_130 = vector.shape_cast %swap3A_129 : vector<16xi32> to vector<16xi32>
      %swap3A_131 = vector.shape_cast %add3A_128 : vector<16xi32> to vector<16xi32>
      tpu.vector_store %arg8[%swap3A], %swap3A_131 {strides = array<i32>} : memref<80xi32, #tpu.memory_space<vmem>>, vector<16xi32>,
      %get3A_132 = arith.constant 0 : index
      %get3A_133 = tpu.vector_load %arg9[%get3A_132] {strides = array<i32>} : memref<80xi32, #tpu.memory_space<vmem>>, vector<16xi32>,
      %get3A_134 = vector.shape_cast %get3A_133 : vector<16xi32> to vector<16xi32>
      %add3A_135 = arith.constant 0 : i32
      %add3A_136 = vector.broadcast %add3A_135 : i32 to vector<16xi32>
      %add3A_137 = arith.addi %get3A_134, %add3A_136 : vector<16xi32>
      %swap3A_138 = arith.constant 0 : index
      %swap3A_139 = tpu.vector_load %arg10[%swap3A_138] {strides = array<i32>} : memref<80xi32, #tpu.memory_space<vmem>>, vector<16xi32>,
      %swap3A_140 = vector.shape_cast %swap3A_139 : vector<16xi32> to vector<16xi32>
      %swap3A_141 = vector.shape_cast %add3A_137 : vector<16xi32> to vector<16xi32>
      tpu.vector_store %arg10[%swap3A_138], %swap3A_141 {strides = array<i32>} : memref<80xi32, #tpu.memory_space<vmem>>, vector<16xi32>,
      %get3A_142 = arith.constant 16 : index
      %get3A_143 = tpu.vector_load %arg8[%get3A_142] {strides = array<i32>} : memref<80xi32, #tpu.memory_space<vmem>>, vector<16xi32>,
      %get3A_144 = vector.shape_cast %get3A_143 : vector<16xi32> to vector<16xi32>
      %add3A_145 = arith.constant 0 : i32
      %add3A_146 = vector.broadcast %add3A_145 : i32 to vector<16xi32>
      %add3A_147 = arith.addi %get3A_144, %add3A_146 : vector<16xi32>
      %swap3A_148 = arith.constant 16 : index
      %swap3A_149 = tpu.vector_load %arg8[%swap3A_148] {strides = array<i32>} : memref<80xi32, #tpu.memory_space<vmem>>, vector<16xi32>,
      %swap3A_150 = vector.shape_cast %swap3A_149 : vector<16xi32> to vector<16xi32>
      %swap3A_151 = vector.shape_cast %add3A_147 : vector<16xi32> to vector<16xi32>
      tpu.vector_store %arg8[%swap3A_148], %swap3A_151 {strides = array<i32>} : memref<80xi32, #tpu.memory_space<vmem>>, vector<16xi32>,
      %get3A_152 = arith.constant 16 : index
      %get3A_153 = tpu.vector_load %arg9[%get3A_152] {strides = array<i32>} : memref<80xi32, #tpu.memory_space<vmem>>, vector<16xi32>,
      %get3A_154 = vector.shape_cast %get3A_153 : vector<16xi32> to vector<16xi32>
      %add3A_155 = arith.constant 0 : i32
      %add3A_156 = vector.broadcast %add3A_155 : i32 to vector<16xi32>
      %add3A_157 = arith.addi %get3A_154, %add3A_156 : vector<16xi32>
      %swap3A_158 = arith.constant 16 : index
      %swap3A_159 = tpu.vector_load %arg10[%swap3A_158] {strides = array<i32>} : memref<80xi32, #tpu.memory_space<vmem>>, vector<16xi32>,
      %swap3A_160 = vector.shape_cast %swap3A_159 : vector<16xi32> to vector<16xi32>
      %swap3A_161 = vector.shape_cast %add3A_157 : vector<16xi32> to vector<16xi32>
      tpu.vector_store %arg10[%swap3A_158], %swap3A_161 {strides = array<i32>} : memref<80xi32, #tpu.memory_space<vmem>>, vector<16xi32>,
      %get3A_162 = arith.constant 32 : index
      %get3A_163 = tpu.vector_load %arg8[%get3A_162] {strides = array<i32>} : memref<80xi32, #tpu.memory_space<vmem>>, vector<16xi32>,
      %get3A_164 = vector.shape_cast %get3A_163 : vector<16xi32> to vector<16xi32>
      %add3A_165 = arith.constant 0 : i32
      %add3A_166 = vector.broadcast %add3A_165 : i32 to vector<16xi32>
      %add3A_167 = arith.addi %get3A_164, %add3A_166 : vector<16xi32>
      %swap3A_168 = arith.constant 32 : index
      %swap3A_169 = tpu.vector_load %arg8[%swap3A_168] {strides = array<i32>} : memref<80xi32, #tpu.memory_space<vmem>>, vector<16xi32>,
      %swap3A_170 = vector.shape_cast %swap3A_169 : vector<16xi32> to vector<16xi32>
      %swap3A_171 = vector.shape_cast %add3A_167 : vector<16xi32> to vector<16xi32>
      tpu.vector_store %arg8[%swap3A_168], %swap3A_171 {strides = array<i32>} : memref<80xi32, #tpu.memory_space<vmem>>, vector<16xi32>,
      %get3A_172 = arith.constant 32 : index
      %get3A_173 = tpu.vector_load %arg9[%get3A_172] {strides = array<i32>} : memref<80xi32, #tpu.memory_space<vmem>>, vector<16xi32>,
      %get3A_174 = vector.shape_cast %get3A_173 : vector<16xi32> to vector<16xi32>
      %add3A_175 = arith.constant 0 : i32
      %add3A_176 = vector.broadcast %add3A_175 : i32 to vector<16xi32>
      %add3A_177 = arith.addi %get3A_174, %add3A_176 : vector<16xi32>
      %swap3A_178 = arith.constant 32 : index
      %swap3A_179 = tpu.vector_load %arg10[%swap3A_178] {strides = array<i32>} : memref<80xi32, #tpu.memory_space<vmem>>, vector<16xi32>,
      %swap3A_180 = vector.shape_cast %swap3A_179 : vector<16xi32> to vector<16xi32>
      %swap3A_181 = vector.shape_cast %add3A_177 : vector<16xi32> to vector<16xi32>
      tpu.vector_store %arg10[%swap3A_178], %swap3A_181 {strides = array<i32>} : memref<80xi32, #tpu.memory_space<vmem>>, vector<16xi32>,
      %get3A_182 = arith.constant 48 : index
      %get3A_183 = tpu.vector_load %arg8[%get3A_182] {strides = array<i32>} : memref<80xi32, #tpu.memory_space<vmem>>, vector<16xi32>,
      %get3A_184 = vector.shape_cast %get3A_183 : vector<16xi32> to vector<16xi32>
      %add3A_185 = arith.constant 0 : i32
      %add3A_186 = vector.broadcast %add3A_185 : i32 to vector<16xi32>
      %add3A_187 = arith.addi %get3A_184, %add3A_186 : vector<16xi32>
      %swap3A_188 = arith.constant 48 : index
      %swap3A_189 = tpu.vector_load %arg8[%swap3A_188] {strides = array<i32>} : memref<80xi32, #tpu.memory_space<vmem>>, vector<16xi32>,
      %swap3A_190 = vector.shape_cast %swap3A_189 : vector<16xi32> to vector<16xi32>
      %swap3A_191 = vector.shape_cast %add3A_187 : vector<16xi32> to vector<16xi32>
      tpu.vector_store %arg8[%swap3A_188], %swap3A_191 {strides = array<i32>} : memref<80xi32, #tpu.memory_space<vmem>>, vector<16xi32>,
      %get3A_192 = arith.constant 48 : index
      %get3A_193 = tpu.vector_load %arg9[%get3A_192] {strides = array<i32>} : memref<80xi32, #tpu.memory_space<vmem>>, vector<16xi32>,
      %get3A_194 = vector.shape_cast %get3A_193 : vector<16xi32> to vector<16xi32>
      %add3A_195 = arith.constant 0 : i32
      %add3A_196 = vector.broadcast %add3A_195 : i32 to vector<16xi32>
      %add3A_197 = arith.addi %get3A_194, %add3A_196 : vector<16xi32>
      %swap3A_198 = arith.constant 48 : index
      %swap3A_199 = tpu.vector_load %arg10[%swap3A_198] {strides = array<i32>} : memref<80xi32, #tpu.memory_space<vmem>>, vector<16xi32>,
      %swap3A_200 = vector.shape_cast %swap3A_199 : vector<16xi32> to vector<16xi32>
      %swap3A_201 = vector.shape_cast %add3A_197 : vector<16xi32> to vector<16xi32>
      tpu.vector_store %arg10[%swap3A_198], %swap3A_201 {strides = array<i32>} : memref<80xi32, #tpu.memory_space<vmem>>, vector<16xi32>,
      %get3A_202 = arith.constant 64 : index
      %get3A_203 = tpu.vector_load %arg8[%get3A_202] {strides = array<i32>} : memref<80xi32, #tpu.memory_space<vmem>>, vector<16xi32>,
      %get3A_204 = vector.shape_cast %get3A_203 : vector<16xi32> to vector<16xi32>
      %add3A_205 = arith.constant 0 : i32
      %add3A_206 = vector.broadcast %add3A_205 : i32 to vector<16xi32>
      %add3A_207 = arith.addi %get3A_204, %add3A_206 : vector<16xi32>
      %swap3A_208 = arith.constant 64 : index
      %swap3A_209 = tpu.vector_load %arg8[%swap3A_208] {strides = array<i32>} : memref<80xi32, #tpu.memory_space<vmem>>, vector<16xi32>,
      %swap3A_210 = vector.shape_cast %swap3A_209 : vector<16xi32> to vector<16xi32>
      %swap3A_211 = vector.shape_cast %add3A_207 : vector<16xi32> to vector<16xi32>
      tpu.vector_store %arg8[%swap3A_208], %swap3A_211 {strides = array<i32>} : memref<80xi32, #tpu.memory_space<vmem>>, vector<16xi32>,
      %get3A_212 = arith.constant 64 : index
      %get3A_213 = tpu.vector_load %arg9[%get3A_212] {strides = array<i32>} : memref<80xi32, #tpu.memory_space<vmem>>, vector<16xi32>,
      %get3A_214 = vector.shape_cast %get3A_213 : vector<16xi32> to vector<16xi32>
      %add3A_215 = arith.constant 0 : i32
      %add3A_216 = vector.broadcast %add3A_215 : i32 to vector<16xi32>
      %add3A_217 = arith.addi %get3A_214, %add3A_216 : vector<16xi32>
      %swap3A_218 = arith.constant 64 : index
      %swap3A_219 = tpu.vector_load %arg10[%swap3A_218] {strides = array<i32>} : memref<80xi32, #tpu.memory_space<vmem>>, vector<16xi32>,
      %swap3A_220 = vector.shape_cast %swap3A_219 : vector<16xi32> to vector<16xi32>
      %swap3A_221 = vector.shape_cast %add3A_217 : vector<16xi32> to vector<16xi32>
      tpu.vector_store %arg10[%swap3A_218], %swap3A_221 {strides = array<i32>} : memref<80xi32, #tpu.memory_space<vmem>>, vector<16xi32>,
      %dma_start3A = arith.constant 0 : i32
      %dma_start3A_222 = arith.constant 0 : i32
      %dma_start3A_223 = tpu.memref_slice %arg3[%dma_start3A, %dma_start3A_222] : memref<30000x128xf32, #tpu.memory_space<hbm>> -> memref<30000x128xf32, #tpu.memory_space<hbm>>
      tpu.enqueue_indirect_dma source(%dma_start3A_223 : memref<30000x128xf32, #tpu.memory_space<hbm>>) target(%arg15 : memref<80x128xf32, #tpu.memory_space<vmem>>) offsets(%arg8 : memref<80xi32, #tpu.memory_space<vmem>>) semaphore(%arg20 : memref<!tpu.dma_semaphore, #tpu.memory_space<semaphore_mem>>)
      %dma_start3A_224 = arith.constant 0 : i32
      %dma_start3A_225 = arith.constant 0 : i32
      %dma_start3A_226 = tpu.memref_slice %arg4[%dma_start3A_224, %dma_start3A_225] : memref<30000x128xf32, #tpu.memory_space<hbm>> -> memref<30000x128xf32, #tpu.memory_space<hbm>>
      tpu.enqueue_indirect_dma source(%dma_start3A_226 : memref<30000x128xf32, #tpu.memory_space<hbm>>) target(%arg11 : memref<80x128xf32, #tpu.memory_space<vmem>>) offsets(%arg10 : memref<80xi32, #tpu.memory_space<vmem>>) semaphore(%arg18 : memref<!tpu.dma_semaphore, #tpu.memory_space<semaphore_mem>>)
      %dma_start3A_227 = arith.constant 0 : i32
      %dma_start3A_228 = arith.constant 0 : i32
      %dma_start3A_229 = tpu.memref_slice %arg4[%dma_start3A_227, %dma_start3A_228] : memref<30000x128xf32, #tpu.memory_space<hbm>> -> memref<30000x128xf32, #tpu.memory_space<hbm>>
      tpu.enqueue_indirect_dma source(%dma_start3A_229 : memref<30000x128xf32, #tpu.memory_space<hbm>>) target(%arg12 : memref<80x128xf32, #tpu.memory_space<vmem>>) offsets(%arg8 : memref<80xi32, #tpu.memory_space<vmem>>) semaphore(%arg19 : memref<!tpu.dma_semaphore, #tpu.memory_space<semaphore_mem>>)
      %iota3A = tpu.iota {dimensions = array<i32: 0>} : vector<16xi32>
      %add3A_230 = arith.constant 8 : i32
      %add3A_231 = vector.broadcast %add3A_230 : i32 to vector<16xi32>
      %add3A_232 = arith.addi %iota3A, %add3A_231 : vector<16xi32>
      %and3A = arith.constant 15 : i32
      %and3A_233 = vector.broadcast %and3A : i32 to vector<16xi32>
      %and3A_234 = arith.andi %add3A_232, %and3A_233 : vector<16xi32>
      %broadcast_in_dim3A_235 = vector.shape_cast %and3A_234 : vector<16xi32> to vector<16x1xi32>
      %dma_wait3A = arith.constant 0 : i32
      %dma_wait3A_236 = arith.constant 0 : i32
      %dma_wait3A_237 = tpu.memref_slice %arg4[%dma_wait3A, %dma_wait3A_236] : memref<30000x128xf32, #tpu.memory_space<hbm>> -> memref<30000x128xf32, #tpu.memory_space<hbm>>
      tpu.wait_indirect_dma semaphore(%arg18 : memref<!tpu.dma_semaphore, #tpu.memory_space<semaphore_mem>>) src(%dma_wait3A_237 : memref<30000x128xf32, #tpu.memory_space<hbm>>) dst(%arg11 : memref<80x128xf32, #tpu.memory_space<vmem>>)
      %dma_wait3A_238 = arith.constant 0 : i32
      %dma_wait3A_239 = arith.constant 0 : i32
      %dma_wait3A_240 = tpu.memref_slice %arg4[%dma_wait3A_238, %dma_wait3A_239] : memref<30000x128xf32, #tpu.memory_space<hbm>> -> memref<30000x128xf32, #tpu.memory_space<hbm>>
      tpu.wait_indirect_dma semaphore(%arg19 : memref<!tpu.dma_semaphore, #tpu.memory_space<semaphore_mem>>) src(%dma_wait3A_240 : memref<30000x128xf32, #tpu.memory_space<hbm>>) dst(%arg12 : memref<80x128xf32, #tpu.memory_space<vmem>>)
      %get3A_241 = arith.constant 0 : index
      %get3A_242 = tpu.vector_load %arg16[%get3A_241] {strides = array<i32>} : memref<16xf32, #tpu.memory_space<vmem>>, vector<16xf32>,
      %get3A_243 = vector.shape_cast %get3A_242 : vector<16xf32> to vector<16xf32>
      %scan3A_244 = arith.constant 0 : i32
      %scan3A_245 = arith.constant 0 : i32
      %scan3A_246 = arith.constant 80 : i32
      %scan3A_247 = arith.addi %scan3A_245, %scan3A_246 : i32
      %scan3A_248 = arith.constant 1 : i32
      %scan3A_249 = scf.for %scan3A_266 = %scan3A_245 to %scan3A_247 step %scan3A_248 iter_args(%scan3A_267 = %scan3A_244) -> (i32)  : i32 {
        %get3A_268 = arith.index_cast %scan3A_266 : i32 to index
        %get3A_269 = arith.constant 0 : index
        %get3A_270 = tpu.vector_load %arg11[%get3A_268, %get3A_269] {strides = array<i32>} : memref<80x128xf32, #tpu.memory_space<vmem>>, vector<1x16xf32>,
        %get3A_271 = vector.shape_cast %get3A_270 : vector<1x16xf32> to vector<16xf32>
        %gather3A = vector.shape_cast %broadcast_in_dim3A_235 : vector<16x1xi32> to vector<16xi32>
        %gather3A_272 = tpu.dynamic_gather %get3A_271[%gather3A] in [0] : vector<16xf32>, vector<16xi32> -> vector<16xf32>
        %get3A_273 = arith.index_cast %scan3A_266 : i32 to index
        %get3A_274 = arith.constant 0 : index
        %get3A_275 = tpu.vector_load %arg12[%get3A_273, %get3A_274] {strides = array<i32>} : memref<80x128xf32, #tpu.memory_space<vmem>>, vector<1x16xf32>,
        %get3A_276 = vector.shape_cast %get3A_275 : vector<1x16xf32> to vector<16xf32>
        %add3A_277 = arith.addf %get3A_276, %gather3A_272 : vector<16xf32>
        %gt3A = arith.constant 0.000000e+00 : f32
        %gt3A_278 = vector.broadcast %gt3A : f32 to vector<16xf32>
        %gt3A_279 = arith.cmpf ogt, %add3A_277, %gt3A_278 : vector<16xf32>
        %mul3A_280 = arith.constant 2.000000e-01 : f32
        %mul3A_281 = vector.broadcast %mul3A_280 : f32 to vector<16xf32>
        %mul3A_282 = arith.mulf %add3A_277, %mul3A_281 : vector<16xf32>
        %select_n3A = arith.select %gt3A_279, %add3A_277, %mul3A_282 : vector<16xi1>, vector<16xf32>
        %sub3A = arith.subf %select_n3A, %get3A_243 : vector<16xf32>
        %exp3A = math.exp %sub3A : vector<16xf32>
        %swap3A_283 = arith.index_cast %scan3A_266 : i32 to index
        %swap3A_284 = arith.constant 0 : index
        %swap3A_285 = tpu.vector_load %arg13[%swap3A_283, %swap3A_284] {strides = array<i32>} : memref<80x16xf32, #tpu.memory_space<vmem>>, vector<1x16xf32>,
        %swap3A_286 = vector.shape_cast %swap3A_285 : vector<1x16xf32> to vector<16xf32>
        %swap3A_287 = vector.shape_cast %exp3A : vector<16xf32> to vector<1x16xf32>
        tpu.vector_store %arg13[%swap3A_283, %swap3A_284], %swap3A_287 {strides = array<i32>} : memref<80x16xf32, #tpu.memory_space<vmem>>, vector<1x16xf32>,
        %scan3A_288 = arith.constant 0 : i32
        scf.yield %scan3A_288 : i32
      }
      %scan3A_250 = arith.constant 80 : i32
      %dma_wait3A_251 = arith.constant 0 : i32
      %dma_wait3A_252 = arith.constant 0 : i32
      %dma_wait3A_253 = tpu.memref_slice %arg3[%dma_wait3A_251, %dma_wait3A_252] : memref<30000x128xf32, #tpu.memory_space<hbm>> -> memref<30000x128xf32, #tpu.memory_space<hbm>>
      tpu.wait_indirect_dma semaphore(%arg20 : memref<!tpu.dma_semaphore, #tpu.memory_space<semaphore_mem>>) src(%dma_wait3A_253 : memref<30000x128xf32, #tpu.memory_space<hbm>>) dst(%arg15 : memref<80x128xf32, #tpu.memory_space<vmem>>)
      %scan3A_254 = arith.constant 0 : i32
      %scan3A_255 = arith.constant 0 : i32
      %scan3A_256 = arith.constant 80 : i32
      %scan3A_257 = arith.addi %scan3A_255, %scan3A_256 : i32
      %scan3A_258 = arith.constant 1 : i32
      %scan3A_259 = scf.for %scan3A_266 = %scan3A_255 to %scan3A_257 step %scan3A_258 iter_args(%scan3A_267 = %scan3A_254) -> (i32)  : i32 {
        %get3A_268 = arith.index_cast %scan3A_266 : i32 to index
        %get3A_269 = arith.constant 0 : index
        %get3A_270 = tpu.vector_load %arg13[%get3A_268, %get3A_269] {strides = array<i32>} : memref<80x16xf32, #tpu.memory_space<vmem>>, vector<1x16xf32>,
        %get3A_271 = vector.shape_cast %get3A_270 : vector<1x16xf32> to vector<16xf32>
        %mul3A_272 = arith.constant 16 : i32
        %mul3A_273 = arith.muli %mul3A_272, %scan3A_266 : i32
        %swap3A_274 = arith.index_cast %mul3A_273 : i32 to index
        %swap3A_275 = tpu.vector_load %arg14[%swap3A_274] {strides = array<i32>} : memref<1280xf32, #tpu.memory_space<vmem>>, vector<16xf32>,
        %swap3A_276 = vector.shape_cast %swap3A_275 : vector<16xf32> to vector<16xf32>
        %swap3A_277 = vector.shape_cast %get3A_271 : vector<16xf32> to vector<16xf32>
        tpu.vector_store %arg14[%swap3A_274], %swap3A_277 {strides = array<i32>} : memref<1280xf32, #tpu.memory_space<vmem>>, vector<16xf32>,
        %get3A_278 = arith.index_cast %scan3A_266 : i32 to index
        %get3A_279 = arith.constant 0 : index
        %get3A_280 = tpu.vector_load %arg15[%get3A_278, %get3A_279] {strides = array<i32>} : memref<80x128xf32, #tpu.memory_space<vmem>>, vector<1x16xf32>,
        %get3A_281 = vector.shape_cast %get3A_280 : vector<1x16xf32> to vector<16xf32>
        %slice3A = vector.extract_strided_slice %get3A_271 {offsets = [0], sizes = [1], strides = [1]} : vector<16xf32> to vector<1xf32>
        %squeeze3A = vector.extract %slice3A[0] : f32 from vector<1xf32>
        %mul3A_282 = vector.broadcast %squeeze3A : f32 to vector<16xf32>
        %mul3A_283 = arith.mulf %get3A_281, %mul3A_282 : vector<16xf32>
        %swap3A_284 = arith.index_cast %scan3A_266 : i32 to index
        %swap3A_285 = arith.constant 0 : index
        %swap3A_286 = tpu.vector_load %arg15[%swap3A_284, %swap3A_285] {strides = array<i32>} : memref<80x128xf32, #tpu.memory_space<vmem>>, vector<1x16xf32>,
        %swap3A_287 = vector.shape_cast %swap3A_286 : vector<1x16xf32> to vector<16xf32>
        %swap3A_288 = vector.shape_cast %mul3A_283 : vector<16xf32> to vector<1x16xf32>
        tpu.vector_store %arg15[%swap3A_284, %swap3A_285], %swap3A_288 {strides = array<i32>} : memref<80x128xf32, #tpu.memory_space<vmem>>, vector<1x16xf32>,
        %get3A_289 = arith.index_cast %scan3A_266 : i32 to index
        %get3A_290 = arith.constant 16 : index
        %get3A_291 = tpu.vector_load %arg15[%get3A_289, %get3A_290] {strides = array<i32>} : memref<80x128xf32, #tpu.memory_space<vmem>>, vector<1x16xf32>,
        %get3A_292 = vector.shape_cast %get3A_291 : vector<1x16xf32> to vector<16xf32>
        %slice3A_293 = vector.extract_strided_slice %get3A_271 {offsets = [1], sizes = [1], strides = [1]} : vector<16xf32> to vector<1xf32>
        %squeeze3A_294 = vector.extract %slice3A_293[0] : f32 from vector<1xf32>
        %mul3A_295 = vector.broadcast %squeeze3A_294 : f32 to vector<16xf32>
        %mul3A_296 = arith.mulf %get3A_292, %mul3A_295 : vector<16xf32>
        %swap3A_297 = arith.index_cast %scan3A_266 : i32 to index
        %swap3A_298 = arith.constant 16 : index
        %swap3A_299 = tpu.vector_load %arg15[%swap3A_297, %swap3A_298] {strides = array<i32>} : memref<80x128xf32, #tpu.memory_space<vmem>>, vector<1x16xf32>,
        %swap3A_300 = vector.shape_cast %swap3A_299 : vector<1x16xf32> to vector<16xf32>
        %swap3A_301 = vector.shape_cast %mul3A_296 : vector<16xf32> to vector<1x16xf32>
        tpu.vector_store %arg15[%swap3A_297, %swap3A_298], %swap3A_301 {strides = array<i32>} : memref<80x128xf32, #tpu.memory_space<vmem>>, vector<1x16xf32>,
        %get3A_302 = arith.index_cast %scan3A_266 : i32 to index
        %get3A_303 = arith.constant 32 : index
        %get3A_304 = tpu.vector_load %arg15[%get3A_302, %get3A_303] {strides = array<i32>} : memref<80x128xf32, #tpu.memory_space<vmem>>, vector<1x16xf32>,
        %get3A_305 = vector.shape_cast %get3A_304 : vector<1x16xf32> to vector<16xf32>
        %slice3A_306 = vector.extract_strided_slice %get3A_271 {offsets = [2], sizes = [1], strides = [1]} : vector<16xf32> to vector<1xf32>
        %squeeze3A_307 = vector.extract %slice3A_306[0] : f32 from vector<1xf32>
        %mul3A_308 = vector.broadcast %squeeze3A_307 : f32 to vector<16xf32>
        %mul3A_309 = arith.mulf %get3A_305, %mul3A_308 : vector<16xf32>
        %swap3A_310 = arith.index_cast %scan3A_266 : i32 to index
        %swap3A_311 = arith.constant 32 : index
        %swap3A_312 = tpu.vector_load %arg15[%swap3A_310, %swap3A_311] {strides = array<i32>} : memref<80x128xf32, #tpu.memory_space<vmem>>, vector<1x16xf32>,
        %swap3A_313 = vector.shape_cast %swap3A_312 : vector<1x16xf32> to vector<16xf32>
        %swap3A_314 = vector.shape_cast %mul3A_309 : vector<16xf32> to vector<1x16xf32>
        tpu.vector_store %arg15[%swap3A_310, %swap3A_311], %swap3A_314 {strides = array<i32>} : memref<80x128xf32, #tpu.memory_space<vmem>>, vector<1x16xf32>,
        %get3A_315 = arith.index_cast %scan3A_266 : i32 to index
        %get3A_316 = arith.constant 48 : index
        %get3A_317 = tpu.vector_load %arg15[%get3A_315, %get3A_316] {strides = array<i32>} : memref<80x128xf32, #tpu.memory_space<vmem>>, vector<1x16xf32>,
        %get3A_318 = vector.shape_cast %get3A_317 : vector<1x16xf32> to vector<16xf32>
        %slice3A_319 = vector.extract_strided_slice %get3A_271 {offsets = [3], sizes = [1], strides = [1]} : vector<16xf32> to vector<1xf32>
        %squeeze3A_320 = vector.extract %slice3A_319[0] : f32 from vector<1xf32>
        %mul3A_321 = vector.broadcast %squeeze3A_320 : f32 to vector<16xf32>
        %mul3A_322 = arith.mulf %get3A_318, %mul3A_321 : vector<16xf32>
        %swap3A_323 = arith.index_cast %scan3A_266 : i32 to index
        %swap3A_324 = arith.constant 48 : index
        %swap3A_325 = tpu.vector_load %arg15[%swap3A_323, %swap3A_324] {strides = array<i32>} : memref<80x128xf32, #tpu.memory_space<vmem>>, vector<1x16xf32>,
        %swap3A_326 = vector.shape_cast %swap3A_325 : vector<1x16xf32> to vector<16xf32>
        %swap3A_327 = vector.shape_cast %mul3A_322 : vector<16xf32> to vector<1x16xf32>
        tpu.vector_store %arg15[%swap3A_323, %swap3A_324], %swap3A_327 {strides = array<i32>} : memref<80x128xf32, #tpu.memory_space<vmem>>, vector<1x16xf32>,
        %get3A_328 = arith.index_cast %scan3A_266 : i32 to index
        %get3A_329 = arith.constant 64 : index
        %get3A_330 = tpu.vector_load %arg15[%get3A_328, %get3A_329] {strides = array<i32>} : memref<80x128xf32, #tpu.memory_space<vmem>>, vector<1x16xf32>,
        %get3A_331 = vector.shape_cast %get3A_330 : vector<1x16xf32> to vector<16xf32>
        %slice3A_332 = vector.extract_strided_slice %get3A_271 {offsets = [4], sizes = [1], strides = [1]} : vector<16xf32> to vector<1xf32>
        %squeeze3A_333 = vector.extract %slice3A_332[0] : f32 from vector<1xf32>
        %mul3A_334 = vector.broadcast %squeeze3A_333 : f32 to vector<16xf32>
        %mul3A_335 = arith.mulf %get3A_331, %mul3A_334 : vector<16xf32>
        %swap3A_336 = arith.index_cast %scan3A_266 : i32 to index
        %swap3A_337 = arith.constant 64 : index
        %swap3A_338 = tpu.vector_load %arg15[%swap3A_336, %swap3A_337] {strides = array<i32>} : memref<80x128xf32, #tpu.memory_space<vmem>>, vector<1x16xf32>,
        %swap3A_339 = vector.shape_cast %swap3A_338 : vector<1x16xf32> to vector<16xf32>
        %swap3A_340 = vector.shape_cast %mul3A_335 : vector<16xf32> to vector<1x16xf32>
        tpu.vector_store %arg15[%swap3A_336, %swap3A_337], %swap3A_340 {strides = array<i32>} : memref<80x128xf32, #tpu.memory_space<vmem>>, vector<1x16xf32>,
        %get3A_341 = arith.index_cast %scan3A_266 : i32 to index
        %get3A_342 = arith.constant 80 : index
        %get3A_343 = tpu.vector_load %arg15[%get3A_341, %get3A_342] {strides = array<i32>} : memref<80x128xf32, #tpu.memory_space<vmem>>, vector<1x16xf32>,
        %get3A_344 = vector.shape_cast %get3A_343 : vector<1x16xf32> to vector<16xf32>
        %slice3A_345 = vector.extract_strided_slice %get3A_271 {offsets = [5], sizes = [1], strides = [1]} : vector<16xf32> to vector<1xf32>
        %squeeze3A_346 = vector.extract %slice3A_345[0] : f32 from vector<1xf32>
        %mul3A_347 = vector.broadcast %squeeze3A_346 : f32 to vector<16xf32>
        %mul3A_348 = arith.mulf %get3A_344, %mul3A_347 : vector<16xf32>
        %swap3A_349 = arith.index_cast %scan3A_266 : i32 to index
        %swap3A_350 = arith.constant 80 : index
        %swap3A_351 = tpu.vector_load %arg15[%swap3A_349, %swap3A_350] {strides = array<i32>} : memref<80x128xf32, #tpu.memory_space<vmem>>, vector<1x16xf32>,
        %swap3A_352 = vector.shape_cast %swap3A_351 : vector<1x16xf32> to vector<16xf32>
        %swap3A_353 = vector.shape_cast %mul3A_348 : vector<16xf32> to vector<1x16xf32>
        tpu.vector_store %arg15[%swap3A_349, %swap3A_350], %swap3A_353 {strides = array<i32>} : memref<80x128xf32, #tpu.memory_space<vmem>>, vector<1x16xf32>,
        %get3A_354 = arith.index_cast %scan3A_266 : i32 to index
        %get3A_355 = arith.constant 96 : index
        %get3A_356 = tpu.vector_load %arg15[%get3A_354, %get3A_355] {strides = array<i32>} : memref<80x128xf32, #tpu.memory_space<vmem>>, vector<1x16xf32>,
        %get3A_357 = vector.shape_cast %get3A_356 : vector<1x16xf32> to vector<16xf32>
        %slice3A_358 = vector.extract_strided_slice %get3A_271 {offsets = [6], sizes = [1], strides = [1]} : vector<16xf32> to vector<1xf32>
        %squeeze3A_359 = vector.extract %slice3A_358[0] : f32 from vector<1xf32>
        %mul3A_360 = vector.broadcast %squeeze3A_359 : f32 to vector<16xf32>
        %mul3A_361 = arith.mulf %get3A_357, %mul3A_360 : vector<16xf32>
        %swap3A_362 = arith.index_cast %scan3A_266 : i32 to index
        %swap3A_363 = arith.constant 96 : index
        %swap3A_364 = tpu.vector_load %arg15[%swap3A_362, %swap3A_363] {strides = array<i32>} : memref<80x128xf32, #tpu.memory_space<vmem>>, vector<1x16xf32>,
        %swap3A_365 = vector.shape_cast %swap3A_364 : vector<1x16xf32> to vector<16xf32>
        %swap3A_366 = vector.shape_cast %mul3A_361 : vector<16xf32> to vector<1x16xf32>
        tpu.vector_store %arg15[%swap3A_362, %swap3A_363], %swap3A_366 {strides = array<i32>} : memref<80x128xf32, #tpu.memory_space<vmem>>, vector<1x16xf32>,
        %get3A_367 = arith.index_cast %scan3A_266 : i32 to index
        %get3A_368 = arith.constant 112 : index
        %get3A_369 = tpu.vector_load %arg15[%get3A_367, %get3A_368] {strides = array<i32>} : memref<80x128xf32, #tpu.memory_space<vmem>>, vector<1x16xf32>,
        %get3A_370 = vector.shape_cast %get3A_369 : vector<1x16xf32> to vector<16xf32>
        %slice3A_371 = vector.extract_strided_slice %get3A_271 {offsets = [7], sizes = [1], strides = [1]} : vector<16xf32> to vector<1xf32>
        %squeeze3A_372 = vector.extract %slice3A_371[0] : f32 from vector<1xf32>
        %mul3A_373 = vector.broadcast %squeeze3A_372 : f32 to vector<16xf32>
        %mul3A_374 = arith.mulf %get3A_370, %mul3A_373 : vector<16xf32>
        %swap3A_375 = arith.index_cast %scan3A_266 : i32 to index
        %swap3A_376 = arith.constant 112 : index
        %swap3A_377 = tpu.vector_load %arg15[%swap3A_375, %swap3A_376] {strides = array<i32>} : memref<80x128xf32, #tpu.memory_space<vmem>>, vector<1x16xf32>,
        %swap3A_378 = vector.shape_cast %swap3A_377 : vector<1x16xf32> to vector<16xf32>
        %swap3A_379 = vector.shape_cast %mul3A_374 : vector<16xf32> to vector<1x16xf32>
        tpu.vector_store %arg15[%swap3A_375, %swap3A_376], %swap3A_379 {strides = array<i32>} : memref<80x128xf32, #tpu.memory_space<vmem>>, vector<1x16xf32>,
        %scan3A_380 = arith.constant 0 : i32
        scf.yield %scan3A_380 : i32
      }
      %scan3A_260 = arith.constant 80 : i32
      "tpu.region"() ({
        %run_scoped3A = tpu.sem_alloc : memref<!tpu.dma_semaphore, #tpu.memory_space<semaphore_mem>>
        %dma_start3A_266 = arith.constant 0 : i32
        %dma_start3A_267 = arith.constant 0 : i32
        %dma_start3A_268 = tpu.memref_slice %arg17[%dma_start3A_266, %dma_start3A_267] : memref<10000x128xf32, #tpu.memory_space<vmem_shared>> -> memref<10000x128xf32, #tpu.memory_space<vmem_shared>>
        tpu.enqueue_indirect_dma source(%arg15 : memref<80x128xf32, #tpu.memory_space<vmem>>) target(%dma_start3A_268 : memref<10000x128xf32, #tpu.memory_space<vmem_shared>>) offsets(%arg9 : memref<80xi32, #tpu.memory_space<vmem>>) semaphore(%run_scoped3A : memref<!tpu.dma_semaphore, #tpu.memory_space<semaphore_mem>>) {add = true}
        %dma_wait3A_269 = arith.constant 0 : i32
        %dma_wait3A_270 = arith.constant 0 : i32
        %dma_wait3A_271 = tpu.memref_slice %arg17[%dma_wait3A_269, %dma_wait3A_270] : memref<10000x128xf32, #tpu.memory_space<vmem_shared>> -> memref<10000x128xf32, #tpu.memory_space<vmem_shared>>
        tpu.wait_indirect_dma semaphore(%run_scoped3A : memref<!tpu.dma_semaphore, #tpu.memory_space<semaphore_mem>>) src(%arg15 : memref<80x128xf32, #tpu.memory_space<vmem>>) dst(%dma_wait3A_271 : memref<10000x128xf32, #tpu.memory_space<vmem_shared>>)
        tpu.yield
      }) : () -> ()
      %add3A_261 = arith.constant 0 : i32
      %add3A_262 = arith.addi %add3A_261, %add3A_119 : i32
      %mul3A_263 = arith.constant 16 : i32
      %mul3A_264 = arith.muli %add3A_262, %mul3A_263 : i32
      "tpu.region"() ({
        %run_scoped3A = tpu.sem_alloc : memref<!tpu.dma_semaphore, #tpu.memory_space<semaphore_mem>>
        %dma_start3A_266 = tpu.memref_slice %arg7[%mul3A_264] : memref<15360000xf32, #tpu.memory_space<hbm>> -> memref<1280xf32, #tpu.memory_space<hbm>>
        %dma_start3A_267 = tpu.memref_slice %arg7[%mul3A_264] : memref<15360000xf32, #tpu.memory_space<hbm>> -> memref<1280xf32, #tpu.memory_space<hbm>>
        tpu.enqueue_dma source(%arg14 : memref<1280xf32, #tpu.memory_space<vmem>>) target(%dma_start3A_267 : memref<1280xf32, #tpu.memory_space<hbm>>) target_semaphore(%run_scoped3A : memref<!tpu.dma_semaphore, #tpu.memory_space<semaphore_mem>>)
        %dma_wait3A_268 = tpu.memref_slice %arg7[%mul3A_264] : memref<15360000xf32, #tpu.memory_space<hbm>> -> memref<1280xf32, #tpu.memory_space<hbm>>
        %dma_wait3A_269 = tpu.memref_slice %arg7[%mul3A_264] : memref<15360000xf32, #tpu.memory_space<hbm>> -> memref<1280xf32, #tpu.memory_space<hbm>>
        tpu.wait_dma2 semaphore(%run_scoped3A : memref<!tpu.dma_semaphore, #tpu.memory_space<semaphore_mem>>) src(%arg14 : memref<1280xf32, #tpu.memory_space<vmem>>) dst(%dma_wait3A_269 : memref<1280xf32, #tpu.memory_space<hbm>>)
        tpu.yield
      }) : () -> ()
      %scan3A_265 = arith.constant 0 : i32
      scf.yield %scan3A_265 : i32
    }
    %scan3A_22 = arith.constant 125 : i32
    %barrier3A_23 = arith.constant 0 : index
    tpu.barrier barrier_id(%barrier3A_23)
    %lt3A_24 = arith.constant 15 : i32
    %lt3A_25 = arith.cmpi slt, %arg1, %lt3A_24 : i32
    %convert_element_type3A_26 = arith.extui %lt3A_25 : i1 to i32
    %cond3A_27 = arith.constant 0 : i32
    %cond3A_28 = arith.cmpi ne, %convert_element_type3A_26, %cond3A_27 : i32
    scf.if %cond3A_28 {
      %mul3A_113 = arith.constant 640 : i32
      %mul3A_114 = arith.muli %arg1, %mul3A_113 : i32
      %mul3A_115 = arith.constant 640 : i32
      %mul3A_116 = arith.muli %arg1, %mul3A_115 : i32
      "tpu.region"() ({
        %run_scoped3A = tpu.sem_alloc : memref<!tpu.dma_semaphore, #tpu.memory_space<semaphore_mem>>
        %dma_start3A = arith.constant 0 : i32
        %dma_start3A_117 = tpu.memref_slice %arg6[%add3A_3, %mul3A_116, %dma_start3A] : memref<6x10000x128xf32, #tpu.memory_space<hbm>> -> memref<1x640x128xf32, #tpu.memory_space<hbm>>
        %dma_start3A_118 = tpu.memref_squeeze %dma_start3A_117 : memref<1x640x128xf32, #tpu.memory_space<hbm>> -> memref<640x128xf32, #tpu.memory_space<hbm>>
        %dma_start3A_119 = arith.constant 0 : i32
        %dma_start3A_120 = tpu.memref_slice %arg17[%mul3A_114, %dma_start3A_119] : memref<10000x128xf32, #tpu.memory_space<vmem_shared>> -> memref<640x128xf32, #tpu.memory_space<vmem_shared>>
        tpu.enqueue_dma source(%dma_start3A_120 : memref<640x128xf32, #tpu.memory_space<vmem_shared>>) target(%dma_start3A_118 : memref<640x128xf32, #tpu.memory_space<hbm>>) target_semaphore(%run_scoped3A : memref<!tpu.dma_semaphore, #tpu.memory_space<semaphore_mem>>)
        %dma_wait3A = arith.constant 0 : i32
        %dma_wait3A_121 = tpu.memref_slice %arg6[%add3A_3, %mul3A_116, %dma_wait3A] : memref<6x10000x128xf32, #tpu.memory_space<hbm>> -> memref<1x640x128xf32, #tpu.memory_space<hbm>>
        %dma_wait3A_122 = tpu.memref_squeeze %dma_wait3A_121 : memref<1x640x128xf32, #tpu.memory_space<hbm>> -> memref<640x128xf32, #tpu.memory_space<hbm>>
        %dma_wait3A_123 = arith.constant 0 : i32
        %dma_wait3A_124 = tpu.memref_slice %arg17[%mul3A_114, %dma_wait3A_123] : memref<10000x128xf32, #tpu.memory_space<vmem_shared>> -> memref<640x128xf32, #tpu.memory_space<vmem_shared>>
        tpu.wait_dma2 semaphore(%run_scoped3A : memref<!tpu.dma_semaphore, #tpu.memory_space<semaphore_mem>>) src(%dma_wait3A_124 : memref<640x128xf32, #tpu.memory_space<vmem_shared>>) dst(%dma_wait3A_122 : memref<640x128xf32, #tpu.memory_space<hbm>>)
        tpu.yield
      }) : () -> ()
    } else {
    }
    %eq3A_29 = arith.constant 15 : i32
    %eq3A_30 = arith.cmpi eq, %arg1, %eq3A_29 : i32
    %convert_element_type3A_31 = arith.extui %eq3A_30 : i1 to i32
    %cond3A_32 = arith.constant 0 : i32
    %cond3A_33 = arith.cmpi ne, %convert_element_type3A_31, %cond3A_32 : i32
    scf.if %cond3A_33 {
      "tpu.region"() ({
        %run_scoped3A = tpu.sem_alloc : memref<!tpu.dma_semaphore, #tpu.memory_space<semaphore_mem>>
        %dma_start3A = arith.constant 9600 : i32
        %dma_start3A_113 = arith.constant 0 : i32
        %dma_start3A_114 = tpu.memref_slice %arg6[%add3A_3, %dma_start3A, %dma_start3A_113] : memref<6x10000x128xf32, #tpu.memory_space<hbm>> -> memref<1x400x128xf32, #tpu.memory_space<hbm>>
        %dma_start3A_115 = tpu.memref_squeeze %dma_start3A_114 : memref<1x400x128xf32, #tpu.memory_space<hbm>> -> memref<400x128xf32, #tpu.memory_space<hbm>>
        %dma_start3A_116 = arith.constant 9600 : i32
        %dma_start3A_117 = arith.constant 0 : i32
        %dma_start3A_118 = tpu.memref_slice %arg17[%dma_start3A_116, %dma_start3A_117] : memref<10000x128xf32, #tpu.memory_space<vmem_shared>> -> memref<400x128xf32, #tpu.memory_space<vmem_shared>>
        tpu.enqueue_dma source(%dma_start3A_118 : memref<400x128xf32, #tpu.memory_space<vmem_shared>>) target(%dma_start3A_115 : memref<400x128xf32, #tpu.memory_space<hbm>>) target_semaphore(%run_scoped3A : memref<!tpu.dma_semaphore, #tpu.memory_space<semaphore_mem>>)
        %dma_wait3A = arith.constant 9600 : i32
        %dma_wait3A_119 = arith.constant 0 : i32
        %dma_wait3A_120 = tpu.memref_slice %arg6[%add3A_3, %dma_wait3A, %dma_wait3A_119] : memref<6x10000x128xf32, #tpu.memory_space<hbm>> -> memref<1x400x128xf32, #tpu.memory_space<hbm>>
        %dma_wait3A_121 = tpu.memref_squeeze %dma_wait3A_120 : memref<1x400x128xf32, #tpu.memory_space<hbm>> -> memref<400x128xf32, #tpu.memory_space<hbm>>
        %dma_wait3A_122 = arith.constant 9600 : i32
        %dma_wait3A_123 = arith.constant 0 : i32
        %dma_wait3A_124 = tpu.memref_slice %arg17[%dma_wait3A_122, %dma_wait3A_123] : memref<10000x128xf32, #tpu.memory_space<vmem_shared>> -> memref<400x128xf32, #tpu.memory_space<vmem_shared>>
        tpu.wait_dma2 semaphore(%run_scoped3A : memref<!tpu.dma_semaphore, #tpu.memory_space<semaphore_mem>>) src(%dma_wait3A_124 : memref<400x128xf32, #tpu.memory_space<vmem_shared>>) dst(%dma_wait3A_121 : memref<400x128xf32, #tpu.memory_space<hbm>>)
        tpu.yield
      }) : () -> ()
    } else {
    }
    %barrier3A_34 = arith.constant 0 : index
    tpu.barrier barrier_id(%barrier3A_34)
    %add3A_35 = arith.constant 2 : i32
    %add3A_36 = arith.addi %add3A_35, %arg0 : i32
    %scan3A_37 = arith.constant 0 : i32
    %scan3A_38 = arith.constant 0 : i32
    %scan3A_39 = arith.constant 80 : i32
    %scan3A_40 = arith.addi %scan3A_38, %scan3A_39 : i32
    %scan3A_41 = arith.constant 1 : i32
    %scan3A_42 = scf.for %scan3A_113 = %scan3A_38 to %scan3A_40 step %scan3A_41 iter_args(%scan3A_114 = %scan3A_37) -> (i32)  : i32 {
      %swap3A = arith.index_cast %scan3A_113 : i32 to index
      %swap3A_115 = arith.constant 0 : index
      %swap3A_116 = tpu.vector_load %arg15[%swap3A, %swap3A_115] {strides = array<i32>} : memref<80x128xf32, #tpu.memory_space<vmem>>, vector<1x16xf32>,
      %swap3A_117 = vector.shape_cast %swap3A_116 : vector<1x16xf32> to vector<16xf32>
      %swap3A_118 = vector.shape_cast %broadcast_in_dim3A_1 : vector<16xf32> to vector<1x16xf32>
      tpu.vector_store %arg15[%swap3A, %swap3A_115], %swap3A_118 {strides = array<i32>} : memref<80x128xf32, #tpu.memory_space<vmem>>, vector<1x16xf32>,
      %swap3A_119 = arith.index_cast %scan3A_113 : i32 to index
      %swap3A_120 = arith.constant 16 : index
      %swap3A_121 = tpu.vector_load %arg15[%swap3A_119, %swap3A_120] {strides = array<i32>} : memref<80x128xf32, #tpu.memory_space<vmem>>, vector<1x16xf32>,
      %swap3A_122 = vector.shape_cast %swap3A_121 : vector<1x16xf32> to vector<16xf32>
      %swap3A_123 = vector.shape_cast %broadcast_in_dim3A_1 : vector<16xf32> to vector<1x16xf32>
      tpu.vector_store %arg15[%swap3A_119, %swap3A_120], %swap3A_123 {strides = array<i32>} : memref<80x128xf32, #tpu.memory_space<vmem>>, vector<1x16xf32>,
      %swap3A_124 = arith.index_cast %scan3A_113 : i32 to index
      %swap3A_125 = arith.constant 32 : index
      %swap3A_126 = tpu.vector_load %arg15[%swap3A_124, %swap3A_125] {strides = array<i32>} : memref<80x128xf32, #tpu.memory_space<vmem>>, vector<1x16xf32>,
      %swap3A_127 = vector.shape_cast %swap3A_126 : vector<1x16xf32> to vector<16xf32>
      %swap3A_128 = vector.shape_cast %broadcast_in_dim3A_1 : vector<16xf32> to vector<1x16xf32>
      tpu.vector_store %arg15[%swap3A_124, %swap3A_125], %swap3A_128 {strides = array<i32>} : memref<80x128xf32, #tpu.memory_space<vmem>>, vector<1x16xf32>,
      %swap3A_129 = arith.index_cast %scan3A_113 : i32 to index
      %swap3A_130 = arith.constant 48 : index
      %swap3A_131 = tpu.vector_load %arg15[%swap3A_129, %swap3A_130] {strides = array<i32>} : memref<80x128xf32, #tpu.memory_space<vmem>>, vector<1x16xf32>,
      %swap3A_132 = vector.shape_cast %swap3A_131 : vector<1x16xf32> to vector<16xf32>
      %swap3A_133 = vector.shape_cast %broadcast_in_dim3A_1 : vector<16xf32> to vector<1x16xf32>
      tpu.vector_store %arg15[%swap3A_129, %swap3A_130], %swap3A_133 {strides = array<i32>} : memref<80x128xf32, #tpu.memory_space<vmem>>, vector<1x16xf32>,
      %swap3A_134 = arith.index_cast %scan3A_113 : i32 to index
      %swap3A_135 = arith.constant 64 : index
      %swap3A_136 = tpu.vector_load %arg15[%swap3A_134, %swap3A_135] {strides = array<i32>} : memref<80x128xf32, #tpu.memory_space<vmem>>, vector<1x16xf32>,
      %swap3A_137 = vector.shape_cast %swap3A_136 : vector<1x16xf32> to vector<16xf32>
      %swap3A_138 = vector.shape_cast %broadcast_in_dim3A_1 : vector<16xf32> to vector<1x16xf32>
      tpu.vector_store %arg15[%swap3A_134, %swap3A_135], %swap3A_138 {strides = array<i32>} : memref<80x128xf32, #tpu.memory_space<vmem>>, vector<1x16xf32>,
      %swap3A_139 = arith.index_cast %scan3A_113 : i32 to index
      %swap3A_140 = arith.constant 80 : index
      %swap3A_141 = tpu.vector_load %arg15[%swap3A_139, %swap3A_140] {strides = array<i32>} : memref<80x128xf32, #tpu.memory_space<vmem>>, vector<1x16xf32>,
      %swap3A_142 = vector.shape_cast %swap3A_141 : vector<1x16xf32> to vector<16xf32>
      %swap3A_143 = vector.shape_cast %broadcast_in_dim3A_1 : vector<16xf32> to vector<1x16xf32>
      tpu.vector_store %arg15[%swap3A_139, %swap3A_140], %swap3A_143 {strides = array<i32>} : memref<80x128xf32, #tpu.memory_space<vmem>>, vector<1x16xf32>,
      %swap3A_144 = arith.index_cast %scan3A_113 : i32 to index
      %swap3A_145 = arith.constant 96 : index
      %swap3A_146 = tpu.vector_load %arg15[%swap3A_144, %swap3A_145] {strides = array<i32>} : memref<80x128xf32, #tpu.memory_space<vmem>>, vector<1x16xf32>,
      %swap3A_147 = vector.shape_cast %swap3A_146 : vector<1x16xf32> to vector<16xf32>
      %swap3A_148 = vector.shape_cast %broadcast_in_dim3A_1 : vector<16xf32> to vector<1x16xf32>
      tpu.vector_store %arg15[%swap3A_144, %swap3A_145], %swap3A_148 {strides = array<i32>} : memref<80x128xf32, #tpu.memory_space<vmem>>, vector<1x16xf32>,
      %swap3A_149 = arith.index_cast %scan3A_113 : i32 to index
      %swap3A_150 = arith.constant 112 : index
      %swap3A_151 = tpu.vector_load %arg15[%swap3A_149, %swap3A_150] {strides = array<i32>} : memref<80x128xf32, #tpu.memory_space<vmem>>, vector<1x16xf32>,
      %swap3A_152 = vector.shape_cast %swap3A_151 : vector<1x16xf32> to vector<16xf32>
      %swap3A_153 = vector.shape_cast %broadcast_in_dim3A_1 : vector<16xf32> to vector<1x16xf32>
      tpu.vector_store %arg15[%swap3A_149, %swap3A_150], %swap3A_153 {strides = array<i32>} : memref<80x128xf32, #tpu.memory_space<vmem>>, vector<1x16xf32>,
      %swap3A_154 = arith.index_cast %scan3A_113 : i32 to index
      %swap3A_155 = arith.constant 0 : index
      %swap3A_156 = tpu.vector_load %arg13[%swap3A_154, %swap3A_155] {strides = array<i32>} : memref<80x16xf32, #tpu.memory_space<vmem>>, vector<1x16xf32>,
      %swap3A_157 = vector.shape_cast %swap3A_156 : vector<1x16xf32> to vector<16xf32>
      %swap3A_158 = vector.shape_cast %broadcast_in_dim3A_1 : vector<16xf32> to vector<1x16xf32>
      tpu.vector_store %arg13[%swap3A_154, %swap3A_155], %swap3A_158 {strides = array<i32>} : memref<80x16xf32, #tpu.memory_space<vmem>>, vector<1x16xf32>,
      %scan3A_159 = arith.constant 0 : i32
      scf.yield %scan3A_159 : i32
    }
    %scan3A_43 = arith.constant 80 : i32
    %lt3A_44 = arith.constant 15 : i32
    %lt3A_45 = arith.cmpi slt, %arg1, %lt3A_44 : i32
    %convert_element_type3A_46 = arith.extui %lt3A_45 : i1 to i32
    %cond3A_47 = arith.constant 0 : i32
    %cond3A_48 = arith.cmpi ne, %convert_element_type3A_46, %cond3A_47 : i32
    scf.if %cond3A_48 {
      %mul3A_113 = arith.constant 640 : i32
      %mul3A_114 = arith.muli %arg1, %mul3A_113 : i32
      %add3A_115 = arith.constant 0 : i32
      %add3A_116 = arith.addi %mul3A_114, %add3A_115 : i32
      "tpu.region"() ({
        %run_scoped3A = tpu.sem_alloc : memref<!tpu.dma_semaphore, #tpu.memory_space<semaphore_mem>>
        %dma_start3A = arith.constant 0 : i32
        %dma_start3A_145 = tpu.memref_slice %arg17[%add3A_116, %dma_start3A] : memref<10000x128xf32, #tpu.memory_space<vmem_shared>> -> memref<80x128xf32, #tpu.memory_space<vmem_shared>>
        %dma_start3A_146 = arith.constant 0 : i32
        %dma_start3A_147 = tpu.memref_slice %arg17[%add3A_116, %dma_start3A_146] : memref<10000x128xf32, #tpu.memory_space<vmem_shared>> -> memref<80x128xf32, #tpu.memory_space<vmem_shared>>
        tpu.enqueue_dma source(%arg15 : memref<80x128xf32, #tpu.memory_space<vmem>>) target(%dma_start3A_147 : memref<80x128xf32, #tpu.memory_space<vmem_shared>>) target_semaphore(%run_scoped3A : memref<!tpu.dma_semaphore, #tpu.memory_space<semaphore_mem>>)
        %dma_wait3A = arith.constant 0 : i32
        %dma_wait3A_148 = tpu.memref_slice %arg17[%add3A_116, %dma_wait3A] : memref<10000x128xf32, #tpu.memory_space<vmem_shared>> -> memref<80x128xf32, #tpu.memory_space<vmem_shared>>
        %dma_wait3A_149 = arith.constant 0 : i32
        %dma_wait3A_150 = tpu.memref_slice %arg17[%add3A_116, %dma_wait3A_149] : memref<10000x128xf32, #tpu.memory_space<vmem_shared>> -> memref<80x128xf32, #tpu.memory_space<vmem_shared>>
        tpu.wait_dma2 semaphore(%run_scoped3A : memref<!tpu.dma_semaphore, #tpu.memory_space<semaphore_mem>>) src(%arg15 : memref<80x128xf32, #tpu.memory_space<vmem>>) dst(%dma_wait3A_150 : memref<80x128xf32, #tpu.memory_space<vmem_shared>>)
        tpu.yield
      }) : () -> ()
      %mul3A_117 = arith.constant 640 : i32
      %mul3A_118 = arith.muli %arg1, %mul3A_117 : i32
      %add3A_119 = arith.constant 80 : i32
      %add3A_120 = arith.addi %mul3A_118, %add3A_119 : i32
      "tpu.region"() ({
        %run_scoped3A = tpu.sem_alloc : memref<!tpu.dma_semaphore, #tpu.memory_space<semaphore_mem>>
        %dma_start3A = arith.constant 0 : i32
        %dma_start3A_145 = tpu.memref_slice %arg17[%add3A_120, %dma_start3A] : memref<10000x128xf32, #tpu.memory_space<vmem_shared>> -> memref<80x128xf32, #tpu.memory_space<vmem_shared>>
        %dma_start3A_146 = arith.constant 0 : i32
        %dma_start3A_147 = tpu.memref_slice %arg17[%add3A_120, %dma_start3A_146] : memref<10000x128xf32, #tpu.memory_space<vmem_shared>> -> memref<80x128xf32, #tpu.memory_space<vmem_shared>>
        tpu.enqueue_dma source(%arg15 : memref<80x128xf32, #tpu.memory_space<vmem>>) target(%dma_start3A_147 : memref<80x128xf32, #tpu.memory_space<vmem_shared>>) target_semaphore(%run_scoped3A : memref<!tpu.dma_semaphore, #tpu.memory_space<semaphore_mem>>)
        %dma_wait3A = arith.constant 0 : i32
        %dma_wait3A_148 = tpu.memref_slice %arg17[%add3A_120, %dma_wait3A] : memref<10000x128xf32, #tpu.memory_space<vmem_shared>> -> memref<80x128xf32, #tpu.memory_space<vmem_shared>>
        %dma_wait3A_149 = arith.constant 0 : i32
        %dma_wait3A_150 = tpu.memref_slice %arg17[%add3A_120, %dma_wait3A_149] : memref<10000x128xf32, #tpu.memory_space<vmem_shared>> -> memref<80x128xf32, #tpu.memory_space<vmem_shared>>
        tpu.wait_dma2 semaphore(%run_scoped3A : memref<!tpu.dma_semaphore, #tpu.memory_space<semaphore_mem>>) src(%arg15 : memref<80x128xf32, #tpu.memory_space<vmem>>) dst(%dma_wait3A_150 : memref<80x128xf32, #tpu.memory_space<vmem_shared>>)
        tpu.yield
      }) : () -> ()
      %mul3A_121 = arith.constant 640 : i32
      %mul3A_122 = arith.muli %arg1, %mul3A_121 : i32
      %add3A_123 = arith.constant 160 : i32
      %add3A_124 = arith.addi %mul3A_122, %add3A_123 : i32
      "tpu.region"() ({
        %run_scoped3A = tpu.sem_alloc : memref<!tpu.dma_semaphore, #tpu.memory_space<semaphore_mem>>
        %dma_start3A = arith.constant 0 : i32
        %dma_start3A_145 = tpu.memref_slice %arg17[%add3A_124, %dma_start3A] : memref<10000x128xf32, #tpu.memory_space<vmem_shared>> -> memref<80x128xf32, #tpu.memory_space<vmem_shared>>
        %dma_start3A_146 = arith.constant 0 : i32
        %dma_start3A_147 = tpu.memref_slice %arg17[%add3A_124, %dma_start3A_146] : memref<10000x128xf32, #tpu.memory_space<vmem_shared>> -> memref<80x128xf32, #tpu.memory_space<vmem_shared>>
        tpu.enqueue_dma source(%arg15 : memref<80x128xf32, #tpu.memory_space<vmem>>) target(%dma_start3A_147 : memref<80x128xf32, #tpu.memory_space<vmem_shared>>) target_semaphore(%run_scoped3A : memref<!tpu.dma_semaphore, #tpu.memory_space<semaphore_mem>>)
        %dma_wait3A = arith.constant 0 : i32
        %dma_wait3A_148 = tpu.memref_slice %arg17[%add3A_124, %dma_wait3A] : memref<10000x128xf32, #tpu.memory_space<vmem_shared>> -> memref<80x128xf32, #tpu.memory_space<vmem_shared>>
        %dma_wait3A_149 = arith.constant 0 : i32
        %dma_wait3A_150 = tpu.memref_slice %arg17[%add3A_124, %dma_wait3A_149] : memref<10000x128xf32, #tpu.memory_space<vmem_shared>> -> memref<80x128xf32, #tpu.memory_space<vmem_shared>>
        tpu.wait_dma2 semaphore(%run_scoped3A : memref<!tpu.dma_semaphore, #tpu.memory_space<semaphore_mem>>) src(%arg15 : memref<80x128xf32, #tpu.memory_space<vmem>>) dst(%dma_wait3A_150 : memref<80x128xf32, #tpu.memory_space<vmem_shared>>)
        tpu.yield
      }) : () -> ()
      %mul3A_125 = arith.constant 640 : i32
      %mul3A_126 = arith.muli %arg1, %mul3A_125 : i32
      %add3A_127 = arith.constant 240 : i32
      %add3A_128 = arith.addi %mul3A_126, %add3A_127 : i32
      "tpu.region"() ({
        %run_scoped3A = tpu.sem_alloc : memref<!tpu.dma_semaphore, #tpu.memory_space<semaphore_mem>>
        %dma_start3A = arith.constant 0 : i32
        %dma_start3A_145 = tpu.memref_slice %arg17[%add3A_128, %dma_start3A] : memref<10000x128xf32, #tpu.memory_space<vmem_shared>> -> memref<80x128xf32, #tpu.memory_space<vmem_shared>>
        %dma_start3A_146 = arith.constant 0 : i32
        %dma_start3A_147 = tpu.memref_slice %arg17[%add3A_128, %dma_start3A_146] : memref<10000x128xf32, #tpu.memory_space<vmem_shared>> -> memref<80x128xf32, #tpu.memory_space<vmem_shared>>
        tpu.enqueue_dma source(%arg15 : memref<80x128xf32, #tpu.memory_space<vmem>>) target(%dma_start3A_147 : memref<80x128xf32, #tpu.memory_space<vmem_shared>>) target_semaphore(%run_scoped3A : memref<!tpu.dma_semaphore, #tpu.memory_space<semaphore_mem>>)
        %dma_wait3A = arith.constant 0 : i32
        %dma_wait3A_148 = tpu.memref_slice %arg17[%add3A_128, %dma_wait3A] : memref<10000x128xf32, #tpu.memory_space<vmem_shared>> -> memref<80x128xf32, #tpu.memory_space<vmem_shared>>
        %dma_wait3A_149 = arith.constant 0 : i32
        %dma_wait3A_150 = tpu.memref_slice %arg17[%add3A_128, %dma_wait3A_149] : memref<10000x128xf32, #tpu.memory_space<vmem_shared>> -> memref<80x128xf32, #tpu.memory_space<vmem_shared>>
        tpu.wait_dma2 semaphore(%run_scoped3A : memref<!tpu.dma_semaphore, #tpu.memory_space<semaphore_mem>>) src(%arg15 : memref<80x128xf32, #tpu.memory_space<vmem>>) dst(%dma_wait3A_150 : memref<80x128xf32, #tpu.memory_space<vmem_shared>>)
        tpu.yield
      }) : () -> ()
      %mul3A_129 = arith.constant 640 : i32
      %mul3A_130 = arith.muli %arg1, %mul3A_129 : i32
      %add3A_131 = arith.constant 320 : i32
      %add3A_132 = arith.addi %mul3A_130, %add3A_131 : i32
      "tpu.region"() ({
        %run_scoped3A = tpu.sem_alloc : memref<!tpu.dma_semaphore, #tpu.memory_space<semaphore_mem>>
        %dma_start3A = arith.constant 0 : i32
        %dma_start3A_145 = tpu.memref_slice %arg17[%add3A_132, %dma_start3A] : memref<10000x128xf32, #tpu.memory_space<vmem_shared>> -> memref<80x128xf32, #tpu.memory_space<vmem_shared>>
        %dma_start3A_146 = arith.constant 0 : i32
        %dma_start3A_147 = tpu.memref_slice %arg17[%add3A_132, %dma_start3A_146] : memref<10000x128xf32, #tpu.memory_space<vmem_shared>> -> memref<80x128xf32, #tpu.memory_space<vmem_shared>>
        tpu.enqueue_dma source(%arg15 : memref<80x128xf32, #tpu.memory_space<vmem>>) target(%dma_start3A_147 : memref<80x128xf32, #tpu.memory_space<vmem_shared>>) target_semaphore(%run_scoped3A : memref<!tpu.dma_semaphore, #tpu.memory_space<semaphore_mem>>)
        %dma_wait3A = arith.constant 0 : i32
        %dma_wait3A_148 = tpu.memref_slice %arg17[%add3A_132, %dma_wait3A] : memref<10000x128xf32, #tpu.memory_space<vmem_shared>> -> memref<80x128xf32, #tpu.memory_space<vmem_shared>>
        %dma_wait3A_149 = arith.constant 0 : i32
        %dma_wait3A_150 = tpu.memref_slice %arg17[%add3A_132, %dma_wait3A_149] : memref<10000x128xf32, #tpu.memory_space<vmem_shared>> -> memref<80x128xf32, #tpu.memory_space<vmem_shared>>
        tpu.wait_dma2 semaphore(%run_scoped3A : memref<!tpu.dma_semaphore, #tpu.memory_space<semaphore_mem>>) src(%arg15 : memref<80x128xf32, #tpu.memory_space<vmem>>) dst(%dma_wait3A_150 : memref<80x128xf32, #tpu.memory_space<vmem_shared>>)
        tpu.yield
      }) : () -> ()
      %mul3A_133 = arith.constant 640 : i32
      %mul3A_134 = arith.muli %arg1, %mul3A_133 : i32
      %add3A_135 = arith.constant 400 : i32
      %add3A_136 = arith.addi %mul3A_134, %add3A_135 : i32
      "tpu.region"() ({
        %run_scoped3A = tpu.sem_alloc : memref<!tpu.dma_semaphore, #tpu.memory_space<semaphore_mem>>
        %dma_start3A = arith.constant 0 : i32
        %dma_start3A_145 = tpu.memref_slice %arg17[%add3A_136, %dma_start3A] : memref<10000x128xf32, #tpu.memory_space<vmem_shared>> -> memref<80x128xf32, #tpu.memory_space<vmem_shared>>
        %dma_start3A_146 = arith.constant 0 : i32
        %dma_start3A_147 = tpu.memref_slice %arg17[%add3A_136, %dma_start3A_146] : memref<10000x128xf32, #tpu.memory_space<vmem_shared>> -> memref<80x128xf32, #tpu.memory_space<vmem_shared>>
        tpu.enqueue_dma source(%arg15 : memref<80x128xf32, #tpu.memory_space<vmem>>) target(%dma_start3A_147 : memref<80x128xf32, #tpu.memory_space<vmem_shared>>) target_semaphore(%run_scoped3A : memref<!tpu.dma_semaphore, #tpu.memory_space<semaphore_mem>>)
        %dma_wait3A = arith.constant 0 : i32
        %dma_wait3A_148 = tpu.memref_slice %arg17[%add3A_136, %dma_wait3A] : memref<10000x128xf32, #tpu.memory_space<vmem_shared>> -> memref<80x128xf32, #tpu.memory_space<vmem_shared>>
        %dma_wait3A_149 = arith.constant 0 : i32
        %dma_wait3A_150 = tpu.memref_slice %arg17[%add3A_136, %dma_wait3A_149] : memref<10000x128xf32, #tpu.memory_space<vmem_shared>> -> memref<80x128xf32, #tpu.memory_space<vmem_shared>>
        tpu.wait_dma2 semaphore(%run_scoped3A : memref<!tpu.dma_semaphore, #tpu.memory_space<semaphore_mem>>) src(%arg15 : memref<80x128xf32, #tpu.memory_space<vmem>>) dst(%dma_wait3A_150 : memref<80x128xf32, #tpu.memory_space<vmem_shared>>)
        tpu.yield
      }) : () -> ()
      %mul3A_137 = arith.constant 640 : i32
      %mul3A_138 = arith.muli %arg1, %mul3A_137 : i32
      %add3A_139 = arith.constant 480 : i32
      %add3A_140 = arith.addi %mul3A_138, %add3A_139 : i32
      "tpu.region"() ({
        %run_scoped3A = tpu.sem_alloc : memref<!tpu.dma_semaphore, #tpu.memory_space<semaphore_mem>>
        %dma_start3A = arith.constant 0 : i32
        %dma_start3A_145 = tpu.memref_slice %arg17[%add3A_140, %dma_start3A] : memref<10000x128xf32, #tpu.memory_space<vmem_shared>> -> memref<80x128xf32, #tpu.memory_space<vmem_shared>>
        %dma_start3A_146 = arith.constant 0 : i32
        %dma_start3A_147 = tpu.memref_slice %arg17[%add3A_140, %dma_start3A_146] : memref<10000x128xf32, #tpu.memory_space<vmem_shared>> -> memref<80x128xf32, #tpu.memory_space<vmem_shared>>
        tpu.enqueue_dma source(%arg15 : memref<80x128xf32, #tpu.memory_space<vmem>>) target(%dma_start3A_147 : memref<80x128xf32, #tpu.memory_space<vmem_shared>>) target_semaphore(%run_scoped3A : memref<!tpu.dma_semaphore, #tpu.memory_space<semaphore_mem>>)
        %dma_wait3A = arith.constant 0 : i32
        %dma_wait3A_148 = tpu.memref_slice %arg17[%add3A_140, %dma_wait3A] : memref<10000x128xf32, #tpu.memory_space<vmem_shared>> -> memref<80x128xf32, #tpu.memory_space<vmem_shared>>
        %dma_wait3A_149 = arith.constant 0 : i32
        %dma_wait3A_150 = tpu.memref_slice %arg17[%add3A_140, %dma_wait3A_149] : memref<10000x128xf32, #tpu.memory_space<vmem_shared>> -> memref<80x128xf32, #tpu.memory_space<vmem_shared>>
        tpu.wait_dma2 semaphore(%run_scoped3A : memref<!tpu.dma_semaphore, #tpu.memory_space<semaphore_mem>>) src(%arg15 : memref<80x128xf32, #tpu.memory_space<vmem>>) dst(%dma_wait3A_150 : memref<80x128xf32, #tpu.memory_space<vmem_shared>>)
        tpu.yield
      }) : () -> ()
      %mul3A_141 = arith.constant 640 : i32
      %mul3A_142 = arith.muli %arg1, %mul3A_141 : i32
      %add3A_143 = arith.constant 560 : i32
      %add3A_144 = arith.addi %mul3A_142, %add3A_143 : i32
      "tpu.region"() ({
        %run_scoped3A = tpu.sem_alloc : memref<!tpu.dma_semaphore, #tpu.memory_space<semaphore_mem>>
        %dma_start3A = arith.constant 0 : i32
        %dma_start3A_145 = tpu.memref_slice %arg17[%add3A_144, %dma_start3A] : memref<10000x128xf32, #tpu.memory_space<vmem_shared>> -> memref<80x128xf32, #tpu.memory_space<vmem_shared>>
        %dma_start3A_146 = arith.constant 0 : i32
        %dma_start3A_147 = tpu.memref_slice %arg17[%add3A_144, %dma_start3A_146] : memref<10000x128xf32, #tpu.memory_space<vmem_shared>> -> memref<80x128xf32, #tpu.memory_space<vmem_shared>>
        tpu.enqueue_dma source(%arg15 : memref<80x128xf32, #tpu.memory_space<vmem>>) target(%dma_start3A_147 : memref<80x128xf32, #tpu.memory_space<vmem_shared>>) target_semaphore(%run_scoped3A : memref<!tpu.dma_semaphore, #tpu.memory_space<semaphore_mem>>)
        %dma_wait3A = arith.constant 0 : i32
        %dma_wait3A_148 = tpu.memref_slice %arg17[%add3A_144, %dma_wait3A] : memref<10000x128xf32, #tpu.memory_space<vmem_shared>> -> memref<80x128xf32, #tpu.memory_space<vmem_shared>>
        %dma_wait3A_149 = arith.constant 0 : i32
        %dma_wait3A_150 = tpu.memref_slice %arg17[%add3A_144, %dma_wait3A_149] : memref<10000x128xf32, #tpu.memory_space<vmem_shared>> -> memref<80x128xf32, #tpu.memory_space<vmem_shared>>
        tpu.wait_dma2 semaphore(%run_scoped3A : memref<!tpu.dma_semaphore, #tpu.memory_space<semaphore_mem>>) src(%arg15 : memref<80x128xf32, #tpu.memory_space<vmem>>) dst(%dma_wait3A_150 : memref<80x128xf32, #tpu.memory_space<vmem_shared>>)
        tpu.yield
      }) : () -> ()
    } else {
    }
    %eq3A_49 = arith.constant 15 : i32
    %eq3A_50 = arith.cmpi eq, %arg1, %eq3A_49 : i32
    %convert_element_type3A_51 = arith.extui %eq3A_50 : i1 to i32
    %cond3A_52 = arith.constant 0 : i32
    %cond3A_53 = arith.cmpi ne, %convert_element_type3A_51, %cond3A_52 : i32
    scf.if %cond3A_53 {
      "tpu.region"() ({
        %run_scoped3A = tpu.sem_alloc : memref<!tpu.dma_semaphore, #tpu.memory_space<semaphore_mem>>
        %dma_start3A = arith.constant 9600 : i32
        %dma_start3A_113 = arith.constant 0 : i32
        %dma_start3A_114 = tpu.memref_slice %arg17[%dma_start3A, %dma_start3A_113] : memref<10000x128xf32, #tpu.memory_space<vmem_shared>> -> memref<80x128xf32, #tpu.memory_space<vmem_shared>>
        %dma_start3A_115 = arith.constant 9600 : i32
        %dma_start3A_116 = arith.constant 0 : i32
        %dma_start3A_117 = tpu.memref_slice %arg17[%dma_start3A_115, %dma_start3A_116] : memref<10000x128xf32, #tpu.memory_space<vmem_shared>> -> memref<80x128xf32, #tpu.memory_space<vmem_shared>>
        tpu.enqueue_dma source(%arg15 : memref<80x128xf32, #tpu.memory_space<vmem>>) target(%dma_start3A_117 : memref<80x128xf32, #tpu.memory_space<vmem_shared>>) target_semaphore(%run_scoped3A : memref<!tpu.dma_semaphore, #tpu.memory_space<semaphore_mem>>)
        %dma_wait3A = arith.constant 9600 : i32
        %dma_wait3A_118 = arith.constant 0 : i32
        %dma_wait3A_119 = tpu.memref_slice %arg17[%dma_wait3A, %dma_wait3A_118] : memref<10000x128xf32, #tpu.memory_space<vmem_shared>> -> memref<80x128xf32, #tpu.memory_space<vmem_shared>>
        %dma_wait3A_120 = arith.constant 9600 : i32
        %dma_wait3A_121 = arith.constant 0 : i32
        %dma_wait3A_122 = tpu.memref_slice %arg17[%dma_wait3A_120, %dma_wait3A_121] : memref<10000x128xf32, #tpu.memory_space<vmem_shared>> -> memref<80x128xf32, #tpu.memory_space<vmem_shared>>
        tpu.wait_dma2 semaphore(%run_scoped3A : memref<!tpu.dma_semaphore, #tpu.memory_space<semaphore_mem>>) src(%arg15 : memref<80x128xf32, #tpu.memory_space<vmem>>) dst(%dma_wait3A_122 : memref<80x128xf32, #tpu.memory_space<vmem_shared>>)
        tpu.yield
      }) : () -> ()
      "tpu.region"() ({
        %run_scoped3A = tpu.sem_alloc : memref<!tpu.dma_semaphore, #tpu.memory_space<semaphore_mem>>
        %dma_start3A = arith.constant 9680 : i32
        %dma_start3A_113 = arith.constant 0 : i32
        %dma_start3A_114 = tpu.memref_slice %arg17[%dma_start3A, %dma_start3A_113] : memref<10000x128xf32, #tpu.memory_space<vmem_shared>> -> memref<80x128xf32, #tpu.memory_space<vmem_shared>>
        %dma_start3A_115 = arith.constant 9680 : i32
        %dma_start3A_116 = arith.constant 0 : i32
        %dma_start3A_117 = tpu.memref_slice %arg17[%dma_start3A_115, %dma_start3A_116] : memref<10000x128xf32, #tpu.memory_space<vmem_shared>> -> memref<80x128xf32, #tpu.memory_space<vmem_shared>>
        tpu.enqueue_dma source(%arg15 : memref<80x128xf32, #tpu.memory_space<vmem>>) target(%dma_start3A_117 : memref<80x128xf32, #tpu.memory_space<vmem_shared>>) target_semaphore(%run_scoped3A : memref<!tpu.dma_semaphore, #tpu.memory_space<semaphore_mem>>)
        %dma_wait3A = arith.constant 9680 : i32
        %dma_wait3A_118 = arith.constant 0 : i32
        %dma_wait3A_119 = tpu.memref_slice %arg17[%dma_wait3A, %dma_wait3A_118] : memref<10000x128xf32, #tpu.memory_space<vmem_shared>> -> memref<80x128xf32, #tpu.memory_space<vmem_shared>>
        %dma_wait3A_120 = arith.constant 9680 : i32
        %dma_wait3A_121 = arith.constant 0 : i32
        %dma_wait3A_122 = tpu.memref_slice %arg17[%dma_wait3A_120, %dma_wait3A_121] : memref<10000x128xf32, #tpu.memory_space<vmem_shared>> -> memref<80x128xf32, #tpu.memory_space<vmem_shared>>
        tpu.wait_dma2 semaphore(%run_scoped3A : memref<!tpu.dma_semaphore, #tpu.memory_space<semaphore_mem>>) src(%arg15 : memref<80x128xf32, #tpu.memory_space<vmem>>) dst(%dma_wait3A_122 : memref<80x128xf32, #tpu.memory_space<vmem_shared>>)
        tpu.yield
      }) : () -> ()
      "tpu.region"() ({
        %run_scoped3A = tpu.sem_alloc : memref<!tpu.dma_semaphore, #tpu.memory_space<semaphore_mem>>
        %dma_start3A = arith.constant 9760 : i32
        %dma_start3A_113 = arith.constant 0 : i32
        %dma_start3A_114 = tpu.memref_slice %arg17[%dma_start3A, %dma_start3A_113] : memref<10000x128xf32, #tpu.memory_space<vmem_shared>> -> memref<80x128xf32, #tpu.memory_space<vmem_shared>>
        %dma_start3A_115 = arith.constant 9760 : i32
        %dma_start3A_116 = arith.constant 0 : i32
        %dma_start3A_117 = tpu.memref_slice %arg17[%dma_start3A_115, %dma_start3A_116] : memref<10000x128xf32, #tpu.memory_space<vmem_shared>> -> memref<80x128xf32, #tpu.memory_space<vmem_shared>>
        tpu.enqueue_dma source(%arg15 : memref<80x128xf32, #tpu.memory_space<vmem>>) target(%dma_start3A_117 : memref<80x128xf32, #tpu.memory_space<vmem_shared>>) target_semaphore(%run_scoped3A : memref<!tpu.dma_semaphore, #tpu.memory_space<semaphore_mem>>)
        %dma_wait3A = arith.constant 9760 : i32
        %dma_wait3A_118 = arith.constant 0 : i32
        %dma_wait3A_119 = tpu.memref_slice %arg17[%dma_wait3A, %dma_wait3A_118] : memref<10000x128xf32, #tpu.memory_space<vmem_shared>> -> memref<80x128xf32, #tpu.memory_space<vmem_shared>>
        %dma_wait3A_120 = arith.constant 9760 : i32
        %dma_wait3A_121 = arith.constant 0 : i32
        %dma_wait3A_122 = tpu.memref_slice %arg17[%dma_wait3A_120, %dma_wait3A_121] : memref<10000x128xf32, #tpu.memory_space<vmem_shared>> -> memref<80x128xf32, #tpu.memory_space<vmem_shared>>
        tpu.wait_dma2 semaphore(%run_scoped3A : memref<!tpu.dma_semaphore, #tpu.memory_space<semaphore_mem>>) src(%arg15 : memref<80x128xf32, #tpu.memory_space<vmem>>) dst(%dma_wait3A_122 : memref<80x128xf32, #tpu.memory_space<vmem_shared>>)
        tpu.yield
      }) : () -> ()
      "tpu.region"() ({
        %run_scoped3A = tpu.sem_alloc : memref<!tpu.dma_semaphore, #tpu.memory_space<semaphore_mem>>
        %dma_start3A = arith.constant 9840 : i32
        %dma_start3A_113 = arith.constant 0 : i32
        %dma_start3A_114 = tpu.memref_slice %arg17[%dma_start3A, %dma_start3A_113] : memref<10000x128xf32, #tpu.memory_space<vmem_shared>> -> memref<80x128xf32, #tpu.memory_space<vmem_shared>>
        %dma_start3A_115 = arith.constant 9840 : i32
        %dma_start3A_116 = arith.constant 0 : i32
        %dma_start3A_117 = tpu.memref_slice %arg17[%dma_start3A_115, %dma_start3A_116] : memref<10000x128xf32, #tpu.memory_space<vmem_shared>> -> memref<80x128xf32, #tpu.memory_space<vmem_shared>>
        tpu.enqueue_dma source(%arg15 : memref<80x128xf32, #tpu.memory_space<vmem>>) target(%dma_start3A_117 : memref<80x128xf32, #tpu.memory_space<vmem_shared>>) target_semaphore(%run_scoped3A : memref<!tpu.dma_semaphore, #tpu.memory_space<semaphore_mem>>)
        %dma_wait3A = arith.constant 9840 : i32
        %dma_wait3A_118 = arith.constant 0 : i32
        %dma_wait3A_119 = tpu.memref_slice %arg17[%dma_wait3A, %dma_wait3A_118] : memref<10000x128xf32, #tpu.memory_space<vmem_shared>> -> memref<80x128xf32, #tpu.memory_space<vmem_shared>>
        %dma_wait3A_120 = arith.constant 9840 : i32
        %dma_wait3A_121 = arith.constant 0 : i32
        %dma_wait3A_122 = tpu.memref_slice %arg17[%dma_wait3A_120, %dma_wait3A_121] : memref<10000x128xf32, #tpu.memory_space<vmem_shared>> -> memref<80x128xf32, #tpu.memory_space<vmem_shared>>
        tpu.wait_dma2 semaphore(%run_scoped3A : memref<!tpu.dma_semaphore, #tpu.memory_space<semaphore_mem>>) src(%arg15 : memref<80x128xf32, #tpu.memory_space<vmem>>) dst(%dma_wait3A_122 : memref<80x128xf32, #tpu.memory_space<vmem_shared>>)
        tpu.yield
      }) : () -> ()
      "tpu.region"() ({
        %run_scoped3A = tpu.sem_alloc : memref<!tpu.dma_semaphore, #tpu.memory_space<semaphore_mem>>
        %dma_start3A = arith.constant 9920 : i32
        %dma_start3A_113 = arith.constant 0 : i32
        %dma_start3A_114 = tpu.memref_slice %arg17[%dma_start3A, %dma_start3A_113] : memref<10000x128xf32, #tpu.memory_space<vmem_shared>> -> memref<80x128xf32, #tpu.memory_space<vmem_shared>>
        %dma_start3A_115 = arith.constant 9920 : i32
        %dma_start3A_116 = arith.constant 0 : i32
        %dma_start3A_117 = tpu.memref_slice %arg17[%dma_start3A_115, %dma_start3A_116] : memref<10000x128xf32, #tpu.memory_space<vmem_shared>> -> memref<80x128xf32, #tpu.memory_space<vmem_shared>>
        tpu.enqueue_dma source(%arg15 : memref<80x128xf32, #tpu.memory_space<vmem>>) target(%dma_start3A_117 : memref<80x128xf32, #tpu.memory_space<vmem_shared>>) target_semaphore(%run_scoped3A : memref<!tpu.dma_semaphore, #tpu.memory_space<semaphore_mem>>)
        %dma_wait3A = arith.constant 9920 : i32
        %dma_wait3A_118 = arith.constant 0 : i32
        %dma_wait3A_119 = tpu.memref_slice %arg17[%dma_wait3A, %dma_wait3A_118] : memref<10000x128xf32, #tpu.memory_space<vmem_shared>> -> memref<80x128xf32, #tpu.memory_space<vmem_shared>>
        %dma_wait3A_120 = arith.constant 9920 : i32
        %dma_wait3A_121 = arith.constant 0 : i32
        %dma_wait3A_122 = tpu.memref_slice %arg17[%dma_wait3A_120, %dma_wait3A_121] : memref<10000x128xf32, #tpu.memory_space<vmem_shared>> -> memref<80x128xf32, #tpu.memory_space<vmem_shared>>
        tpu.wait_dma2 semaphore(%run_scoped3A : memref<!tpu.dma_semaphore, #tpu.memory_space<semaphore_mem>>) src(%arg15 : memref<80x128xf32, #tpu.memory_space<vmem>>) dst(%dma_wait3A_122 : memref<80x128xf32, #tpu.memory_space<vmem_shared>>)
        tpu.yield
      }) : () -> ()
    } else {
    }
    "tpu.region"() ({
      %run_scoped3A = tpu.sem_alloc : memref<!tpu.dma_semaphore, #tpu.memory_space<semaphore_mem>>
      %dma_start3A = arith.constant 16 : i32
      %dma_start3A_113 = tpu.memref_slice %arg5[%dma_start3A] : memref<48xf32, #tpu.memory_space<hbm>> -> memref<16xf32, #tpu.memory_space<hbm>>
      %dma_start3A_114 = arith.constant 16 : i32
      %dma_start3A_115 = tpu.memref_slice %arg5[%dma_start3A_114] : memref<48xf32, #tpu.memory_space<hbm>> -> memref<16xf32, #tpu.memory_space<hbm>>
      tpu.enqueue_dma source(%dma_start3A_115 : memref<16xf32, #tpu.memory_space<hbm>>) target(%arg16 : memref<16xf32, #tpu.memory_space<vmem>>) target_semaphore(%run_scoped3A : memref<!tpu.dma_semaphore, #tpu.memory_space<semaphore_mem>>)
      %dma_wait3A = arith.constant 16 : i32
      %dma_wait3A_116 = tpu.memref_slice %arg5[%dma_wait3A] : memref<48xf32, #tpu.memory_space<hbm>> -> memref<16xf32, #tpu.memory_space<hbm>>
      %dma_wait3A_117 = arith.constant 16 : i32
      %dma_wait3A_118 = tpu.memref_slice %arg5[%dma_wait3A_117] : memref<48xf32, #tpu.memory_space<hbm>> -> memref<16xf32, #tpu.memory_space<hbm>>
      tpu.wait_dma2 semaphore(%run_scoped3A : memref<!tpu.dma_semaphore, #tpu.memory_space<semaphore_mem>>) src(%dma_wait3A_118 : memref<16xf32, #tpu.memory_space<hbm>>) dst(%arg16 : memref<16xf32, #tpu.memory_space<vmem>>)
      tpu.yield
    }) : () -> ()
    %barrier3A_54 = arith.constant 0 : index
    tpu.barrier barrier_id(%barrier3A_54)
    %scan3A_55 = arith.constant 0 : i32
    %scan3A_56 = arith.constant 0 : i32
    %scan3A_57 = arith.constant 125 : i32
    %scan3A_58 = arith.addi %scan3A_56, %scan3A_57 : i32
    %scan3A_59 = arith.constant 1 : i32
    %scan3A_60 = scf.for %scan3A_113 = %scan3A_56 to %scan3A_58 step %scan3A_59 iter_args(%scan3A_114 = %scan3A_55) -> (i32)  : i32 {
      %mul3A_115 = arith.constant 10000 : i32
      %mul3A_116 = arith.muli %add3A, %mul3A_115 : i32
      %mul3A_117 = arith.constant 80 : i32
      %mul3A_118 = arith.muli %scan3A_113, %mul3A_117 : i32
      %add3A_119 = arith.addi %mul3A_116, %mul3A_118 : i32
      %add3A_120 = arith.constant 640000 : i32
      %add3A_121 = arith.addi %add3A_120, %add3A_119 : i32
      "tpu.region"() ({
        %run_scoped3A = tpu.sem_alloc : memref<!tpu.dma_semaphore, #tpu.memory_space<semaphore_mem>>
        %dma_start3A_266 = tpu.memref_slice %arg2[%add3A_121] : memref<1920000xi32, #tpu.memory_space<hbm>> -> memref<80xi32, #tpu.memory_space<hbm>>
        %dma_start3A_267 = tpu.memref_slice %arg2[%add3A_121] : memref<1920000xi32, #tpu.memory_space<hbm>> -> memref<80xi32, #tpu.memory_space<hbm>>
        tpu.enqueue_dma source(%dma_start3A_267 : memref<80xi32, #tpu.memory_space<hbm>>) target(%arg8 : memref<80xi32, #tpu.memory_space<vmem>>) target_semaphore(%run_scoped3A : memref<!tpu.dma_semaphore, #tpu.memory_space<semaphore_mem>>)
        %dma_wait3A_268 = tpu.memref_slice %arg2[%add3A_121] : memref<1920000xi32, #tpu.memory_space<hbm>> -> memref<80xi32, #tpu.memory_space<hbm>>
        %dma_wait3A_269 = tpu.memref_slice %arg2[%add3A_121] : memref<1920000xi32, #tpu.memory_space<hbm>> -> memref<80xi32, #tpu.memory_space<hbm>>
        tpu.wait_dma2 semaphore(%run_scoped3A : memref<!tpu.dma_semaphore, #tpu.memory_space<semaphore_mem>>) src(%dma_wait3A_269 : memref<80xi32, #tpu.memory_space<hbm>>) dst(%arg8 : memref<80xi32, #tpu.memory_space<vmem>>)
        tpu.yield
      }) : () -> ()
      %add3A_122 = arith.constant 320000 : i32
      %add3A_123 = arith.addi %add3A_121, %add3A_122 : i32
      "tpu.region"() ({
        %run_scoped3A = tpu.sem_alloc : memref<!tpu.dma_semaphore, #tpu.memory_space<semaphore_mem>>
        %dma_start3A_266 = tpu.memref_slice %arg2[%add3A_123] : memref<1920000xi32, #tpu.memory_space<hbm>> -> memref<80xi32, #tpu.memory_space<hbm>>
        %dma_start3A_267 = tpu.memref_slice %arg2[%add3A_123] : memref<1920000xi32, #tpu.memory_space<hbm>> -> memref<80xi32, #tpu.memory_space<hbm>>
        tpu.enqueue_dma source(%dma_start3A_267 : memref<80xi32, #tpu.memory_space<hbm>>) target(%arg9 : memref<80xi32, #tpu.memory_space<vmem>>) target_semaphore(%run_scoped3A : memref<!tpu.dma_semaphore, #tpu.memory_space<semaphore_mem>>)
        %dma_wait3A_268 = tpu.memref_slice %arg2[%add3A_123] : memref<1920000xi32, #tpu.memory_space<hbm>> -> memref<80xi32, #tpu.memory_space<hbm>>
        %dma_wait3A_269 = tpu.memref_slice %arg2[%add3A_123] : memref<1920000xi32, #tpu.memory_space<hbm>> -> memref<80xi32, #tpu.memory_space<hbm>>
        tpu.wait_dma2 semaphore(%run_scoped3A : memref<!tpu.dma_semaphore, #tpu.memory_space<semaphore_mem>>) src(%dma_wait3A_269 : memref<80xi32, #tpu.memory_space<hbm>>) dst(%arg9 : memref<80xi32, #tpu.memory_space<vmem>>)
        tpu.yield
      }) : () -> ()
      %get3A = arith.constant 0 : index
      %get3A_124 = tpu.vector_load %arg8[%get3A] {strides = array<i32>} : memref<80xi32, #tpu.memory_space<vmem>>, vector<16xi32>,
      %get3A_125 = vector.shape_cast %get3A_124 : vector<16xi32> to vector<16xi32>
      %add3A_126 = arith.constant 10000 : i32
      %add3A_127 = vector.broadcast %add3A_126 : i32 to vector<16xi32>
      %add3A_128 = arith.addi %get3A_125, %add3A_127 : vector<16xi32>
      %swap3A = arith.constant 0 : index
      %swap3A_129 = tpu.vector_load %arg8[%swap3A] {strides = array<i32>} : memref<80xi32, #tpu.memory_space<vmem>>, vector<16xi32>,
      %swap3A_130 = vector.shape_cast %swap3A_129 : vector<16xi32> to vector<16xi32>
      %swap3A_131 = vector.shape_cast %add3A_128 : vector<16xi32> to vector<16xi32>
      tpu.vector_store %arg8[%swap3A], %swap3A_131 {strides = array<i32>} : memref<80xi32, #tpu.memory_space<vmem>>, vector<16xi32>,
      %get3A_132 = arith.constant 0 : index
      %get3A_133 = tpu.vector_load %arg9[%get3A_132] {strides = array<i32>} : memref<80xi32, #tpu.memory_space<vmem>>, vector<16xi32>,
      %get3A_134 = vector.shape_cast %get3A_133 : vector<16xi32> to vector<16xi32>
      %add3A_135 = arith.constant 10000 : i32
      %add3A_136 = vector.broadcast %add3A_135 : i32 to vector<16xi32>
      %add3A_137 = arith.addi %get3A_134, %add3A_136 : vector<16xi32>
      %swap3A_138 = arith.constant 0 : index
      %swap3A_139 = tpu.vector_load %arg10[%swap3A_138] {strides = array<i32>} : memref<80xi32, #tpu.memory_space<vmem>>, vector<16xi32>,
      %swap3A_140 = vector.shape_cast %swap3A_139 : vector<16xi32> to vector<16xi32>
      %swap3A_141 = vector.shape_cast %add3A_137 : vector<16xi32> to vector<16xi32>
      tpu.vector_store %arg10[%swap3A_138], %swap3A_141 {strides = array<i32>} : memref<80xi32, #tpu.memory_space<vmem>>, vector<16xi32>,
      %get3A_142 = arith.constant 16 : index
      %get3A_143 = tpu.vector_load %arg8[%get3A_142] {strides = array<i32>} : memref<80xi32, #tpu.memory_space<vmem>>, vector<16xi32>,
      %get3A_144 = vector.shape_cast %get3A_143 : vector<16xi32> to vector<16xi32>
      %add3A_145 = arith.constant 10000 : i32
      %add3A_146 = vector.broadcast %add3A_145 : i32 to vector<16xi32>
      %add3A_147 = arith.addi %get3A_144, %add3A_146 : vector<16xi32>
      %swap3A_148 = arith.constant 16 : index
      %swap3A_149 = tpu.vector_load %arg8[%swap3A_148] {strides = array<i32>} : memref<80xi32, #tpu.memory_space<vmem>>, vector<16xi32>,
      %swap3A_150 = vector.shape_cast %swap3A_149 : vector<16xi32> to vector<16xi32>
      %swap3A_151 = vector.shape_cast %add3A_147 : vector<16xi32> to vector<16xi32>
      tpu.vector_store %arg8[%swap3A_148], %swap3A_151 {strides = array<i32>} : memref<80xi32, #tpu.memory_space<vmem>>, vector<16xi32>,
      %get3A_152 = arith.constant 16 : index
      %get3A_153 = tpu.vector_load %arg9[%get3A_152] {strides = array<i32>} : memref<80xi32, #tpu.memory_space<vmem>>, vector<16xi32>,
      %get3A_154 = vector.shape_cast %get3A_153 : vector<16xi32> to vector<16xi32>
      %add3A_155 = arith.constant 10000 : i32
      %add3A_156 = vector.broadcast %add3A_155 : i32 to vector<16xi32>
      %add3A_157 = arith.addi %get3A_154, %add3A_156 : vector<16xi32>
      %swap3A_158 = arith.constant 16 : index
      %swap3A_159 = tpu.vector_load %arg10[%swap3A_158] {strides = array<i32>} : memref<80xi32, #tpu.memory_space<vmem>>, vector<16xi32>,
      %swap3A_160 = vector.shape_cast %swap3A_159 : vector<16xi32> to vector<16xi32>
      %swap3A_161 = vector.shape_cast %add3A_157 : vector<16xi32> to vector<16xi32>
      tpu.vector_store %arg10[%swap3A_158], %swap3A_161 {strides = array<i32>} : memref<80xi32, #tpu.memory_space<vmem>>, vector<16xi32>,
      %get3A_162 = arith.constant 32 : index
      %get3A_163 = tpu.vector_load %arg8[%get3A_162] {strides = array<i32>} : memref<80xi32, #tpu.memory_space<vmem>>, vector<16xi32>,
      %get3A_164 = vector.shape_cast %get3A_163 : vector<16xi32> to vector<16xi32>
      %add3A_165 = arith.constant 10000 : i32
      %add3A_166 = vector.broadcast %add3A_165 : i32 to vector<16xi32>
      %add3A_167 = arith.addi %get3A_164, %add3A_166 : vector<16xi32>
      %swap3A_168 = arith.constant 32 : index
      %swap3A_169 = tpu.vector_load %arg8[%swap3A_168] {strides = array<i32>} : memref<80xi32, #tpu.memory_space<vmem>>, vector<16xi32>,
      %swap3A_170 = vector.shape_cast %swap3A_169 : vector<16xi32> to vector<16xi32>
      %swap3A_171 = vector.shape_cast %add3A_167 : vector<16xi32> to vector<16xi32>
      tpu.vector_store %arg8[%swap3A_168], %swap3A_171 {strides = array<i32>} : memref<80xi32, #tpu.memory_space<vmem>>, vector<16xi32>,
      %get3A_172 = arith.constant 32 : index
      %get3A_173 = tpu.vector_load %arg9[%get3A_172] {strides = array<i32>} : memref<80xi32, #tpu.memory_space<vmem>>, vector<16xi32>,
      %get3A_174 = vector.shape_cast %get3A_173 : vector<16xi32> to vector<16xi32>
      %add3A_175 = arith.constant 10000 : i32
      %add3A_176 = vector.broadcast %add3A_175 : i32 to vector<16xi32>
      %add3A_177 = arith.addi %get3A_174, %add3A_176 : vector<16xi32>
      %swap3A_178 = arith.constant 32 : index
      %swap3A_179 = tpu.vector_load %arg10[%swap3A_178] {strides = array<i32>} : memref<80xi32, #tpu.memory_space<vmem>>, vector<16xi32>,
      %swap3A_180 = vector.shape_cast %swap3A_179 : vector<16xi32> to vector<16xi32>
      %swap3A_181 = vector.shape_cast %add3A_177 : vector<16xi32> to vector<16xi32>
      tpu.vector_store %arg10[%swap3A_178], %swap3A_181 {strides = array<i32>} : memref<80xi32, #tpu.memory_space<vmem>>, vector<16xi32>,
      %get3A_182 = arith.constant 48 : index
      %get3A_183 = tpu.vector_load %arg8[%get3A_182] {strides = array<i32>} : memref<80xi32, #tpu.memory_space<vmem>>, vector<16xi32>,
      %get3A_184 = vector.shape_cast %get3A_183 : vector<16xi32> to vector<16xi32>
      %add3A_185 = arith.constant 10000 : i32
      %add3A_186 = vector.broadcast %add3A_185 : i32 to vector<16xi32>
      %add3A_187 = arith.addi %get3A_184, %add3A_186 : vector<16xi32>
      %swap3A_188 = arith.constant 48 : index
      %swap3A_189 = tpu.vector_load %arg8[%swap3A_188] {strides = array<i32>} : memref<80xi32, #tpu.memory_space<vmem>>, vector<16xi32>,
      %swap3A_190 = vector.shape_cast %swap3A_189 : vector<16xi32> to vector<16xi32>
      %swap3A_191 = vector.shape_cast %add3A_187 : vector<16xi32> to vector<16xi32>
      tpu.vector_store %arg8[%swap3A_188], %swap3A_191 {strides = array<i32>} : memref<80xi32, #tpu.memory_space<vmem>>, vector<16xi32>,
      %get3A_192 = arith.constant 48 : index
      %get3A_193 = tpu.vector_load %arg9[%get3A_192] {strides = array<i32>} : memref<80xi32, #tpu.memory_space<vmem>>, vector<16xi32>,
      %get3A_194 = vector.shape_cast %get3A_193 : vector<16xi32> to vector<16xi32>
      %add3A_195 = arith.constant 10000 : i32
      %add3A_196 = vector.broadcast %add3A_195 : i32 to vector<16xi32>
      %add3A_197 = arith.addi %get3A_194, %add3A_196 : vector<16xi32>
      %swap3A_198 = arith.constant 48 : index
      %swap3A_199 = tpu.vector_load %arg10[%swap3A_198] {strides = array<i32>} : memref<80xi32, #tpu.memory_space<vmem>>, vector<16xi32>,
      %swap3A_200 = vector.shape_cast %swap3A_199 : vector<16xi32> to vector<16xi32>
      %swap3A_201 = vector.shape_cast %add3A_197 : vector<16xi32> to vector<16xi32>
      tpu.vector_store %arg10[%swap3A_198], %swap3A_201 {strides = array<i32>} : memref<80xi32, #tpu.memory_space<vmem>>, vector<16xi32>,
      %get3A_202 = arith.constant 64 : index
      %get3A_203 = tpu.vector_load %arg8[%get3A_202] {strides = array<i32>} : memref<80xi32, #tpu.memory_space<vmem>>, vector<16xi32>,
      %get3A_204 = vector.shape_cast %get3A_203 : vector<16xi32> to vector<16xi32>
      %add3A_205 = arith.constant 10000 : i32
      %add3A_206 = vector.broadcast %add3A_205 : i32 to vector<16xi32>
      %add3A_207 = arith.addi %get3A_204, %add3A_206 : vector<16xi32>
      %swap3A_208 = arith.constant 64 : index
      %swap3A_209 = tpu.vector_load %arg8[%swap3A_208] {strides = array<i32>} : memref<80xi32, #tpu.memory_space<vmem>>, vector<16xi32>,
      %swap3A_210 = vector.shape_cast %swap3A_209 : vector<16xi32> to vector<16xi32>
      %swap3A_211 = vector.shape_cast %add3A_207 : vector<16xi32> to vector<16xi32>
      tpu.vector_store %arg8[%swap3A_208], %swap3A_211 {strides = array<i32>} : memref<80xi32, #tpu.memory_space<vmem>>, vector<16xi32>,
      %get3A_212 = arith.constant 64 : index
      %get3A_213 = tpu.vector_load %arg9[%get3A_212] {strides = array<i32>} : memref<80xi32, #tpu.memory_space<vmem>>, vector<16xi32>,
      %get3A_214 = vector.shape_cast %get3A_213 : vector<16xi32> to vector<16xi32>
      %add3A_215 = arith.constant 10000 : i32
      %add3A_216 = vector.broadcast %add3A_215 : i32 to vector<16xi32>
      %add3A_217 = arith.addi %get3A_214, %add3A_216 : vector<16xi32>
      %swap3A_218 = arith.constant 64 : index
      %swap3A_219 = tpu.vector_load %arg10[%swap3A_218] {strides = array<i32>} : memref<80xi32, #tpu.memory_space<vmem>>, vector<16xi32>,
      %swap3A_220 = vector.shape_cast %swap3A_219 : vector<16xi32> to vector<16xi32>
      %swap3A_221 = vector.shape_cast %add3A_217 : vector<16xi32> to vector<16xi32>
      tpu.vector_store %arg10[%swap3A_218], %swap3A_221 {strides = array<i32>} : memref<80xi32, #tpu.memory_space<vmem>>, vector<16xi32>,
      %dma_start3A = arith.constant 0 : i32
      %dma_start3A_222 = arith.constant 0 : i32
      %dma_start3A_223 = tpu.memref_slice %arg3[%dma_start3A, %dma_start3A_222] : memref<30000x128xf32, #tpu.memory_space<hbm>> -> memref<30000x128xf32, #tpu.memory_space<hbm>>
      tpu.enqueue_indirect_dma source(%dma_start3A_223 : memref<30000x128xf32, #tpu.memory_space<hbm>>) target(%arg15 : memref<80x128xf32, #tpu.memory_space<vmem>>) offsets(%arg8 : memref<80xi32, #tpu.memory_space<vmem>>) semaphore(%arg20 : memref<!tpu.dma_semaphore, #tpu.memory_space<semaphore_mem>>)
      %dma_start3A_224 = arith.constant 0 : i32
      %dma_start3A_225 = arith.constant 0 : i32
      %dma_start3A_226 = tpu.memref_slice %arg4[%dma_start3A_224, %dma_start3A_225] : memref<30000x128xf32, #tpu.memory_space<hbm>> -> memref<30000x128xf32, #tpu.memory_space<hbm>>
      tpu.enqueue_indirect_dma source(%dma_start3A_226 : memref<30000x128xf32, #tpu.memory_space<hbm>>) target(%arg11 : memref<80x128xf32, #tpu.memory_space<vmem>>) offsets(%arg10 : memref<80xi32, #tpu.memory_space<vmem>>) semaphore(%arg18 : memref<!tpu.dma_semaphore, #tpu.memory_space<semaphore_mem>>)
      %dma_start3A_227 = arith.constant 0 : i32
      %dma_start3A_228 = arith.constant 0 : i32
      %dma_start3A_229 = tpu.memref_slice %arg4[%dma_start3A_227, %dma_start3A_228] : memref<30000x128xf32, #tpu.memory_space<hbm>> -> memref<30000x128xf32, #tpu.memory_space<hbm>>
      tpu.enqueue_indirect_dma source(%dma_start3A_229 : memref<30000x128xf32, #tpu.memory_space<hbm>>) target(%arg12 : memref<80x128xf32, #tpu.memory_space<vmem>>) offsets(%arg8 : memref<80xi32, #tpu.memory_space<vmem>>) semaphore(%arg19 : memref<!tpu.dma_semaphore, #tpu.memory_space<semaphore_mem>>)
      %iota3A = tpu.iota {dimensions = array<i32: 0>} : vector<16xi32>
      %add3A_230 = arith.constant 8 : i32
      %add3A_231 = vector.broadcast %add3A_230 : i32 to vector<16xi32>
      %add3A_232 = arith.addi %iota3A, %add3A_231 : vector<16xi32>
      %and3A = arith.constant 15 : i32
      %and3A_233 = vector.broadcast %and3A : i32 to vector<16xi32>
      %and3A_234 = arith.andi %add3A_232, %and3A_233 : vector<16xi32>
      %broadcast_in_dim3A_235 = vector.shape_cast %and3A_234 : vector<16xi32> to vector<16x1xi32>
      %dma_wait3A = arith.constant 0 : i32
      %dma_wait3A_236 = arith.constant 0 : i32
      %dma_wait3A_237 = tpu.memref_slice %arg4[%dma_wait3A, %dma_wait3A_236] : memref<30000x128xf32, #tpu.memory_space<hbm>> -> memref<30000x128xf32, #tpu.memory_space<hbm>>
      tpu.wait_indirect_dma semaphore(%arg18 : memref<!tpu.dma_semaphore, #tpu.memory_space<semaphore_mem>>) src(%dma_wait3A_237 : memref<30000x128xf32, #tpu.memory_space<hbm>>) dst(%arg11 : memref<80x128xf32, #tpu.memory_space<vmem>>)
      %dma_wait3A_238 = arith.constant 0 : i32
      %dma_wait3A_239 = arith.constant 0 : i32
      %dma_wait3A_240 = tpu.memref_slice %arg4[%dma_wait3A_238, %dma_wait3A_239] : memref<30000x128xf32, #tpu.memory_space<hbm>> -> memref<30000x128xf32, #tpu.memory_space<hbm>>
      tpu.wait_indirect_dma semaphore(%arg19 : memref<!tpu.dma_semaphore, #tpu.memory_space<semaphore_mem>>) src(%dma_wait3A_240 : memref<30000x128xf32, #tpu.memory_space<hbm>>) dst(%arg12 : memref<80x128xf32, #tpu.memory_space<vmem>>)
      %get3A_241 = arith.constant 0 : index
      %get3A_242 = tpu.vector_load %arg16[%get3A_241] {strides = array<i32>} : memref<16xf32, #tpu.memory_space<vmem>>, vector<16xf32>,
      %get3A_243 = vector.shape_cast %get3A_242 : vector<16xf32> to vector<16xf32>
      %scan3A_244 = arith.constant 0 : i32
      %scan3A_245 = arith.constant 0 : i32
      %scan3A_246 = arith.constant 80 : i32
      %scan3A_247 = arith.addi %scan3A_245, %scan3A_246 : i32
      %scan3A_248 = arith.constant 1 : i32
      %scan3A_249 = scf.for %scan3A_266 = %scan3A_245 to %scan3A_247 step %scan3A_248 iter_args(%scan3A_267 = %scan3A_244) -> (i32)  : i32 {
        %get3A_268 = arith.index_cast %scan3A_266 : i32 to index
        %get3A_269 = arith.constant 0 : index
        %get3A_270 = tpu.vector_load %arg11[%get3A_268, %get3A_269] {strides = array<i32>} : memref<80x128xf32, #tpu.memory_space<vmem>>, vector<1x16xf32>,
        %get3A_271 = vector.shape_cast %get3A_270 : vector<1x16xf32> to vector<16xf32>
        %gather3A = vector.shape_cast %broadcast_in_dim3A_235 : vector<16x1xi32> to vector<16xi32>
        %gather3A_272 = tpu.dynamic_gather %get3A_271[%gather3A] in [0] : vector<16xf32>, vector<16xi32> -> vector<16xf32>
        %get3A_273 = arith.index_cast %scan3A_266 : i32 to index
        %get3A_274 = arith.constant 0 : index
        %get3A_275 = tpu.vector_load %arg12[%get3A_273, %get3A_274] {strides = array<i32>} : memref<80x128xf32, #tpu.memory_space<vmem>>, vector<1x16xf32>,
        %get3A_276 = vector.shape_cast %get3A_275 : vector<1x16xf32> to vector<16xf32>
        %add3A_277 = arith.addf %get3A_276, %gather3A_272 : vector<16xf32>
        %gt3A = arith.constant 0.000000e+00 : f32
        %gt3A_278 = vector.broadcast %gt3A : f32 to vector<16xf32>
        %gt3A_279 = arith.cmpf ogt, %add3A_277, %gt3A_278 : vector<16xf32>
        %mul3A_280 = arith.constant 2.000000e-01 : f32
        %mul3A_281 = vector.broadcast %mul3A_280 : f32 to vector<16xf32>
        %mul3A_282 = arith.mulf %add3A_277, %mul3A_281 : vector<16xf32>
        %select_n3A = arith.select %gt3A_279, %add3A_277, %mul3A_282 : vector<16xi1>, vector<16xf32>
        %sub3A = arith.subf %select_n3A, %get3A_243 : vector<16xf32>
        %exp3A = math.exp %sub3A : vector<16xf32>
        %swap3A_283 = arith.index_cast %scan3A_266 : i32 to index
        %swap3A_284 = arith.constant 0 : index
        %swap3A_285 = tpu.vector_load %arg13[%swap3A_283, %swap3A_284] {strides = array<i32>} : memref<80x16xf32, #tpu.memory_space<vmem>>, vector<1x16xf32>,
        %swap3A_286 = vector.shape_cast %swap3A_285 : vector<1x16xf32> to vector<16xf32>
        %swap3A_287 = vector.shape_cast %exp3A : vector<16xf32> to vector<1x16xf32>
        tpu.vector_store %arg13[%swap3A_283, %swap3A_284], %swap3A_287 {strides = array<i32>} : memref<80x16xf32, #tpu.memory_space<vmem>>, vector<1x16xf32>,
        %scan3A_288 = arith.constant 0 : i32
        scf.yield %scan3A_288 : i32
      }
      %scan3A_250 = arith.constant 80 : i32
      %dma_wait3A_251 = arith.constant 0 : i32
      %dma_wait3A_252 = arith.constant 0 : i32
      %dma_wait3A_253 = tpu.memref_slice %arg3[%dma_wait3A_251, %dma_wait3A_252] : memref<30000x128xf32, #tpu.memory_space<hbm>> -> memref<30000x128xf32, #tpu.memory_space<hbm>>
      tpu.wait_indirect_dma semaphore(%arg20 : memref<!tpu.dma_semaphore, #tpu.memory_space<semaphore_mem>>) src(%dma_wait3A_253 : memref<30000x128xf32, #tpu.memory_space<hbm>>) dst(%arg15 : memref<80x128xf32, #tpu.memory_space<vmem>>)
      %scan3A_254 = arith.constant 0 : i32
      %scan3A_255 = arith.constant 0 : i32
      %scan3A_256 = arith.constant 80 : i32
      %scan3A_257 = arith.addi %scan3A_255, %scan3A_256 : i32
      %scan3A_258 = arith.constant 1 : i32
      %scan3A_259 = scf.for %scan3A_266 = %scan3A_255 to %scan3A_257 step %scan3A_258 iter_args(%scan3A_267 = %scan3A_254) -> (i32)  : i32 {
        %get3A_268 = arith.index_cast %scan3A_266 : i32 to index
        %get3A_269 = arith.constant 0 : index
        %get3A_270 = tpu.vector_load %arg13[%get3A_268, %get3A_269] {strides = array<i32>} : memref<80x16xf32, #tpu.memory_space<vmem>>, vector<1x16xf32>,
        %get3A_271 = vector.shape_cast %get3A_270 : vector<1x16xf32> to vector<16xf32>
        %mul3A_272 = arith.constant 16 : i32
        %mul3A_273 = arith.muli %mul3A_272, %scan3A_266 : i32
        %swap3A_274 = arith.index_cast %mul3A_273 : i32 to index
        %swap3A_275 = tpu.vector_load %arg14[%swap3A_274] {strides = array<i32>} : memref<1280xf32, #tpu.memory_space<vmem>>, vector<16xf32>,
        %swap3A_276 = vector.shape_cast %swap3A_275 : vector<16xf32> to vector<16xf32>
        %swap3A_277 = vector.shape_cast %get3A_271 : vector<16xf32> to vector<16xf32>
        tpu.vector_store %arg14[%swap3A_274], %swap3A_277 {strides = array<i32>} : memref<1280xf32, #tpu.memory_space<vmem>>, vector<16xf32>,
        %get3A_278 = arith.index_cast %scan3A_266 : i32 to index
        %get3A_279 = arith.constant 0 : index
        %get3A_280 = tpu.vector_load %arg15[%get3A_278, %get3A_279] {strides = array<i32>} : memref<80x128xf32, #tpu.memory_space<vmem>>, vector<1x16xf32>,
        %get3A_281 = vector.shape_cast %get3A_280 : vector<1x16xf32> to vector<16xf32>
        %slice3A = vector.extract_strided_slice %get3A_271 {offsets = [0], sizes = [1], strides = [1]} : vector<16xf32> to vector<1xf32>
        %squeeze3A = vector.extract %slice3A[0] : f32 from vector<1xf32>
        %mul3A_282 = vector.broadcast %squeeze3A : f32 to vector<16xf32>
        %mul3A_283 = arith.mulf %get3A_281, %mul3A_282 : vector<16xf32>
        %swap3A_284 = arith.index_cast %scan3A_266 : i32 to index
        %swap3A_285 = arith.constant 0 : index
        %swap3A_286 = tpu.vector_load %arg15[%swap3A_284, %swap3A_285] {strides = array<i32>} : memref<80x128xf32, #tpu.memory_space<vmem>>, vector<1x16xf32>,
        %swap3A_287 = vector.shape_cast %swap3A_286 : vector<1x16xf32> to vector<16xf32>
        %swap3A_288 = vector.shape_cast %mul3A_283 : vector<16xf32> to vector<1x16xf32>
        tpu.vector_store %arg15[%swap3A_284, %swap3A_285], %swap3A_288 {strides = array<i32>} : memref<80x128xf32, #tpu.memory_space<vmem>>, vector<1x16xf32>,
        %get3A_289 = arith.index_cast %scan3A_266 : i32 to index
        %get3A_290 = arith.constant 16 : index
        %get3A_291 = tpu.vector_load %arg15[%get3A_289, %get3A_290] {strides = array<i32>} : memref<80x128xf32, #tpu.memory_space<vmem>>, vector<1x16xf32>,
        %get3A_292 = vector.shape_cast %get3A_291 : vector<1x16xf32> to vector<16xf32>
        %slice3A_293 = vector.extract_strided_slice %get3A_271 {offsets = [1], sizes = [1], strides = [1]} : vector<16xf32> to vector<1xf32>
        %squeeze3A_294 = vector.extract %slice3A_293[0] : f32 from vector<1xf32>
        %mul3A_295 = vector.broadcast %squeeze3A_294 : f32 to vector<16xf32>
        %mul3A_296 = arith.mulf %get3A_292, %mul3A_295 : vector<16xf32>
        %swap3A_297 = arith.index_cast %scan3A_266 : i32 to index
        %swap3A_298 = arith.constant 16 : index
        %swap3A_299 = tpu.vector_load %arg15[%swap3A_297, %swap3A_298] {strides = array<i32>} : memref<80x128xf32, #tpu.memory_space<vmem>>, vector<1x16xf32>,
        %swap3A_300 = vector.shape_cast %swap3A_299 : vector<1x16xf32> to vector<16xf32>
        %swap3A_301 = vector.shape_cast %mul3A_296 : vector<16xf32> to vector<1x16xf32>
        tpu.vector_store %arg15[%swap3A_297, %swap3A_298], %swap3A_301 {strides = array<i32>} : memref<80x128xf32, #tpu.memory_space<vmem>>, vector<1x16xf32>,
        %get3A_302 = arith.index_cast %scan3A_266 : i32 to index
        %get3A_303 = arith.constant 32 : index
        %get3A_304 = tpu.vector_load %arg15[%get3A_302, %get3A_303] {strides = array<i32>} : memref<80x128xf32, #tpu.memory_space<vmem>>, vector<1x16xf32>,
        %get3A_305 = vector.shape_cast %get3A_304 : vector<1x16xf32> to vector<16xf32>
        %slice3A_306 = vector.extract_strided_slice %get3A_271 {offsets = [2], sizes = [1], strides = [1]} : vector<16xf32> to vector<1xf32>
        %squeeze3A_307 = vector.extract %slice3A_306[0] : f32 from vector<1xf32>
        %mul3A_308 = vector.broadcast %squeeze3A_307 : f32 to vector<16xf32>
        %mul3A_309 = arith.mulf %get3A_305, %mul3A_308 : vector<16xf32>
        %swap3A_310 = arith.index_cast %scan3A_266 : i32 to index
        %swap3A_311 = arith.constant 32 : index
        %swap3A_312 = tpu.vector_load %arg15[%swap3A_310, %swap3A_311] {strides = array<i32>} : memref<80x128xf32, #tpu.memory_space<vmem>>, vector<1x16xf32>,
        %swap3A_313 = vector.shape_cast %swap3A_312 : vector<1x16xf32> to vector<16xf32>
        %swap3A_314 = vector.shape_cast %mul3A_309 : vector<16xf32> to vector<1x16xf32>
        tpu.vector_store %arg15[%swap3A_310, %swap3A_311], %swap3A_314 {strides = array<i32>} : memref<80x128xf32, #tpu.memory_space<vmem>>, vector<1x16xf32>,
        %get3A_315 = arith.index_cast %scan3A_266 : i32 to index
        %get3A_316 = arith.constant 48 : index
        %get3A_317 = tpu.vector_load %arg15[%get3A_315, %get3A_316] {strides = array<i32>} : memref<80x128xf32, #tpu.memory_space<vmem>>, vector<1x16xf32>,
        %get3A_318 = vector.shape_cast %get3A_317 : vector<1x16xf32> to vector<16xf32>
        %slice3A_319 = vector.extract_strided_slice %get3A_271 {offsets = [3], sizes = [1], strides = [1]} : vector<16xf32> to vector<1xf32>
        %squeeze3A_320 = vector.extract %slice3A_319[0] : f32 from vector<1xf32>
        %mul3A_321 = vector.broadcast %squeeze3A_320 : f32 to vector<16xf32>
        %mul3A_322 = arith.mulf %get3A_318, %mul3A_321 : vector<16xf32>
        %swap3A_323 = arith.index_cast %scan3A_266 : i32 to index
        %swap3A_324 = arith.constant 48 : index
        %swap3A_325 = tpu.vector_load %arg15[%swap3A_323, %swap3A_324] {strides = array<i32>} : memref<80x128xf32, #tpu.memory_space<vmem>>, vector<1x16xf32>,
        %swap3A_326 = vector.shape_cast %swap3A_325 : vector<1x16xf32> to vector<16xf32>
        %swap3A_327 = vector.shape_cast %mul3A_322 : vector<16xf32> to vector<1x16xf32>
        tpu.vector_store %arg15[%swap3A_323, %swap3A_324], %swap3A_327 {strides = array<i32>} : memref<80x128xf32, #tpu.memory_space<vmem>>, vector<1x16xf32>,
        %get3A_328 = arith.index_cast %scan3A_266 : i32 to index
        %get3A_329 = arith.constant 64 : index
        %get3A_330 = tpu.vector_load %arg15[%get3A_328, %get3A_329] {strides = array<i32>} : memref<80x128xf32, #tpu.memory_space<vmem>>, vector<1x16xf32>,
        %get3A_331 = vector.shape_cast %get3A_330 : vector<1x16xf32> to vector<16xf32>
        %slice3A_332 = vector.extract_strided_slice %get3A_271 {offsets = [4], sizes = [1], strides = [1]} : vector<16xf32> to vector<1xf32>
        %squeeze3A_333 = vector.extract %slice3A_332[0] : f32 from vector<1xf32>
        %mul3A_334 = vector.broadcast %squeeze3A_333 : f32 to vector<16xf32>
        %mul3A_335 = arith.mulf %get3A_331, %mul3A_334 : vector<16xf32>
        %swap3A_336 = arith.index_cast %scan3A_266 : i32 to index
        %swap3A_337 = arith.constant 64 : index
        %swap3A_338 = tpu.vector_load %arg15[%swap3A_336, %swap3A_337] {strides = array<i32>} : memref<80x128xf32, #tpu.memory_space<vmem>>, vector<1x16xf32>,
        %swap3A_339 = vector.shape_cast %swap3A_338 : vector<1x16xf32> to vector<16xf32>
        %swap3A_340 = vector.shape_cast %mul3A_335 : vector<16xf32> to vector<1x16xf32>
        tpu.vector_store %arg15[%swap3A_336, %swap3A_337], %swap3A_340 {strides = array<i32>} : memref<80x128xf32, #tpu.memory_space<vmem>>, vector<1x16xf32>,
        %get3A_341 = arith.index_cast %scan3A_266 : i32 to index
        %get3A_342 = arith.constant 80 : index
        %get3A_343 = tpu.vector_load %arg15[%get3A_341, %get3A_342] {strides = array<i32>} : memref<80x128xf32, #tpu.memory_space<vmem>>, vector<1x16xf32>,
        %get3A_344 = vector.shape_cast %get3A_343 : vector<1x16xf32> to vector<16xf32>
        %slice3A_345 = vector.extract_strided_slice %get3A_271 {offsets = [5], sizes = [1], strides = [1]} : vector<16xf32> to vector<1xf32>
        %squeeze3A_346 = vector.extract %slice3A_345[0] : f32 from vector<1xf32>
        %mul3A_347 = vector.broadcast %squeeze3A_346 : f32 to vector<16xf32>
        %mul3A_348 = arith.mulf %get3A_344, %mul3A_347 : vector<16xf32>
        %swap3A_349 = arith.index_cast %scan3A_266 : i32 to index
        %swap3A_350 = arith.constant 80 : index
        %swap3A_351 = tpu.vector_load %arg15[%swap3A_349, %swap3A_350] {strides = array<i32>} : memref<80x128xf32, #tpu.memory_space<vmem>>, vector<1x16xf32>,
        %swap3A_352 = vector.shape_cast %swap3A_351 : vector<1x16xf32> to vector<16xf32>
        %swap3A_353 = vector.shape_cast %mul3A_348 : vector<16xf32> to vector<1x16xf32>
        tpu.vector_store %arg15[%swap3A_349, %swap3A_350], %swap3A_353 {strides = array<i32>} : memref<80x128xf32, #tpu.memory_space<vmem>>, vector<1x16xf32>,
        %get3A_354 = arith.index_cast %scan3A_266 : i32 to index
        %get3A_355 = arith.constant 96 : index
        %get3A_356 = tpu.vector_load %arg15[%get3A_354, %get3A_355] {strides = array<i32>} : memref<80x128xf32, #tpu.memory_space<vmem>>, vector<1x16xf32>,
        %get3A_357 = vector.shape_cast %get3A_356 : vector<1x16xf32> to vector<16xf32>
        %slice3A_358 = vector.extract_strided_slice %get3A_271 {offsets = [6], sizes = [1], strides = [1]} : vector<16xf32> to vector<1xf32>
        %squeeze3A_359 = vector.extract %slice3A_358[0] : f32 from vector<1xf32>
        %mul3A_360 = vector.broadcast %squeeze3A_359 : f32 to vector<16xf32>
        %mul3A_361 = arith.mulf %get3A_357, %mul3A_360 : vector<16xf32>
        %swap3A_362 = arith.index_cast %scan3A_266 : i32 to index
        %swap3A_363 = arith.constant 96 : index
        %swap3A_364 = tpu.vector_load %arg15[%swap3A_362, %swap3A_363] {strides = array<i32>} : memref<80x128xf32, #tpu.memory_space<vmem>>, vector<1x16xf32>,
        %swap3A_365 = vector.shape_cast %swap3A_364 : vector<1x16xf32> to vector<16xf32>
        %swap3A_366 = vector.shape_cast %mul3A_361 : vector<16xf32> to vector<1x16xf32>
        tpu.vector_store %arg15[%swap3A_362, %swap3A_363], %swap3A_366 {strides = array<i32>} : memref<80x128xf32, #tpu.memory_space<vmem>>, vector<1x16xf32>,
        %get3A_367 = arith.index_cast %scan3A_266 : i32 to index
        %get3A_368 = arith.constant 112 : index
        %get3A_369 = tpu.vector_load %arg15[%get3A_367, %get3A_368] {strides = array<i32>} : memref<80x128xf32, #tpu.memory_space<vmem>>, vector<1x16xf32>,
        %get3A_370 = vector.shape_cast %get3A_369 : vector<1x16xf32> to vector<16xf32>
        %slice3A_371 = vector.extract_strided_slice %get3A_271 {offsets = [7], sizes = [1], strides = [1]} : vector<16xf32> to vector<1xf32>
        %squeeze3A_372 = vector.extract %slice3A_371[0] : f32 from vector<1xf32>
        %mul3A_373 = vector.broadcast %squeeze3A_372 : f32 to vector<16xf32>
        %mul3A_374 = arith.mulf %get3A_370, %mul3A_373 : vector<16xf32>
        %swap3A_375 = arith.index_cast %scan3A_266 : i32 to index
        %swap3A_376 = arith.constant 112 : index
        %swap3A_377 = tpu.vector_load %arg15[%swap3A_375, %swap3A_376] {strides = array<i32>} : memref<80x128xf32, #tpu.memory_space<vmem>>, vector<1x16xf32>,
        %swap3A_378 = vector.shape_cast %swap3A_377 : vector<1x16xf32> to vector<16xf32>
        %swap3A_379 = vector.shape_cast %mul3A_374 : vector<16xf32> to vector<1x16xf32>
        tpu.vector_store %arg15[%swap3A_375, %swap3A_376], %swap3A_379 {strides = array<i32>} : memref<80x128xf32, #tpu.memory_space<vmem>>, vector<1x16xf32>,
        %scan3A_380 = arith.constant 0 : i32
        scf.yield %scan3A_380 : i32
      }
      %scan3A_260 = arith.constant 80 : i32
      "tpu.region"() ({
        %run_scoped3A = tpu.sem_alloc : memref<!tpu.dma_semaphore, #tpu.memory_space<semaphore_mem>>
        %dma_start3A_266 = arith.constant 0 : i32
        %dma_start3A_267 = arith.constant 0 : i32
        %dma_start3A_268 = tpu.memref_slice %arg17[%dma_start3A_266, %dma_start3A_267] : memref<10000x128xf32, #tpu.memory_space<vmem_shared>> -> memref<10000x128xf32, #tpu.memory_space<vmem_shared>>
        tpu.enqueue_indirect_dma source(%arg15 : memref<80x128xf32, #tpu.memory_space<vmem>>) target(%dma_start3A_268 : memref<10000x128xf32, #tpu.memory_space<vmem_shared>>) offsets(%arg9 : memref<80xi32, #tpu.memory_space<vmem>>) semaphore(%run_scoped3A : memref<!tpu.dma_semaphore, #tpu.memory_space<semaphore_mem>>) {add = true}
        %dma_wait3A_269 = arith.constant 0 : i32
        %dma_wait3A_270 = arith.constant 0 : i32
        %dma_wait3A_271 = tpu.memref_slice %arg17[%dma_wait3A_269, %dma_wait3A_270] : memref<10000x128xf32, #tpu.memory_space<vmem_shared>> -> memref<10000x128xf32, #tpu.memory_space<vmem_shared>>
        tpu.wait_indirect_dma semaphore(%run_scoped3A : memref<!tpu.dma_semaphore, #tpu.memory_space<semaphore_mem>>) src(%arg15 : memref<80x128xf32, #tpu.memory_space<vmem>>) dst(%dma_wait3A_271 : memref<10000x128xf32, #tpu.memory_space<vmem_shared>>)
        tpu.yield
      }) : () -> ()
      %add3A_261 = arith.constant 320000 : i32
      %add3A_262 = arith.addi %add3A_261, %add3A_119 : i32
      %mul3A_263 = arith.constant 16 : i32
      %mul3A_264 = arith.muli %add3A_262, %mul3A_263 : i32
      "tpu.region"() ({
        %run_scoped3A = tpu.sem_alloc : memref<!tpu.dma_semaphore, #tpu.memory_space<semaphore_mem>>
        %dma_start3A_266 = tpu.memref_slice %arg7[%mul3A_264] : memref<15360000xf32, #tpu.memory_space<hbm>> -> memref<1280xf32, #tpu.memory_space<hbm>>
        %dma_start3A_267 = tpu.memref_slice %arg7[%mul3A_264] : memref<15360000xf32, #tpu.memory_space<hbm>> -> memref<1280xf32, #tpu.memory_space<hbm>>
        tpu.enqueue_dma source(%arg14 : memref<1280xf32, #tpu.memory_space<vmem>>) target(%dma_start3A_267 : memref<1280xf32, #tpu.memory_space<hbm>>) target_semaphore(%run_scoped3A : memref<!tpu.dma_semaphore, #tpu.memory_space<semaphore_mem>>)
        %dma_wait3A_268 = tpu.memref_slice %arg7[%mul3A_264] : memref<15360000xf32, #tpu.memory_space<hbm>> -> memref<1280xf32, #tpu.memory_space<hbm>>
        %dma_wait3A_269 = tpu.memref_slice %arg7[%mul3A_264] : memref<15360000xf32, #tpu.memory_space<hbm>> -> memref<1280xf32, #tpu.memory_space<hbm>>
        tpu.wait_dma2 semaphore(%run_scoped3A : memref<!tpu.dma_semaphore, #tpu.memory_space<semaphore_mem>>) src(%arg14 : memref<1280xf32, #tpu.memory_space<vmem>>) dst(%dma_wait3A_269 : memref<1280xf32, #tpu.memory_space<hbm>>)
        tpu.yield
      }) : () -> ()
      %scan3A_265 = arith.constant 0 : i32
      scf.yield %scan3A_265 : i32
    }
    %scan3A_61 = arith.constant 125 : i32
    %barrier3A_62 = arith.constant 0 : index
    tpu.barrier barrier_id(%barrier3A_62)
    %lt3A_63 = arith.constant 15 : i32
    %lt3A_64 = arith.cmpi slt, %arg1, %lt3A_63 : i32
    %convert_element_type3A_65 = arith.extui %lt3A_64 : i1 to i32
    %cond3A_66 = arith.constant 0 : i32
    %cond3A_67 = arith.cmpi ne, %convert_element_type3A_65, %cond3A_66 : i32
    scf.if %cond3A_67 {
      %mul3A_113 = arith.constant 640 : i32
      %mul3A_114 = arith.muli %arg1, %mul3A_113 : i32
      %mul3A_115 = arith.constant 640 : i32
      %mul3A_116 = arith.muli %arg1, %mul3A_115 : i32
      "tpu.region"() ({
        %run_scoped3A = tpu.sem_alloc : memref<!tpu.dma_semaphore, #tpu.memory_space<semaphore_mem>>
        %dma_start3A = arith.constant 0 : i32
        %dma_start3A_117 = tpu.memref_slice %arg6[%add3A_36, %mul3A_116, %dma_start3A] : memref<6x10000x128xf32, #tpu.memory_space<hbm>> -> memref<1x640x128xf32, #tpu.memory_space<hbm>>
        %dma_start3A_118 = tpu.memref_squeeze %dma_start3A_117 : memref<1x640x128xf32, #tpu.memory_space<hbm>> -> memref<640x128xf32, #tpu.memory_space<hbm>>
        %dma_start3A_119 = arith.constant 0 : i32
        %dma_start3A_120 = tpu.memref_slice %arg17[%mul3A_114, %dma_start3A_119] : memref<10000x128xf32, #tpu.memory_space<vmem_shared>> -> memref<640x128xf32, #tpu.memory_space<vmem_shared>>
        tpu.enqueue_dma source(%dma_start3A_120 : memref<640x128xf32, #tpu.memory_space<vmem_shared>>) target(%dma_start3A_118 : memref<640x128xf32, #tpu.memory_space<hbm>>) target_semaphore(%run_scoped3A : memref<!tpu.dma_semaphore, #tpu.memory_space<semaphore_mem>>)
        %dma_wait3A = arith.constant 0 : i32
        %dma_wait3A_121 = tpu.memref_slice %arg6[%add3A_36, %mul3A_116, %dma_wait3A] : memref<6x10000x128xf32, #tpu.memory_space<hbm>> -> memref<1x640x128xf32, #tpu.memory_space<hbm>>
        %dma_wait3A_122 = tpu.memref_squeeze %dma_wait3A_121 : memref<1x640x128xf32, #tpu.memory_space<hbm>> -> memref<640x128xf32, #tpu.memory_space<hbm>>
        %dma_wait3A_123 = arith.constant 0 : i32
        %dma_wait3A_124 = tpu.memref_slice %arg17[%mul3A_114, %dma_wait3A_123] : memref<10000x128xf32, #tpu.memory_space<vmem_shared>> -> memref<640x128xf32, #tpu.memory_space<vmem_shared>>
        tpu.wait_dma2 semaphore(%run_scoped3A : memref<!tpu.dma_semaphore, #tpu.memory_space<semaphore_mem>>) src(%dma_wait3A_124 : memref<640x128xf32, #tpu.memory_space<vmem_shared>>) dst(%dma_wait3A_122 : memref<640x128xf32, #tpu.memory_space<hbm>>)
        tpu.yield
      }) : () -> ()
    } else {
    }
    %eq3A_68 = arith.constant 15 : i32
    %eq3A_69 = arith.cmpi eq, %arg1, %eq3A_68 : i32
    %convert_element_type3A_70 = arith.extui %eq3A_69 : i1 to i32
    %cond3A_71 = arith.constant 0 : i32
    %cond3A_72 = arith.cmpi ne, %convert_element_type3A_70, %cond3A_71 : i32
    scf.if %cond3A_72 {
      "tpu.region"() ({
        %run_scoped3A = tpu.sem_alloc : memref<!tpu.dma_semaphore, #tpu.memory_space<semaphore_mem>>
        %dma_start3A = arith.constant 9600 : i32
        %dma_start3A_113 = arith.constant 0 : i32
        %dma_start3A_114 = tpu.memref_slice %arg6[%add3A_36, %dma_start3A, %dma_start3A_113] : memref<6x10000x128xf32, #tpu.memory_space<hbm>> -> memref<1x400x128xf32, #tpu.memory_space<hbm>>
        %dma_start3A_115 = tpu.memref_squeeze %dma_start3A_114 : memref<1x400x128xf32, #tpu.memory_space<hbm>> -> memref<400x128xf32, #tpu.memory_space<hbm>>
        %dma_start3A_116 = arith.constant 9600 : i32
        %dma_start3A_117 = arith.constant 0 : i32
        %dma_start3A_118 = tpu.memref_slice %arg17[%dma_start3A_116, %dma_start3A_117] : memref<10000x128xf32, #tpu.memory_space<vmem_shared>> -> memref<400x128xf32, #tpu.memory_space<vmem_shared>>
        tpu.enqueue_dma source(%dma_start3A_118 : memref<400x128xf32, #tpu.memory_space<vmem_shared>>) target(%dma_start3A_115 : memref<400x128xf32, #tpu.memory_space<hbm>>) target_semaphore(%run_scoped3A : memref<!tpu.dma_semaphore, #tpu.memory_space<semaphore_mem>>)
        %dma_wait3A = arith.constant 9600 : i32
        %dma_wait3A_119 = arith.constant 0 : i32
        %dma_wait3A_120 = tpu.memref_slice %arg6[%add3A_36, %dma_wait3A, %dma_wait3A_119] : memref<6x10000x128xf32, #tpu.memory_space<hbm>> -> memref<1x400x128xf32, #tpu.memory_space<hbm>>
        %dma_wait3A_121 = tpu.memref_squeeze %dma_wait3A_120 : memref<1x400x128xf32, #tpu.memory_space<hbm>> -> memref<400x128xf32, #tpu.memory_space<hbm>>
        %dma_wait3A_122 = arith.constant 9600 : i32
        %dma_wait3A_123 = arith.constant 0 : i32
        %dma_wait3A_124 = tpu.memref_slice %arg17[%dma_wait3A_122, %dma_wait3A_123] : memref<10000x128xf32, #tpu.memory_space<vmem_shared>> -> memref<400x128xf32, #tpu.memory_space<vmem_shared>>
        tpu.wait_dma2 semaphore(%run_scoped3A : memref<!tpu.dma_semaphore, #tpu.memory_space<semaphore_mem>>) src(%dma_wait3A_124 : memref<400x128xf32, #tpu.memory_space<vmem_shared>>) dst(%dma_wait3A_121 : memref<400x128xf32, #tpu.memory_space<hbm>>)
        tpu.yield
      }) : () -> ()
    } else {
    }
    %barrier3A_73 = arith.constant 0 : index
    tpu.barrier barrier_id(%barrier3A_73)
    %add3A_74 = arith.constant 4 : i32
    %add3A_75 = arith.addi %add3A_74, %arg0 : i32
    %scan3A_76 = arith.constant 0 : i32
    %scan3A_77 = arith.constant 0 : i32
    %scan3A_78 = arith.constant 80 : i32
    %scan3A_79 = arith.addi %scan3A_77, %scan3A_78 : i32
    %scan3A_80 = arith.constant 1 : i32
    %scan3A_81 = scf.for %scan3A_113 = %scan3A_77 to %scan3A_79 step %scan3A_80 iter_args(%scan3A_114 = %scan3A_76) -> (i32)  : i32 {
      %swap3A = arith.index_cast %scan3A_113 : i32 to index
      %swap3A_115 = arith.constant 0 : index
      %swap3A_116 = tpu.vector_load %arg15[%swap3A, %swap3A_115] {strides = array<i32>} : memref<80x128xf32, #tpu.memory_space<vmem>>, vector<1x16xf32>,
      %swap3A_117 = vector.shape_cast %swap3A_116 : vector<1x16xf32> to vector<16xf32>
      %swap3A_118 = vector.shape_cast %broadcast_in_dim3A_1 : vector<16xf32> to vector<1x16xf32>
      tpu.vector_store %arg15[%swap3A, %swap3A_115], %swap3A_118 {strides = array<i32>} : memref<80x128xf32, #tpu.memory_space<vmem>>, vector<1x16xf32>,
      %swap3A_119 = arith.index_cast %scan3A_113 : i32 to index
      %swap3A_120 = arith.constant 16 : index
      %swap3A_121 = tpu.vector_load %arg15[%swap3A_119, %swap3A_120] {strides = array<i32>} : memref<80x128xf32, #tpu.memory_space<vmem>>, vector<1x16xf32>,
      %swap3A_122 = vector.shape_cast %swap3A_121 : vector<1x16xf32> to vector<16xf32>
      %swap3A_123 = vector.shape_cast %broadcast_in_dim3A_1 : vector<16xf32> to vector<1x16xf32>
      tpu.vector_store %arg15[%swap3A_119, %swap3A_120], %swap3A_123 {strides = array<i32>} : memref<80x128xf32, #tpu.memory_space<vmem>>, vector<1x16xf32>,
      %swap3A_124 = arith.index_cast %scan3A_113 : i32 to index
      %swap3A_125 = arith.constant 32 : index
      %swap3A_126 = tpu.vector_load %arg15[%swap3A_124, %swap3A_125] {strides = array<i32>} : memref<80x128xf32, #tpu.memory_space<vmem>>, vector<1x16xf32>,
      %swap3A_127 = vector.shape_cast %swap3A_126 : vector<1x16xf32> to vector<16xf32>
      %swap3A_128 = vector.shape_cast %broadcast_in_dim3A_1 : vector<16xf32> to vector<1x16xf32>
      tpu.vector_store %arg15[%swap3A_124, %swap3A_125], %swap3A_128 {strides = array<i32>} : memref<80x128xf32, #tpu.memory_space<vmem>>, vector<1x16xf32>,
      %swap3A_129 = arith.index_cast %scan3A_113 : i32 to index
      %swap3A_130 = arith.constant 48 : index
      %swap3A_131 = tpu.vector_load %arg15[%swap3A_129, %swap3A_130] {strides = array<i32>} : memref<80x128xf32, #tpu.memory_space<vmem>>, vector<1x16xf32>,
      %swap3A_132 = vector.shape_cast %swap3A_131 : vector<1x16xf32> to vector<16xf32>
      %swap3A_133 = vector.shape_cast %broadcast_in_dim3A_1 : vector<16xf32> to vector<1x16xf32>
      tpu.vector_store %arg15[%swap3A_129, %swap3A_130], %swap3A_133 {strides = array<i32>} : memref<80x128xf32, #tpu.memory_space<vmem>>, vector<1x16xf32>,
      %swap3A_134 = arith.index_cast %scan3A_113 : i32 to index
      %swap3A_135 = arith.constant 64 : index
      %swap3A_136 = tpu.vector_load %arg15[%swap3A_134, %swap3A_135] {strides = array<i32>} : memref<80x128xf32, #tpu.memory_space<vmem>>, vector<1x16xf32>,
      %swap3A_137 = vector.shape_cast %swap3A_136 : vector<1x16xf32> to vector<16xf32>
      %swap3A_138 = vector.shape_cast %broadcast_in_dim3A_1 : vector<16xf32> to vector<1x16xf32>
      tpu.vector_store %arg15[%swap3A_134, %swap3A_135], %swap3A_138 {strides = array<i32>} : memref<80x128xf32, #tpu.memory_space<vmem>>, vector<1x16xf32>,
      %swap3A_139 = arith.index_cast %scan3A_113 : i32 to index
      %swap3A_140 = arith.constant 80 : index
      %swap3A_141 = tpu.vector_load %arg15[%swap3A_139, %swap3A_140] {strides = array<i32>} : memref<80x128xf32, #tpu.memory_space<vmem>>, vector<1x16xf32>,
      %swap3A_142 = vector.shape_cast %swap3A_141 : vector<1x16xf32> to vector<16xf32>
      %swap3A_143 = vector.shape_cast %broadcast_in_dim3A_1 : vector<16xf32> to vector<1x16xf32>
      tpu.vector_store %arg15[%swap3A_139, %swap3A_140], %swap3A_143 {strides = array<i32>} : memref<80x128xf32, #tpu.memory_space<vmem>>, vector<1x16xf32>,
      %swap3A_144 = arith.index_cast %scan3A_113 : i32 to index
      %swap3A_145 = arith.constant 96 : index
      %swap3A_146 = tpu.vector_load %arg15[%swap3A_144, %swap3A_145] {strides = array<i32>} : memref<80x128xf32, #tpu.memory_space<vmem>>, vector<1x16xf32>,
      %swap3A_147 = vector.shape_cast %swap3A_146 : vector<1x16xf32> to vector<16xf32>
      %swap3A_148 = vector.shape_cast %broadcast_in_dim3A_1 : vector<16xf32> to vector<1x16xf32>
      tpu.vector_store %arg15[%swap3A_144, %swap3A_145], %swap3A_148 {strides = array<i32>} : memref<80x128xf32, #tpu.memory_space<vmem>>, vector<1x16xf32>,
      %swap3A_149 = arith.index_cast %scan3A_113 : i32 to index
      %swap3A_150 = arith.constant 112 : index
      %swap3A_151 = tpu.vector_load %arg15[%swap3A_149, %swap3A_150] {strides = array<i32>} : memref<80x128xf32, #tpu.memory_space<vmem>>, vector<1x16xf32>,
      %swap3A_152 = vector.shape_cast %swap3A_151 : vector<1x16xf32> to vector<16xf32>
      %swap3A_153 = vector.shape_cast %broadcast_in_dim3A_1 : vector<16xf32> to vector<1x16xf32>
      tpu.vector_store %arg15[%swap3A_149, %swap3A_150], %swap3A_153 {strides = array<i32>} : memref<80x128xf32, #tpu.memory_space<vmem>>, vector<1x16xf32>,
      %swap3A_154 = arith.index_cast %scan3A_113 : i32 to index
      %swap3A_155 = arith.constant 0 : index
      %swap3A_156 = tpu.vector_load %arg13[%swap3A_154, %swap3A_155] {strides = array<i32>} : memref<80x16xf32, #tpu.memory_space<vmem>>, vector<1x16xf32>,
      %swap3A_157 = vector.shape_cast %swap3A_156 : vector<1x16xf32> to vector<16xf32>
      %swap3A_158 = vector.shape_cast %broadcast_in_dim3A_1 : vector<16xf32> to vector<1x16xf32>
      tpu.vector_store %arg13[%swap3A_154, %swap3A_155], %swap3A_158 {strides = array<i32>} : memref<80x16xf32, #tpu.memory_space<vmem>>, vector<1x16xf32>,
      %scan3A_159 = arith.constant 0 : i32
      scf.yield %scan3A_159 : i32
    }
    %scan3A_82 = arith.constant 80 : i32
    %lt3A_83 = arith.constant 15 : i32
    %lt3A_84 = arith.cmpi slt, %arg1, %lt3A_83 : i32
    %convert_element_type3A_85 = arith.extui %lt3A_84 : i1 to i32
    %cond3A_86 = arith.constant 0 : i32
    %cond3A_87 = arith.cmpi ne, %convert_element_type3A_85, %cond3A_86 : i32
    scf.if %cond3A_87 {
      %mul3A_113 = arith.constant 640 : i32
      %mul3A_114 = arith.muli %arg1, %mul3A_113 : i32
      %add3A_115 = arith.constant 0 : i32
      %add3A_116 = arith.addi %mul3A_114, %add3A_115 : i32
      "tpu.region"() ({
        %run_scoped3A = tpu.sem_alloc : memref<!tpu.dma_semaphore, #tpu.memory_space<semaphore_mem>>
        %dma_start3A = arith.constant 0 : i32
        %dma_start3A_145 = tpu.memref_slice %arg17[%add3A_116, %dma_start3A] : memref<10000x128xf32, #tpu.memory_space<vmem_shared>> -> memref<80x128xf32, #tpu.memory_space<vmem_shared>>
        %dma_start3A_146 = arith.constant 0 : i32
        %dma_start3A_147 = tpu.memref_slice %arg17[%add3A_116, %dma_start3A_146] : memref<10000x128xf32, #tpu.memory_space<vmem_shared>> -> memref<80x128xf32, #tpu.memory_space<vmem_shared>>
        tpu.enqueue_dma source(%arg15 : memref<80x128xf32, #tpu.memory_space<vmem>>) target(%dma_start3A_147 : memref<80x128xf32, #tpu.memory_space<vmem_shared>>) target_semaphore(%run_scoped3A : memref<!tpu.dma_semaphore, #tpu.memory_space<semaphore_mem>>)
        %dma_wait3A = arith.constant 0 : i32
        %dma_wait3A_148 = tpu.memref_slice %arg17[%add3A_116, %dma_wait3A] : memref<10000x128xf32, #tpu.memory_space<vmem_shared>> -> memref<80x128xf32, #tpu.memory_space<vmem_shared>>
        %dma_wait3A_149 = arith.constant 0 : i32
        %dma_wait3A_150 = tpu.memref_slice %arg17[%add3A_116, %dma_wait3A_149] : memref<10000x128xf32, #tpu.memory_space<vmem_shared>> -> memref<80x128xf32, #tpu.memory_space<vmem_shared>>
        tpu.wait_dma2 semaphore(%run_scoped3A : memref<!tpu.dma_semaphore, #tpu.memory_space<semaphore_mem>>) src(%arg15 : memref<80x128xf32, #tpu.memory_space<vmem>>) dst(%dma_wait3A_150 : memref<80x128xf32, #tpu.memory_space<vmem_shared>>)
        tpu.yield
      }) : () -> ()
      %mul3A_117 = arith.constant 640 : i32
      %mul3A_118 = arith.muli %arg1, %mul3A_117 : i32
      %add3A_119 = arith.constant 80 : i32
      %add3A_120 = arith.addi %mul3A_118, %add3A_119 : i32
      "tpu.region"() ({
        %run_scoped3A = tpu.sem_alloc : memref<!tpu.dma_semaphore, #tpu.memory_space<semaphore_mem>>
        %dma_start3A = arith.constant 0 : i32
        %dma_start3A_145 = tpu.memref_slice %arg17[%add3A_120, %dma_start3A] : memref<10000x128xf32, #tpu.memory_space<vmem_shared>> -> memref<80x128xf32, #tpu.memory_space<vmem_shared>>
        %dma_start3A_146 = arith.constant 0 : i32
        %dma_start3A_147 = tpu.memref_slice %arg17[%add3A_120, %dma_start3A_146] : memref<10000x128xf32, #tpu.memory_space<vmem_shared>> -> memref<80x128xf32, #tpu.memory_space<vmem_shared>>
        tpu.enqueue_dma source(%arg15 : memref<80x128xf32, #tpu.memory_space<vmem>>) target(%dma_start3A_147 : memref<80x128xf32, #tpu.memory_space<vmem_shared>>) target_semaphore(%run_scoped3A : memref<!tpu.dma_semaphore, #tpu.memory_space<semaphore_mem>>)
        %dma_wait3A = arith.constant 0 : i32
        %dma_wait3A_148 = tpu.memref_slice %arg17[%add3A_120, %dma_wait3A] : memref<10000x128xf32, #tpu.memory_space<vmem_shared>> -> memref<80x128xf32, #tpu.memory_space<vmem_shared>>
        %dma_wait3A_149 = arith.constant 0 : i32
        %dma_wait3A_150 = tpu.memref_slice %arg17[%add3A_120, %dma_wait3A_149] : memref<10000x128xf32, #tpu.memory_space<vmem_shared>> -> memref<80x128xf32, #tpu.memory_space<vmem_shared>>
        tpu.wait_dma2 semaphore(%run_scoped3A : memref<!tpu.dma_semaphore, #tpu.memory_space<semaphore_mem>>) src(%arg15 : memref<80x128xf32, #tpu.memory_space<vmem>>) dst(%dma_wait3A_150 : memref<80x128xf32, #tpu.memory_space<vmem_shared>>)
        tpu.yield
      }) : () -> ()
      %mul3A_121 = arith.constant 640 : i32
      %mul3A_122 = arith.muli %arg1, %mul3A_121 : i32
      %add3A_123 = arith.constant 160 : i32
      %add3A_124 = arith.addi %mul3A_122, %add3A_123 : i32
      "tpu.region"() ({
        %run_scoped3A = tpu.sem_alloc : memref<!tpu.dma_semaphore, #tpu.memory_space<semaphore_mem>>
        %dma_start3A = arith.constant 0 : i32
        %dma_start3A_145 = tpu.memref_slice %arg17[%add3A_124, %dma_start3A] : memref<10000x128xf32, #tpu.memory_space<vmem_shared>> -> memref<80x128xf32, #tpu.memory_space<vmem_shared>>
        %dma_start3A_146 = arith.constant 0 : i32
        %dma_start3A_147 = tpu.memref_slice %arg17[%add3A_124, %dma_start3A_146] : memref<10000x128xf32, #tpu.memory_space<vmem_shared>> -> memref<80x128xf32, #tpu.memory_space<vmem_shared>>
        tpu.enqueue_dma source(%arg15 : memref<80x128xf32, #tpu.memory_space<vmem>>) target(%dma_start3A_147 : memref<80x128xf32, #tpu.memory_space<vmem_shared>>) target_semaphore(%run_scoped3A : memref<!tpu.dma_semaphore, #tpu.memory_space<semaphore_mem>>)
        %dma_wait3A = arith.constant 0 : i32
        %dma_wait3A_148 = tpu.memref_slice %arg17[%add3A_124, %dma_wait3A] : memref<10000x128xf32, #tpu.memory_space<vmem_shared>> -> memref<80x128xf32, #tpu.memory_space<vmem_shared>>
        %dma_wait3A_149 = arith.constant 0 : i32
        %dma_wait3A_150 = tpu.memref_slice %arg17[%add3A_124, %dma_wait3A_149] : memref<10000x128xf32, #tpu.memory_space<vmem_shared>> -> memref<80x128xf32, #tpu.memory_space<vmem_shared>>
        tpu.wait_dma2 semaphore(%run_scoped3A : memref<!tpu.dma_semaphore, #tpu.memory_space<semaphore_mem>>) src(%arg15 : memref<80x128xf32, #tpu.memory_space<vmem>>) dst(%dma_wait3A_150 : memref<80x128xf32, #tpu.memory_space<vmem_shared>>)
        tpu.yield
      }) : () -> ()
      %mul3A_125 = arith.constant 640 : i32
      %mul3A_126 = arith.muli %arg1, %mul3A_125 : i32
      %add3A_127 = arith.constant 240 : i32
      %add3A_128 = arith.addi %mul3A_126, %add3A_127 : i32
      "tpu.region"() ({
        %run_scoped3A = tpu.sem_alloc : memref<!tpu.dma_semaphore, #tpu.memory_space<semaphore_mem>>
        %dma_start3A = arith.constant 0 : i32
        %dma_start3A_145 = tpu.memref_slice %arg17[%add3A_128, %dma_start3A] : memref<10000x128xf32, #tpu.memory_space<vmem_shared>> -> memref<80x128xf32, #tpu.memory_space<vmem_shared>>
        %dma_start3A_146 = arith.constant 0 : i32
        %dma_start3A_147 = tpu.memref_slice %arg17[%add3A_128, %dma_start3A_146] : memref<10000x128xf32, #tpu.memory_space<vmem_shared>> -> memref<80x128xf32, #tpu.memory_space<vmem_shared>>
        tpu.enqueue_dma source(%arg15 : memref<80x128xf32, #tpu.memory_space<vmem>>) target(%dma_start3A_147 : memref<80x128xf32, #tpu.memory_space<vmem_shared>>) target_semaphore(%run_scoped3A : memref<!tpu.dma_semaphore, #tpu.memory_space<semaphore_mem>>)
        %dma_wait3A = arith.constant 0 : i32
        %dma_wait3A_148 = tpu.memref_slice %arg17[%add3A_128, %dma_wait3A] : memref<10000x128xf32, #tpu.memory_space<vmem_shared>> -> memref<80x128xf32, #tpu.memory_space<vmem_shared>>
        %dma_wait3A_149 = arith.constant 0 : i32
        %dma_wait3A_150 = tpu.memref_slice %arg17[%add3A_128, %dma_wait3A_149] : memref<10000x128xf32, #tpu.memory_space<vmem_shared>> -> memref<80x128xf32, #tpu.memory_space<vmem_shared>>
        tpu.wait_dma2 semaphore(%run_scoped3A : memref<!tpu.dma_semaphore, #tpu.memory_space<semaphore_mem>>) src(%arg15 : memref<80x128xf32, #tpu.memory_space<vmem>>) dst(%dma_wait3A_150 : memref<80x128xf32, #tpu.memory_space<vmem_shared>>)
        tpu.yield
      }) : () -> ()
      %mul3A_129 = arith.constant 640 : i32
      %mul3A_130 = arith.muli %arg1, %mul3A_129 : i32
      %add3A_131 = arith.constant 320 : i32
      %add3A_132 = arith.addi %mul3A_130, %add3A_131 : i32
      "tpu.region"() ({
        %run_scoped3A = tpu.sem_alloc : memref<!tpu.dma_semaphore, #tpu.memory_space<semaphore_mem>>
        %dma_start3A = arith.constant 0 : i32
        %dma_start3A_145 = tpu.memref_slice %arg17[%add3A_132, %dma_start3A] : memref<10000x128xf32, #tpu.memory_space<vmem_shared>> -> memref<80x128xf32, #tpu.memory_space<vmem_shared>>
        %dma_start3A_146 = arith.constant 0 : i32
        %dma_start3A_147 = tpu.memref_slice %arg17[%add3A_132, %dma_start3A_146] : memref<10000x128xf32, #tpu.memory_space<vmem_shared>> -> memref<80x128xf32, #tpu.memory_space<vmem_shared>>
        tpu.enqueue_dma source(%arg15 : memref<80x128xf32, #tpu.memory_space<vmem>>) target(%dma_start3A_147 : memref<80x128xf32, #tpu.memory_space<vmem_shared>>) target_semaphore(%run_scoped3A : memref<!tpu.dma_semaphore, #tpu.memory_space<semaphore_mem>>)
        %dma_wait3A = arith.constant 0 : i32
        %dma_wait3A_148 = tpu.memref_slice %arg17[%add3A_132, %dma_wait3A] : memref<10000x128xf32, #tpu.memory_space<vmem_shared>> -> memref<80x128xf32, #tpu.memory_space<vmem_shared>>
        %dma_wait3A_149 = arith.constant 0 : i32
        %dma_wait3A_150 = tpu.memref_slice %arg17[%add3A_132, %dma_wait3A_149] : memref<10000x128xf32, #tpu.memory_space<vmem_shared>> -> memref<80x128xf32, #tpu.memory_space<vmem_shared>>
        tpu.wait_dma2 semaphore(%run_scoped3A : memref<!tpu.dma_semaphore, #tpu.memory_space<semaphore_mem>>) src(%arg15 : memref<80x128xf32, #tpu.memory_space<vmem>>) dst(%dma_wait3A_150 : memref<80x128xf32, #tpu.memory_space<vmem_shared>>)
        tpu.yield
      }) : () -> ()
      %mul3A_133 = arith.constant 640 : i32
      %mul3A_134 = arith.muli %arg1, %mul3A_133 : i32
      %add3A_135 = arith.constant 400 : i32
      %add3A_136 = arith.addi %mul3A_134, %add3A_135 : i32
      "tpu.region"() ({
        %run_scoped3A = tpu.sem_alloc : memref<!tpu.dma_semaphore, #tpu.memory_space<semaphore_mem>>
        %dma_start3A = arith.constant 0 : i32
        %dma_start3A_145 = tpu.memref_slice %arg17[%add3A_136, %dma_start3A] : memref<10000x128xf32, #tpu.memory_space<vmem_shared>> -> memref<80x128xf32, #tpu.memory_space<vmem_shared>>
        %dma_start3A_146 = arith.constant 0 : i32
        %dma_start3A_147 = tpu.memref_slice %arg17[%add3A_136, %dma_start3A_146] : memref<10000x128xf32, #tpu.memory_space<vmem_shared>> -> memref<80x128xf32, #tpu.memory_space<vmem_shared>>
        tpu.enqueue_dma source(%arg15 : memref<80x128xf32, #tpu.memory_space<vmem>>) target(%dma_start3A_147 : memref<80x128xf32, #tpu.memory_space<vmem_shared>>) target_semaphore(%run_scoped3A : memref<!tpu.dma_semaphore, #tpu.memory_space<semaphore_mem>>)
        %dma_wait3A = arith.constant 0 : i32
        %dma_wait3A_148 = tpu.memref_slice %arg17[%add3A_136, %dma_wait3A] : memref<10000x128xf32, #tpu.memory_space<vmem_shared>> -> memref<80x128xf32, #tpu.memory_space<vmem_shared>>
        %dma_wait3A_149 = arith.constant 0 : i32
        %dma_wait3A_150 = tpu.memref_slice %arg17[%add3A_136, %dma_wait3A_149] : memref<10000x128xf32, #tpu.memory_space<vmem_shared>> -> memref<80x128xf32, #tpu.memory_space<vmem_shared>>
        tpu.wait_dma2 semaphore(%run_scoped3A : memref<!tpu.dma_semaphore, #tpu.memory_space<semaphore_mem>>) src(%arg15 : memref<80x128xf32, #tpu.memory_space<vmem>>) dst(%dma_wait3A_150 : memref<80x128xf32, #tpu.memory_space<vmem_shared>>)
        tpu.yield
      }) : () -> ()
      %mul3A_137 = arith.constant 640 : i32
      %mul3A_138 = arith.muli %arg1, %mul3A_137 : i32
      %add3A_139 = arith.constant 480 : i32
      %add3A_140 = arith.addi %mul3A_138, %add3A_139 : i32
      "tpu.region"() ({
        %run_scoped3A = tpu.sem_alloc : memref<!tpu.dma_semaphore, #tpu.memory_space<semaphore_mem>>
        %dma_start3A = arith.constant 0 : i32
        %dma_start3A_145 = tpu.memref_slice %arg17[%add3A_140, %dma_start3A] : memref<10000x128xf32, #tpu.memory_space<vmem_shared>> -> memref<80x128xf32, #tpu.memory_space<vmem_shared>>
        %dma_start3A_146 = arith.constant 0 : i32
        %dma_start3A_147 = tpu.memref_slice %arg17[%add3A_140, %dma_start3A_146] : memref<10000x128xf32, #tpu.memory_space<vmem_shared>> -> memref<80x128xf32, #tpu.memory_space<vmem_shared>>
        tpu.enqueue_dma source(%arg15 : memref<80x128xf32, #tpu.memory_space<vmem>>) target(%dma_start3A_147 : memref<80x128xf32, #tpu.memory_space<vmem_shared>>) target_semaphore(%run_scoped3A : memref<!tpu.dma_semaphore, #tpu.memory_space<semaphore_mem>>)
        %dma_wait3A = arith.constant 0 : i32
        %dma_wait3A_148 = tpu.memref_slice %arg17[%add3A_140, %dma_wait3A] : memref<10000x128xf32, #tpu.memory_space<vmem_shared>> -> memref<80x128xf32, #tpu.memory_space<vmem_shared>>
        %dma_wait3A_149 = arith.constant 0 : i32
        %dma_wait3A_150 = tpu.memref_slice %arg17[%add3A_140, %dma_wait3A_149] : memref<10000x128xf32, #tpu.memory_space<vmem_shared>> -> memref<80x128xf32, #tpu.memory_space<vmem_shared>>
        tpu.wait_dma2 semaphore(%run_scoped3A : memref<!tpu.dma_semaphore, #tpu.memory_space<semaphore_mem>>) src(%arg15 : memref<80x128xf32, #tpu.memory_space<vmem>>) dst(%dma_wait3A_150 : memref<80x128xf32, #tpu.memory_space<vmem_shared>>)
        tpu.yield
      }) : () -> ()
      %mul3A_141 = arith.constant 640 : i32
      %mul3A_142 = arith.muli %arg1, %mul3A_141 : i32
      %add3A_143 = arith.constant 560 : i32
      %add3A_144 = arith.addi %mul3A_142, %add3A_143 : i32
      "tpu.region"() ({
        %run_scoped3A = tpu.sem_alloc : memref<!tpu.dma_semaphore, #tpu.memory_space<semaphore_mem>>
        %dma_start3A = arith.constant 0 : i32
        %dma_start3A_145 = tpu.memref_slice %arg17[%add3A_144, %dma_start3A] : memref<10000x128xf32, #tpu.memory_space<vmem_shared>> -> memref<80x128xf32, #tpu.memory_space<vmem_shared>>
        %dma_start3A_146 = arith.constant 0 : i32
        %dma_start3A_147 = tpu.memref_slice %arg17[%add3A_144, %dma_start3A_146] : memref<10000x128xf32, #tpu.memory_space<vmem_shared>> -> memref<80x128xf32, #tpu.memory_space<vmem_shared>>
        tpu.enqueue_dma source(%arg15 : memref<80x128xf32, #tpu.memory_space<vmem>>) target(%dma_start3A_147 : memref<80x128xf32, #tpu.memory_space<vmem_shared>>) target_semaphore(%run_scoped3A : memref<!tpu.dma_semaphore, #tpu.memory_space<semaphore_mem>>)
        %dma_wait3A = arith.constant 0 : i32
        %dma_wait3A_148 = tpu.memref_slice %arg17[%add3A_144, %dma_wait3A] : memref<10000x128xf32, #tpu.memory_space<vmem_shared>> -> memref<80x128xf32, #tpu.memory_space<vmem_shared>>
        %dma_wait3A_149 = arith.constant 0 : i32
        %dma_wait3A_150 = tpu.memref_slice %arg17[%add3A_144, %dma_wait3A_149] : memref<10000x128xf32, #tpu.memory_space<vmem_shared>> -> memref<80x128xf32, #tpu.memory_space<vmem_shared>>
        tpu.wait_dma2 semaphore(%run_scoped3A : memref<!tpu.dma_semaphore, #tpu.memory_space<semaphore_mem>>) src(%arg15 : memref<80x128xf32, #tpu.memory_space<vmem>>) dst(%dma_wait3A_150 : memref<80x128xf32, #tpu.memory_space<vmem_shared>>)
        tpu.yield
      }) : () -> ()
    } else {
    }
    %eq3A_88 = arith.constant 15 : i32
    %eq3A_89 = arith.cmpi eq, %arg1, %eq3A_88 : i32
    %convert_element_type3A_90 = arith.extui %eq3A_89 : i1 to i32
    %cond3A_91 = arith.constant 0 : i32
    %cond3A_92 = arith.cmpi ne, %convert_element_type3A_90, %cond3A_91 : i32
    scf.if %cond3A_92 {
      "tpu.region"() ({
        %run_scoped3A = tpu.sem_alloc : memref<!tpu.dma_semaphore, #tpu.memory_space<semaphore_mem>>
        %dma_start3A = arith.constant 9600 : i32
        %dma_start3A_113 = arith.constant 0 : i32
        %dma_start3A_114 = tpu.memref_slice %arg17[%dma_start3A, %dma_start3A_113] : memref<10000x128xf32, #tpu.memory_space<vmem_shared>> -> memref<80x128xf32, #tpu.memory_space<vmem_shared>>
        %dma_start3A_115 = arith.constant 9600 : i32
        %dma_start3A_116 = arith.constant 0 : i32
        %dma_start3A_117 = tpu.memref_slice %arg17[%dma_start3A_115, %dma_start3A_116] : memref<10000x128xf32, #tpu.memory_space<vmem_shared>> -> memref<80x128xf32, #tpu.memory_space<vmem_shared>>
        tpu.enqueue_dma source(%arg15 : memref<80x128xf32, #tpu.memory_space<vmem>>) target(%dma_start3A_117 : memref<80x128xf32, #tpu.memory_space<vmem_shared>>) target_semaphore(%run_scoped3A : memref<!tpu.dma_semaphore, #tpu.memory_space<semaphore_mem>>)
        %dma_wait3A = arith.constant 9600 : i32
        %dma_wait3A_118 = arith.constant 0 : i32
        %dma_wait3A_119 = tpu.memref_slice %arg17[%dma_wait3A, %dma_wait3A_118] : memref<10000x128xf32, #tpu.memory_space<vmem_shared>> -> memref<80x128xf32, #tpu.memory_space<vmem_shared>>
        %dma_wait3A_120 = arith.constant 9600 : i32
        %dma_wait3A_121 = arith.constant 0 : i32
        %dma_wait3A_122 = tpu.memref_slice %arg17[%dma_wait3A_120, %dma_wait3A_121] : memref<10000x128xf32, #tpu.memory_space<vmem_shared>> -> memref<80x128xf32, #tpu.memory_space<vmem_shared>>
        tpu.wait_dma2 semaphore(%run_scoped3A : memref<!tpu.dma_semaphore, #tpu.memory_space<semaphore_mem>>) src(%arg15 : memref<80x128xf32, #tpu.memory_space<vmem>>) dst(%dma_wait3A_122 : memref<80x128xf32, #tpu.memory_space<vmem_shared>>)
        tpu.yield
      }) : () -> ()
      "tpu.region"() ({
        %run_scoped3A = tpu.sem_alloc : memref<!tpu.dma_semaphore, #tpu.memory_space<semaphore_mem>>
        %dma_start3A = arith.constant 9680 : i32
        %dma_start3A_113 = arith.constant 0 : i32
        %dma_start3A_114 = tpu.memref_slice %arg17[%dma_start3A, %dma_start3A_113] : memref<10000x128xf32, #tpu.memory_space<vmem_shared>> -> memref<80x128xf32, #tpu.memory_space<vmem_shared>>
        %dma_start3A_115 = arith.constant 9680 : i32
        %dma_start3A_116 = arith.constant 0 : i32
        %dma_start3A_117 = tpu.memref_slice %arg17[%dma_start3A_115, %dma_start3A_116] : memref<10000x128xf32, #tpu.memory_space<vmem_shared>> -> memref<80x128xf32, #tpu.memory_space<vmem_shared>>
        tpu.enqueue_dma source(%arg15 : memref<80x128xf32, #tpu.memory_space<vmem>>) target(%dma_start3A_117 : memref<80x128xf32, #tpu.memory_space<vmem_shared>>) target_semaphore(%run_scoped3A : memref<!tpu.dma_semaphore, #tpu.memory_space<semaphore_mem>>)
        %dma_wait3A = arith.constant 9680 : i32
        %dma_wait3A_118 = arith.constant 0 : i32
        %dma_wait3A_119 = tpu.memref_slice %arg17[%dma_wait3A, %dma_wait3A_118] : memref<10000x128xf32, #tpu.memory_space<vmem_shared>> -> memref<80x128xf32, #tpu.memory_space<vmem_shared>>
        %dma_wait3A_120 = arith.constant 9680 : i32
        %dma_wait3A_121 = arith.constant 0 : i32
        %dma_wait3A_122 = tpu.memref_slice %arg17[%dma_wait3A_120, %dma_wait3A_121] : memref<10000x128xf32, #tpu.memory_space<vmem_shared>> -> memref<80x128xf32, #tpu.memory_space<vmem_shared>>
        tpu.wait_dma2 semaphore(%run_scoped3A : memref<!tpu.dma_semaphore, #tpu.memory_space<semaphore_mem>>) src(%arg15 : memref<80x128xf32, #tpu.memory_space<vmem>>) dst(%dma_wait3A_122 : memref<80x128xf32, #tpu.memory_space<vmem_shared>>)
        tpu.yield
      }) : () -> ()
      "tpu.region"() ({
        %run_scoped3A = tpu.sem_alloc : memref<!tpu.dma_semaphore, #tpu.memory_space<semaphore_mem>>
        %dma_start3A = arith.constant 9760 : i32
        %dma_start3A_113 = arith.constant 0 : i32
        %dma_start3A_114 = tpu.memref_slice %arg17[%dma_start3A, %dma_start3A_113] : memref<10000x128xf32, #tpu.memory_space<vmem_shared>> -> memref<80x128xf32, #tpu.memory_space<vmem_shared>>
        %dma_start3A_115 = arith.constant 9760 : i32
        %dma_start3A_116 = arith.constant 0 : i32
        %dma_start3A_117 = tpu.memref_slice %arg17[%dma_start3A_115, %dma_start3A_116] : memref<10000x128xf32, #tpu.memory_space<vmem_shared>> -> memref<80x128xf32, #tpu.memory_space<vmem_shared>>
        tpu.enqueue_dma source(%arg15 : memref<80x128xf32, #tpu.memory_space<vmem>>) target(%dma_start3A_117 : memref<80x128xf32, #tpu.memory_space<vmem_shared>>) target_semaphore(%run_scoped3A : memref<!tpu.dma_semaphore, #tpu.memory_space<semaphore_mem>>)
        %dma_wait3A = arith.constant 9760 : i32
        %dma_wait3A_118 = arith.constant 0 : i32
        %dma_wait3A_119 = tpu.memref_slice %arg17[%dma_wait3A, %dma_wait3A_118] : memref<10000x128xf32, #tpu.memory_space<vmem_shared>> -> memref<80x128xf32, #tpu.memory_space<vmem_shared>>
        %dma_wait3A_120 = arith.constant 9760 : i32
        %dma_wait3A_121 = arith.constant 0 : i32
        %dma_wait3A_122 = tpu.memref_slice %arg17[%dma_wait3A_120, %dma_wait3A_121] : memref<10000x128xf32, #tpu.memory_space<vmem_shared>> -> memref<80x128xf32, #tpu.memory_space<vmem_shared>>
        tpu.wait_dma2 semaphore(%run_scoped3A : memref<!tpu.dma_semaphore, #tpu.memory_space<semaphore_mem>>) src(%arg15 : memref<80x128xf32, #tpu.memory_space<vmem>>) dst(%dma_wait3A_122 : memref<80x128xf32, #tpu.memory_space<vmem_shared>>)
        tpu.yield
      }) : () -> ()
      "tpu.region"() ({
        %run_scoped3A = tpu.sem_alloc : memref<!tpu.dma_semaphore, #tpu.memory_space<semaphore_mem>>
        %dma_start3A = arith.constant 9840 : i32
        %dma_start3A_113 = arith.constant 0 : i32
        %dma_start3A_114 = tpu.memref_slice %arg17[%dma_start3A, %dma_start3A_113] : memref<10000x128xf32, #tpu.memory_space<vmem_shared>> -> memref<80x128xf32, #tpu.memory_space<vmem_shared>>
        %dma_start3A_115 = arith.constant 9840 : i32
        %dma_start3A_116 = arith.constant 0 : i32
        %dma_start3A_117 = tpu.memref_slice %arg17[%dma_start3A_115, %dma_start3A_116] : memref<10000x128xf32, #tpu.memory_space<vmem_shared>> -> memref<80x128xf32, #tpu.memory_space<vmem_shared>>
        tpu.enqueue_dma source(%arg15 : memref<80x128xf32, #tpu.memory_space<vmem>>) target(%dma_start3A_117 : memref<80x128xf32, #tpu.memory_space<vmem_shared>>) target_semaphore(%run_scoped3A : memref<!tpu.dma_semaphore, #tpu.memory_space<semaphore_mem>>)
        %dma_wait3A = arith.constant 9840 : i32
        %dma_wait3A_118 = arith.constant 0 : i32
        %dma_wait3A_119 = tpu.memref_slice %arg17[%dma_wait3A, %dma_wait3A_118] : memref<10000x128xf32, #tpu.memory_space<vmem_shared>> -> memref<80x128xf32, #tpu.memory_space<vmem_shared>>
        %dma_wait3A_120 = arith.constant 9840 : i32
        %dma_wait3A_121 = arith.constant 0 : i32
        %dma_wait3A_122 = tpu.memref_slice %arg17[%dma_wait3A_120, %dma_wait3A_121] : memref<10000x128xf32, #tpu.memory_space<vmem_shared>> -> memref<80x128xf32, #tpu.memory_space<vmem_shared>>
        tpu.wait_dma2 semaphore(%run_scoped3A : memref<!tpu.dma_semaphore, #tpu.memory_space<semaphore_mem>>) src(%arg15 : memref<80x128xf32, #tpu.memory_space<vmem>>) dst(%dma_wait3A_122 : memref<80x128xf32, #tpu.memory_space<vmem_shared>>)
        tpu.yield
      }) : () -> ()
      "tpu.region"() ({
        %run_scoped3A = tpu.sem_alloc : memref<!tpu.dma_semaphore, #tpu.memory_space<semaphore_mem>>
        %dma_start3A = arith.constant 9920 : i32
        %dma_start3A_113 = arith.constant 0 : i32
        %dma_start3A_114 = tpu.memref_slice %arg17[%dma_start3A, %dma_start3A_113] : memref<10000x128xf32, #tpu.memory_space<vmem_shared>> -> memref<80x128xf32, #tpu.memory_space<vmem_shared>>
        %dma_start3A_115 = arith.constant 9920 : i32
        %dma_start3A_116 = arith.constant 0 : i32
        %dma_start3A_117 = tpu.memref_slice %arg17[%dma_start3A_115, %dma_start3A_116] : memref<10000x128xf32, #tpu.memory_space<vmem_shared>> -> memref<80x128xf32, #tpu.memory_space<vmem_shared>>
        tpu.enqueue_dma source(%arg15 : memref<80x128xf32, #tpu.memory_space<vmem>>) target(%dma_start3A_117 : memref<80x128xf32, #tpu.memory_space<vmem_shared>>) target_semaphore(%run_scoped3A : memref<!tpu.dma_semaphore, #tpu.memory_space<semaphore_mem>>)
        %dma_wait3A = arith.constant 9920 : i32
        %dma_wait3A_118 = arith.constant 0 : i32
        %dma_wait3A_119 = tpu.memref_slice %arg17[%dma_wait3A, %dma_wait3A_118] : memref<10000x128xf32, #tpu.memory_space<vmem_shared>> -> memref<80x128xf32, #tpu.memory_space<vmem_shared>>
        %dma_wait3A_120 = arith.constant 9920 : i32
        %dma_wait3A_121 = arith.constant 0 : i32
        %dma_wait3A_122 = tpu.memref_slice %arg17[%dma_wait3A_120, %dma_wait3A_121] : memref<10000x128xf32, #tpu.memory_space<vmem_shared>> -> memref<80x128xf32, #tpu.memory_space<vmem_shared>>
        tpu.wait_dma2 semaphore(%run_scoped3A : memref<!tpu.dma_semaphore, #tpu.memory_space<semaphore_mem>>) src(%arg15 : memref<80x128xf32, #tpu.memory_space<vmem>>) dst(%dma_wait3A_122 : memref<80x128xf32, #tpu.memory_space<vmem_shared>>)
        tpu.yield
      }) : () -> ()
    } else {
    }
    "tpu.region"() ({
      %run_scoped3A = tpu.sem_alloc : memref<!tpu.dma_semaphore, #tpu.memory_space<semaphore_mem>>
      %dma_start3A = arith.constant 32 : i32
      %dma_start3A_113 = tpu.memref_slice %arg5[%dma_start3A] : memref<48xf32, #tpu.memory_space<hbm>> -> memref<16xf32, #tpu.memory_space<hbm>>
      %dma_start3A_114 = arith.constant 32 : i32
      %dma_start3A_115 = tpu.memref_slice %arg5[%dma_start3A_114] : memref<48xf32, #tpu.memory_space<hbm>> -> memref<16xf32, #tpu.memory_space<hbm>>
      tpu.enqueue_dma source(%dma_start3A_115 : memref<16xf32, #tpu.memory_space<hbm>>) target(%arg16 : memref<16xf32, #tpu.memory_space<vmem>>) target_semaphore(%run_scoped3A : memref<!tpu.dma_semaphore, #tpu.memory_space<semaphore_mem>>)
      %dma_wait3A = arith.constant 32 : i32
      %dma_wait3A_116 = tpu.memref_slice %arg5[%dma_wait3A] : memref<48xf32, #tpu.memory_space<hbm>> -> memref<16xf32, #tpu.memory_space<hbm>>
      %dma_wait3A_117 = arith.constant 32 : i32
      %dma_wait3A_118 = tpu.memref_slice %arg5[%dma_wait3A_117] : memref<48xf32, #tpu.memory_space<hbm>> -> memref<16xf32, #tpu.memory_space<hbm>>
      tpu.wait_dma2 semaphore(%run_scoped3A : memref<!tpu.dma_semaphore, #tpu.memory_space<semaphore_mem>>) src(%dma_wait3A_118 : memref<16xf32, #tpu.memory_space<hbm>>) dst(%arg16 : memref<16xf32, #tpu.memory_space<vmem>>)
      tpu.yield
    }) : () -> ()
    %barrier3A_93 = arith.constant 0 : index
    tpu.barrier barrier_id(%barrier3A_93)
    %scan3A_94 = arith.constant 0 : i32
    %scan3A_95 = arith.constant 0 : i32
    %scan3A_96 = arith.constant 125 : i32
    %scan3A_97 = arith.addi %scan3A_95, %scan3A_96 : i32
    %scan3A_98 = arith.constant 1 : i32
    %scan3A_99 = scf.for %scan3A_113 = %scan3A_95 to %scan3A_97 step %scan3A_98 iter_args(%scan3A_114 = %scan3A_94) -> (i32)  : i32 {
      %mul3A_115 = arith.constant 10000 : i32
      %mul3A_116 = arith.muli %add3A, %mul3A_115 : i32
      %mul3A_117 = arith.constant 80 : i32
      %mul3A_118 = arith.muli %scan3A_113, %mul3A_117 : i32
      %add3A_119 = arith.addi %mul3A_116, %mul3A_118 : i32
      %add3A_120 = arith.constant 1280000 : i32
      %add3A_121 = arith.addi %add3A_120, %add3A_119 : i32
      "tpu.region"() ({
        %run_scoped3A = tpu.sem_alloc : memref<!tpu.dma_semaphore, #tpu.memory_space<semaphore_mem>>
        %dma_start3A_266 = tpu.memref_slice %arg2[%add3A_121] : memref<1920000xi32, #tpu.memory_space<hbm>> -> memref<80xi32, #tpu.memory_space<hbm>>
        %dma_start3A_267 = tpu.memref_slice %arg2[%add3A_121] : memref<1920000xi32, #tpu.memory_space<hbm>> -> memref<80xi32, #tpu.memory_space<hbm>>
        tpu.enqueue_dma source(%dma_start3A_267 : memref<80xi32, #tpu.memory_space<hbm>>) target(%arg8 : memref<80xi32, #tpu.memory_space<vmem>>) target_semaphore(%run_scoped3A : memref<!tpu.dma_semaphore, #tpu.memory_space<semaphore_mem>>)
        %dma_wait3A_268 = tpu.memref_slice %arg2[%add3A_121] : memref<1920000xi32, #tpu.memory_space<hbm>> -> memref<80xi32, #tpu.memory_space<hbm>>
        %dma_wait3A_269 = tpu.memref_slice %arg2[%add3A_121] : memref<1920000xi32, #tpu.memory_space<hbm>> -> memref<80xi32, #tpu.memory_space<hbm>>
        tpu.wait_dma2 semaphore(%run_scoped3A : memref<!tpu.dma_semaphore, #tpu.memory_space<semaphore_mem>>) src(%dma_wait3A_269 : memref<80xi32, #tpu.memory_space<hbm>>) dst(%arg8 : memref<80xi32, #tpu.memory_space<vmem>>)
        tpu.yield
      }) : () -> ()
      %add3A_122 = arith.constant 320000 : i32
      %add3A_123 = arith.addi %add3A_121, %add3A_122 : i32
      "tpu.region"() ({
        %run_scoped3A = tpu.sem_alloc : memref<!tpu.dma_semaphore, #tpu.memory_space<semaphore_mem>>
        %dma_start3A_266 = tpu.memref_slice %arg2[%add3A_123] : memref<1920000xi32, #tpu.memory_space<hbm>> -> memref<80xi32, #tpu.memory_space<hbm>>
        %dma_start3A_267 = tpu.memref_slice %arg2[%add3A_123] : memref<1920000xi32, #tpu.memory_space<hbm>> -> memref<80xi32, #tpu.memory_space<hbm>>
        tpu.enqueue_dma source(%dma_start3A_267 : memref<80xi32, #tpu.memory_space<hbm>>) target(%arg9 : memref<80xi32, #tpu.memory_space<vmem>>) target_semaphore(%run_scoped3A : memref<!tpu.dma_semaphore, #tpu.memory_space<semaphore_mem>>)
        %dma_wait3A_268 = tpu.memref_slice %arg2[%add3A_123] : memref<1920000xi32, #tpu.memory_space<hbm>> -> memref<80xi32, #tpu.memory_space<hbm>>
        %dma_wait3A_269 = tpu.memref_slice %arg2[%add3A_123] : memref<1920000xi32, #tpu.memory_space<hbm>> -> memref<80xi32, #tpu.memory_space<hbm>>
        tpu.wait_dma2 semaphore(%run_scoped3A : memref<!tpu.dma_semaphore, #tpu.memory_space<semaphore_mem>>) src(%dma_wait3A_269 : memref<80xi32, #tpu.memory_space<hbm>>) dst(%arg9 : memref<80xi32, #tpu.memory_space<vmem>>)
        tpu.yield
      }) : () -> ()
      %get3A = arith.constant 0 : index
      %get3A_124 = tpu.vector_load %arg8[%get3A] {strides = array<i32>} : memref<80xi32, #tpu.memory_space<vmem>>, vector<16xi32>,
      %get3A_125 = vector.shape_cast %get3A_124 : vector<16xi32> to vector<16xi32>
      %add3A_126 = arith.constant 20000 : i32
      %add3A_127 = vector.broadcast %add3A_126 : i32 to vector<16xi32>
      %add3A_128 = arith.addi %get3A_125, %add3A_127 : vector<16xi32>
      %swap3A = arith.constant 0 : index
      %swap3A_129 = tpu.vector_load %arg8[%swap3A] {strides = array<i32>} : memref<80xi32, #tpu.memory_space<vmem>>, vector<16xi32>,
      %swap3A_130 = vector.shape_cast %swap3A_129 : vector<16xi32> to vector<16xi32>
      %swap3A_131 = vector.shape_cast %add3A_128 : vector<16xi32> to vector<16xi32>
      tpu.vector_store %arg8[%swap3A], %swap3A_131 {strides = array<i32>} : memref<80xi32, #tpu.memory_space<vmem>>, vector<16xi32>,
      %get3A_132 = arith.constant 0 : index
      %get3A_133 = tpu.vector_load %arg9[%get3A_132] {strides = array<i32>} : memref<80xi32, #tpu.memory_space<vmem>>, vector<16xi32>,
      %get3A_134 = vector.shape_cast %get3A_133 : vector<16xi32> to vector<16xi32>
      %add3A_135 = arith.constant 20000 : i32
      %add3A_136 = vector.broadcast %add3A_135 : i32 to vector<16xi32>
      %add3A_137 = arith.addi %get3A_134, %add3A_136 : vector<16xi32>
      %swap3A_138 = arith.constant 0 : index
      %swap3A_139 = tpu.vector_load %arg10[%swap3A_138] {strides = array<i32>} : memref<80xi32, #tpu.memory_space<vmem>>, vector<16xi32>,
      %swap3A_140 = vector.shape_cast %swap3A_139 : vector<16xi32> to vector<16xi32>
      %swap3A_141 = vector.shape_cast %add3A_137 : vector<16xi32> to vector<16xi32>
      tpu.vector_store %arg10[%swap3A_138], %swap3A_141 {strides = array<i32>} : memref<80xi32, #tpu.memory_space<vmem>>, vector<16xi32>,
      %get3A_142 = arith.constant 16 : index
      %get3A_143 = tpu.vector_load %arg8[%get3A_142] {strides = array<i32>} : memref<80xi32, #tpu.memory_space<vmem>>, vector<16xi32>,
      %get3A_144 = vector.shape_cast %get3A_143 : vector<16xi32> to vector<16xi32>
      %add3A_145 = arith.constant 20000 : i32
      %add3A_146 = vector.broadcast %add3A_145 : i32 to vector<16xi32>
      %add3A_147 = arith.addi %get3A_144, %add3A_146 : vector<16xi32>
      %swap3A_148 = arith.constant 16 : index
      %swap3A_149 = tpu.vector_load %arg8[%swap3A_148] {strides = array<i32>} : memref<80xi32, #tpu.memory_space<vmem>>, vector<16xi32>,
      %swap3A_150 = vector.shape_cast %swap3A_149 : vector<16xi32> to vector<16xi32>
      %swap3A_151 = vector.shape_cast %add3A_147 : vector<16xi32> to vector<16xi32>
      tpu.vector_store %arg8[%swap3A_148], %swap3A_151 {strides = array<i32>} : memref<80xi32, #tpu.memory_space<vmem>>, vector<16xi32>,
      %get3A_152 = arith.constant 16 : index
      %get3A_153 = tpu.vector_load %arg9[%get3A_152] {strides = array<i32>} : memref<80xi32, #tpu.memory_space<vmem>>, vector<16xi32>,
      %get3A_154 = vector.shape_cast %get3A_153 : vector<16xi32> to vector<16xi32>
      %add3A_155 = arith.constant 20000 : i32
      %add3A_156 = vector.broadcast %add3A_155 : i32 to vector<16xi32>
      %add3A_157 = arith.addi %get3A_154, %add3A_156 : vector<16xi32>
      %swap3A_158 = arith.constant 16 : index
      %swap3A_159 = tpu.vector_load %arg10[%swap3A_158] {strides = array<i32>} : memref<80xi32, #tpu.memory_space<vmem>>, vector<16xi32>,
      %swap3A_160 = vector.shape_cast %swap3A_159 : vector<16xi32> to vector<16xi32>
      %swap3A_161 = vector.shape_cast %add3A_157 : vector<16xi32> to vector<16xi32>
      tpu.vector_store %arg10[%swap3A_158], %swap3A_161 {strides = array<i32>} : memref<80xi32, #tpu.memory_space<vmem>>, vector<16xi32>,
      %get3A_162 = arith.constant 32 : index
      %get3A_163 = tpu.vector_load %arg8[%get3A_162] {strides = array<i32>} : memref<80xi32, #tpu.memory_space<vmem>>, vector<16xi32>,
      %get3A_164 = vector.shape_cast %get3A_163 : vector<16xi32> to vector<16xi32>
      %add3A_165 = arith.constant 20000 : i32
      %add3A_166 = vector.broadcast %add3A_165 : i32 to vector<16xi32>
      %add3A_167 = arith.addi %get3A_164, %add3A_166 : vector<16xi32>
      %swap3A_168 = arith.constant 32 : index
      %swap3A_169 = tpu.vector_load %arg8[%swap3A_168] {strides = array<i32>} : memref<80xi32, #tpu.memory_space<vmem>>, vector<16xi32>,
      %swap3A_170 = vector.shape_cast %swap3A_169 : vector<16xi32> to vector<16xi32>
      %swap3A_171 = vector.shape_cast %add3A_167 : vector<16xi32> to vector<16xi32>
      tpu.vector_store %arg8[%swap3A_168], %swap3A_171 {strides = array<i32>} : memref<80xi32, #tpu.memory_space<vmem>>, vector<16xi32>,
      %get3A_172 = arith.constant 32 : index
      %get3A_173 = tpu.vector_load %arg9[%get3A_172] {strides = array<i32>} : memref<80xi32, #tpu.memory_space<vmem>>, vector<16xi32>,
      %get3A_174 = vector.shape_cast %get3A_173 : vector<16xi32> to vector<16xi32>
      %add3A_175 = arith.constant 20000 : i32
      %add3A_176 = vector.broadcast %add3A_175 : i32 to vector<16xi32>
      %add3A_177 = arith.addi %get3A_174, %add3A_176 : vector<16xi32>
      %swap3A_178 = arith.constant 32 : index
      %swap3A_179 = tpu.vector_load %arg10[%swap3A_178] {strides = array<i32>} : memref<80xi32, #tpu.memory_space<vmem>>, vector<16xi32>,
      %swap3A_180 = vector.shape_cast %swap3A_179 : vector<16xi32> to vector<16xi32>
      %swap3A_181 = vector.shape_cast %add3A_177 : vector<16xi32> to vector<16xi32>
      tpu.vector_store %arg10[%swap3A_178], %swap3A_181 {strides = array<i32>} : memref<80xi32, #tpu.memory_space<vmem>>, vector<16xi32>,
      %get3A_182 = arith.constant 48 : index
      %get3A_183 = tpu.vector_load %arg8[%get3A_182] {strides = array<i32>} : memref<80xi32, #tpu.memory_space<vmem>>, vector<16xi32>,
      %get3A_184 = vector.shape_cast %get3A_183 : vector<16xi32> to vector<16xi32>
      %add3A_185 = arith.constant 20000 : i32
      %add3A_186 = vector.broadcast %add3A_185 : i32 to vector<16xi32>
      %add3A_187 = arith.addi %get3A_184, %add3A_186 : vector<16xi32>
      %swap3A_188 = arith.constant 48 : index
      %swap3A_189 = tpu.vector_load %arg8[%swap3A_188] {strides = array<i32>} : memref<80xi32, #tpu.memory_space<vmem>>, vector<16xi32>,
      %swap3A_190 = vector.shape_cast %swap3A_189 : vector<16xi32> to vector<16xi32>
      %swap3A_191 = vector.shape_cast %add3A_187 : vector<16xi32> to vector<16xi32>
      tpu.vector_store %arg8[%swap3A_188], %swap3A_191 {strides = array<i32>} : memref<80xi32, #tpu.memory_space<vmem>>, vector<16xi32>,
      %get3A_192 = arith.constant 48 : index
      %get3A_193 = tpu.vector_load %arg9[%get3A_192] {strides = array<i32>} : memref<80xi32, #tpu.memory_space<vmem>>, vector<16xi32>,
      %get3A_194 = vector.shape_cast %get3A_193 : vector<16xi32> to vector<16xi32>
      %add3A_195 = arith.constant 20000 : i32
      %add3A_196 = vector.broadcast %add3A_195 : i32 to vector<16xi32>
      %add3A_197 = arith.addi %get3A_194, %add3A_196 : vector<16xi32>
      %swap3A_198 = arith.constant 48 : index
      %swap3A_199 = tpu.vector_load %arg10[%swap3A_198] {strides = array<i32>} : memref<80xi32, #tpu.memory_space<vmem>>, vector<16xi32>,
      %swap3A_200 = vector.shape_cast %swap3A_199 : vector<16xi32> to vector<16xi32>
      %swap3A_201 = vector.shape_cast %add3A_197 : vector<16xi32> to vector<16xi32>
      tpu.vector_store %arg10[%swap3A_198], %swap3A_201 {strides = array<i32>} : memref<80xi32, #tpu.memory_space<vmem>>, vector<16xi32>,
      %get3A_202 = arith.constant 64 : index
      %get3A_203 = tpu.vector_load %arg8[%get3A_202] {strides = array<i32>} : memref<80xi32, #tpu.memory_space<vmem>>, vector<16xi32>,
      %get3A_204 = vector.shape_cast %get3A_203 : vector<16xi32> to vector<16xi32>
      %add3A_205 = arith.constant 20000 : i32
      %add3A_206 = vector.broadcast %add3A_205 : i32 to vector<16xi32>
      %add3A_207 = arith.addi %get3A_204, %add3A_206 : vector<16xi32>
      %swap3A_208 = arith.constant 64 : index
      %swap3A_209 = tpu.vector_load %arg8[%swap3A_208] {strides = array<i32>} : memref<80xi32, #tpu.memory_space<vmem>>, vector<16xi32>,
      %swap3A_210 = vector.shape_cast %swap3A_209 : vector<16xi32> to vector<16xi32>
      %swap3A_211 = vector.shape_cast %add3A_207 : vector<16xi32> to vector<16xi32>
      tpu.vector_store %arg8[%swap3A_208], %swap3A_211 {strides = array<i32>} : memref<80xi32, #tpu.memory_space<vmem>>, vector<16xi32>,
      %get3A_212 = arith.constant 64 : index
      %get3A_213 = tpu.vector_load %arg9[%get3A_212] {strides = array<i32>} : memref<80xi32, #tpu.memory_space<vmem>>, vector<16xi32>,
      %get3A_214 = vector.shape_cast %get3A_213 : vector<16xi32> to vector<16xi32>
      %add3A_215 = arith.constant 20000 : i32
      %add3A_216 = vector.broadcast %add3A_215 : i32 to vector<16xi32>
      %add3A_217 = arith.addi %get3A_214, %add3A_216 : vector<16xi32>
      %swap3A_218 = arith.constant 64 : index
      %swap3A_219 = tpu.vector_load %arg10[%swap3A_218] {strides = array<i32>} : memref<80xi32, #tpu.memory_space<vmem>>, vector<16xi32>,
      %swap3A_220 = vector.shape_cast %swap3A_219 : vector<16xi32> to vector<16xi32>
      %swap3A_221 = vector.shape_cast %add3A_217 : vector<16xi32> to vector<16xi32>
      tpu.vector_store %arg10[%swap3A_218], %swap3A_221 {strides = array<i32>} : memref<80xi32, #tpu.memory_space<vmem>>, vector<16xi32>,
      %dma_start3A = arith.constant 0 : i32
      %dma_start3A_222 = arith.constant 0 : i32
      %dma_start3A_223 = tpu.memref_slice %arg3[%dma_start3A, %dma_start3A_222] : memref<30000x128xf32, #tpu.memory_space<hbm>> -> memref<30000x128xf32, #tpu.memory_space<hbm>>
      tpu.enqueue_indirect_dma source(%dma_start3A_223 : memref<30000x128xf32, #tpu.memory_space<hbm>>) target(%arg15 : memref<80x128xf32, #tpu.memory_space<vmem>>) offsets(%arg8 : memref<80xi32, #tpu.memory_space<vmem>>) semaphore(%arg20 : memref<!tpu.dma_semaphore, #tpu.memory_space<semaphore_mem>>)
      %dma_start3A_224 = arith.constant 0 : i32
      %dma_start3A_225 = arith.constant 0 : i32
      %dma_start3A_226 = tpu.memref_slice %arg4[%dma_start3A_224, %dma_start3A_225] : memref<30000x128xf32, #tpu.memory_space<hbm>> -> memref<30000x128xf32, #tpu.memory_space<hbm>>
      tpu.enqueue_indirect_dma source(%dma_start3A_226 : memref<30000x128xf32, #tpu.memory_space<hbm>>) target(%arg11 : memref<80x128xf32, #tpu.memory_space<vmem>>) offsets(%arg10 : memref<80xi32, #tpu.memory_space<vmem>>) semaphore(%arg18 : memref<!tpu.dma_semaphore, #tpu.memory_space<semaphore_mem>>)
      %dma_start3A_227 = arith.constant 0 : i32
      %dma_start3A_228 = arith.constant 0 : i32
      %dma_start3A_229 = tpu.memref_slice %arg4[%dma_start3A_227, %dma_start3A_228] : memref<30000x128xf32, #tpu.memory_space<hbm>> -> memref<30000x128xf32, #tpu.memory_space<hbm>>
      tpu.enqueue_indirect_dma source(%dma_start3A_229 : memref<30000x128xf32, #tpu.memory_space<hbm>>) target(%arg12 : memref<80x128xf32, #tpu.memory_space<vmem>>) offsets(%arg8 : memref<80xi32, #tpu.memory_space<vmem>>) semaphore(%arg19 : memref<!tpu.dma_semaphore, #tpu.memory_space<semaphore_mem>>)
      %iota3A = tpu.iota {dimensions = array<i32: 0>} : vector<16xi32>
      %add3A_230 = arith.constant 8 : i32
      %add3A_231 = vector.broadcast %add3A_230 : i32 to vector<16xi32>
      %add3A_232 = arith.addi %iota3A, %add3A_231 : vector<16xi32>
      %and3A = arith.constant 15 : i32
      %and3A_233 = vector.broadcast %and3A : i32 to vector<16xi32>
      %and3A_234 = arith.andi %add3A_232, %and3A_233 : vector<16xi32>
      %broadcast_in_dim3A_235 = vector.shape_cast %and3A_234 : vector<16xi32> to vector<16x1xi32>
      %dma_wait3A = arith.constant 0 : i32
      %dma_wait3A_236 = arith.constant 0 : i32
      %dma_wait3A_237 = tpu.memref_slice %arg4[%dma_wait3A, %dma_wait3A_236] : memref<30000x128xf32, #tpu.memory_space<hbm>> -> memref<30000x128xf32, #tpu.memory_space<hbm>>
      tpu.wait_indirect_dma semaphore(%arg18 : memref<!tpu.dma_semaphore, #tpu.memory_space<semaphore_mem>>) src(%dma_wait3A_237 : memref<30000x128xf32, #tpu.memory_space<hbm>>) dst(%arg11 : memref<80x128xf32, #tpu.memory_space<vmem>>)
      %dma_wait3A_238 = arith.constant 0 : i32
      %dma_wait3A_239 = arith.constant 0 : i32
      %dma_wait3A_240 = tpu.memref_slice %arg4[%dma_wait3A_238, %dma_wait3A_239] : memref<30000x128xf32, #tpu.memory_space<hbm>> -> memref<30000x128xf32, #tpu.memory_space<hbm>>
      tpu.wait_indirect_dma semaphore(%arg19 : memref<!tpu.dma_semaphore, #tpu.memory_space<semaphore_mem>>) src(%dma_wait3A_240 : memref<30000x128xf32, #tpu.memory_space<hbm>>) dst(%arg12 : memref<80x128xf32, #tpu.memory_space<vmem>>)
      %get3A_241 = arith.constant 0 : index
      %get3A_242 = tpu.vector_load %arg16[%get3A_241] {strides = array<i32>} : memref<16xf32, #tpu.memory_space<vmem>>, vector<16xf32>,
      %get3A_243 = vector.shape_cast %get3A_242 : vector<16xf32> to vector<16xf32>
      %scan3A_244 = arith.constant 0 : i32
      %scan3A_245 = arith.constant 0 : i32
      %scan3A_246 = arith.constant 80 : i32
      %scan3A_247 = arith.addi %scan3A_245, %scan3A_246 : i32
      %scan3A_248 = arith.constant 1 : i32
      %scan3A_249 = scf.for %scan3A_266 = %scan3A_245 to %scan3A_247 step %scan3A_248 iter_args(%scan3A_267 = %scan3A_244) -> (i32)  : i32 {
        %get3A_268 = arith.index_cast %scan3A_266 : i32 to index
        %get3A_269 = arith.constant 0 : index
        %get3A_270 = tpu.vector_load %arg11[%get3A_268, %get3A_269] {strides = array<i32>} : memref<80x128xf32, #tpu.memory_space<vmem>>, vector<1x16xf32>,
        %get3A_271 = vector.shape_cast %get3A_270 : vector<1x16xf32> to vector<16xf32>
        %gather3A = vector.shape_cast %broadcast_in_dim3A_235 : vector<16x1xi32> to vector<16xi32>
        %gather3A_272 = tpu.dynamic_gather %get3A_271[%gather3A] in [0] : vector<16xf32>, vector<16xi32> -> vector<16xf32>
        %get3A_273 = arith.index_cast %scan3A_266 : i32 to index
        %get3A_274 = arith.constant 0 : index
        %get3A_275 = tpu.vector_load %arg12[%get3A_273, %get3A_274] {strides = array<i32>} : memref<80x128xf32, #tpu.memory_space<vmem>>, vector<1x16xf32>,
        %get3A_276 = vector.shape_cast %get3A_275 : vector<1x16xf32> to vector<16xf32>
        %add3A_277 = arith.addf %get3A_276, %gather3A_272 : vector<16xf32>
        %gt3A = arith.constant 0.000000e+00 : f32
        %gt3A_278 = vector.broadcast %gt3A : f32 to vector<16xf32>
        %gt3A_279 = arith.cmpf ogt, %add3A_277, %gt3A_278 : vector<16xf32>
        %mul3A_280 = arith.constant 2.000000e-01 : f32
        %mul3A_281 = vector.broadcast %mul3A_280 : f32 to vector<16xf32>
        %mul3A_282 = arith.mulf %add3A_277, %mul3A_281 : vector<16xf32>
        %select_n3A = arith.select %gt3A_279, %add3A_277, %mul3A_282 : vector<16xi1>, vector<16xf32>
        %sub3A = arith.subf %select_n3A, %get3A_243 : vector<16xf32>
        %exp3A = math.exp %sub3A : vector<16xf32>
        %swap3A_283 = arith.index_cast %scan3A_266 : i32 to index
        %swap3A_284 = arith.constant 0 : index
        %swap3A_285 = tpu.vector_load %arg13[%swap3A_283, %swap3A_284] {strides = array<i32>} : memref<80x16xf32, #tpu.memory_space<vmem>>, vector<1x16xf32>,
        %swap3A_286 = vector.shape_cast %swap3A_285 : vector<1x16xf32> to vector<16xf32>
        %swap3A_287 = vector.shape_cast %exp3A : vector<16xf32> to vector<1x16xf32>
        tpu.vector_store %arg13[%swap3A_283, %swap3A_284], %swap3A_287 {strides = array<i32>} : memref<80x16xf32, #tpu.memory_space<vmem>>, vector<1x16xf32>,
        %scan3A_288 = arith.constant 0 : i32
        scf.yield %scan3A_288 : i32
      }
      %scan3A_250 = arith.constant 80 : i32
      %dma_wait3A_251 = arith.constant 0 : i32
      %dma_wait3A_252 = arith.constant 0 : i32
      %dma_wait3A_253 = tpu.memref_slice %arg3[%dma_wait3A_251, %dma_wait3A_252] : memref<30000x128xf32, #tpu.memory_space<hbm>> -> memref<30000x128xf32, #tpu.memory_space<hbm>>
      tpu.wait_indirect_dma semaphore(%arg20 : memref<!tpu.dma_semaphore, #tpu.memory_space<semaphore_mem>>) src(%dma_wait3A_253 : memref<30000x128xf32, #tpu.memory_space<hbm>>) dst(%arg15 : memref<80x128xf32, #tpu.memory_space<vmem>>)
      %scan3A_254 = arith.constant 0 : i32
      %scan3A_255 = arith.constant 0 : i32
      %scan3A_256 = arith.constant 80 : i32
      %scan3A_257 = arith.addi %scan3A_255, %scan3A_256 : i32
      %scan3A_258 = arith.constant 1 : i32
      %scan3A_259 = scf.for %scan3A_266 = %scan3A_255 to %scan3A_257 step %scan3A_258 iter_args(%scan3A_267 = %scan3A_254) -> (i32)  : i32 {
        %get3A_268 = arith.index_cast %scan3A_266 : i32 to index
        %get3A_269 = arith.constant 0 : index
        %get3A_270 = tpu.vector_load %arg13[%get3A_268, %get3A_269] {strides = array<i32>} : memref<80x16xf32, #tpu.memory_space<vmem>>, vector<1x16xf32>,
        %get3A_271 = vector.shape_cast %get3A_270 : vector<1x16xf32> to vector<16xf32>
        %mul3A_272 = arith.constant 16 : i32
        %mul3A_273 = arith.muli %mul3A_272, %scan3A_266 : i32
        %swap3A_274 = arith.index_cast %mul3A_273 : i32 to index
        %swap3A_275 = tpu.vector_load %arg14[%swap3A_274] {strides = array<i32>} : memref<1280xf32, #tpu.memory_space<vmem>>, vector<16xf32>,
        %swap3A_276 = vector.shape_cast %swap3A_275 : vector<16xf32> to vector<16xf32>
        %swap3A_277 = vector.shape_cast %get3A_271 : vector<16xf32> to vector<16xf32>
        tpu.vector_store %arg14[%swap3A_274], %swap3A_277 {strides = array<i32>} : memref<1280xf32, #tpu.memory_space<vmem>>, vector<16xf32>,
        %get3A_278 = arith.index_cast %scan3A_266 : i32 to index
        %get3A_279 = arith.constant 0 : index
        %get3A_280 = tpu.vector_load %arg15[%get3A_278, %get3A_279] {strides = array<i32>} : memref<80x128xf32, #tpu.memory_space<vmem>>, vector<1x16xf32>,
        %get3A_281 = vector.shape_cast %get3A_280 : vector<1x16xf32> to vector<16xf32>
        %slice3A = vector.extract_strided_slice %get3A_271 {offsets = [0], sizes = [1], strides = [1]} : vector<16xf32> to vector<1xf32>
        %squeeze3A = vector.extract %slice3A[0] : f32 from vector<1xf32>
        %mul3A_282 = vector.broadcast %squeeze3A : f32 to vector<16xf32>
        %mul3A_283 = arith.mulf %get3A_281, %mul3A_282 : vector<16xf32>
        %swap3A_284 = arith.index_cast %scan3A_266 : i32 to index
        %swap3A_285 = arith.constant 0 : index
        %swap3A_286 = tpu.vector_load %arg15[%swap3A_284, %swap3A_285] {strides = array<i32>} : memref<80x128xf32, #tpu.memory_space<vmem>>, vector<1x16xf32>,
        %swap3A_287 = vector.shape_cast %swap3A_286 : vector<1x16xf32> to vector<16xf32>
        %swap3A_288 = vector.shape_cast %mul3A_283 : vector<16xf32> to vector<1x16xf32>
        tpu.vector_store %arg15[%swap3A_284, %swap3A_285], %swap3A_288 {strides = array<i32>} : memref<80x128xf32, #tpu.memory_space<vmem>>, vector<1x16xf32>,
        %get3A_289 = arith.index_cast %scan3A_266 : i32 to index
        %get3A_290 = arith.constant 16 : index
        %get3A_291 = tpu.vector_load %arg15[%get3A_289, %get3A_290] {strides = array<i32>} : memref<80x128xf32, #tpu.memory_space<vmem>>, vector<1x16xf32>,
        %get3A_292 = vector.shape_cast %get3A_291 : vector<1x16xf32> to vector<16xf32>
        %slice3A_293 = vector.extract_strided_slice %get3A_271 {offsets = [1], sizes = [1], strides = [1]} : vector<16xf32> to vector<1xf32>
        %squeeze3A_294 = vector.extract %slice3A_293[0] : f32 from vector<1xf32>
        %mul3A_295 = vector.broadcast %squeeze3A_294 : f32 to vector<16xf32>
        %mul3A_296 = arith.mulf %get3A_292, %mul3A_295 : vector<16xf32>
        %swap3A_297 = arith.index_cast %scan3A_266 : i32 to index
        %swap3A_298 = arith.constant 16 : index
        %swap3A_299 = tpu.vector_load %arg15[%swap3A_297, %swap3A_298] {strides = array<i32>} : memref<80x128xf32, #tpu.memory_space<vmem>>, vector<1x16xf32>,
        %swap3A_300 = vector.shape_cast %swap3A_299 : vector<1x16xf32> to vector<16xf32>
        %swap3A_301 = vector.shape_cast %mul3A_296 : vector<16xf32> to vector<1x16xf32>
        tpu.vector_store %arg15[%swap3A_297, %swap3A_298], %swap3A_301 {strides = array<i32>} : memref<80x128xf32, #tpu.memory_space<vmem>>, vector<1x16xf32>,
        %get3A_302 = arith.index_cast %scan3A_266 : i32 to index
        %get3A_303 = arith.constant 32 : index
        %get3A_304 = tpu.vector_load %arg15[%get3A_302, %get3A_303] {strides = array<i32>} : memref<80x128xf32, #tpu.memory_space<vmem>>, vector<1x16xf32>,
        %get3A_305 = vector.shape_cast %get3A_304 : vector<1x16xf32> to vector<16xf32>
        %slice3A_306 = vector.extract_strided_slice %get3A_271 {offsets = [2], sizes = [1], strides = [1]} : vector<16xf32> to vector<1xf32>
        %squeeze3A_307 = vector.extract %slice3A_306[0] : f32 from vector<1xf32>
        %mul3A_308 = vector.broadcast %squeeze3A_307 : f32 to vector<16xf32>
        %mul3A_309 = arith.mulf %get3A_305, %mul3A_308 : vector<16xf32>
        %swap3A_310 = arith.index_cast %scan3A_266 : i32 to index
        %swap3A_311 = arith.constant 32 : index
        %swap3A_312 = tpu.vector_load %arg15[%swap3A_310, %swap3A_311] {strides = array<i32>} : memref<80x128xf32, #tpu.memory_space<vmem>>, vector<1x16xf32>,
        %swap3A_313 = vector.shape_cast %swap3A_312 : vector<1x16xf32> to vector<16xf32>
        %swap3A_314 = vector.shape_cast %mul3A_309 : vector<16xf32> to vector<1x16xf32>
        tpu.vector_store %arg15[%swap3A_310, %swap3A_311], %swap3A_314 {strides = array<i32>} : memref<80x128xf32, #tpu.memory_space<vmem>>, vector<1x16xf32>,
        %get3A_315 = arith.index_cast %scan3A_266 : i32 to index
        %get3A_316 = arith.constant 48 : index
        %get3A_317 = tpu.vector_load %arg15[%get3A_315, %get3A_316] {strides = array<i32>} : memref<80x128xf32, #tpu.memory_space<vmem>>, vector<1x16xf32>,
        %get3A_318 = vector.shape_cast %get3A_317 : vector<1x16xf32> to vector<16xf32>
        %slice3A_319 = vector.extract_strided_slice %get3A_271 {offsets = [3], sizes = [1], strides = [1]} : vector<16xf32> to vector<1xf32>
        %squeeze3A_320 = vector.extract %slice3A_319[0] : f32 from vector<1xf32>
        %mul3A_321 = vector.broadcast %squeeze3A_320 : f32 to vector<16xf32>
        %mul3A_322 = arith.mulf %get3A_318, %mul3A_321 : vector<16xf32>
        %swap3A_323 = arith.index_cast %scan3A_266 : i32 to index
        %swap3A_324 = arith.constant 48 : index
        %swap3A_325 = tpu.vector_load %arg15[%swap3A_323, %swap3A_324] {strides = array<i32>} : memref<80x128xf32, #tpu.memory_space<vmem>>, vector<1x16xf32>,
        %swap3A_326 = vector.shape_cast %swap3A_325 : vector<1x16xf32> to vector<16xf32>
        %swap3A_327 = vector.shape_cast %mul3A_322 : vector<16xf32> to vector<1x16xf32>
        tpu.vector_store %arg15[%swap3A_323, %swap3A_324], %swap3A_327 {strides = array<i32>} : memref<80x128xf32, #tpu.memory_space<vmem>>, vector<1x16xf32>,
        %get3A_328 = arith.index_cast %scan3A_266 : i32 to index
        %get3A_329 = arith.constant 64 : index
        %get3A_330 = tpu.vector_load %arg15[%get3A_328, %get3A_329] {strides = array<i32>} : memref<80x128xf32, #tpu.memory_space<vmem>>, vector<1x16xf32>,
        %get3A_331 = vector.shape_cast %get3A_330 : vector<1x16xf32> to vector<16xf32>
        %slice3A_332 = vector.extract_strided_slice %get3A_271 {offsets = [4], sizes = [1], strides = [1]} : vector<16xf32> to vector<1xf32>
        %squeeze3A_333 = vector.extract %slice3A_332[0] : f32 from vector<1xf32>
        %mul3A_334 = vector.broadcast %squeeze3A_333 : f32 to vector<16xf32>
        %mul3A_335 = arith.mulf %get3A_331, %mul3A_334 : vector<16xf32>
        %swap3A_336 = arith.index_cast %scan3A_266 : i32 to index
        %swap3A_337 = arith.constant 64 : index
        %swap3A_338 = tpu.vector_load %arg15[%swap3A_336, %swap3A_337] {strides = array<i32>} : memref<80x128xf32, #tpu.memory_space<vmem>>, vector<1x16xf32>,
        %swap3A_339 = vector.shape_cast %swap3A_338 : vector<1x16xf32> to vector<16xf32>
        %swap3A_340 = vector.shape_cast %mul3A_335 : vector<16xf32> to vector<1x16xf32>
        tpu.vector_store %arg15[%swap3A_336, %swap3A_337], %swap3A_340 {strides = array<i32>} : memref<80x128xf32, #tpu.memory_space<vmem>>, vector<1x16xf32>,
        %get3A_341 = arith.index_cast %scan3A_266 : i32 to index
        %get3A_342 = arith.constant 80 : index
        %get3A_343 = tpu.vector_load %arg15[%get3A_341, %get3A_342] {strides = array<i32>} : memref<80x128xf32, #tpu.memory_space<vmem>>, vector<1x16xf32>,
        %get3A_344 = vector.shape_cast %get3A_343 : vector<1x16xf32> to vector<16xf32>
        %slice3A_345 = vector.extract_strided_slice %get3A_271 {offsets = [5], sizes = [1], strides = [1]} : vector<16xf32> to vector<1xf32>
        %squeeze3A_346 = vector.extract %slice3A_345[0] : f32 from vector<1xf32>
        %mul3A_347 = vector.broadcast %squeeze3A_346 : f32 to vector<16xf32>
        %mul3A_348 = arith.mulf %get3A_344, %mul3A_347 : vector<16xf32>
        %swap3A_349 = arith.index_cast %scan3A_266 : i32 to index
        %swap3A_350 = arith.constant 80 : index
        %swap3A_351 = tpu.vector_load %arg15[%swap3A_349, %swap3A_350] {strides = array<i32>} : memref<80x128xf32, #tpu.memory_space<vmem>>, vector<1x16xf32>,
        %swap3A_352 = vector.shape_cast %swap3A_351 : vector<1x16xf32> to vector<16xf32>
        %swap3A_353 = vector.shape_cast %mul3A_348 : vector<16xf32> to vector<1x16xf32>
        tpu.vector_store %arg15[%swap3A_349, %swap3A_350], %swap3A_353 {strides = array<i32>} : memref<80x128xf32, #tpu.memory_space<vmem>>, vector<1x16xf32>,
        %get3A_354 = arith.index_cast %scan3A_266 : i32 to index
        %get3A_355 = arith.constant 96 : index
        %get3A_356 = tpu.vector_load %arg15[%get3A_354, %get3A_355] {strides = array<i32>} : memref<80x128xf32, #tpu.memory_space<vmem>>, vector<1x16xf32>,
        %get3A_357 = vector.shape_cast %get3A_356 : vector<1x16xf32> to vector<16xf32>
        %slice3A_358 = vector.extract_strided_slice %get3A_271 {offsets = [6], sizes = [1], strides = [1]} : vector<16xf32> to vector<1xf32>
        %squeeze3A_359 = vector.extract %slice3A_358[0] : f32 from vector<1xf32>
        %mul3A_360 = vector.broadcast %squeeze3A_359 : f32 to vector<16xf32>
        %mul3A_361 = arith.mulf %get3A_357, %mul3A_360 : vector<16xf32>
        %swap3A_362 = arith.index_cast %scan3A_266 : i32 to index
        %swap3A_363 = arith.constant 96 : index
        %swap3A_364 = tpu.vector_load %arg15[%swap3A_362, %swap3A_363] {strides = array<i32>} : memref<80x128xf32, #tpu.memory_space<vmem>>, vector<1x16xf32>,
        %swap3A_365 = vector.shape_cast %swap3A_364 : vector<1x16xf32> to vector<16xf32>
        %swap3A_366 = vector.shape_cast %mul3A_361 : vector<16xf32> to vector<1x16xf32>
        tpu.vector_store %arg15[%swap3A_362, %swap3A_363], %swap3A_366 {strides = array<i32>} : memref<80x128xf32, #tpu.memory_space<vmem>>, vector<1x16xf32>,
        %get3A_367 = arith.index_cast %scan3A_266 : i32 to index
        %get3A_368 = arith.constant 112 : index
        %get3A_369 = tpu.vector_load %arg15[%get3A_367, %get3A_368] {strides = array<i32>} : memref<80x128xf32, #tpu.memory_space<vmem>>, vector<1x16xf32>,
        %get3A_370 = vector.shape_cast %get3A_369 : vector<1x16xf32> to vector<16xf32>
        %slice3A_371 = vector.extract_strided_slice %get3A_271 {offsets = [7], sizes = [1], strides = [1]} : vector<16xf32> to vector<1xf32>
        %squeeze3A_372 = vector.extract %slice3A_371[0] : f32 from vector<1xf32>
        %mul3A_373 = vector.broadcast %squeeze3A_372 : f32 to vector<16xf32>
        %mul3A_374 = arith.mulf %get3A_370, %mul3A_373 : vector<16xf32>
        %swap3A_375 = arith.index_cast %scan3A_266 : i32 to index
        %swap3A_376 = arith.constant 112 : index
        %swap3A_377 = tpu.vector_load %arg15[%swap3A_375, %swap3A_376] {strides = array<i32>} : memref<80x128xf32, #tpu.memory_space<vmem>>, vector<1x16xf32>,
        %swap3A_378 = vector.shape_cast %swap3A_377 : vector<1x16xf32> to vector<16xf32>
        %swap3A_379 = vector.shape_cast %mul3A_374 : vector<16xf32> to vector<1x16xf32>
        tpu.vector_store %arg15[%swap3A_375, %swap3A_376], %swap3A_379 {strides = array<i32>} : memref<80x128xf32, #tpu.memory_space<vmem>>, vector<1x16xf32>,
        %scan3A_380 = arith.constant 0 : i32
        scf.yield %scan3A_380 : i32
      }
      %scan3A_260 = arith.constant 80 : i32
      "tpu.region"() ({
        %run_scoped3A = tpu.sem_alloc : memref<!tpu.dma_semaphore, #tpu.memory_space<semaphore_mem>>
        %dma_start3A_266 = arith.constant 0 : i32
        %dma_start3A_267 = arith.constant 0 : i32
        %dma_start3A_268 = tpu.memref_slice %arg17[%dma_start3A_266, %dma_start3A_267] : memref<10000x128xf32, #tpu.memory_space<vmem_shared>> -> memref<10000x128xf32, #tpu.memory_space<vmem_shared>>
        tpu.enqueue_indirect_dma source(%arg15 : memref<80x128xf32, #tpu.memory_space<vmem>>) target(%dma_start3A_268 : memref<10000x128xf32, #tpu.memory_space<vmem_shared>>) offsets(%arg9 : memref<80xi32, #tpu.memory_space<vmem>>) semaphore(%run_scoped3A : memref<!tpu.dma_semaphore, #tpu.memory_space<semaphore_mem>>) {add = true}
        %dma_wait3A_269 = arith.constant 0 : i32
        %dma_wait3A_270 = arith.constant 0 : i32
        %dma_wait3A_271 = tpu.memref_slice %arg17[%dma_wait3A_269, %dma_wait3A_270] : memref<10000x128xf32, #tpu.memory_space<vmem_shared>> -> memref<10000x128xf32, #tpu.memory_space<vmem_shared>>
        tpu.wait_indirect_dma semaphore(%run_scoped3A : memref<!tpu.dma_semaphore, #tpu.memory_space<semaphore_mem>>) src(%arg15 : memref<80x128xf32, #tpu.memory_space<vmem>>) dst(%dma_wait3A_271 : memref<10000x128xf32, #tpu.memory_space<vmem_shared>>)
        tpu.yield
      }) : () -> ()
      %add3A_261 = arith.constant 640000 : i32
      %add3A_262 = arith.addi %add3A_261, %add3A_119 : i32
      %mul3A_263 = arith.constant 16 : i32
      %mul3A_264 = arith.muli %add3A_262, %mul3A_263 : i32
      "tpu.region"() ({
        %run_scoped3A = tpu.sem_alloc : memref<!tpu.dma_semaphore, #tpu.memory_space<semaphore_mem>>
        %dma_start3A_266 = tpu.memref_slice %arg7[%mul3A_264] : memref<15360000xf32, #tpu.memory_space<hbm>> -> memref<1280xf32, #tpu.memory_space<hbm>>
        %dma_start3A_267 = tpu.memref_slice %arg7[%mul3A_264] : memref<15360000xf32, #tpu.memory_space<hbm>> -> memref<1280xf32, #tpu.memory_space<hbm>>
        tpu.enqueue_dma source(%arg14 : memref<1280xf32, #tpu.memory_space<vmem>>) target(%dma_start3A_267 : memref<1280xf32, #tpu.memory_space<hbm>>) target_semaphore(%run_scoped3A : memref<!tpu.dma_semaphore, #tpu.memory_space<semaphore_mem>>)
        %dma_wait3A_268 = tpu.memref_slice %arg7[%mul3A_264] : memref<15360000xf32, #tpu.memory_space<hbm>> -> memref<1280xf32, #tpu.memory_space<hbm>>
        %dma_wait3A_269 = tpu.memref_slice %arg7[%mul3A_264] : memref<15360000xf32, #tpu.memory_space<hbm>> -> memref<1280xf32, #tpu.memory_space<hbm>>
        tpu.wait_dma2 semaphore(%run_scoped3A : memref<!tpu.dma_semaphore, #tpu.memory_space<semaphore_mem>>) src(%arg14 : memref<1280xf32, #tpu.memory_space<vmem>>) dst(%dma_wait3A_269 : memref<1280xf32, #tpu.memory_space<hbm>>)
        tpu.yield
      }) : () -> ()
      %scan3A_265 = arith.constant 0 : i32
      scf.yield %scan3A_265 : i32
    }
    %scan3A_100 = arith.constant 125 : i32
    %barrier3A_101 = arith.constant 0 : index
    tpu.barrier barrier_id(%barrier3A_101)
    %lt3A_102 = arith.constant 15 : i32
    %lt3A_103 = arith.cmpi slt, %arg1, %lt3A_102 : i32
    %convert_element_type3A_104 = arith.extui %lt3A_103 : i1 to i32
    %cond3A_105 = arith.constant 0 : i32
    %cond3A_106 = arith.cmpi ne, %convert_element_type3A_104, %cond3A_105 : i32
    scf.if %cond3A_106 {
      %mul3A_113 = arith.constant 640 : i32
      %mul3A_114 = arith.muli %arg1, %mul3A_113 : i32
      %mul3A_115 = arith.constant 640 : i32
      %mul3A_116 = arith.muli %arg1, %mul3A_115 : i32
      "tpu.region"() ({
        %run_scoped3A = tpu.sem_alloc : memref<!tpu.dma_semaphore, #tpu.memory_space<semaphore_mem>>
        %dma_start3A = arith.constant 0 : i32
        %dma_start3A_117 = tpu.memref_slice %arg6[%add3A_75, %mul3A_116, %dma_start3A] : memref<6x10000x128xf32, #tpu.memory_space<hbm>> -> memref<1x640x128xf32, #tpu.memory_space<hbm>>
        %dma_start3A_118 = tpu.memref_squeeze %dma_start3A_117 : memref<1x640x128xf32, #tpu.memory_space<hbm>> -> memref<640x128xf32, #tpu.memory_space<hbm>>
        %dma_start3A_119 = arith.constant 0 : i32
        %dma_start3A_120 = tpu.memref_slice %arg17[%mul3A_114, %dma_start3A_119] : memref<10000x128xf32, #tpu.memory_space<vmem_shared>> -> memref<640x128xf32, #tpu.memory_space<vmem_shared>>
        tpu.enqueue_dma source(%dma_start3A_120 : memref<640x128xf32, #tpu.memory_space<vmem_shared>>) target(%dma_start3A_118 : memref<640x128xf32, #tpu.memory_space<hbm>>) target_semaphore(%run_scoped3A : memref<!tpu.dma_semaphore, #tpu.memory_space<semaphore_mem>>)
        %dma_wait3A = arith.constant 0 : i32
        %dma_wait3A_121 = tpu.memref_slice %arg6[%add3A_75, %mul3A_116, %dma_wait3A] : memref<6x10000x128xf32, #tpu.memory_space<hbm>> -> memref<1x640x128xf32, #tpu.memory_space<hbm>>
        %dma_wait3A_122 = tpu.memref_squeeze %dma_wait3A_121 : memref<1x640x128xf32, #tpu.memory_space<hbm>> -> memref<640x128xf32, #tpu.memory_space<hbm>>
        %dma_wait3A_123 = arith.constant 0 : i32
        %dma_wait3A_124 = tpu.memref_slice %arg17[%mul3A_114, %dma_wait3A_123] : memref<10000x128xf32, #tpu.memory_space<vmem_shared>> -> memref<640x128xf32, #tpu.memory_space<vmem_shared>>
        tpu.wait_dma2 semaphore(%run_scoped3A : memref<!tpu.dma_semaphore, #tpu.memory_space<semaphore_mem>>) src(%dma_wait3A_124 : memref<640x128xf32, #tpu.memory_space<vmem_shared>>) dst(%dma_wait3A_122 : memref<640x128xf32, #tpu.memory_space<hbm>>)
        tpu.yield
      }) : () -> ()
    } else {
    }
    %eq3A_107 = arith.constant 15 : i32
    %eq3A_108 = arith.cmpi eq, %arg1, %eq3A_107 : i32
    %convert_element_type3A_109 = arith.extui %eq3A_108 : i1 to i32
    %cond3A_110 = arith.constant 0 : i32
    %cond3A_111 = arith.cmpi ne, %convert_element_type3A_109, %cond3A_110 : i32
    scf.if %cond3A_111 {
      "tpu.region"() ({
        %run_scoped3A = tpu.sem_alloc : memref<!tpu.dma_semaphore, #tpu.memory_space<semaphore_mem>>
        %dma_start3A = arith.constant 9600 : i32
        %dma_start3A_113 = arith.constant 0 : i32
        %dma_start3A_114 = tpu.memref_slice %arg6[%add3A_75, %dma_start3A, %dma_start3A_113] : memref<6x10000x128xf32, #tpu.memory_space<hbm>> -> memref<1x400x128xf32, #tpu.memory_space<hbm>>
        %dma_start3A_115 = tpu.memref_squeeze %dma_start3A_114 : memref<1x400x128xf32, #tpu.memory_space<hbm>> -> memref<400x128xf32, #tpu.memory_space<hbm>>
        %dma_start3A_116 = arith.constant 9600 : i32
        %dma_start3A_117 = arith.constant 0 : i32
        %dma_start3A_118 = tpu.memref_slice %arg17[%dma_start3A_116, %dma_start3A_117] : memref<10000x128xf32, #tpu.memory_space<vmem_shared>> -> memref<400x128xf32, #tpu.memory_space<vmem_shared>>
        tpu.enqueue_dma source(%dma_start3A_118 : memref<400x128xf32, #tpu.memory_space<vmem_shared>>) target(%dma_start3A_115 : memref<400x128xf32, #tpu.memory_space<hbm>>) target_semaphore(%run_scoped3A : memref<!tpu.dma_semaphore, #tpu.memory_space<semaphore_mem>>)
        %dma_wait3A = arith.constant 9600 : i32
        %dma_wait3A_119 = arith.constant 0 : i32
        %dma_wait3A_120 = tpu.memref_slice %arg6[%add3A_75, %dma_wait3A, %dma_wait3A_119] : memref<6x10000x128xf32, #tpu.memory_space<hbm>> -> memref<1x400x128xf32, #tpu.memory_space<hbm>>
        %dma_wait3A_121 = tpu.memref_squeeze %dma_wait3A_120 : memref<1x400x128xf32, #tpu.memory_space<hbm>> -> memref<400x128xf32, #tpu.memory_space<hbm>>
        %dma_wait3A_122 = arith.constant 9600 : i32
        %dma_wait3A_123 = arith.constant 0 : i32
        %dma_wait3A_124 = tpu.memref_slice %arg17[%dma_wait3A_122, %dma_wait3A_123] : memref<10000x128xf32, #tpu.memory_space<vmem_shared>> -> memref<400x128xf32, #tpu.memory_space<vmem_shared>>
        tpu.wait_dma2 semaphore(%run_scoped3A : memref<!tpu.dma_semaphore, #tpu.memory_space<semaphore_mem>>) src(%dma_wait3A_124 : memref<400x128xf32, #tpu.memory_space<vmem_shared>>) dst(%dma_wait3A_121 : memref<400x128xf32, #tpu.memory_space<hbm>>)
        tpu.yield
      }) : () -> ()
    } else {
    }
    %barrier3A_112 = arith.constant 0 : index
    tpu.barrier barrier_id(%barrier3A_112)
    return
  }
}

#map = affine_map<(d0, d1) -> (0)>
#map1 = affine_map<(d0, d1) -> (0, 0, 0)>
module attributes {stable_mosaic.version = 14 : i64} {
  func.func @body(%arg0: i32, %arg1: i32, %arg2: memref<1920000xi32, #tpu.memory_space<hbm>>, %arg3: memref<15360000xf32, #tpu.memory_space<hbm>>, %arg4: memref<6x10000x128xf32, #tpu.memory_space<hbm>>, %arg5: memref<80xi32, #tpu.memory_space<vmem>>, %arg6: memref<1280xf32, #tpu.memory_space<vmem>>, %arg7: memref<80x128xf32, #tpu.memory_space<vmem>>, %arg8: memref<10000x128xf32, #tpu.memory_space<vmem_shared>>) attributes {dimension_semantics = [#tpu.dimension_semantics<core_parallel>, #tpu.dimension_semantics<subcore_parallel>], iteration_bounds = array<i64: 2, 16>, scalar_prefetch = 0 : i64, scratch_operands = 4 : i64, tpu.core_type = #tpu.core_type<sc_vector_subcore>, window_params = [{transform_indices = #map}, {transform_indices = #map}, {transform_indices = #map1}]} {
    %mul3A = arith.constant 2 : i32
    %mul3A_0 = arith.muli %arg1, %mul3A : i32
    %add3A = arith.addi %mul3A_0, %arg0 : i32
    %broadcast_in_dim3A = arith.constant 0.000000e+00 : f32
    %broadcast_in_dim3A_1 = vector.broadcast %broadcast_in_dim3A : f32 to vector<16xf32>
    %add3A_2 = arith.constant 0 : i32
    %add3A_3 = arith.addi %add3A_2, %arg0 : i32
    %scan3A = arith.constant 0 : i32
    %scan3A_4 = arith.constant 0 : i32
    %scan3A_5 = arith.constant 80 : i32
    %scan3A_6 = arith.addi %scan3A_4, %scan3A_5 : i32
    %scan3A_7 = arith.constant 1 : i32
    %scan3A_8 = scf.for %scan3A_113 = %scan3A_4 to %scan3A_6 step %scan3A_7 iter_args(%scan3A_114 = %scan3A) -> (i32)  : i32 {
      %swap3A = arith.index_cast %scan3A_113 : i32 to index
      %swap3A_115 = arith.constant 0 : index
      %swap3A_116 = tpu.vector_load %arg7[%swap3A, %swap3A_115] {strides = array<i32>} : memref<80x128xf32, #tpu.memory_space<vmem>>, vector<1x16xf32>,
      %swap3A_117 = vector.shape_cast %swap3A_116 : vector<1x16xf32> to vector<16xf32>
      %swap3A_118 = vector.shape_cast %broadcast_in_dim3A_1 : vector<16xf32> to vector<1x16xf32>
      tpu.vector_store %arg7[%swap3A, %swap3A_115], %swap3A_118 {strides = array<i32>} : memref<80x128xf32, #tpu.memory_space<vmem>>, vector<1x16xf32>,
      %swap3A_119 = arith.index_cast %scan3A_113 : i32 to index
      %swap3A_120 = arith.constant 16 : index
      %swap3A_121 = tpu.vector_load %arg7[%swap3A_119, %swap3A_120] {strides = array<i32>} : memref<80x128xf32, #tpu.memory_space<vmem>>, vector<1x16xf32>,
      %swap3A_122 = vector.shape_cast %swap3A_121 : vector<1x16xf32> to vector<16xf32>
      %swap3A_123 = vector.shape_cast %broadcast_in_dim3A_1 : vector<16xf32> to vector<1x16xf32>
      tpu.vector_store %arg7[%swap3A_119, %swap3A_120], %swap3A_123 {strides = array<i32>} : memref<80x128xf32, #tpu.memory_space<vmem>>, vector<1x16xf32>,
      %swap3A_124 = arith.index_cast %scan3A_113 : i32 to index
      %swap3A_125 = arith.constant 32 : index
      %swap3A_126 = tpu.vector_load %arg7[%swap3A_124, %swap3A_125] {strides = array<i32>} : memref<80x128xf32, #tpu.memory_space<vmem>>, vector<1x16xf32>,
      %swap3A_127 = vector.shape_cast %swap3A_126 : vector<1x16xf32> to vector<16xf32>
      %swap3A_128 = vector.shape_cast %broadcast_in_dim3A_1 : vector<16xf32> to vector<1x16xf32>
      tpu.vector_store %arg7[%swap3A_124, %swap3A_125], %swap3A_128 {strides = array<i32>} : memref<80x128xf32, #tpu.memory_space<vmem>>, vector<1x16xf32>,
      %swap3A_129 = arith.index_cast %scan3A_113 : i32 to index
      %swap3A_130 = arith.constant 48 : index
      %swap3A_131 = tpu.vector_load %arg7[%swap3A_129, %swap3A_130] {strides = array<i32>} : memref<80x128xf32, #tpu.memory_space<vmem>>, vector<1x16xf32>,
      %swap3A_132 = vector.shape_cast %swap3A_131 : vector<1x16xf32> to vector<16xf32>
      %swap3A_133 = vector.shape_cast %broadcast_in_dim3A_1 : vector<16xf32> to vector<1x16xf32>
      tpu.vector_store %arg7[%swap3A_129, %swap3A_130], %swap3A_133 {strides = array<i32>} : memref<80x128xf32, #tpu.memory_space<vmem>>, vector<1x16xf32>,
      %swap3A_134 = arith.index_cast %scan3A_113 : i32 to index
      %swap3A_135 = arith.constant 64 : index
      %swap3A_136 = tpu.vector_load %arg7[%swap3A_134, %swap3A_135] {strides = array<i32>} : memref<80x128xf32, #tpu.memory_space<vmem>>, vector<1x16xf32>,
      %swap3A_137 = vector.shape_cast %swap3A_136 : vector<1x16xf32> to vector<16xf32>
      %swap3A_138 = vector.shape_cast %broadcast_in_dim3A_1 : vector<16xf32> to vector<1x16xf32>
      tpu.vector_store %arg7[%swap3A_134, %swap3A_135], %swap3A_138 {strides = array<i32>} : memref<80x128xf32, #tpu.memory_space<vmem>>, vector<1x16xf32>,
      %swap3A_139 = arith.index_cast %scan3A_113 : i32 to index
      %swap3A_140 = arith.constant 80 : index
      %swap3A_141 = tpu.vector_load %arg7[%swap3A_139, %swap3A_140] {strides = array<i32>} : memref<80x128xf32, #tpu.memory_space<vmem>>, vector<1x16xf32>,
      %swap3A_142 = vector.shape_cast %swap3A_141 : vector<1x16xf32> to vector<16xf32>
      %swap3A_143 = vector.shape_cast %broadcast_in_dim3A_1 : vector<16xf32> to vector<1x16xf32>
      tpu.vector_store %arg7[%swap3A_139, %swap3A_140], %swap3A_143 {strides = array<i32>} : memref<80x128xf32, #tpu.memory_space<vmem>>, vector<1x16xf32>,
      %swap3A_144 = arith.index_cast %scan3A_113 : i32 to index
      %swap3A_145 = arith.constant 96 : index
      %swap3A_146 = tpu.vector_load %arg7[%swap3A_144, %swap3A_145] {strides = array<i32>} : memref<80x128xf32, #tpu.memory_space<vmem>>, vector<1x16xf32>,
      %swap3A_147 = vector.shape_cast %swap3A_146 : vector<1x16xf32> to vector<16xf32>
      %swap3A_148 = vector.shape_cast %broadcast_in_dim3A_1 : vector<16xf32> to vector<1x16xf32>
      tpu.vector_store %arg7[%swap3A_144, %swap3A_145], %swap3A_148 {strides = array<i32>} : memref<80x128xf32, #tpu.memory_space<vmem>>, vector<1x16xf32>,
      %swap3A_149 = arith.index_cast %scan3A_113 : i32 to index
      %swap3A_150 = arith.constant 112 : index
      %swap3A_151 = tpu.vector_load %arg7[%swap3A_149, %swap3A_150] {strides = array<i32>} : memref<80x128xf32, #tpu.memory_space<vmem>>, vector<1x16xf32>,
      %swap3A_152 = vector.shape_cast %swap3A_151 : vector<1x16xf32> to vector<16xf32>
      %swap3A_153 = vector.shape_cast %broadcast_in_dim3A_1 : vector<16xf32> to vector<1x16xf32>
      tpu.vector_store %arg7[%swap3A_149, %swap3A_150], %swap3A_153 {strides = array<i32>} : memref<80x128xf32, #tpu.memory_space<vmem>>, vector<1x16xf32>,
      %scan3A_154 = arith.constant 0 : i32
      scf.yield %scan3A_154 : i32
    }
    %scan3A_9 = arith.constant 80 : i32
    %lt3A = arith.constant 15 : i32
    %lt3A_10 = arith.cmpi slt, %arg1, %lt3A : i32
    %convert_element_type3A = arith.extui %lt3A_10 : i1 to i32
    %cond3A = arith.constant 0 : i32
    %cond3A_11 = arith.cmpi ne, %convert_element_type3A, %cond3A : i32
    scf.if %cond3A_11 {
      %mul3A_113 = arith.constant 640 : i32
      %mul3A_114 = arith.muli %arg1, %mul3A_113 : i32
      %add3A_115 = arith.constant 0 : i32
      %add3A_116 = arith.addi %mul3A_114, %add3A_115 : i32
      "tpu.region"() ({
        %run_scoped3A = tpu.sem_alloc : memref<!tpu.dma_semaphore, #tpu.memory_space<semaphore_mem>>
        %dma_start3A = arith.constant 0 : i32
        %dma_start3A_145 = tpu.memref_slice %arg8[%add3A_116, %dma_start3A] : memref<10000x128xf32, #tpu.memory_space<vmem_shared>> -> memref<80x128xf32, #tpu.memory_space<vmem_shared>>
        %dma_start3A_146 = arith.constant 0 : i32
        %dma_start3A_147 = tpu.memref_slice %arg8[%add3A_116, %dma_start3A_146] : memref<10000x128xf32, #tpu.memory_space<vmem_shared>> -> memref<80x128xf32, #tpu.memory_space<vmem_shared>>
        tpu.enqueue_dma source(%arg7 : memref<80x128xf32, #tpu.memory_space<vmem>>) target(%dma_start3A_147 : memref<80x128xf32, #tpu.memory_space<vmem_shared>>) target_semaphore(%run_scoped3A : memref<!tpu.dma_semaphore, #tpu.memory_space<semaphore_mem>>)
        %dma_wait3A = arith.constant 0 : i32
        %dma_wait3A_148 = tpu.memref_slice %arg8[%add3A_116, %dma_wait3A] : memref<10000x128xf32, #tpu.memory_space<vmem_shared>> -> memref<80x128xf32, #tpu.memory_space<vmem_shared>>
        %dma_wait3A_149 = arith.constant 0 : i32
        %dma_wait3A_150 = tpu.memref_slice %arg8[%add3A_116, %dma_wait3A_149] : memref<10000x128xf32, #tpu.memory_space<vmem_shared>> -> memref<80x128xf32, #tpu.memory_space<vmem_shared>>
        tpu.wait_dma2 semaphore(%run_scoped3A : memref<!tpu.dma_semaphore, #tpu.memory_space<semaphore_mem>>) src(%arg7 : memref<80x128xf32, #tpu.memory_space<vmem>>) dst(%dma_wait3A_150 : memref<80x128xf32, #tpu.memory_space<vmem_shared>>)
        tpu.yield
      }) : () -> ()
      %mul3A_117 = arith.constant 640 : i32
      %mul3A_118 = arith.muli %arg1, %mul3A_117 : i32
      %add3A_119 = arith.constant 80 : i32
      %add3A_120 = arith.addi %mul3A_118, %add3A_119 : i32
      "tpu.region"() ({
        %run_scoped3A = tpu.sem_alloc : memref<!tpu.dma_semaphore, #tpu.memory_space<semaphore_mem>>
        %dma_start3A = arith.constant 0 : i32
        %dma_start3A_145 = tpu.memref_slice %arg8[%add3A_120, %dma_start3A] : memref<10000x128xf32, #tpu.memory_space<vmem_shared>> -> memref<80x128xf32, #tpu.memory_space<vmem_shared>>
        %dma_start3A_146 = arith.constant 0 : i32
        %dma_start3A_147 = tpu.memref_slice %arg8[%add3A_120, %dma_start3A_146] : memref<10000x128xf32, #tpu.memory_space<vmem_shared>> -> memref<80x128xf32, #tpu.memory_space<vmem_shared>>
        tpu.enqueue_dma source(%arg7 : memref<80x128xf32, #tpu.memory_space<vmem>>) target(%dma_start3A_147 : memref<80x128xf32, #tpu.memory_space<vmem_shared>>) target_semaphore(%run_scoped3A : memref<!tpu.dma_semaphore, #tpu.memory_space<semaphore_mem>>)
        %dma_wait3A = arith.constant 0 : i32
        %dma_wait3A_148 = tpu.memref_slice %arg8[%add3A_120, %dma_wait3A] : memref<10000x128xf32, #tpu.memory_space<vmem_shared>> -> memref<80x128xf32, #tpu.memory_space<vmem_shared>>
        %dma_wait3A_149 = arith.constant 0 : i32
        %dma_wait3A_150 = tpu.memref_slice %arg8[%add3A_120, %dma_wait3A_149] : memref<10000x128xf32, #tpu.memory_space<vmem_shared>> -> memref<80x128xf32, #tpu.memory_space<vmem_shared>>
        tpu.wait_dma2 semaphore(%run_scoped3A : memref<!tpu.dma_semaphore, #tpu.memory_space<semaphore_mem>>) src(%arg7 : memref<80x128xf32, #tpu.memory_space<vmem>>) dst(%dma_wait3A_150 : memref<80x128xf32, #tpu.memory_space<vmem_shared>>)
        tpu.yield
      }) : () -> ()
      %mul3A_121 = arith.constant 640 : i32
      %mul3A_122 = arith.muli %arg1, %mul3A_121 : i32
      %add3A_123 = arith.constant 160 : i32
      %add3A_124 = arith.addi %mul3A_122, %add3A_123 : i32
      "tpu.region"() ({
        %run_scoped3A = tpu.sem_alloc : memref<!tpu.dma_semaphore, #tpu.memory_space<semaphore_mem>>
        %dma_start3A = arith.constant 0 : i32
        %dma_start3A_145 = tpu.memref_slice %arg8[%add3A_124, %dma_start3A] : memref<10000x128xf32, #tpu.memory_space<vmem_shared>> -> memref<80x128xf32, #tpu.memory_space<vmem_shared>>
        %dma_start3A_146 = arith.constant 0 : i32
        %dma_start3A_147 = tpu.memref_slice %arg8[%add3A_124, %dma_start3A_146] : memref<10000x128xf32, #tpu.memory_space<vmem_shared>> -> memref<80x128xf32, #tpu.memory_space<vmem_shared>>
        tpu.enqueue_dma source(%arg7 : memref<80x128xf32, #tpu.memory_space<vmem>>) target(%dma_start3A_147 : memref<80x128xf32, #tpu.memory_space<vmem_shared>>) target_semaphore(%run_scoped3A : memref<!tpu.dma_semaphore, #tpu.memory_space<semaphore_mem>>)
        %dma_wait3A = arith.constant 0 : i32
        %dma_wait3A_148 = tpu.memref_slice %arg8[%add3A_124, %dma_wait3A] : memref<10000x128xf32, #tpu.memory_space<vmem_shared>> -> memref<80x128xf32, #tpu.memory_space<vmem_shared>>
        %dma_wait3A_149 = arith.constant 0 : i32
        %dma_wait3A_150 = tpu.memref_slice %arg8[%add3A_124, %dma_wait3A_149] : memref<10000x128xf32, #tpu.memory_space<vmem_shared>> -> memref<80x128xf32, #tpu.memory_space<vmem_shared>>
        tpu.wait_dma2 semaphore(%run_scoped3A : memref<!tpu.dma_semaphore, #tpu.memory_space<semaphore_mem>>) src(%arg7 : memref<80x128xf32, #tpu.memory_space<vmem>>) dst(%dma_wait3A_150 : memref<80x128xf32, #tpu.memory_space<vmem_shared>>)
        tpu.yield
      }) : () -> ()
      %mul3A_125 = arith.constant 640 : i32
      %mul3A_126 = arith.muli %arg1, %mul3A_125 : i32
      %add3A_127 = arith.constant 240 : i32
      %add3A_128 = arith.addi %mul3A_126, %add3A_127 : i32
      "tpu.region"() ({
        %run_scoped3A = tpu.sem_alloc : memref<!tpu.dma_semaphore, #tpu.memory_space<semaphore_mem>>
        %dma_start3A = arith.constant 0 : i32
        %dma_start3A_145 = tpu.memref_slice %arg8[%add3A_128, %dma_start3A] : memref<10000x128xf32, #tpu.memory_space<vmem_shared>> -> memref<80x128xf32, #tpu.memory_space<vmem_shared>>
        %dma_start3A_146 = arith.constant 0 : i32
        %dma_start3A_147 = tpu.memref_slice %arg8[%add3A_128, %dma_start3A_146] : memref<10000x128xf32, #tpu.memory_space<vmem_shared>> -> memref<80x128xf32, #tpu.memory_space<vmem_shared>>
        tpu.enqueue_dma source(%arg7 : memref<80x128xf32, #tpu.memory_space<vmem>>) target(%dma_start3A_147 : memref<80x128xf32, #tpu.memory_space<vmem_shared>>) target_semaphore(%run_scoped3A : memref<!tpu.dma_semaphore, #tpu.memory_space<semaphore_mem>>)
        %dma_wait3A = arith.constant 0 : i32
        %dma_wait3A_148 = tpu.memref_slice %arg8[%add3A_128, %dma_wait3A] : memref<10000x128xf32, #tpu.memory_space<vmem_shared>> -> memref<80x128xf32, #tpu.memory_space<vmem_shared>>
        %dma_wait3A_149 = arith.constant 0 : i32
        %dma_wait3A_150 = tpu.memref_slice %arg8[%add3A_128, %dma_wait3A_149] : memref<10000x128xf32, #tpu.memory_space<vmem_shared>> -> memref<80x128xf32, #tpu.memory_space<vmem_shared>>
        tpu.wait_dma2 semaphore(%run_scoped3A : memref<!tpu.dma_semaphore, #tpu.memory_space<semaphore_mem>>) src(%arg7 : memref<80x128xf32, #tpu.memory_space<vmem>>) dst(%dma_wait3A_150 : memref<80x128xf32, #tpu.memory_space<vmem_shared>>)
        tpu.yield
      }) : () -> ()
      %mul3A_129 = arith.constant 640 : i32
      %mul3A_130 = arith.muli %arg1, %mul3A_129 : i32
      %add3A_131 = arith.constant 320 : i32
      %add3A_132 = arith.addi %mul3A_130, %add3A_131 : i32
      "tpu.region"() ({
        %run_scoped3A = tpu.sem_alloc : memref<!tpu.dma_semaphore, #tpu.memory_space<semaphore_mem>>
        %dma_start3A = arith.constant 0 : i32
        %dma_start3A_145 = tpu.memref_slice %arg8[%add3A_132, %dma_start3A] : memref<10000x128xf32, #tpu.memory_space<vmem_shared>> -> memref<80x128xf32, #tpu.memory_space<vmem_shared>>
        %dma_start3A_146 = arith.constant 0 : i32
        %dma_start3A_147 = tpu.memref_slice %arg8[%add3A_132, %dma_start3A_146] : memref<10000x128xf32, #tpu.memory_space<vmem_shared>> -> memref<80x128xf32, #tpu.memory_space<vmem_shared>>
        tpu.enqueue_dma source(%arg7 : memref<80x128xf32, #tpu.memory_space<vmem>>) target(%dma_start3A_147 : memref<80x128xf32, #tpu.memory_space<vmem_shared>>) target_semaphore(%run_scoped3A : memref<!tpu.dma_semaphore, #tpu.memory_space<semaphore_mem>>)
        %dma_wait3A = arith.constant 0 : i32
        %dma_wait3A_148 = tpu.memref_slice %arg8[%add3A_132, %dma_wait3A] : memref<10000x128xf32, #tpu.memory_space<vmem_shared>> -> memref<80x128xf32, #tpu.memory_space<vmem_shared>>
        %dma_wait3A_149 = arith.constant 0 : i32
        %dma_wait3A_150 = tpu.memref_slice %arg8[%add3A_132, %dma_wait3A_149] : memref<10000x128xf32, #tpu.memory_space<vmem_shared>> -> memref<80x128xf32, #tpu.memory_space<vmem_shared>>
        tpu.wait_dma2 semaphore(%run_scoped3A : memref<!tpu.dma_semaphore, #tpu.memory_space<semaphore_mem>>) src(%arg7 : memref<80x128xf32, #tpu.memory_space<vmem>>) dst(%dma_wait3A_150 : memref<80x128xf32, #tpu.memory_space<vmem_shared>>)
        tpu.yield
      }) : () -> ()
      %mul3A_133 = arith.constant 640 : i32
      %mul3A_134 = arith.muli %arg1, %mul3A_133 : i32
      %add3A_135 = arith.constant 400 : i32
      %add3A_136 = arith.addi %mul3A_134, %add3A_135 : i32
      "tpu.region"() ({
        %run_scoped3A = tpu.sem_alloc : memref<!tpu.dma_semaphore, #tpu.memory_space<semaphore_mem>>
        %dma_start3A = arith.constant 0 : i32
        %dma_start3A_145 = tpu.memref_slice %arg8[%add3A_136, %dma_start3A] : memref<10000x128xf32, #tpu.memory_space<vmem_shared>> -> memref<80x128xf32, #tpu.memory_space<vmem_shared>>
        %dma_start3A_146 = arith.constant 0 : i32
        %dma_start3A_147 = tpu.memref_slice %arg8[%add3A_136, %dma_start3A_146] : memref<10000x128xf32, #tpu.memory_space<vmem_shared>> -> memref<80x128xf32, #tpu.memory_space<vmem_shared>>
        tpu.enqueue_dma source(%arg7 : memref<80x128xf32, #tpu.memory_space<vmem>>) target(%dma_start3A_147 : memref<80x128xf32, #tpu.memory_space<vmem_shared>>) target_semaphore(%run_scoped3A : memref<!tpu.dma_semaphore, #tpu.memory_space<semaphore_mem>>)
        %dma_wait3A = arith.constant 0 : i32
        %dma_wait3A_148 = tpu.memref_slice %arg8[%add3A_136, %dma_wait3A] : memref<10000x128xf32, #tpu.memory_space<vmem_shared>> -> memref<80x128xf32, #tpu.memory_space<vmem_shared>>
        %dma_wait3A_149 = arith.constant 0 : i32
        %dma_wait3A_150 = tpu.memref_slice %arg8[%add3A_136, %dma_wait3A_149] : memref<10000x128xf32, #tpu.memory_space<vmem_shared>> -> memref<80x128xf32, #tpu.memory_space<vmem_shared>>
        tpu.wait_dma2 semaphore(%run_scoped3A : memref<!tpu.dma_semaphore, #tpu.memory_space<semaphore_mem>>) src(%arg7 : memref<80x128xf32, #tpu.memory_space<vmem>>) dst(%dma_wait3A_150 : memref<80x128xf32, #tpu.memory_space<vmem_shared>>)
        tpu.yield
      }) : () -> ()
      %mul3A_137 = arith.constant 640 : i32
      %mul3A_138 = arith.muli %arg1, %mul3A_137 : i32
      %add3A_139 = arith.constant 480 : i32
      %add3A_140 = arith.addi %mul3A_138, %add3A_139 : i32
      "tpu.region"() ({
        %run_scoped3A = tpu.sem_alloc : memref<!tpu.dma_semaphore, #tpu.memory_space<semaphore_mem>>
        %dma_start3A = arith.constant 0 : i32
        %dma_start3A_145 = tpu.memref_slice %arg8[%add3A_140, %dma_start3A] : memref<10000x128xf32, #tpu.memory_space<vmem_shared>> -> memref<80x128xf32, #tpu.memory_space<vmem_shared>>
        %dma_start3A_146 = arith.constant 0 : i32
        %dma_start3A_147 = tpu.memref_slice %arg8[%add3A_140, %dma_start3A_146] : memref<10000x128xf32, #tpu.memory_space<vmem_shared>> -> memref<80x128xf32, #tpu.memory_space<vmem_shared>>
        tpu.enqueue_dma source(%arg7 : memref<80x128xf32, #tpu.memory_space<vmem>>) target(%dma_start3A_147 : memref<80x128xf32, #tpu.memory_space<vmem_shared>>) target_semaphore(%run_scoped3A : memref<!tpu.dma_semaphore, #tpu.memory_space<semaphore_mem>>)
        %dma_wait3A = arith.constant 0 : i32
        %dma_wait3A_148 = tpu.memref_slice %arg8[%add3A_140, %dma_wait3A] : memref<10000x128xf32, #tpu.memory_space<vmem_shared>> -> memref<80x128xf32, #tpu.memory_space<vmem_shared>>
        %dma_wait3A_149 = arith.constant 0 : i32
        %dma_wait3A_150 = tpu.memref_slice %arg8[%add3A_140, %dma_wait3A_149] : memref<10000x128xf32, #tpu.memory_space<vmem_shared>> -> memref<80x128xf32, #tpu.memory_space<vmem_shared>>
        tpu.wait_dma2 semaphore(%run_scoped3A : memref<!tpu.dma_semaphore, #tpu.memory_space<semaphore_mem>>) src(%arg7 : memref<80x128xf32, #tpu.memory_space<vmem>>) dst(%dma_wait3A_150 : memref<80x128xf32, #tpu.memory_space<vmem_shared>>)
        tpu.yield
      }) : () -> ()
      %mul3A_141 = arith.constant 640 : i32
      %mul3A_142 = arith.muli %arg1, %mul3A_141 : i32
      %add3A_143 = arith.constant 560 : i32
      %add3A_144 = arith.addi %mul3A_142, %add3A_143 : i32
      "tpu.region"() ({
        %run_scoped3A = tpu.sem_alloc : memref<!tpu.dma_semaphore, #tpu.memory_space<semaphore_mem>>
        %dma_start3A = arith.constant 0 : i32
        %dma_start3A_145 = tpu.memref_slice %arg8[%add3A_144, %dma_start3A] : memref<10000x128xf32, #tpu.memory_space<vmem_shared>> -> memref<80x128xf32, #tpu.memory_space<vmem_shared>>
        %dma_start3A_146 = arith.constant 0 : i32
        %dma_start3A_147 = tpu.memref_slice %arg8[%add3A_144, %dma_start3A_146] : memref<10000x128xf32, #tpu.memory_space<vmem_shared>> -> memref<80x128xf32, #tpu.memory_space<vmem_shared>>
        tpu.enqueue_dma source(%arg7 : memref<80x128xf32, #tpu.memory_space<vmem>>) target(%dma_start3A_147 : memref<80x128xf32, #tpu.memory_space<vmem_shared>>) target_semaphore(%run_scoped3A : memref<!tpu.dma_semaphore, #tpu.memory_space<semaphore_mem>>)
        %dma_wait3A = arith.constant 0 : i32
        %dma_wait3A_148 = tpu.memref_slice %arg8[%add3A_144, %dma_wait3A] : memref<10000x128xf32, #tpu.memory_space<vmem_shared>> -> memref<80x128xf32, #tpu.memory_space<vmem_shared>>
        %dma_wait3A_149 = arith.constant 0 : i32
        %dma_wait3A_150 = tpu.memref_slice %arg8[%add3A_144, %dma_wait3A_149] : memref<10000x128xf32, #tpu.memory_space<vmem_shared>> -> memref<80x128xf32, #tpu.memory_space<vmem_shared>>
        tpu.wait_dma2 semaphore(%run_scoped3A : memref<!tpu.dma_semaphore, #tpu.memory_space<semaphore_mem>>) src(%arg7 : memref<80x128xf32, #tpu.memory_space<vmem>>) dst(%dma_wait3A_150 : memref<80x128xf32, #tpu.memory_space<vmem_shared>>)
        tpu.yield
      }) : () -> ()
    } else {
    }
    %eq3A = arith.constant 15 : i32
    %eq3A_12 = arith.cmpi eq, %arg1, %eq3A : i32
    %convert_element_type3A_13 = arith.extui %eq3A_12 : i1 to i32
    %cond3A_14 = arith.constant 0 : i32
    %cond3A_15 = arith.cmpi ne, %convert_element_type3A_13, %cond3A_14 : i32
    scf.if %cond3A_15 {
      "tpu.region"() ({
        %run_scoped3A = tpu.sem_alloc : memref<!tpu.dma_semaphore, #tpu.memory_space<semaphore_mem>>
        %dma_start3A = arith.constant 9600 : i32
        %dma_start3A_113 = arith.constant 0 : i32
        %dma_start3A_114 = tpu.memref_slice %arg8[%dma_start3A, %dma_start3A_113] : memref<10000x128xf32, #tpu.memory_space<vmem_shared>> -> memref<80x128xf32, #tpu.memory_space<vmem_shared>>
        %dma_start3A_115 = arith.constant 9600 : i32
        %dma_start3A_116 = arith.constant 0 : i32
        %dma_start3A_117 = tpu.memref_slice %arg8[%dma_start3A_115, %dma_start3A_116] : memref<10000x128xf32, #tpu.memory_space<vmem_shared>> -> memref<80x128xf32, #tpu.memory_space<vmem_shared>>
        tpu.enqueue_dma source(%arg7 : memref<80x128xf32, #tpu.memory_space<vmem>>) target(%dma_start3A_117 : memref<80x128xf32, #tpu.memory_space<vmem_shared>>) target_semaphore(%run_scoped3A : memref<!tpu.dma_semaphore, #tpu.memory_space<semaphore_mem>>)
        %dma_wait3A = arith.constant 9600 : i32
        %dma_wait3A_118 = arith.constant 0 : i32
        %dma_wait3A_119 = tpu.memref_slice %arg8[%dma_wait3A, %dma_wait3A_118] : memref<10000x128xf32, #tpu.memory_space<vmem_shared>> -> memref<80x128xf32, #tpu.memory_space<vmem_shared>>
        %dma_wait3A_120 = arith.constant 9600 : i32
        %dma_wait3A_121 = arith.constant 0 : i32
        %dma_wait3A_122 = tpu.memref_slice %arg8[%dma_wait3A_120, %dma_wait3A_121] : memref<10000x128xf32, #tpu.memory_space<vmem_shared>> -> memref<80x128xf32, #tpu.memory_space<vmem_shared>>
        tpu.wait_dma2 semaphore(%run_scoped3A : memref<!tpu.dma_semaphore, #tpu.memory_space<semaphore_mem>>) src(%arg7 : memref<80x128xf32, #tpu.memory_space<vmem>>) dst(%dma_wait3A_122 : memref<80x128xf32, #tpu.memory_space<vmem_shared>>)
        tpu.yield
      }) : () -> ()
      "tpu.region"() ({
        %run_scoped3A = tpu.sem_alloc : memref<!tpu.dma_semaphore, #tpu.memory_space<semaphore_mem>>
        %dma_start3A = arith.constant 9680 : i32
        %dma_start3A_113 = arith.constant 0 : i32
        %dma_start3A_114 = tpu.memref_slice %arg8[%dma_start3A, %dma_start3A_113] : memref<10000x128xf32, #tpu.memory_space<vmem_shared>> -> memref<80x128xf32, #tpu.memory_space<vmem_shared>>
        %dma_start3A_115 = arith.constant 9680 : i32
        %dma_start3A_116 = arith.constant 0 : i32
        %dma_start3A_117 = tpu.memref_slice %arg8[%dma_start3A_115, %dma_start3A_116] : memref<10000x128xf32, #tpu.memory_space<vmem_shared>> -> memref<80x128xf32, #tpu.memory_space<vmem_shared>>
        tpu.enqueue_dma source(%arg7 : memref<80x128xf32, #tpu.memory_space<vmem>>) target(%dma_start3A_117 : memref<80x128xf32, #tpu.memory_space<vmem_shared>>) target_semaphore(%run_scoped3A : memref<!tpu.dma_semaphore, #tpu.memory_space<semaphore_mem>>)
        %dma_wait3A = arith.constant 9680 : i32
        %dma_wait3A_118 = arith.constant 0 : i32
        %dma_wait3A_119 = tpu.memref_slice %arg8[%dma_wait3A, %dma_wait3A_118] : memref<10000x128xf32, #tpu.memory_space<vmem_shared>> -> memref<80x128xf32, #tpu.memory_space<vmem_shared>>
        %dma_wait3A_120 = arith.constant 9680 : i32
        %dma_wait3A_121 = arith.constant 0 : i32
        %dma_wait3A_122 = tpu.memref_slice %arg8[%dma_wait3A_120, %dma_wait3A_121] : memref<10000x128xf32, #tpu.memory_space<vmem_shared>> -> memref<80x128xf32, #tpu.memory_space<vmem_shared>>
        tpu.wait_dma2 semaphore(%run_scoped3A : memref<!tpu.dma_semaphore, #tpu.memory_space<semaphore_mem>>) src(%arg7 : memref<80x128xf32, #tpu.memory_space<vmem>>) dst(%dma_wait3A_122 : memref<80x128xf32, #tpu.memory_space<vmem_shared>>)
        tpu.yield
      }) : () -> ()
      "tpu.region"() ({
        %run_scoped3A = tpu.sem_alloc : memref<!tpu.dma_semaphore, #tpu.memory_space<semaphore_mem>>
        %dma_start3A = arith.constant 9760 : i32
        %dma_start3A_113 = arith.constant 0 : i32
        %dma_start3A_114 = tpu.memref_slice %arg8[%dma_start3A, %dma_start3A_113] : memref<10000x128xf32, #tpu.memory_space<vmem_shared>> -> memref<80x128xf32, #tpu.memory_space<vmem_shared>>
        %dma_start3A_115 = arith.constant 9760 : i32
        %dma_start3A_116 = arith.constant 0 : i32
        %dma_start3A_117 = tpu.memref_slice %arg8[%dma_start3A_115, %dma_start3A_116] : memref<10000x128xf32, #tpu.memory_space<vmem_shared>> -> memref<80x128xf32, #tpu.memory_space<vmem_shared>>
        tpu.enqueue_dma source(%arg7 : memref<80x128xf32, #tpu.memory_space<vmem>>) target(%dma_start3A_117 : memref<80x128xf32, #tpu.memory_space<vmem_shared>>) target_semaphore(%run_scoped3A : memref<!tpu.dma_semaphore, #tpu.memory_space<semaphore_mem>>)
        %dma_wait3A = arith.constant 9760 : i32
        %dma_wait3A_118 = arith.constant 0 : i32
        %dma_wait3A_119 = tpu.memref_slice %arg8[%dma_wait3A, %dma_wait3A_118] : memref<10000x128xf32, #tpu.memory_space<vmem_shared>> -> memref<80x128xf32, #tpu.memory_space<vmem_shared>>
        %dma_wait3A_120 = arith.constant 9760 : i32
        %dma_wait3A_121 = arith.constant 0 : i32
        %dma_wait3A_122 = tpu.memref_slice %arg8[%dma_wait3A_120, %dma_wait3A_121] : memref<10000x128xf32, #tpu.memory_space<vmem_shared>> -> memref<80x128xf32, #tpu.memory_space<vmem_shared>>
        tpu.wait_dma2 semaphore(%run_scoped3A : memref<!tpu.dma_semaphore, #tpu.memory_space<semaphore_mem>>) src(%arg7 : memref<80x128xf32, #tpu.memory_space<vmem>>) dst(%dma_wait3A_122 : memref<80x128xf32, #tpu.memory_space<vmem_shared>>)
        tpu.yield
      }) : () -> ()
      "tpu.region"() ({
        %run_scoped3A = tpu.sem_alloc : memref<!tpu.dma_semaphore, #tpu.memory_space<semaphore_mem>>
        %dma_start3A = arith.constant 9840 : i32
        %dma_start3A_113 = arith.constant 0 : i32
        %dma_start3A_114 = tpu.memref_slice %arg8[%dma_start3A, %dma_start3A_113] : memref<10000x128xf32, #tpu.memory_space<vmem_shared>> -> memref<80x128xf32, #tpu.memory_space<vmem_shared>>
        %dma_start3A_115 = arith.constant 9840 : i32
        %dma_start3A_116 = arith.constant 0 : i32
        %dma_start3A_117 = tpu.memref_slice %arg8[%dma_start3A_115, %dma_start3A_116] : memref<10000x128xf32, #tpu.memory_space<vmem_shared>> -> memref<80x128xf32, #tpu.memory_space<vmem_shared>>
        tpu.enqueue_dma source(%arg7 : memref<80x128xf32, #tpu.memory_space<vmem>>) target(%dma_start3A_117 : memref<80x128xf32, #tpu.memory_space<vmem_shared>>) target_semaphore(%run_scoped3A : memref<!tpu.dma_semaphore, #tpu.memory_space<semaphore_mem>>)
        %dma_wait3A = arith.constant 9840 : i32
        %dma_wait3A_118 = arith.constant 0 : i32
        %dma_wait3A_119 = tpu.memref_slice %arg8[%dma_wait3A, %dma_wait3A_118] : memref<10000x128xf32, #tpu.memory_space<vmem_shared>> -> memref<80x128xf32, #tpu.memory_space<vmem_shared>>
        %dma_wait3A_120 = arith.constant 9840 : i32
        %dma_wait3A_121 = arith.constant 0 : i32
        %dma_wait3A_122 = tpu.memref_slice %arg8[%dma_wait3A_120, %dma_wait3A_121] : memref<10000x128xf32, #tpu.memory_space<vmem_shared>> -> memref<80x128xf32, #tpu.memory_space<vmem_shared>>
        tpu.wait_dma2 semaphore(%run_scoped3A : memref<!tpu.dma_semaphore, #tpu.memory_space<semaphore_mem>>) src(%arg7 : memref<80x128xf32, #tpu.memory_space<vmem>>) dst(%dma_wait3A_122 : memref<80x128xf32, #tpu.memory_space<vmem_shared>>)
        tpu.yield
      }) : () -> ()
      "tpu.region"() ({
        %run_scoped3A = tpu.sem_alloc : memref<!tpu.dma_semaphore, #tpu.memory_space<semaphore_mem>>
        %dma_start3A = arith.constant 9920 : i32
        %dma_start3A_113 = arith.constant 0 : i32
        %dma_start3A_114 = tpu.memref_slice %arg8[%dma_start3A, %dma_start3A_113] : memref<10000x128xf32, #tpu.memory_space<vmem_shared>> -> memref<80x128xf32, #tpu.memory_space<vmem_shared>>
        %dma_start3A_115 = arith.constant 9920 : i32
        %dma_start3A_116 = arith.constant 0 : i32
        %dma_start3A_117 = tpu.memref_slice %arg8[%dma_start3A_115, %dma_start3A_116] : memref<10000x128xf32, #tpu.memory_space<vmem_shared>> -> memref<80x128xf32, #tpu.memory_space<vmem_shared>>
        tpu.enqueue_dma source(%arg7 : memref<80x128xf32, #tpu.memory_space<vmem>>) target(%dma_start3A_117 : memref<80x128xf32, #tpu.memory_space<vmem_shared>>) target_semaphore(%run_scoped3A : memref<!tpu.dma_semaphore, #tpu.memory_space<semaphore_mem>>)
        %dma_wait3A = arith.constant 9920 : i32
        %dma_wait3A_118 = arith.constant 0 : i32
        %dma_wait3A_119 = tpu.memref_slice %arg8[%dma_wait3A, %dma_wait3A_118] : memref<10000x128xf32, #tpu.memory_space<vmem_shared>> -> memref<80x128xf32, #tpu.memory_space<vmem_shared>>
        %dma_wait3A_120 = arith.constant 9920 : i32
        %dma_wait3A_121 = arith.constant 0 : i32
        %dma_wait3A_122 = tpu.memref_slice %arg8[%dma_wait3A_120, %dma_wait3A_121] : memref<10000x128xf32, #tpu.memory_space<vmem_shared>> -> memref<80x128xf32, #tpu.memory_space<vmem_shared>>
        tpu.wait_dma2 semaphore(%run_scoped3A : memref<!tpu.dma_semaphore, #tpu.memory_space<semaphore_mem>>) src(%arg7 : memref<80x128xf32, #tpu.memory_space<vmem>>) dst(%dma_wait3A_122 : memref<80x128xf32, #tpu.memory_space<vmem_shared>>)
        tpu.yield
      }) : () -> ()
    } else {
    }
    %barrier3A = arith.constant 0 : index
    tpu.barrier barrier_id(%barrier3A)
    %scan3A_16 = arith.constant 0 : i32
    %scan3A_17 = arith.constant 0 : i32
    %scan3A_18 = arith.constant 125 : i32
    %scan3A_19 = arith.addi %scan3A_17, %scan3A_18 : i32
    %scan3A_20 = arith.constant 1 : i32
    %scan3A_21 = scf.for %scan3A_113 = %scan3A_17 to %scan3A_19 step %scan3A_20 iter_args(%scan3A_114 = %scan3A_16) -> (i32)  : i32 {
      %mul3A_115 = arith.constant 10000 : i32
      %mul3A_116 = arith.muli %add3A, %mul3A_115 : i32
      %mul3A_117 = arith.constant 80 : i32
      %mul3A_118 = arith.muli %scan3A_113, %mul3A_117 : i32
      %add3A_119 = arith.addi %mul3A_116, %mul3A_118 : i32
      %add3A_120 = arith.constant 0 : i32
      %add3A_121 = arith.addi %add3A_120, %add3A_119 : i32
      %add3A_122 = arith.constant 320000 : i32
      %add3A_123 = arith.addi %add3A_121, %add3A_122 : i32
      "tpu.region"() ({
        %run_scoped3A = tpu.sem_alloc : memref<!tpu.dma_semaphore, #tpu.memory_space<semaphore_mem>>
        %dma_start3A = tpu.memref_slice %arg2[%add3A_123] : memref<1920000xi32, #tpu.memory_space<hbm>> -> memref<80xi32, #tpu.memory_space<hbm>>
        %dma_start3A_136 = tpu.memref_slice %arg2[%add3A_123] : memref<1920000xi32, #tpu.memory_space<hbm>> -> memref<80xi32, #tpu.memory_space<hbm>>
        tpu.enqueue_dma source(%dma_start3A_136 : memref<80xi32, #tpu.memory_space<hbm>>) target(%arg5 : memref<80xi32, #tpu.memory_space<vmem>>) target_semaphore(%run_scoped3A : memref<!tpu.dma_semaphore, #tpu.memory_space<semaphore_mem>>)
        %dma_wait3A = tpu.memref_slice %arg2[%add3A_123] : memref<1920000xi32, #tpu.memory_space<hbm>> -> memref<80xi32, #tpu.memory_space<hbm>>
        %dma_wait3A_137 = tpu.memref_slice %arg2[%add3A_123] : memref<1920000xi32, #tpu.memory_space<hbm>> -> memref<80xi32, #tpu.memory_space<hbm>>
        tpu.wait_dma2 semaphore(%run_scoped3A : memref<!tpu.dma_semaphore, #tpu.memory_space<semaphore_mem>>) src(%dma_wait3A_137 : memref<80xi32, #tpu.memory_space<hbm>>) dst(%arg5 : memref<80xi32, #tpu.memory_space<vmem>>)
        tpu.yield
      }) : () -> ()
      %add3A_124 = arith.constant 0 : i32
      %add3A_125 = arith.addi %add3A_124, %add3A_119 : i32
      %mul3A_126 = arith.constant 16 : i32
      %mul3A_127 = arith.muli %add3A_125, %mul3A_126 : i32
      "tpu.region"() ({
        %run_scoped3A = tpu.sem_alloc : memref<!tpu.dma_semaphore, #tpu.memory_space<semaphore_mem>>
        %dma_start3A = tpu.memref_slice %arg3[%mul3A_127] : memref<15360000xf32, #tpu.memory_space<hbm>> -> memref<1280xf32, #tpu.memory_space<hbm>>
        %dma_start3A_136 = tpu.memref_slice %arg3[%mul3A_127] : memref<15360000xf32, #tpu.memory_space<hbm>> -> memref<1280xf32, #tpu.memory_space<hbm>>
        tpu.enqueue_dma source(%dma_start3A_136 : memref<1280xf32, #tpu.memory_space<hbm>>) target(%arg6 : memref<1280xf32, #tpu.memory_space<vmem>>) target_semaphore(%run_scoped3A : memref<!tpu.dma_semaphore, #tpu.memory_space<semaphore_mem>>)
        %dma_wait3A = tpu.memref_slice %arg3[%mul3A_127] : memref<15360000xf32, #tpu.memory_space<hbm>> -> memref<1280xf32, #tpu.memory_space<hbm>>
        %dma_wait3A_137 = tpu.memref_slice %arg3[%mul3A_127] : memref<15360000xf32, #tpu.memory_space<hbm>> -> memref<1280xf32, #tpu.memory_space<hbm>>
        tpu.wait_dma2 semaphore(%run_scoped3A : memref<!tpu.dma_semaphore, #tpu.memory_space<semaphore_mem>>) src(%dma_wait3A_137 : memref<1280xf32, #tpu.memory_space<hbm>>) dst(%arg6 : memref<1280xf32, #tpu.memory_space<vmem>>)
        tpu.yield
      }) : () -> ()
      %scan3A_128 = arith.constant 0 : i32
      %scan3A_129 = arith.constant 0 : i32
      %scan3A_130 = arith.constant 80 : i32
      %scan3A_131 = arith.addi %scan3A_129, %scan3A_130 : i32
      %scan3A_132 = arith.constant 1 : i32
      %scan3A_133 = scf.for %scan3A_136 = %scan3A_129 to %scan3A_131 step %scan3A_132 iter_args(%scan3A_137 = %scan3A_128) -> (i32)  : i32 {
        %mul3A_138 = arith.constant 16 : i32
        %mul3A_139 = arith.muli %mul3A_138, %scan3A_136 : i32
        %get3A = arith.index_cast %mul3A_139 : i32 to index
        %get3A_140 = tpu.vector_load %arg6[%get3A] {strides = array<i32>} : memref<1280xf32, #tpu.memory_space<vmem>>, vector<16xf32>,
        %get3A_141 = vector.shape_cast %get3A_140 : vector<16xf32> to vector<16xf32>
        %swap3A = arith.index_cast %scan3A_136 : i32 to index
        %swap3A_142 = arith.constant 0 : index
        %swap3A_143 = tpu.vector_load %arg7[%swap3A, %swap3A_142] {strides = array<i32>} : memref<80x128xf32, #tpu.memory_space<vmem>>, vector<1x16xf32>,
        %swap3A_144 = vector.shape_cast %swap3A_143 : vector<1x16xf32> to vector<16xf32>
        %swap3A_145 = vector.shape_cast %get3A_141 : vector<16xf32> to vector<1x16xf32>
        tpu.vector_store %arg7[%swap3A, %swap3A_142], %swap3A_145 {strides = array<i32>} : memref<80x128xf32, #tpu.memory_space<vmem>>, vector<1x16xf32>,
        %scan3A_146 = arith.constant 0 : i32
        scf.yield %scan3A_146 : i32
      }
      %scan3A_134 = arith.constant 80 : i32
      "tpu.region"() ({
        %run_scoped3A = tpu.sem_alloc : memref<!tpu.dma_semaphore, #tpu.memory_space<semaphore_mem>>
        %dma_start3A = arith.constant 0 : i32
        %dma_start3A_136 = arith.constant 0 : i32
        %dma_start3A_137 = tpu.memref_slice %arg8[%dma_start3A, %dma_start3A_136] : memref<10000x128xf32, #tpu.memory_space<vmem_shared>> -> memref<10000x128xf32, #tpu.memory_space<vmem_shared>>
        tpu.enqueue_indirect_dma source(%arg7 : memref<80x128xf32, #tpu.memory_space<vmem>>) target(%dma_start3A_137 : memref<10000x128xf32, #tpu.memory_space<vmem_shared>>) offsets(%arg5 : memref<80xi32, #tpu.memory_space<vmem>>) semaphore(%run_scoped3A : memref<!tpu.dma_semaphore, #tpu.memory_space<semaphore_mem>>) {add = true}
        %dma_wait3A = arith.constant 0 : i32
        %dma_wait3A_138 = arith.constant 0 : i32
        %dma_wait3A_139 = tpu.memref_slice %arg8[%dma_wait3A, %dma_wait3A_138] : memref<10000x128xf32, #tpu.memory_space<vmem_shared>> -> memref<10000x128xf32, #tpu.memory_space<vmem_shared>>
        tpu.wait_indirect_dma semaphore(%run_scoped3A : memref<!tpu.dma_semaphore, #tpu.memory_space<semaphore_mem>>) src(%arg7 : memref<80x128xf32, #tpu.memory_space<vmem>>) dst(%dma_wait3A_139 : memref<10000x128xf32, #tpu.memory_space<vmem_shared>>)
        tpu.yield
      }) : () -> ()
      %scan3A_135 = arith.constant 0 : i32
      scf.yield %scan3A_135 : i32
    }
    %scan3A_22 = arith.constant 125 : i32
    %barrier3A_23 = arith.constant 0 : index
    tpu.barrier barrier_id(%barrier3A_23)
    %lt3A_24 = arith.constant 15 : i32
    %lt3A_25 = arith.cmpi slt, %arg1, %lt3A_24 : i32
    %convert_element_type3A_26 = arith.extui %lt3A_25 : i1 to i32
    %cond3A_27 = arith.constant 0 : i32
    %cond3A_28 = arith.cmpi ne, %convert_element_type3A_26, %cond3A_27 : i32
    scf.if %cond3A_28 {
      %mul3A_113 = arith.constant 640 : i32
      %mul3A_114 = arith.muli %arg1, %mul3A_113 : i32
      %mul3A_115 = arith.constant 640 : i32
      %mul3A_116 = arith.muli %arg1, %mul3A_115 : i32
      "tpu.region"() ({
        %run_scoped3A = tpu.sem_alloc : memref<!tpu.dma_semaphore, #tpu.memory_space<semaphore_mem>>
        %dma_start3A = arith.constant 0 : i32
        %dma_start3A_117 = tpu.memref_slice %arg4[%add3A_3, %mul3A_116, %dma_start3A] : memref<6x10000x128xf32, #tpu.memory_space<hbm>> -> memref<1x640x128xf32, #tpu.memory_space<hbm>>
        %dma_start3A_118 = tpu.memref_squeeze %dma_start3A_117 : memref<1x640x128xf32, #tpu.memory_space<hbm>> -> memref<640x128xf32, #tpu.memory_space<hbm>>
        %dma_start3A_119 = arith.constant 0 : i32
        %dma_start3A_120 = tpu.memref_slice %arg8[%mul3A_114, %dma_start3A_119] : memref<10000x128xf32, #tpu.memory_space<vmem_shared>> -> memref<640x128xf32, #tpu.memory_space<vmem_shared>>
        tpu.enqueue_dma source(%dma_start3A_120 : memref<640x128xf32, #tpu.memory_space<vmem_shared>>) target(%dma_start3A_118 : memref<640x128xf32, #tpu.memory_space<hbm>>) target_semaphore(%run_scoped3A : memref<!tpu.dma_semaphore, #tpu.memory_space<semaphore_mem>>)
        %dma_wait3A = arith.constant 0 : i32
        %dma_wait3A_121 = tpu.memref_slice %arg4[%add3A_3, %mul3A_116, %dma_wait3A] : memref<6x10000x128xf32, #tpu.memory_space<hbm>> -> memref<1x640x128xf32, #tpu.memory_space<hbm>>
        %dma_wait3A_122 = tpu.memref_squeeze %dma_wait3A_121 : memref<1x640x128xf32, #tpu.memory_space<hbm>> -> memref<640x128xf32, #tpu.memory_space<hbm>>
        %dma_wait3A_123 = arith.constant 0 : i32
        %dma_wait3A_124 = tpu.memref_slice %arg8[%mul3A_114, %dma_wait3A_123] : memref<10000x128xf32, #tpu.memory_space<vmem_shared>> -> memref<640x128xf32, #tpu.memory_space<vmem_shared>>
        tpu.wait_dma2 semaphore(%run_scoped3A : memref<!tpu.dma_semaphore, #tpu.memory_space<semaphore_mem>>) src(%dma_wait3A_124 : memref<640x128xf32, #tpu.memory_space<vmem_shared>>) dst(%dma_wait3A_122 : memref<640x128xf32, #tpu.memory_space<hbm>>)
        tpu.yield
      }) : () -> ()
    } else {
    }
    %eq3A_29 = arith.constant 15 : i32
    %eq3A_30 = arith.cmpi eq, %arg1, %eq3A_29 : i32
    %convert_element_type3A_31 = arith.extui %eq3A_30 : i1 to i32
    %cond3A_32 = arith.constant 0 : i32
    %cond3A_33 = arith.cmpi ne, %convert_element_type3A_31, %cond3A_32 : i32
    scf.if %cond3A_33 {
      "tpu.region"() ({
        %run_scoped3A = tpu.sem_alloc : memref<!tpu.dma_semaphore, #tpu.memory_space<semaphore_mem>>
        %dma_start3A = arith.constant 9600 : i32
        %dma_start3A_113 = arith.constant 0 : i32
        %dma_start3A_114 = tpu.memref_slice %arg4[%add3A_3, %dma_start3A, %dma_start3A_113] : memref<6x10000x128xf32, #tpu.memory_space<hbm>> -> memref<1x400x128xf32, #tpu.memory_space<hbm>>
        %dma_start3A_115 = tpu.memref_squeeze %dma_start3A_114 : memref<1x400x128xf32, #tpu.memory_space<hbm>> -> memref<400x128xf32, #tpu.memory_space<hbm>>
        %dma_start3A_116 = arith.constant 9600 : i32
        %dma_start3A_117 = arith.constant 0 : i32
        %dma_start3A_118 = tpu.memref_slice %arg8[%dma_start3A_116, %dma_start3A_117] : memref<10000x128xf32, #tpu.memory_space<vmem_shared>> -> memref<400x128xf32, #tpu.memory_space<vmem_shared>>
        tpu.enqueue_dma source(%dma_start3A_118 : memref<400x128xf32, #tpu.memory_space<vmem_shared>>) target(%dma_start3A_115 : memref<400x128xf32, #tpu.memory_space<hbm>>) target_semaphore(%run_scoped3A : memref<!tpu.dma_semaphore, #tpu.memory_space<semaphore_mem>>)
        %dma_wait3A = arith.constant 9600 : i32
        %dma_wait3A_119 = arith.constant 0 : i32
        %dma_wait3A_120 = tpu.memref_slice %arg4[%add3A_3, %dma_wait3A, %dma_wait3A_119] : memref<6x10000x128xf32, #tpu.memory_space<hbm>> -> memref<1x400x128xf32, #tpu.memory_space<hbm>>
        %dma_wait3A_121 = tpu.memref_squeeze %dma_wait3A_120 : memref<1x400x128xf32, #tpu.memory_space<hbm>> -> memref<400x128xf32, #tpu.memory_space<hbm>>
        %dma_wait3A_122 = arith.constant 9600 : i32
        %dma_wait3A_123 = arith.constant 0 : i32
        %dma_wait3A_124 = tpu.memref_slice %arg8[%dma_wait3A_122, %dma_wait3A_123] : memref<10000x128xf32, #tpu.memory_space<vmem_shared>> -> memref<400x128xf32, #tpu.memory_space<vmem_shared>>
        tpu.wait_dma2 semaphore(%run_scoped3A : memref<!tpu.dma_semaphore, #tpu.memory_space<semaphore_mem>>) src(%dma_wait3A_124 : memref<400x128xf32, #tpu.memory_space<vmem_shared>>) dst(%dma_wait3A_121 : memref<400x128xf32, #tpu.memory_space<hbm>>)
        tpu.yield
      }) : () -> ()
    } else {
    }
    %barrier3A_34 = arith.constant 0 : index
    tpu.barrier barrier_id(%barrier3A_34)
    %add3A_35 = arith.constant 2 : i32
    %add3A_36 = arith.addi %add3A_35, %arg0 : i32
    %scan3A_37 = arith.constant 0 : i32
    %scan3A_38 = arith.constant 0 : i32
    %scan3A_39 = arith.constant 80 : i32
    %scan3A_40 = arith.addi %scan3A_38, %scan3A_39 : i32
    %scan3A_41 = arith.constant 1 : i32
    %scan3A_42 = scf.for %scan3A_113 = %scan3A_38 to %scan3A_40 step %scan3A_41 iter_args(%scan3A_114 = %scan3A_37) -> (i32)  : i32 {
      %swap3A = arith.index_cast %scan3A_113 : i32 to index
      %swap3A_115 = arith.constant 0 : index
      %swap3A_116 = tpu.vector_load %arg7[%swap3A, %swap3A_115] {strides = array<i32>} : memref<80x128xf32, #tpu.memory_space<vmem>>, vector<1x16xf32>,
      %swap3A_117 = vector.shape_cast %swap3A_116 : vector<1x16xf32> to vector<16xf32>
      %swap3A_118 = vector.shape_cast %broadcast_in_dim3A_1 : vector<16xf32> to vector<1x16xf32>
      tpu.vector_store %arg7[%swap3A, %swap3A_115], %swap3A_118 {strides = array<i32>} : memref<80x128xf32, #tpu.memory_space<vmem>>, vector<1x16xf32>,
      %swap3A_119 = arith.index_cast %scan3A_113 : i32 to index
      %swap3A_120 = arith.constant 16 : index
      %swap3A_121 = tpu.vector_load %arg7[%swap3A_119, %swap3A_120] {strides = array<i32>} : memref<80x128xf32, #tpu.memory_space<vmem>>, vector<1x16xf32>,
      %swap3A_122 = vector.shape_cast %swap3A_121 : vector<1x16xf32> to vector<16xf32>
      %swap3A_123 = vector.shape_cast %broadcast_in_dim3A_1 : vector<16xf32> to vector<1x16xf32>
      tpu.vector_store %arg7[%swap3A_119, %swap3A_120], %swap3A_123 {strides = array<i32>} : memref<80x128xf32, #tpu.memory_space<vmem>>, vector<1x16xf32>,
      %swap3A_124 = arith.index_cast %scan3A_113 : i32 to index
      %swap3A_125 = arith.constant 32 : index
      %swap3A_126 = tpu.vector_load %arg7[%swap3A_124, %swap3A_125] {strides = array<i32>} : memref<80x128xf32, #tpu.memory_space<vmem>>, vector<1x16xf32>,
      %swap3A_127 = vector.shape_cast %swap3A_126 : vector<1x16xf32> to vector<16xf32>
      %swap3A_128 = vector.shape_cast %broadcast_in_dim3A_1 : vector<16xf32> to vector<1x16xf32>
      tpu.vector_store %arg7[%swap3A_124, %swap3A_125], %swap3A_128 {strides = array<i32>} : memref<80x128xf32, #tpu.memory_space<vmem>>, vector<1x16xf32>,
      %swap3A_129 = arith.index_cast %scan3A_113 : i32 to index
      %swap3A_130 = arith.constant 48 : index
      %swap3A_131 = tpu.vector_load %arg7[%swap3A_129, %swap3A_130] {strides = array<i32>} : memref<80x128xf32, #tpu.memory_space<vmem>>, vector<1x16xf32>,
      %swap3A_132 = vector.shape_cast %swap3A_131 : vector<1x16xf32> to vector<16xf32>
      %swap3A_133 = vector.shape_cast %broadcast_in_dim3A_1 : vector<16xf32> to vector<1x16xf32>
      tpu.vector_store %arg7[%swap3A_129, %swap3A_130], %swap3A_133 {strides = array<i32>} : memref<80x128xf32, #tpu.memory_space<vmem>>, vector<1x16xf32>,
      %swap3A_134 = arith.index_cast %scan3A_113 : i32 to index
      %swap3A_135 = arith.constant 64 : index
      %swap3A_136 = tpu.vector_load %arg7[%swap3A_134, %swap3A_135] {strides = array<i32>} : memref<80x128xf32, #tpu.memory_space<vmem>>, vector<1x16xf32>,
      %swap3A_137 = vector.shape_cast %swap3A_136 : vector<1x16xf32> to vector<16xf32>
      %swap3A_138 = vector.shape_cast %broadcast_in_dim3A_1 : vector<16xf32> to vector<1x16xf32>
      tpu.vector_store %arg7[%swap3A_134, %swap3A_135], %swap3A_138 {strides = array<i32>} : memref<80x128xf32, #tpu.memory_space<vmem>>, vector<1x16xf32>,
      %swap3A_139 = arith.index_cast %scan3A_113 : i32 to index
      %swap3A_140 = arith.constant 80 : index
      %swap3A_141 = tpu.vector_load %arg7[%swap3A_139, %swap3A_140] {strides = array<i32>} : memref<80x128xf32, #tpu.memory_space<vmem>>, vector<1x16xf32>,
      %swap3A_142 = vector.shape_cast %swap3A_141 : vector<1x16xf32> to vector<16xf32>
      %swap3A_143 = vector.shape_cast %broadcast_in_dim3A_1 : vector<16xf32> to vector<1x16xf32>
      tpu.vector_store %arg7[%swap3A_139, %swap3A_140], %swap3A_143 {strides = array<i32>} : memref<80x128xf32, #tpu.memory_space<vmem>>, vector<1x16xf32>,
      %swap3A_144 = arith.index_cast %scan3A_113 : i32 to index
      %swap3A_145 = arith.constant 96 : index
      %swap3A_146 = tpu.vector_load %arg7[%swap3A_144, %swap3A_145] {strides = array<i32>} : memref<80x128xf32, #tpu.memory_space<vmem>>, vector<1x16xf32>,
      %swap3A_147 = vector.shape_cast %swap3A_146 : vector<1x16xf32> to vector<16xf32>
      %swap3A_148 = vector.shape_cast %broadcast_in_dim3A_1 : vector<16xf32> to vector<1x16xf32>
      tpu.vector_store %arg7[%swap3A_144, %swap3A_145], %swap3A_148 {strides = array<i32>} : memref<80x128xf32, #tpu.memory_space<vmem>>, vector<1x16xf32>,
      %swap3A_149 = arith.index_cast %scan3A_113 : i32 to index
      %swap3A_150 = arith.constant 112 : index
      %swap3A_151 = tpu.vector_load %arg7[%swap3A_149, %swap3A_150] {strides = array<i32>} : memref<80x128xf32, #tpu.memory_space<vmem>>, vector<1x16xf32>,
      %swap3A_152 = vector.shape_cast %swap3A_151 : vector<1x16xf32> to vector<16xf32>
      %swap3A_153 = vector.shape_cast %broadcast_in_dim3A_1 : vector<16xf32> to vector<1x16xf32>
      tpu.vector_store %arg7[%swap3A_149, %swap3A_150], %swap3A_153 {strides = array<i32>} : memref<80x128xf32, #tpu.memory_space<vmem>>, vector<1x16xf32>,
      %scan3A_154 = arith.constant 0 : i32
      scf.yield %scan3A_154 : i32
    }
    %scan3A_43 = arith.constant 80 : i32
    %lt3A_44 = arith.constant 15 : i32
    %lt3A_45 = arith.cmpi slt, %arg1, %lt3A_44 : i32
    %convert_element_type3A_46 = arith.extui %lt3A_45 : i1 to i32
    %cond3A_47 = arith.constant 0 : i32
    %cond3A_48 = arith.cmpi ne, %convert_element_type3A_46, %cond3A_47 : i32
    scf.if %cond3A_48 {
      %mul3A_113 = arith.constant 640 : i32
      %mul3A_114 = arith.muli %arg1, %mul3A_113 : i32
      %add3A_115 = arith.constant 0 : i32
      %add3A_116 = arith.addi %mul3A_114, %add3A_115 : i32
      "tpu.region"() ({
        %run_scoped3A = tpu.sem_alloc : memref<!tpu.dma_semaphore, #tpu.memory_space<semaphore_mem>>
        %dma_start3A = arith.constant 0 : i32
        %dma_start3A_145 = tpu.memref_slice %arg8[%add3A_116, %dma_start3A] : memref<10000x128xf32, #tpu.memory_space<vmem_shared>> -> memref<80x128xf32, #tpu.memory_space<vmem_shared>>
        %dma_start3A_146 = arith.constant 0 : i32
        %dma_start3A_147 = tpu.memref_slice %arg8[%add3A_116, %dma_start3A_146] : memref<10000x128xf32, #tpu.memory_space<vmem_shared>> -> memref<80x128xf32, #tpu.memory_space<vmem_shared>>
        tpu.enqueue_dma source(%arg7 : memref<80x128xf32, #tpu.memory_space<vmem>>) target(%dma_start3A_147 : memref<80x128xf32, #tpu.memory_space<vmem_shared>>) target_semaphore(%run_scoped3A : memref<!tpu.dma_semaphore, #tpu.memory_space<semaphore_mem>>)
        %dma_wait3A = arith.constant 0 : i32
        %dma_wait3A_148 = tpu.memref_slice %arg8[%add3A_116, %dma_wait3A] : memref<10000x128xf32, #tpu.memory_space<vmem_shared>> -> memref<80x128xf32, #tpu.memory_space<vmem_shared>>
        %dma_wait3A_149 = arith.constant 0 : i32
        %dma_wait3A_150 = tpu.memref_slice %arg8[%add3A_116, %dma_wait3A_149] : memref<10000x128xf32, #tpu.memory_space<vmem_shared>> -> memref<80x128xf32, #tpu.memory_space<vmem_shared>>
        tpu.wait_dma2 semaphore(%run_scoped3A : memref<!tpu.dma_semaphore, #tpu.memory_space<semaphore_mem>>) src(%arg7 : memref<80x128xf32, #tpu.memory_space<vmem>>) dst(%dma_wait3A_150 : memref<80x128xf32, #tpu.memory_space<vmem_shared>>)
        tpu.yield
      }) : () -> ()
      %mul3A_117 = arith.constant 640 : i32
      %mul3A_118 = arith.muli %arg1, %mul3A_117 : i32
      %add3A_119 = arith.constant 80 : i32
      %add3A_120 = arith.addi %mul3A_118, %add3A_119 : i32
      "tpu.region"() ({
        %run_scoped3A = tpu.sem_alloc : memref<!tpu.dma_semaphore, #tpu.memory_space<semaphore_mem>>
        %dma_start3A = arith.constant 0 : i32
        %dma_start3A_145 = tpu.memref_slice %arg8[%add3A_120, %dma_start3A] : memref<10000x128xf32, #tpu.memory_space<vmem_shared>> -> memref<80x128xf32, #tpu.memory_space<vmem_shared>>
        %dma_start3A_146 = arith.constant 0 : i32
        %dma_start3A_147 = tpu.memref_slice %arg8[%add3A_120, %dma_start3A_146] : memref<10000x128xf32, #tpu.memory_space<vmem_shared>> -> memref<80x128xf32, #tpu.memory_space<vmem_shared>>
        tpu.enqueue_dma source(%arg7 : memref<80x128xf32, #tpu.memory_space<vmem>>) target(%dma_start3A_147 : memref<80x128xf32, #tpu.memory_space<vmem_shared>>) target_semaphore(%run_scoped3A : memref<!tpu.dma_semaphore, #tpu.memory_space<semaphore_mem>>)
        %dma_wait3A = arith.constant 0 : i32
        %dma_wait3A_148 = tpu.memref_slice %arg8[%add3A_120, %dma_wait3A] : memref<10000x128xf32, #tpu.memory_space<vmem_shared>> -> memref<80x128xf32, #tpu.memory_space<vmem_shared>>
        %dma_wait3A_149 = arith.constant 0 : i32
        %dma_wait3A_150 = tpu.memref_slice %arg8[%add3A_120, %dma_wait3A_149] : memref<10000x128xf32, #tpu.memory_space<vmem_shared>> -> memref<80x128xf32, #tpu.memory_space<vmem_shared>>
        tpu.wait_dma2 semaphore(%run_scoped3A : memref<!tpu.dma_semaphore, #tpu.memory_space<semaphore_mem>>) src(%arg7 : memref<80x128xf32, #tpu.memory_space<vmem>>) dst(%dma_wait3A_150 : memref<80x128xf32, #tpu.memory_space<vmem_shared>>)
        tpu.yield
      }) : () -> ()
      %mul3A_121 = arith.constant 640 : i32
      %mul3A_122 = arith.muli %arg1, %mul3A_121 : i32
      %add3A_123 = arith.constant 160 : i32
      %add3A_124 = arith.addi %mul3A_122, %add3A_123 : i32
      "tpu.region"() ({
        %run_scoped3A = tpu.sem_alloc : memref<!tpu.dma_semaphore, #tpu.memory_space<semaphore_mem>>
        %dma_start3A = arith.constant 0 : i32
        %dma_start3A_145 = tpu.memref_slice %arg8[%add3A_124, %dma_start3A] : memref<10000x128xf32, #tpu.memory_space<vmem_shared>> -> memref<80x128xf32, #tpu.memory_space<vmem_shared>>
        %dma_start3A_146 = arith.constant 0 : i32
        %dma_start3A_147 = tpu.memref_slice %arg8[%add3A_124, %dma_start3A_146] : memref<10000x128xf32, #tpu.memory_space<vmem_shared>> -> memref<80x128xf32, #tpu.memory_space<vmem_shared>>
        tpu.enqueue_dma source(%arg7 : memref<80x128xf32, #tpu.memory_space<vmem>>) target(%dma_start3A_147 : memref<80x128xf32, #tpu.memory_space<vmem_shared>>) target_semaphore(%run_scoped3A : memref<!tpu.dma_semaphore, #tpu.memory_space<semaphore_mem>>)
        %dma_wait3A = arith.constant 0 : i32
        %dma_wait3A_148 = tpu.memref_slice %arg8[%add3A_124, %dma_wait3A] : memref<10000x128xf32, #tpu.memory_space<vmem_shared>> -> memref<80x128xf32, #tpu.memory_space<vmem_shared>>
        %dma_wait3A_149 = arith.constant 0 : i32
        %dma_wait3A_150 = tpu.memref_slice %arg8[%add3A_124, %dma_wait3A_149] : memref<10000x128xf32, #tpu.memory_space<vmem_shared>> -> memref<80x128xf32, #tpu.memory_space<vmem_shared>>
        tpu.wait_dma2 semaphore(%run_scoped3A : memref<!tpu.dma_semaphore, #tpu.memory_space<semaphore_mem>>) src(%arg7 : memref<80x128xf32, #tpu.memory_space<vmem>>) dst(%dma_wait3A_150 : memref<80x128xf32, #tpu.memory_space<vmem_shared>>)
        tpu.yield
      }) : () -> ()
      %mul3A_125 = arith.constant 640 : i32
      %mul3A_126 = arith.muli %arg1, %mul3A_125 : i32
      %add3A_127 = arith.constant 240 : i32
      %add3A_128 = arith.addi %mul3A_126, %add3A_127 : i32
      "tpu.region"() ({
        %run_scoped3A = tpu.sem_alloc : memref<!tpu.dma_semaphore, #tpu.memory_space<semaphore_mem>>
        %dma_start3A = arith.constant 0 : i32
        %dma_start3A_145 = tpu.memref_slice %arg8[%add3A_128, %dma_start3A] : memref<10000x128xf32, #tpu.memory_space<vmem_shared>> -> memref<80x128xf32, #tpu.memory_space<vmem_shared>>
        %dma_start3A_146 = arith.constant 0 : i32
        %dma_start3A_147 = tpu.memref_slice %arg8[%add3A_128, %dma_start3A_146] : memref<10000x128xf32, #tpu.memory_space<vmem_shared>> -> memref<80x128xf32, #tpu.memory_space<vmem_shared>>
        tpu.enqueue_dma source(%arg7 : memref<80x128xf32, #tpu.memory_space<vmem>>) target(%dma_start3A_147 : memref<80x128xf32, #tpu.memory_space<vmem_shared>>) target_semaphore(%run_scoped3A : memref<!tpu.dma_semaphore, #tpu.memory_space<semaphore_mem>>)
        %dma_wait3A = arith.constant 0 : i32
        %dma_wait3A_148 = tpu.memref_slice %arg8[%add3A_128, %dma_wait3A] : memref<10000x128xf32, #tpu.memory_space<vmem_shared>> -> memref<80x128xf32, #tpu.memory_space<vmem_shared>>
        %dma_wait3A_149 = arith.constant 0 : i32
        %dma_wait3A_150 = tpu.memref_slice %arg8[%add3A_128, %dma_wait3A_149] : memref<10000x128xf32, #tpu.memory_space<vmem_shared>> -> memref<80x128xf32, #tpu.memory_space<vmem_shared>>
        tpu.wait_dma2 semaphore(%run_scoped3A : memref<!tpu.dma_semaphore, #tpu.memory_space<semaphore_mem>>) src(%arg7 : memref<80x128xf32, #tpu.memory_space<vmem>>) dst(%dma_wait3A_150 : memref<80x128xf32, #tpu.memory_space<vmem_shared>>)
        tpu.yield
      }) : () -> ()
      %mul3A_129 = arith.constant 640 : i32
      %mul3A_130 = arith.muli %arg1, %mul3A_129 : i32
      %add3A_131 = arith.constant 320 : i32
      %add3A_132 = arith.addi %mul3A_130, %add3A_131 : i32
      "tpu.region"() ({
        %run_scoped3A = tpu.sem_alloc : memref<!tpu.dma_semaphore, #tpu.memory_space<semaphore_mem>>
        %dma_start3A = arith.constant 0 : i32
        %dma_start3A_145 = tpu.memref_slice %arg8[%add3A_132, %dma_start3A] : memref<10000x128xf32, #tpu.memory_space<vmem_shared>> -> memref<80x128xf32, #tpu.memory_space<vmem_shared>>
        %dma_start3A_146 = arith.constant 0 : i32
        %dma_start3A_147 = tpu.memref_slice %arg8[%add3A_132, %dma_start3A_146] : memref<10000x128xf32, #tpu.memory_space<vmem_shared>> -> memref<80x128xf32, #tpu.memory_space<vmem_shared>>
        tpu.enqueue_dma source(%arg7 : memref<80x128xf32, #tpu.memory_space<vmem>>) target(%dma_start3A_147 : memref<80x128xf32, #tpu.memory_space<vmem_shared>>) target_semaphore(%run_scoped3A : memref<!tpu.dma_semaphore, #tpu.memory_space<semaphore_mem>>)
        %dma_wait3A = arith.constant 0 : i32
        %dma_wait3A_148 = tpu.memref_slice %arg8[%add3A_132, %dma_wait3A] : memref<10000x128xf32, #tpu.memory_space<vmem_shared>> -> memref<80x128xf32, #tpu.memory_space<vmem_shared>>
        %dma_wait3A_149 = arith.constant 0 : i32
        %dma_wait3A_150 = tpu.memref_slice %arg8[%add3A_132, %dma_wait3A_149] : memref<10000x128xf32, #tpu.memory_space<vmem_shared>> -> memref<80x128xf32, #tpu.memory_space<vmem_shared>>
        tpu.wait_dma2 semaphore(%run_scoped3A : memref<!tpu.dma_semaphore, #tpu.memory_space<semaphore_mem>>) src(%arg7 : memref<80x128xf32, #tpu.memory_space<vmem>>) dst(%dma_wait3A_150 : memref<80x128xf32, #tpu.memory_space<vmem_shared>>)
        tpu.yield
      }) : () -> ()
      %mul3A_133 = arith.constant 640 : i32
      %mul3A_134 = arith.muli %arg1, %mul3A_133 : i32
      %add3A_135 = arith.constant 400 : i32
      %add3A_136 = arith.addi %mul3A_134, %add3A_135 : i32
      "tpu.region"() ({
        %run_scoped3A = tpu.sem_alloc : memref<!tpu.dma_semaphore, #tpu.memory_space<semaphore_mem>>
        %dma_start3A = arith.constant 0 : i32
        %dma_start3A_145 = tpu.memref_slice %arg8[%add3A_136, %dma_start3A] : memref<10000x128xf32, #tpu.memory_space<vmem_shared>> -> memref<80x128xf32, #tpu.memory_space<vmem_shared>>
        %dma_start3A_146 = arith.constant 0 : i32
        %dma_start3A_147 = tpu.memref_slice %arg8[%add3A_136, %dma_start3A_146] : memref<10000x128xf32, #tpu.memory_space<vmem_shared>> -> memref<80x128xf32, #tpu.memory_space<vmem_shared>>
        tpu.enqueue_dma source(%arg7 : memref<80x128xf32, #tpu.memory_space<vmem>>) target(%dma_start3A_147 : memref<80x128xf32, #tpu.memory_space<vmem_shared>>) target_semaphore(%run_scoped3A : memref<!tpu.dma_semaphore, #tpu.memory_space<semaphore_mem>>)
        %dma_wait3A = arith.constant 0 : i32
        %dma_wait3A_148 = tpu.memref_slice %arg8[%add3A_136, %dma_wait3A] : memref<10000x128xf32, #tpu.memory_space<vmem_shared>> -> memref<80x128xf32, #tpu.memory_space<vmem_shared>>
        %dma_wait3A_149 = arith.constant 0 : i32
        %dma_wait3A_150 = tpu.memref_slice %arg8[%add3A_136, %dma_wait3A_149] : memref<10000x128xf32, #tpu.memory_space<vmem_shared>> -> memref<80x128xf32, #tpu.memory_space<vmem_shared>>
        tpu.wait_dma2 semaphore(%run_scoped3A : memref<!tpu.dma_semaphore, #tpu.memory_space<semaphore_mem>>) src(%arg7 : memref<80x128xf32, #tpu.memory_space<vmem>>) dst(%dma_wait3A_150 : memref<80x128xf32, #tpu.memory_space<vmem_shared>>)
        tpu.yield
      }) : () -> ()
      %mul3A_137 = arith.constant 640 : i32
      %mul3A_138 = arith.muli %arg1, %mul3A_137 : i32
      %add3A_139 = arith.constant 480 : i32
      %add3A_140 = arith.addi %mul3A_138, %add3A_139 : i32
      "tpu.region"() ({
        %run_scoped3A = tpu.sem_alloc : memref<!tpu.dma_semaphore, #tpu.memory_space<semaphore_mem>>
        %dma_start3A = arith.constant 0 : i32
        %dma_start3A_145 = tpu.memref_slice %arg8[%add3A_140, %dma_start3A] : memref<10000x128xf32, #tpu.memory_space<vmem_shared>> -> memref<80x128xf32, #tpu.memory_space<vmem_shared>>
        %dma_start3A_146 = arith.constant 0 : i32
        %dma_start3A_147 = tpu.memref_slice %arg8[%add3A_140, %dma_start3A_146] : memref<10000x128xf32, #tpu.memory_space<vmem_shared>> -> memref<80x128xf32, #tpu.memory_space<vmem_shared>>
        tpu.enqueue_dma source(%arg7 : memref<80x128xf32, #tpu.memory_space<vmem>>) target(%dma_start3A_147 : memref<80x128xf32, #tpu.memory_space<vmem_shared>>) target_semaphore(%run_scoped3A : memref<!tpu.dma_semaphore, #tpu.memory_space<semaphore_mem>>)
        %dma_wait3A = arith.constant 0 : i32
        %dma_wait3A_148 = tpu.memref_slice %arg8[%add3A_140, %dma_wait3A] : memref<10000x128xf32, #tpu.memory_space<vmem_shared>> -> memref<80x128xf32, #tpu.memory_space<vmem_shared>>
        %dma_wait3A_149 = arith.constant 0 : i32
        %dma_wait3A_150 = tpu.memref_slice %arg8[%add3A_140, %dma_wait3A_149] : memref<10000x128xf32, #tpu.memory_space<vmem_shared>> -> memref<80x128xf32, #tpu.memory_space<vmem_shared>>
        tpu.wait_dma2 semaphore(%run_scoped3A : memref<!tpu.dma_semaphore, #tpu.memory_space<semaphore_mem>>) src(%arg7 : memref<80x128xf32, #tpu.memory_space<vmem>>) dst(%dma_wait3A_150 : memref<80x128xf32, #tpu.memory_space<vmem_shared>>)
        tpu.yield
      }) : () -> ()
      %mul3A_141 = arith.constant 640 : i32
      %mul3A_142 = arith.muli %arg1, %mul3A_141 : i32
      %add3A_143 = arith.constant 560 : i32
      %add3A_144 = arith.addi %mul3A_142, %add3A_143 : i32
      "tpu.region"() ({
        %run_scoped3A = tpu.sem_alloc : memref<!tpu.dma_semaphore, #tpu.memory_space<semaphore_mem>>
        %dma_start3A = arith.constant 0 : i32
        %dma_start3A_145 = tpu.memref_slice %arg8[%add3A_144, %dma_start3A] : memref<10000x128xf32, #tpu.memory_space<vmem_shared>> -> memref<80x128xf32, #tpu.memory_space<vmem_shared>>
        %dma_start3A_146 = arith.constant 0 : i32
        %dma_start3A_147 = tpu.memref_slice %arg8[%add3A_144, %dma_start3A_146] : memref<10000x128xf32, #tpu.memory_space<vmem_shared>> -> memref<80x128xf32, #tpu.memory_space<vmem_shared>>
        tpu.enqueue_dma source(%arg7 : memref<80x128xf32, #tpu.memory_space<vmem>>) target(%dma_start3A_147 : memref<80x128xf32, #tpu.memory_space<vmem_shared>>) target_semaphore(%run_scoped3A : memref<!tpu.dma_semaphore, #tpu.memory_space<semaphore_mem>>)
        %dma_wait3A = arith.constant 0 : i32
        %dma_wait3A_148 = tpu.memref_slice %arg8[%add3A_144, %dma_wait3A] : memref<10000x128xf32, #tpu.memory_space<vmem_shared>> -> memref<80x128xf32, #tpu.memory_space<vmem_shared>>
        %dma_wait3A_149 = arith.constant 0 : i32
        %dma_wait3A_150 = tpu.memref_slice %arg8[%add3A_144, %dma_wait3A_149] : memref<10000x128xf32, #tpu.memory_space<vmem_shared>> -> memref<80x128xf32, #tpu.memory_space<vmem_shared>>
        tpu.wait_dma2 semaphore(%run_scoped3A : memref<!tpu.dma_semaphore, #tpu.memory_space<semaphore_mem>>) src(%arg7 : memref<80x128xf32, #tpu.memory_space<vmem>>) dst(%dma_wait3A_150 : memref<80x128xf32, #tpu.memory_space<vmem_shared>>)
        tpu.yield
      }) : () -> ()
    } else {
    }
    %eq3A_49 = arith.constant 15 : i32
    %eq3A_50 = arith.cmpi eq, %arg1, %eq3A_49 : i32
    %convert_element_type3A_51 = arith.extui %eq3A_50 : i1 to i32
    %cond3A_52 = arith.constant 0 : i32
    %cond3A_53 = arith.cmpi ne, %convert_element_type3A_51, %cond3A_52 : i32
    scf.if %cond3A_53 {
      "tpu.region"() ({
        %run_scoped3A = tpu.sem_alloc : memref<!tpu.dma_semaphore, #tpu.memory_space<semaphore_mem>>
        %dma_start3A = arith.constant 9600 : i32
        %dma_start3A_113 = arith.constant 0 : i32
        %dma_start3A_114 = tpu.memref_slice %arg8[%dma_start3A, %dma_start3A_113] : memref<10000x128xf32, #tpu.memory_space<vmem_shared>> -> memref<80x128xf32, #tpu.memory_space<vmem_shared>>
        %dma_start3A_115 = arith.constant 9600 : i32
        %dma_start3A_116 = arith.constant 0 : i32
        %dma_start3A_117 = tpu.memref_slice %arg8[%dma_start3A_115, %dma_start3A_116] : memref<10000x128xf32, #tpu.memory_space<vmem_shared>> -> memref<80x128xf32, #tpu.memory_space<vmem_shared>>
        tpu.enqueue_dma source(%arg7 : memref<80x128xf32, #tpu.memory_space<vmem>>) target(%dma_start3A_117 : memref<80x128xf32, #tpu.memory_space<vmem_shared>>) target_semaphore(%run_scoped3A : memref<!tpu.dma_semaphore, #tpu.memory_space<semaphore_mem>>)
        %dma_wait3A = arith.constant 9600 : i32
        %dma_wait3A_118 = arith.constant 0 : i32
        %dma_wait3A_119 = tpu.memref_slice %arg8[%dma_wait3A, %dma_wait3A_118] : memref<10000x128xf32, #tpu.memory_space<vmem_shared>> -> memref<80x128xf32, #tpu.memory_space<vmem_shared>>
        %dma_wait3A_120 = arith.constant 9600 : i32
        %dma_wait3A_121 = arith.constant 0 : i32
        %dma_wait3A_122 = tpu.memref_slice %arg8[%dma_wait3A_120, %dma_wait3A_121] : memref<10000x128xf32, #tpu.memory_space<vmem_shared>> -> memref<80x128xf32, #tpu.memory_space<vmem_shared>>
        tpu.wait_dma2 semaphore(%run_scoped3A : memref<!tpu.dma_semaphore, #tpu.memory_space<semaphore_mem>>) src(%arg7 : memref<80x128xf32, #tpu.memory_space<vmem>>) dst(%dma_wait3A_122 : memref<80x128xf32, #tpu.memory_space<vmem_shared>>)
        tpu.yield
      }) : () -> ()
      "tpu.region"() ({
        %run_scoped3A = tpu.sem_alloc : memref<!tpu.dma_semaphore, #tpu.memory_space<semaphore_mem>>
        %dma_start3A = arith.constant 9680 : i32
        %dma_start3A_113 = arith.constant 0 : i32
        %dma_start3A_114 = tpu.memref_slice %arg8[%dma_start3A, %dma_start3A_113] : memref<10000x128xf32, #tpu.memory_space<vmem_shared>> -> memref<80x128xf32, #tpu.memory_space<vmem_shared>>
        %dma_start3A_115 = arith.constant 9680 : i32
        %dma_start3A_116 = arith.constant 0 : i32
        %dma_start3A_117 = tpu.memref_slice %arg8[%dma_start3A_115, %dma_start3A_116] : memref<10000x128xf32, #tpu.memory_space<vmem_shared>> -> memref<80x128xf32, #tpu.memory_space<vmem_shared>>
        tpu.enqueue_dma source(%arg7 : memref<80x128xf32, #tpu.memory_space<vmem>>) target(%dma_start3A_117 : memref<80x128xf32, #tpu.memory_space<vmem_shared>>) target_semaphore(%run_scoped3A : memref<!tpu.dma_semaphore, #tpu.memory_space<semaphore_mem>>)
        %dma_wait3A = arith.constant 9680 : i32
        %dma_wait3A_118 = arith.constant 0 : i32
        %dma_wait3A_119 = tpu.memref_slice %arg8[%dma_wait3A, %dma_wait3A_118] : memref<10000x128xf32, #tpu.memory_space<vmem_shared>> -> memref<80x128xf32, #tpu.memory_space<vmem_shared>>
        %dma_wait3A_120 = arith.constant 9680 : i32
        %dma_wait3A_121 = arith.constant 0 : i32
        %dma_wait3A_122 = tpu.memref_slice %arg8[%dma_wait3A_120, %dma_wait3A_121] : memref<10000x128xf32, #tpu.memory_space<vmem_shared>> -> memref<80x128xf32, #tpu.memory_space<vmem_shared>>
        tpu.wait_dma2 semaphore(%run_scoped3A : memref<!tpu.dma_semaphore, #tpu.memory_space<semaphore_mem>>) src(%arg7 : memref<80x128xf32, #tpu.memory_space<vmem>>) dst(%dma_wait3A_122 : memref<80x128xf32, #tpu.memory_space<vmem_shared>>)
        tpu.yield
      }) : () -> ()
      "tpu.region"() ({
        %run_scoped3A = tpu.sem_alloc : memref<!tpu.dma_semaphore, #tpu.memory_space<semaphore_mem>>
        %dma_start3A = arith.constant 9760 : i32
        %dma_start3A_113 = arith.constant 0 : i32
        %dma_start3A_114 = tpu.memref_slice %arg8[%dma_start3A, %dma_start3A_113] : memref<10000x128xf32, #tpu.memory_space<vmem_shared>> -> memref<80x128xf32, #tpu.memory_space<vmem_shared>>
        %dma_start3A_115 = arith.constant 9760 : i32
        %dma_start3A_116 = arith.constant 0 : i32
        %dma_start3A_117 = tpu.memref_slice %arg8[%dma_start3A_115, %dma_start3A_116] : memref<10000x128xf32, #tpu.memory_space<vmem_shared>> -> memref<80x128xf32, #tpu.memory_space<vmem_shared>>
        tpu.enqueue_dma source(%arg7 : memref<80x128xf32, #tpu.memory_space<vmem>>) target(%dma_start3A_117 : memref<80x128xf32, #tpu.memory_space<vmem_shared>>) target_semaphore(%run_scoped3A : memref<!tpu.dma_semaphore, #tpu.memory_space<semaphore_mem>>)
        %dma_wait3A = arith.constant 9760 : i32
        %dma_wait3A_118 = arith.constant 0 : i32
        %dma_wait3A_119 = tpu.memref_slice %arg8[%dma_wait3A, %dma_wait3A_118] : memref<10000x128xf32, #tpu.memory_space<vmem_shared>> -> memref<80x128xf32, #tpu.memory_space<vmem_shared>>
        %dma_wait3A_120 = arith.constant 9760 : i32
        %dma_wait3A_121 = arith.constant 0 : i32
        %dma_wait3A_122 = tpu.memref_slice %arg8[%dma_wait3A_120, %dma_wait3A_121] : memref<10000x128xf32, #tpu.memory_space<vmem_shared>> -> memref<80x128xf32, #tpu.memory_space<vmem_shared>>
        tpu.wait_dma2 semaphore(%run_scoped3A : memref<!tpu.dma_semaphore, #tpu.memory_space<semaphore_mem>>) src(%arg7 : memref<80x128xf32, #tpu.memory_space<vmem>>) dst(%dma_wait3A_122 : memref<80x128xf32, #tpu.memory_space<vmem_shared>>)
        tpu.yield
      }) : () -> ()
      "tpu.region"() ({
        %run_scoped3A = tpu.sem_alloc : memref<!tpu.dma_semaphore, #tpu.memory_space<semaphore_mem>>
        %dma_start3A = arith.constant 9840 : i32
        %dma_start3A_113 = arith.constant 0 : i32
        %dma_start3A_114 = tpu.memref_slice %arg8[%dma_start3A, %dma_start3A_113] : memref<10000x128xf32, #tpu.memory_space<vmem_shared>> -> memref<80x128xf32, #tpu.memory_space<vmem_shared>>
        %dma_start3A_115 = arith.constant 9840 : i32
        %dma_start3A_116 = arith.constant 0 : i32
        %dma_start3A_117 = tpu.memref_slice %arg8[%dma_start3A_115, %dma_start3A_116] : memref<10000x128xf32, #tpu.memory_space<vmem_shared>> -> memref<80x128xf32, #tpu.memory_space<vmem_shared>>
        tpu.enqueue_dma source(%arg7 : memref<80x128xf32, #tpu.memory_space<vmem>>) target(%dma_start3A_117 : memref<80x128xf32, #tpu.memory_space<vmem_shared>>) target_semaphore(%run_scoped3A : memref<!tpu.dma_semaphore, #tpu.memory_space<semaphore_mem>>)
        %dma_wait3A = arith.constant 9840 : i32
        %dma_wait3A_118 = arith.constant 0 : i32
        %dma_wait3A_119 = tpu.memref_slice %arg8[%dma_wait3A, %dma_wait3A_118] : memref<10000x128xf32, #tpu.memory_space<vmem_shared>> -> memref<80x128xf32, #tpu.memory_space<vmem_shared>>
        %dma_wait3A_120 = arith.constant 9840 : i32
        %dma_wait3A_121 = arith.constant 0 : i32
        %dma_wait3A_122 = tpu.memref_slice %arg8[%dma_wait3A_120, %dma_wait3A_121] : memref<10000x128xf32, #tpu.memory_space<vmem_shared>> -> memref<80x128xf32, #tpu.memory_space<vmem_shared>>
        tpu.wait_dma2 semaphore(%run_scoped3A : memref<!tpu.dma_semaphore, #tpu.memory_space<semaphore_mem>>) src(%arg7 : memref<80x128xf32, #tpu.memory_space<vmem>>) dst(%dma_wait3A_122 : memref<80x128xf32, #tpu.memory_space<vmem_shared>>)
        tpu.yield
      }) : () -> ()
      "tpu.region"() ({
        %run_scoped3A = tpu.sem_alloc : memref<!tpu.dma_semaphore, #tpu.memory_space<semaphore_mem>>
        %dma_start3A = arith.constant 9920 : i32
        %dma_start3A_113 = arith.constant 0 : i32
        %dma_start3A_114 = tpu.memref_slice %arg8[%dma_start3A, %dma_start3A_113] : memref<10000x128xf32, #tpu.memory_space<vmem_shared>> -> memref<80x128xf32, #tpu.memory_space<vmem_shared>>
        %dma_start3A_115 = arith.constant 9920 : i32
        %dma_start3A_116 = arith.constant 0 : i32
        %dma_start3A_117 = tpu.memref_slice %arg8[%dma_start3A_115, %dma_start3A_116] : memref<10000x128xf32, #tpu.memory_space<vmem_shared>> -> memref<80x128xf32, #tpu.memory_space<vmem_shared>>
        tpu.enqueue_dma source(%arg7 : memref<80x128xf32, #tpu.memory_space<vmem>>) target(%dma_start3A_117 : memref<80x128xf32, #tpu.memory_space<vmem_shared>>) target_semaphore(%run_scoped3A : memref<!tpu.dma_semaphore, #tpu.memory_space<semaphore_mem>>)
        %dma_wait3A = arith.constant 9920 : i32
        %dma_wait3A_118 = arith.constant 0 : i32
        %dma_wait3A_119 = tpu.memref_slice %arg8[%dma_wait3A, %dma_wait3A_118] : memref<10000x128xf32, #tpu.memory_space<vmem_shared>> -> memref<80x128xf32, #tpu.memory_space<vmem_shared>>
        %dma_wait3A_120 = arith.constant 9920 : i32
        %dma_wait3A_121 = arith.constant 0 : i32
        %dma_wait3A_122 = tpu.memref_slice %arg8[%dma_wait3A_120, %dma_wait3A_121] : memref<10000x128xf32, #tpu.memory_space<vmem_shared>> -> memref<80x128xf32, #tpu.memory_space<vmem_shared>>
        tpu.wait_dma2 semaphore(%run_scoped3A : memref<!tpu.dma_semaphore, #tpu.memory_space<semaphore_mem>>) src(%arg7 : memref<80x128xf32, #tpu.memory_space<vmem>>) dst(%dma_wait3A_122 : memref<80x128xf32, #tpu.memory_space<vmem_shared>>)
        tpu.yield
      }) : () -> ()
    } else {
    }
    %barrier3A_54 = arith.constant 0 : index
    tpu.barrier barrier_id(%barrier3A_54)
    %scan3A_55 = arith.constant 0 : i32
    %scan3A_56 = arith.constant 0 : i32
    %scan3A_57 = arith.constant 125 : i32
    %scan3A_58 = arith.addi %scan3A_56, %scan3A_57 : i32
    %scan3A_59 = arith.constant 1 : i32
    %scan3A_60 = scf.for %scan3A_113 = %scan3A_56 to %scan3A_58 step %scan3A_59 iter_args(%scan3A_114 = %scan3A_55) -> (i32)  : i32 {
      %mul3A_115 = arith.constant 10000 : i32
      %mul3A_116 = arith.muli %add3A, %mul3A_115 : i32
      %mul3A_117 = arith.constant 80 : i32
      %mul3A_118 = arith.muli %scan3A_113, %mul3A_117 : i32
      %add3A_119 = arith.addi %mul3A_116, %mul3A_118 : i32
      %add3A_120 = arith.constant 640000 : i32
      %add3A_121 = arith.addi %add3A_120, %add3A_119 : i32
      %add3A_122 = arith.constant 320000 : i32
      %add3A_123 = arith.addi %add3A_121, %add3A_122 : i32
      "tpu.region"() ({
        %run_scoped3A = tpu.sem_alloc : memref<!tpu.dma_semaphore, #tpu.memory_space<semaphore_mem>>
        %dma_start3A = tpu.memref_slice %arg2[%add3A_123] : memref<1920000xi32, #tpu.memory_space<hbm>> -> memref<80xi32, #tpu.memory_space<hbm>>
        %dma_start3A_136 = tpu.memref_slice %arg2[%add3A_123] : memref<1920000xi32, #tpu.memory_space<hbm>> -> memref<80xi32, #tpu.memory_space<hbm>>
        tpu.enqueue_dma source(%dma_start3A_136 : memref<80xi32, #tpu.memory_space<hbm>>) target(%arg5 : memref<80xi32, #tpu.memory_space<vmem>>) target_semaphore(%run_scoped3A : memref<!tpu.dma_semaphore, #tpu.memory_space<semaphore_mem>>)
        %dma_wait3A = tpu.memref_slice %arg2[%add3A_123] : memref<1920000xi32, #tpu.memory_space<hbm>> -> memref<80xi32, #tpu.memory_space<hbm>>
        %dma_wait3A_137 = tpu.memref_slice %arg2[%add3A_123] : memref<1920000xi32, #tpu.memory_space<hbm>> -> memref<80xi32, #tpu.memory_space<hbm>>
        tpu.wait_dma2 semaphore(%run_scoped3A : memref<!tpu.dma_semaphore, #tpu.memory_space<semaphore_mem>>) src(%dma_wait3A_137 : memref<80xi32, #tpu.memory_space<hbm>>) dst(%arg5 : memref<80xi32, #tpu.memory_space<vmem>>)
        tpu.yield
      }) : () -> ()
      %add3A_124 = arith.constant 320000 : i32
      %add3A_125 = arith.addi %add3A_124, %add3A_119 : i32
      %mul3A_126 = arith.constant 16 : i32
      %mul3A_127 = arith.muli %add3A_125, %mul3A_126 : i32
      "tpu.region"() ({
        %run_scoped3A = tpu.sem_alloc : memref<!tpu.dma_semaphore, #tpu.memory_space<semaphore_mem>>
        %dma_start3A = tpu.memref_slice %arg3[%mul3A_127] : memref<15360000xf32, #tpu.memory_space<hbm>> -> memref<1280xf32, #tpu.memory_space<hbm>>
        %dma_start3A_136 = tpu.memref_slice %arg3[%mul3A_127] : memref<15360000xf32, #tpu.memory_space<hbm>> -> memref<1280xf32, #tpu.memory_space<hbm>>
        tpu.enqueue_dma source(%dma_start3A_136 : memref<1280xf32, #tpu.memory_space<hbm>>) target(%arg6 : memref<1280xf32, #tpu.memory_space<vmem>>) target_semaphore(%run_scoped3A : memref<!tpu.dma_semaphore, #tpu.memory_space<semaphore_mem>>)
        %dma_wait3A = tpu.memref_slice %arg3[%mul3A_127] : memref<15360000xf32, #tpu.memory_space<hbm>> -> memref<1280xf32, #tpu.memory_space<hbm>>
        %dma_wait3A_137 = tpu.memref_slice %arg3[%mul3A_127] : memref<15360000xf32, #tpu.memory_space<hbm>> -> memref<1280xf32, #tpu.memory_space<hbm>>
        tpu.wait_dma2 semaphore(%run_scoped3A : memref<!tpu.dma_semaphore, #tpu.memory_space<semaphore_mem>>) src(%dma_wait3A_137 : memref<1280xf32, #tpu.memory_space<hbm>>) dst(%arg6 : memref<1280xf32, #tpu.memory_space<vmem>>)
        tpu.yield
      }) : () -> ()
      %scan3A_128 = arith.constant 0 : i32
      %scan3A_129 = arith.constant 0 : i32
      %scan3A_130 = arith.constant 80 : i32
      %scan3A_131 = arith.addi %scan3A_129, %scan3A_130 : i32
      %scan3A_132 = arith.constant 1 : i32
      %scan3A_133 = scf.for %scan3A_136 = %scan3A_129 to %scan3A_131 step %scan3A_132 iter_args(%scan3A_137 = %scan3A_128) -> (i32)  : i32 {
        %mul3A_138 = arith.constant 16 : i32
        %mul3A_139 = arith.muli %mul3A_138, %scan3A_136 : i32
        %get3A = arith.index_cast %mul3A_139 : i32 to index
        %get3A_140 = tpu.vector_load %arg6[%get3A] {strides = array<i32>} : memref<1280xf32, #tpu.memory_space<vmem>>, vector<16xf32>,
        %get3A_141 = vector.shape_cast %get3A_140 : vector<16xf32> to vector<16xf32>
        %swap3A = arith.index_cast %scan3A_136 : i32 to index
        %swap3A_142 = arith.constant 0 : index
        %swap3A_143 = tpu.vector_load %arg7[%swap3A, %swap3A_142] {strides = array<i32>} : memref<80x128xf32, #tpu.memory_space<vmem>>, vector<1x16xf32>,
        %swap3A_144 = vector.shape_cast %swap3A_143 : vector<1x16xf32> to vector<16xf32>
        %swap3A_145 = vector.shape_cast %get3A_141 : vector<16xf32> to vector<1x16xf32>
        tpu.vector_store %arg7[%swap3A, %swap3A_142], %swap3A_145 {strides = array<i32>} : memref<80x128xf32, #tpu.memory_space<vmem>>, vector<1x16xf32>,
        %scan3A_146 = arith.constant 0 : i32
        scf.yield %scan3A_146 : i32
      }
      %scan3A_134 = arith.constant 80 : i32
      "tpu.region"() ({
        %run_scoped3A = tpu.sem_alloc : memref<!tpu.dma_semaphore, #tpu.memory_space<semaphore_mem>>
        %dma_start3A = arith.constant 0 : i32
        %dma_start3A_136 = arith.constant 0 : i32
        %dma_start3A_137 = tpu.memref_slice %arg8[%dma_start3A, %dma_start3A_136] : memref<10000x128xf32, #tpu.memory_space<vmem_shared>> -> memref<10000x128xf32, #tpu.memory_space<vmem_shared>>
        tpu.enqueue_indirect_dma source(%arg7 : memref<80x128xf32, #tpu.memory_space<vmem>>) target(%dma_start3A_137 : memref<10000x128xf32, #tpu.memory_space<vmem_shared>>) offsets(%arg5 : memref<80xi32, #tpu.memory_space<vmem>>) semaphore(%run_scoped3A : memref<!tpu.dma_semaphore, #tpu.memory_space<semaphore_mem>>) {add = true}
        %dma_wait3A = arith.constant 0 : i32
        %dma_wait3A_138 = arith.constant 0 : i32
        %dma_wait3A_139 = tpu.memref_slice %arg8[%dma_wait3A, %dma_wait3A_138] : memref<10000x128xf32, #tpu.memory_space<vmem_shared>> -> memref<10000x128xf32, #tpu.memory_space<vmem_shared>>
        tpu.wait_indirect_dma semaphore(%run_scoped3A : memref<!tpu.dma_semaphore, #tpu.memory_space<semaphore_mem>>) src(%arg7 : memref<80x128xf32, #tpu.memory_space<vmem>>) dst(%dma_wait3A_139 : memref<10000x128xf32, #tpu.memory_space<vmem_shared>>)
        tpu.yield
      }) : () -> ()
      %scan3A_135 = arith.constant 0 : i32
      scf.yield %scan3A_135 : i32
    }
    %scan3A_61 = arith.constant 125 : i32
    %barrier3A_62 = arith.constant 0 : index
    tpu.barrier barrier_id(%barrier3A_62)
    %lt3A_63 = arith.constant 15 : i32
    %lt3A_64 = arith.cmpi slt, %arg1, %lt3A_63 : i32
    %convert_element_type3A_65 = arith.extui %lt3A_64 : i1 to i32
    %cond3A_66 = arith.constant 0 : i32
    %cond3A_67 = arith.cmpi ne, %convert_element_type3A_65, %cond3A_66 : i32
    scf.if %cond3A_67 {
      %mul3A_113 = arith.constant 640 : i32
      %mul3A_114 = arith.muli %arg1, %mul3A_113 : i32
      %mul3A_115 = arith.constant 640 : i32
      %mul3A_116 = arith.muli %arg1, %mul3A_115 : i32
      "tpu.region"() ({
        %run_scoped3A = tpu.sem_alloc : memref<!tpu.dma_semaphore, #tpu.memory_space<semaphore_mem>>
        %dma_start3A = arith.constant 0 : i32
        %dma_start3A_117 = tpu.memref_slice %arg4[%add3A_36, %mul3A_116, %dma_start3A] : memref<6x10000x128xf32, #tpu.memory_space<hbm>> -> memref<1x640x128xf32, #tpu.memory_space<hbm>>
        %dma_start3A_118 = tpu.memref_squeeze %dma_start3A_117 : memref<1x640x128xf32, #tpu.memory_space<hbm>> -> memref<640x128xf32, #tpu.memory_space<hbm>>
        %dma_start3A_119 = arith.constant 0 : i32
        %dma_start3A_120 = tpu.memref_slice %arg8[%mul3A_114, %dma_start3A_119] : memref<10000x128xf32, #tpu.memory_space<vmem_shared>> -> memref<640x128xf32, #tpu.memory_space<vmem_shared>>
        tpu.enqueue_dma source(%dma_start3A_120 : memref<640x128xf32, #tpu.memory_space<vmem_shared>>) target(%dma_start3A_118 : memref<640x128xf32, #tpu.memory_space<hbm>>) target_semaphore(%run_scoped3A : memref<!tpu.dma_semaphore, #tpu.memory_space<semaphore_mem>>)
        %dma_wait3A = arith.constant 0 : i32
        %dma_wait3A_121 = tpu.memref_slice %arg4[%add3A_36, %mul3A_116, %dma_wait3A] : memref<6x10000x128xf32, #tpu.memory_space<hbm>> -> memref<1x640x128xf32, #tpu.memory_space<hbm>>
        %dma_wait3A_122 = tpu.memref_squeeze %dma_wait3A_121 : memref<1x640x128xf32, #tpu.memory_space<hbm>> -> memref<640x128xf32, #tpu.memory_space<hbm>>
        %dma_wait3A_123 = arith.constant 0 : i32
        %dma_wait3A_124 = tpu.memref_slice %arg8[%mul3A_114, %dma_wait3A_123] : memref<10000x128xf32, #tpu.memory_space<vmem_shared>> -> memref<640x128xf32, #tpu.memory_space<vmem_shared>>
        tpu.wait_dma2 semaphore(%run_scoped3A : memref<!tpu.dma_semaphore, #tpu.memory_space<semaphore_mem>>) src(%dma_wait3A_124 : memref<640x128xf32, #tpu.memory_space<vmem_shared>>) dst(%dma_wait3A_122 : memref<640x128xf32, #tpu.memory_space<hbm>>)
        tpu.yield
      }) : () -> ()
    } else {
    }
    %eq3A_68 = arith.constant 15 : i32
    %eq3A_69 = arith.cmpi eq, %arg1, %eq3A_68 : i32
    %convert_element_type3A_70 = arith.extui %eq3A_69 : i1 to i32
    %cond3A_71 = arith.constant 0 : i32
    %cond3A_72 = arith.cmpi ne, %convert_element_type3A_70, %cond3A_71 : i32
    scf.if %cond3A_72 {
      "tpu.region"() ({
        %run_scoped3A = tpu.sem_alloc : memref<!tpu.dma_semaphore, #tpu.memory_space<semaphore_mem>>
        %dma_start3A = arith.constant 9600 : i32
        %dma_start3A_113 = arith.constant 0 : i32
        %dma_start3A_114 = tpu.memref_slice %arg4[%add3A_36, %dma_start3A, %dma_start3A_113] : memref<6x10000x128xf32, #tpu.memory_space<hbm>> -> memref<1x400x128xf32, #tpu.memory_space<hbm>>
        %dma_start3A_115 = tpu.memref_squeeze %dma_start3A_114 : memref<1x400x128xf32, #tpu.memory_space<hbm>> -> memref<400x128xf32, #tpu.memory_space<hbm>>
        %dma_start3A_116 = arith.constant 9600 : i32
        %dma_start3A_117 = arith.constant 0 : i32
        %dma_start3A_118 = tpu.memref_slice %arg8[%dma_start3A_116, %dma_start3A_117] : memref<10000x128xf32, #tpu.memory_space<vmem_shared>> -> memref<400x128xf32, #tpu.memory_space<vmem_shared>>
        tpu.enqueue_dma source(%dma_start3A_118 : memref<400x128xf32, #tpu.memory_space<vmem_shared>>) target(%dma_start3A_115 : memref<400x128xf32, #tpu.memory_space<hbm>>) target_semaphore(%run_scoped3A : memref<!tpu.dma_semaphore, #tpu.memory_space<semaphore_mem>>)
        %dma_wait3A = arith.constant 9600 : i32
        %dma_wait3A_119 = arith.constant 0 : i32
        %dma_wait3A_120 = tpu.memref_slice %arg4[%add3A_36, %dma_wait3A, %dma_wait3A_119] : memref<6x10000x128xf32, #tpu.memory_space<hbm>> -> memref<1x400x128xf32, #tpu.memory_space<hbm>>
        %dma_wait3A_121 = tpu.memref_squeeze %dma_wait3A_120 : memref<1x400x128xf32, #tpu.memory_space<hbm>> -> memref<400x128xf32, #tpu.memory_space<hbm>>
        %dma_wait3A_122 = arith.constant 9600 : i32
        %dma_wait3A_123 = arith.constant 0 : i32
        %dma_wait3A_124 = tpu.memref_slice %arg8[%dma_wait3A_122, %dma_wait3A_123] : memref<10000x128xf32, #tpu.memory_space<vmem_shared>> -> memref<400x128xf32, #tpu.memory_space<vmem_shared>>
        tpu.wait_dma2 semaphore(%run_scoped3A : memref<!tpu.dma_semaphore, #tpu.memory_space<semaphore_mem>>) src(%dma_wait3A_124 : memref<400x128xf32, #tpu.memory_space<vmem_shared>>) dst(%dma_wait3A_121 : memref<400x128xf32, #tpu.memory_space<hbm>>)
        tpu.yield
      }) : () -> ()
    } else {
    }
    %barrier3A_73 = arith.constant 0 : index
    tpu.barrier barrier_id(%barrier3A_73)
    %add3A_74 = arith.constant 4 : i32
    %add3A_75 = arith.addi %add3A_74, %arg0 : i32
    %scan3A_76 = arith.constant 0 : i32
    %scan3A_77 = arith.constant 0 : i32
    %scan3A_78 = arith.constant 80 : i32
    %scan3A_79 = arith.addi %scan3A_77, %scan3A_78 : i32
    %scan3A_80 = arith.constant 1 : i32
    %scan3A_81 = scf.for %scan3A_113 = %scan3A_77 to %scan3A_79 step %scan3A_80 iter_args(%scan3A_114 = %scan3A_76) -> (i32)  : i32 {
      %swap3A = arith.index_cast %scan3A_113 : i32 to index
      %swap3A_115 = arith.constant 0 : index
      %swap3A_116 = tpu.vector_load %arg7[%swap3A, %swap3A_115] {strides = array<i32>} : memref<80x128xf32, #tpu.memory_space<vmem>>, vector<1x16xf32>,
      %swap3A_117 = vector.shape_cast %swap3A_116 : vector<1x16xf32> to vector<16xf32>
      %swap3A_118 = vector.shape_cast %broadcast_in_dim3A_1 : vector<16xf32> to vector<1x16xf32>
      tpu.vector_store %arg7[%swap3A, %swap3A_115], %swap3A_118 {strides = array<i32>} : memref<80x128xf32, #tpu.memory_space<vmem>>, vector<1x16xf32>,
      %swap3A_119 = arith.index_cast %scan3A_113 : i32 to index
      %swap3A_120 = arith.constant 16 : index
      %swap3A_121 = tpu.vector_load %arg7[%swap3A_119, %swap3A_120] {strides = array<i32>} : memref<80x128xf32, #tpu.memory_space<vmem>>, vector<1x16xf32>,
      %swap3A_122 = vector.shape_cast %swap3A_121 : vector<1x16xf32> to vector<16xf32>
      %swap3A_123 = vector.shape_cast %broadcast_in_dim3A_1 : vector<16xf32> to vector<1x16xf32>
      tpu.vector_store %arg7[%swap3A_119, %swap3A_120], %swap3A_123 {strides = array<i32>} : memref<80x128xf32, #tpu.memory_space<vmem>>, vector<1x16xf32>,
      %swap3A_124 = arith.index_cast %scan3A_113 : i32 to index
      %swap3A_125 = arith.constant 32 : index
      %swap3A_126 = tpu.vector_load %arg7[%swap3A_124, %swap3A_125] {strides = array<i32>} : memref<80x128xf32, #tpu.memory_space<vmem>>, vector<1x16xf32>,
      %swap3A_127 = vector.shape_cast %swap3A_126 : vector<1x16xf32> to vector<16xf32>
      %swap3A_128 = vector.shape_cast %broadcast_in_dim3A_1 : vector<16xf32> to vector<1x16xf32>
      tpu.vector_store %arg7[%swap3A_124, %swap3A_125], %swap3A_128 {strides = array<i32>} : memref<80x128xf32, #tpu.memory_space<vmem>>, vector<1x16xf32>,
      %swap3A_129 = arith.index_cast %scan3A_113 : i32 to index
      %swap3A_130 = arith.constant 48 : index
      %swap3A_131 = tpu.vector_load %arg7[%swap3A_129, %swap3A_130] {strides = array<i32>} : memref<80x128xf32, #tpu.memory_space<vmem>>, vector<1x16xf32>,
      %swap3A_132 = vector.shape_cast %swap3A_131 : vector<1x16xf32> to vector<16xf32>
      %swap3A_133 = vector.shape_cast %broadcast_in_dim3A_1 : vector<16xf32> to vector<1x16xf32>
      tpu.vector_store %arg7[%swap3A_129, %swap3A_130], %swap3A_133 {strides = array<i32>} : memref<80x128xf32, #tpu.memory_space<vmem>>, vector<1x16xf32>,
      %swap3A_134 = arith.index_cast %scan3A_113 : i32 to index
      %swap3A_135 = arith.constant 64 : index
      %swap3A_136 = tpu.vector_load %arg7[%swap3A_134, %swap3A_135] {strides = array<i32>} : memref<80x128xf32, #tpu.memory_space<vmem>>, vector<1x16xf32>,
      %swap3A_137 = vector.shape_cast %swap3A_136 : vector<1x16xf32> to vector<16xf32>
      %swap3A_138 = vector.shape_cast %broadcast_in_dim3A_1 : vector<16xf32> to vector<1x16xf32>
      tpu.vector_store %arg7[%swap3A_134, %swap3A_135], %swap3A_138 {strides = array<i32>} : memref<80x128xf32, #tpu.memory_space<vmem>>, vector<1x16xf32>,
      %swap3A_139 = arith.index_cast %scan3A_113 : i32 to index
      %swap3A_140 = arith.constant 80 : index
      %swap3A_141 = tpu.vector_load %arg7[%swap3A_139, %swap3A_140] {strides = array<i32>} : memref<80x128xf32, #tpu.memory_space<vmem>>, vector<1x16xf32>,
      %swap3A_142 = vector.shape_cast %swap3A_141 : vector<1x16xf32> to vector<16xf32>
      %swap3A_143 = vector.shape_cast %broadcast_in_dim3A_1 : vector<16xf32> to vector<1x16xf32>
      tpu.vector_store %arg7[%swap3A_139, %swap3A_140], %swap3A_143 {strides = array<i32>} : memref<80x128xf32, #tpu.memory_space<vmem>>, vector<1x16xf32>,
      %swap3A_144 = arith.index_cast %scan3A_113 : i32 to index
      %swap3A_145 = arith.constant 96 : index
      %swap3A_146 = tpu.vector_load %arg7[%swap3A_144, %swap3A_145] {strides = array<i32>} : memref<80x128xf32, #tpu.memory_space<vmem>>, vector<1x16xf32>,
      %swap3A_147 = vector.shape_cast %swap3A_146 : vector<1x16xf32> to vector<16xf32>
      %swap3A_148 = vector.shape_cast %broadcast_in_dim3A_1 : vector<16xf32> to vector<1x16xf32>
      tpu.vector_store %arg7[%swap3A_144, %swap3A_145], %swap3A_148 {strides = array<i32>} : memref<80x128xf32, #tpu.memory_space<vmem>>, vector<1x16xf32>,
      %swap3A_149 = arith.index_cast %scan3A_113 : i32 to index
      %swap3A_150 = arith.constant 112 : index
      %swap3A_151 = tpu.vector_load %arg7[%swap3A_149, %swap3A_150] {strides = array<i32>} : memref<80x128xf32, #tpu.memory_space<vmem>>, vector<1x16xf32>,
      %swap3A_152 = vector.shape_cast %swap3A_151 : vector<1x16xf32> to vector<16xf32>
      %swap3A_153 = vector.shape_cast %broadcast_in_dim3A_1 : vector<16xf32> to vector<1x16xf32>
      tpu.vector_store %arg7[%swap3A_149, %swap3A_150], %swap3A_153 {strides = array<i32>} : memref<80x128xf32, #tpu.memory_space<vmem>>, vector<1x16xf32>,
      %scan3A_154 = arith.constant 0 : i32
      scf.yield %scan3A_154 : i32
    }
    %scan3A_82 = arith.constant 80 : i32
    %lt3A_83 = arith.constant 15 : i32
    %lt3A_84 = arith.cmpi slt, %arg1, %lt3A_83 : i32
    %convert_element_type3A_85 = arith.extui %lt3A_84 : i1 to i32
    %cond3A_86 = arith.constant 0 : i32
    %cond3A_87 = arith.cmpi ne, %convert_element_type3A_85, %cond3A_86 : i32
    scf.if %cond3A_87 {
      %mul3A_113 = arith.constant 640 : i32
      %mul3A_114 = arith.muli %arg1, %mul3A_113 : i32
      %add3A_115 = arith.constant 0 : i32
      %add3A_116 = arith.addi %mul3A_114, %add3A_115 : i32
      "tpu.region"() ({
        %run_scoped3A = tpu.sem_alloc : memref<!tpu.dma_semaphore, #tpu.memory_space<semaphore_mem>>
        %dma_start3A = arith.constant 0 : i32
        %dma_start3A_145 = tpu.memref_slice %arg8[%add3A_116, %dma_start3A] : memref<10000x128xf32, #tpu.memory_space<vmem_shared>> -> memref<80x128xf32, #tpu.memory_space<vmem_shared>>
        %dma_start3A_146 = arith.constant 0 : i32
        %dma_start3A_147 = tpu.memref_slice %arg8[%add3A_116, %dma_start3A_146] : memref<10000x128xf32, #tpu.memory_space<vmem_shared>> -> memref<80x128xf32, #tpu.memory_space<vmem_shared>>
        tpu.enqueue_dma source(%arg7 : memref<80x128xf32, #tpu.memory_space<vmem>>) target(%dma_start3A_147 : memref<80x128xf32, #tpu.memory_space<vmem_shared>>) target_semaphore(%run_scoped3A : memref<!tpu.dma_semaphore, #tpu.memory_space<semaphore_mem>>)
        %dma_wait3A = arith.constant 0 : i32
        %dma_wait3A_148 = tpu.memref_slice %arg8[%add3A_116, %dma_wait3A] : memref<10000x128xf32, #tpu.memory_space<vmem_shared>> -> memref<80x128xf32, #tpu.memory_space<vmem_shared>>
        %dma_wait3A_149 = arith.constant 0 : i32
        %dma_wait3A_150 = tpu.memref_slice %arg8[%add3A_116, %dma_wait3A_149] : memref<10000x128xf32, #tpu.memory_space<vmem_shared>> -> memref<80x128xf32, #tpu.memory_space<vmem_shared>>
        tpu.wait_dma2 semaphore(%run_scoped3A : memref<!tpu.dma_semaphore, #tpu.memory_space<semaphore_mem>>) src(%arg7 : memref<80x128xf32, #tpu.memory_space<vmem>>) dst(%dma_wait3A_150 : memref<80x128xf32, #tpu.memory_space<vmem_shared>>)
        tpu.yield
      }) : () -> ()
      %mul3A_117 = arith.constant 640 : i32
      %mul3A_118 = arith.muli %arg1, %mul3A_117 : i32
      %add3A_119 = arith.constant 80 : i32
      %add3A_120 = arith.addi %mul3A_118, %add3A_119 : i32
      "tpu.region"() ({
        %run_scoped3A = tpu.sem_alloc : memref<!tpu.dma_semaphore, #tpu.memory_space<semaphore_mem>>
        %dma_start3A = arith.constant 0 : i32
        %dma_start3A_145 = tpu.memref_slice %arg8[%add3A_120, %dma_start3A] : memref<10000x128xf32, #tpu.memory_space<vmem_shared>> -> memref<80x128xf32, #tpu.memory_space<vmem_shared>>
        %dma_start3A_146 = arith.constant 0 : i32
        %dma_start3A_147 = tpu.memref_slice %arg8[%add3A_120, %dma_start3A_146] : memref<10000x128xf32, #tpu.memory_space<vmem_shared>> -> memref<80x128xf32, #tpu.memory_space<vmem_shared>>
        tpu.enqueue_dma source(%arg7 : memref<80x128xf32, #tpu.memory_space<vmem>>) target(%dma_start3A_147 : memref<80x128xf32, #tpu.memory_space<vmem_shared>>) target_semaphore(%run_scoped3A : memref<!tpu.dma_semaphore, #tpu.memory_space<semaphore_mem>>)
        %dma_wait3A = arith.constant 0 : i32
        %dma_wait3A_148 = tpu.memref_slice %arg8[%add3A_120, %dma_wait3A] : memref<10000x128xf32, #tpu.memory_space<vmem_shared>> -> memref<80x128xf32, #tpu.memory_space<vmem_shared>>
        %dma_wait3A_149 = arith.constant 0 : i32
        %dma_wait3A_150 = tpu.memref_slice %arg8[%add3A_120, %dma_wait3A_149] : memref<10000x128xf32, #tpu.memory_space<vmem_shared>> -> memref<80x128xf32, #tpu.memory_space<vmem_shared>>
        tpu.wait_dma2 semaphore(%run_scoped3A : memref<!tpu.dma_semaphore, #tpu.memory_space<semaphore_mem>>) src(%arg7 : memref<80x128xf32, #tpu.memory_space<vmem>>) dst(%dma_wait3A_150 : memref<80x128xf32, #tpu.memory_space<vmem_shared>>)
        tpu.yield
      }) : () -> ()
      %mul3A_121 = arith.constant 640 : i32
      %mul3A_122 = arith.muli %arg1, %mul3A_121 : i32
      %add3A_123 = arith.constant 160 : i32
      %add3A_124 = arith.addi %mul3A_122, %add3A_123 : i32
      "tpu.region"() ({
        %run_scoped3A = tpu.sem_alloc : memref<!tpu.dma_semaphore, #tpu.memory_space<semaphore_mem>>
        %dma_start3A = arith.constant 0 : i32
        %dma_start3A_145 = tpu.memref_slice %arg8[%add3A_124, %dma_start3A] : memref<10000x128xf32, #tpu.memory_space<vmem_shared>> -> memref<80x128xf32, #tpu.memory_space<vmem_shared>>
        %dma_start3A_146 = arith.constant 0 : i32
        %dma_start3A_147 = tpu.memref_slice %arg8[%add3A_124, %dma_start3A_146] : memref<10000x128xf32, #tpu.memory_space<vmem_shared>> -> memref<80x128xf32, #tpu.memory_space<vmem_shared>>
        tpu.enqueue_dma source(%arg7 : memref<80x128xf32, #tpu.memory_space<vmem>>) target(%dma_start3A_147 : memref<80x128xf32, #tpu.memory_space<vmem_shared>>) target_semaphore(%run_scoped3A : memref<!tpu.dma_semaphore, #tpu.memory_space<semaphore_mem>>)
        %dma_wait3A = arith.constant 0 : i32
        %dma_wait3A_148 = tpu.memref_slice %arg8[%add3A_124, %dma_wait3A] : memref<10000x128xf32, #tpu.memory_space<vmem_shared>> -> memref<80x128xf32, #tpu.memory_space<vmem_shared>>
        %dma_wait3A_149 = arith.constant 0 : i32
        %dma_wait3A_150 = tpu.memref_slice %arg8[%add3A_124, %dma_wait3A_149] : memref<10000x128xf32, #tpu.memory_space<vmem_shared>> -> memref<80x128xf32, #tpu.memory_space<vmem_shared>>
        tpu.wait_dma2 semaphore(%run_scoped3A : memref<!tpu.dma_semaphore, #tpu.memory_space<semaphore_mem>>) src(%arg7 : memref<80x128xf32, #tpu.memory_space<vmem>>) dst(%dma_wait3A_150 : memref<80x128xf32, #tpu.memory_space<vmem_shared>>)
        tpu.yield
      }) : () -> ()
      %mul3A_125 = arith.constant 640 : i32
      %mul3A_126 = arith.muli %arg1, %mul3A_125 : i32
      %add3A_127 = arith.constant 240 : i32
      %add3A_128 = arith.addi %mul3A_126, %add3A_127 : i32
      "tpu.region"() ({
        %run_scoped3A = tpu.sem_alloc : memref<!tpu.dma_semaphore, #tpu.memory_space<semaphore_mem>>
        %dma_start3A = arith.constant 0 : i32
        %dma_start3A_145 = tpu.memref_slice %arg8[%add3A_128, %dma_start3A] : memref<10000x128xf32, #tpu.memory_space<vmem_shared>> -> memref<80x128xf32, #tpu.memory_space<vmem_shared>>
        %dma_start3A_146 = arith.constant 0 : i32
        %dma_start3A_147 = tpu.memref_slice %arg8[%add3A_128, %dma_start3A_146] : memref<10000x128xf32, #tpu.memory_space<vmem_shared>> -> memref<80x128xf32, #tpu.memory_space<vmem_shared>>
        tpu.enqueue_dma source(%arg7 : memref<80x128xf32, #tpu.memory_space<vmem>>) target(%dma_start3A_147 : memref<80x128xf32, #tpu.memory_space<vmem_shared>>) target_semaphore(%run_scoped3A : memref<!tpu.dma_semaphore, #tpu.memory_space<semaphore_mem>>)
        %dma_wait3A = arith.constant 0 : i32
        %dma_wait3A_148 = tpu.memref_slice %arg8[%add3A_128, %dma_wait3A] : memref<10000x128xf32, #tpu.memory_space<vmem_shared>> -> memref<80x128xf32, #tpu.memory_space<vmem_shared>>
        %dma_wait3A_149 = arith.constant 0 : i32
        %dma_wait3A_150 = tpu.memref_slice %arg8[%add3A_128, %dma_wait3A_149] : memref<10000x128xf32, #tpu.memory_space<vmem_shared>> -> memref<80x128xf32, #tpu.memory_space<vmem_shared>>
        tpu.wait_dma2 semaphore(%run_scoped3A : memref<!tpu.dma_semaphore, #tpu.memory_space<semaphore_mem>>) src(%arg7 : memref<80x128xf32, #tpu.memory_space<vmem>>) dst(%dma_wait3A_150 : memref<80x128xf32, #tpu.memory_space<vmem_shared>>)
        tpu.yield
      }) : () -> ()
      %mul3A_129 = arith.constant 640 : i32
      %mul3A_130 = arith.muli %arg1, %mul3A_129 : i32
      %add3A_131 = arith.constant 320 : i32
      %add3A_132 = arith.addi %mul3A_130, %add3A_131 : i32
      "tpu.region"() ({
        %run_scoped3A = tpu.sem_alloc : memref<!tpu.dma_semaphore, #tpu.memory_space<semaphore_mem>>
        %dma_start3A = arith.constant 0 : i32
        %dma_start3A_145 = tpu.memref_slice %arg8[%add3A_132, %dma_start3A] : memref<10000x128xf32, #tpu.memory_space<vmem_shared>> -> memref<80x128xf32, #tpu.memory_space<vmem_shared>>
        %dma_start3A_146 = arith.constant 0 : i32
        %dma_start3A_147 = tpu.memref_slice %arg8[%add3A_132, %dma_start3A_146] : memref<10000x128xf32, #tpu.memory_space<vmem_shared>> -> memref<80x128xf32, #tpu.memory_space<vmem_shared>>
        tpu.enqueue_dma source(%arg7 : memref<80x128xf32, #tpu.memory_space<vmem>>) target(%dma_start3A_147 : memref<80x128xf32, #tpu.memory_space<vmem_shared>>) target_semaphore(%run_scoped3A : memref<!tpu.dma_semaphore, #tpu.memory_space<semaphore_mem>>)
        %dma_wait3A = arith.constant 0 : i32
        %dma_wait3A_148 = tpu.memref_slice %arg8[%add3A_132, %dma_wait3A] : memref<10000x128xf32, #tpu.memory_space<vmem_shared>> -> memref<80x128xf32, #tpu.memory_space<vmem_shared>>
        %dma_wait3A_149 = arith.constant 0 : i32
        %dma_wait3A_150 = tpu.memref_slice %arg8[%add3A_132, %dma_wait3A_149] : memref<10000x128xf32, #tpu.memory_space<vmem_shared>> -> memref<80x128xf32, #tpu.memory_space<vmem_shared>>
        tpu.wait_dma2 semaphore(%run_scoped3A : memref<!tpu.dma_semaphore, #tpu.memory_space<semaphore_mem>>) src(%arg7 : memref<80x128xf32, #tpu.memory_space<vmem>>) dst(%dma_wait3A_150 : memref<80x128xf32, #tpu.memory_space<vmem_shared>>)
        tpu.yield
      }) : () -> ()
      %mul3A_133 = arith.constant 640 : i32
      %mul3A_134 = arith.muli %arg1, %mul3A_133 : i32
      %add3A_135 = arith.constant 400 : i32
      %add3A_136 = arith.addi %mul3A_134, %add3A_135 : i32
      "tpu.region"() ({
        %run_scoped3A = tpu.sem_alloc : memref<!tpu.dma_semaphore, #tpu.memory_space<semaphore_mem>>
        %dma_start3A = arith.constant 0 : i32
        %dma_start3A_145 = tpu.memref_slice %arg8[%add3A_136, %dma_start3A] : memref<10000x128xf32, #tpu.memory_space<vmem_shared>> -> memref<80x128xf32, #tpu.memory_space<vmem_shared>>
        %dma_start3A_146 = arith.constant 0 : i32
        %dma_start3A_147 = tpu.memref_slice %arg8[%add3A_136, %dma_start3A_146] : memref<10000x128xf32, #tpu.memory_space<vmem_shared>> -> memref<80x128xf32, #tpu.memory_space<vmem_shared>>
        tpu.enqueue_dma source(%arg7 : memref<80x128xf32, #tpu.memory_space<vmem>>) target(%dma_start3A_147 : memref<80x128xf32, #tpu.memory_space<vmem_shared>>) target_semaphore(%run_scoped3A : memref<!tpu.dma_semaphore, #tpu.memory_space<semaphore_mem>>)
        %dma_wait3A = arith.constant 0 : i32
        %dma_wait3A_148 = tpu.memref_slice %arg8[%add3A_136, %dma_wait3A] : memref<10000x128xf32, #tpu.memory_space<vmem_shared>> -> memref<80x128xf32, #tpu.memory_space<vmem_shared>>
        %dma_wait3A_149 = arith.constant 0 : i32
        %dma_wait3A_150 = tpu.memref_slice %arg8[%add3A_136, %dma_wait3A_149] : memref<10000x128xf32, #tpu.memory_space<vmem_shared>> -> memref<80x128xf32, #tpu.memory_space<vmem_shared>>
        tpu.wait_dma2 semaphore(%run_scoped3A : memref<!tpu.dma_semaphore, #tpu.memory_space<semaphore_mem>>) src(%arg7 : memref<80x128xf32, #tpu.memory_space<vmem>>) dst(%dma_wait3A_150 : memref<80x128xf32, #tpu.memory_space<vmem_shared>>)
        tpu.yield
      }) : () -> ()
      %mul3A_137 = arith.constant 640 : i32
      %mul3A_138 = arith.muli %arg1, %mul3A_137 : i32
      %add3A_139 = arith.constant 480 : i32
      %add3A_140 = arith.addi %mul3A_138, %add3A_139 : i32
      "tpu.region"() ({
        %run_scoped3A = tpu.sem_alloc : memref<!tpu.dma_semaphore, #tpu.memory_space<semaphore_mem>>
        %dma_start3A = arith.constant 0 : i32
        %dma_start3A_145 = tpu.memref_slice %arg8[%add3A_140, %dma_start3A] : memref<10000x128xf32, #tpu.memory_space<vmem_shared>> -> memref<80x128xf32, #tpu.memory_space<vmem_shared>>
        %dma_start3A_146 = arith.constant 0 : i32
        %dma_start3A_147 = tpu.memref_slice %arg8[%add3A_140, %dma_start3A_146] : memref<10000x128xf32, #tpu.memory_space<vmem_shared>> -> memref<80x128xf32, #tpu.memory_space<vmem_shared>>
        tpu.enqueue_dma source(%arg7 : memref<80x128xf32, #tpu.memory_space<vmem>>) target(%dma_start3A_147 : memref<80x128xf32, #tpu.memory_space<vmem_shared>>) target_semaphore(%run_scoped3A : memref<!tpu.dma_semaphore, #tpu.memory_space<semaphore_mem>>)
        %dma_wait3A = arith.constant 0 : i32
        %dma_wait3A_148 = tpu.memref_slice %arg8[%add3A_140, %dma_wait3A] : memref<10000x128xf32, #tpu.memory_space<vmem_shared>> -> memref<80x128xf32, #tpu.memory_space<vmem_shared>>
        %dma_wait3A_149 = arith.constant 0 : i32
        %dma_wait3A_150 = tpu.memref_slice %arg8[%add3A_140, %dma_wait3A_149] : memref<10000x128xf32, #tpu.memory_space<vmem_shared>> -> memref<80x128xf32, #tpu.memory_space<vmem_shared>>
        tpu.wait_dma2 semaphore(%run_scoped3A : memref<!tpu.dma_semaphore, #tpu.memory_space<semaphore_mem>>) src(%arg7 : memref<80x128xf32, #tpu.memory_space<vmem>>) dst(%dma_wait3A_150 : memref<80x128xf32, #tpu.memory_space<vmem_shared>>)
        tpu.yield
      }) : () -> ()
      %mul3A_141 = arith.constant 640 : i32
      %mul3A_142 = arith.muli %arg1, %mul3A_141 : i32
      %add3A_143 = arith.constant 560 : i32
      %add3A_144 = arith.addi %mul3A_142, %add3A_143 : i32
      "tpu.region"() ({
        %run_scoped3A = tpu.sem_alloc : memref<!tpu.dma_semaphore, #tpu.memory_space<semaphore_mem>>
        %dma_start3A = arith.constant 0 : i32
        %dma_start3A_145 = tpu.memref_slice %arg8[%add3A_144, %dma_start3A] : memref<10000x128xf32, #tpu.memory_space<vmem_shared>> -> memref<80x128xf32, #tpu.memory_space<vmem_shared>>
        %dma_start3A_146 = arith.constant 0 : i32
        %dma_start3A_147 = tpu.memref_slice %arg8[%add3A_144, %dma_start3A_146] : memref<10000x128xf32, #tpu.memory_space<vmem_shared>> -> memref<80x128xf32, #tpu.memory_space<vmem_shared>>
        tpu.enqueue_dma source(%arg7 : memref<80x128xf32, #tpu.memory_space<vmem>>) target(%dma_start3A_147 : memref<80x128xf32, #tpu.memory_space<vmem_shared>>) target_semaphore(%run_scoped3A : memref<!tpu.dma_semaphore, #tpu.memory_space<semaphore_mem>>)
        %dma_wait3A = arith.constant 0 : i32
        %dma_wait3A_148 = tpu.memref_slice %arg8[%add3A_144, %dma_wait3A] : memref<10000x128xf32, #tpu.memory_space<vmem_shared>> -> memref<80x128xf32, #tpu.memory_space<vmem_shared>>
        %dma_wait3A_149 = arith.constant 0 : i32
        %dma_wait3A_150 = tpu.memref_slice %arg8[%add3A_144, %dma_wait3A_149] : memref<10000x128xf32, #tpu.memory_space<vmem_shared>> -> memref<80x128xf32, #tpu.memory_space<vmem_shared>>
        tpu.wait_dma2 semaphore(%run_scoped3A : memref<!tpu.dma_semaphore, #tpu.memory_space<semaphore_mem>>) src(%arg7 : memref<80x128xf32, #tpu.memory_space<vmem>>) dst(%dma_wait3A_150 : memref<80x128xf32, #tpu.memory_space<vmem_shared>>)
        tpu.yield
      }) : () -> ()
    } else {
    }
    %eq3A_88 = arith.constant 15 : i32
    %eq3A_89 = arith.cmpi eq, %arg1, %eq3A_88 : i32
    %convert_element_type3A_90 = arith.extui %eq3A_89 : i1 to i32
    %cond3A_91 = arith.constant 0 : i32
    %cond3A_92 = arith.cmpi ne, %convert_element_type3A_90, %cond3A_91 : i32
    scf.if %cond3A_92 {
      "tpu.region"() ({
        %run_scoped3A = tpu.sem_alloc : memref<!tpu.dma_semaphore, #tpu.memory_space<semaphore_mem>>
        %dma_start3A = arith.constant 9600 : i32
        %dma_start3A_113 = arith.constant 0 : i32
        %dma_start3A_114 = tpu.memref_slice %arg8[%dma_start3A, %dma_start3A_113] : memref<10000x128xf32, #tpu.memory_space<vmem_shared>> -> memref<80x128xf32, #tpu.memory_space<vmem_shared>>
        %dma_start3A_115 = arith.constant 9600 : i32
        %dma_start3A_116 = arith.constant 0 : i32
        %dma_start3A_117 = tpu.memref_slice %arg8[%dma_start3A_115, %dma_start3A_116] : memref<10000x128xf32, #tpu.memory_space<vmem_shared>> -> memref<80x128xf32, #tpu.memory_space<vmem_shared>>
        tpu.enqueue_dma source(%arg7 : memref<80x128xf32, #tpu.memory_space<vmem>>) target(%dma_start3A_117 : memref<80x128xf32, #tpu.memory_space<vmem_shared>>) target_semaphore(%run_scoped3A : memref<!tpu.dma_semaphore, #tpu.memory_space<semaphore_mem>>)
        %dma_wait3A = arith.constant 9600 : i32
        %dma_wait3A_118 = arith.constant 0 : i32
        %dma_wait3A_119 = tpu.memref_slice %arg8[%dma_wait3A, %dma_wait3A_118] : memref<10000x128xf32, #tpu.memory_space<vmem_shared>> -> memref<80x128xf32, #tpu.memory_space<vmem_shared>>
        %dma_wait3A_120 = arith.constant 9600 : i32
        %dma_wait3A_121 = arith.constant 0 : i32
        %dma_wait3A_122 = tpu.memref_slice %arg8[%dma_wait3A_120, %dma_wait3A_121] : memref<10000x128xf32, #tpu.memory_space<vmem_shared>> -> memref<80x128xf32, #tpu.memory_space<vmem_shared>>
        tpu.wait_dma2 semaphore(%run_scoped3A : memref<!tpu.dma_semaphore, #tpu.memory_space<semaphore_mem>>) src(%arg7 : memref<80x128xf32, #tpu.memory_space<vmem>>) dst(%dma_wait3A_122 : memref<80x128xf32, #tpu.memory_space<vmem_shared>>)
        tpu.yield
      }) : () -> ()
      "tpu.region"() ({
        %run_scoped3A = tpu.sem_alloc : memref<!tpu.dma_semaphore, #tpu.memory_space<semaphore_mem>>
        %dma_start3A = arith.constant 9680 : i32
        %dma_start3A_113 = arith.constant 0 : i32
        %dma_start3A_114 = tpu.memref_slice %arg8[%dma_start3A, %dma_start3A_113] : memref<10000x128xf32, #tpu.memory_space<vmem_shared>> -> memref<80x128xf32, #tpu.memory_space<vmem_shared>>
        %dma_start3A_115 = arith.constant 9680 : i32
        %dma_start3A_116 = arith.constant 0 : i32
        %dma_start3A_117 = tpu.memref_slice %arg8[%dma_start3A_115, %dma_start3A_116] : memref<10000x128xf32, #tpu.memory_space<vmem_shared>> -> memref<80x128xf32, #tpu.memory_space<vmem_shared>>
        tpu.enqueue_dma source(%arg7 : memref<80x128xf32, #tpu.memory_space<vmem>>) target(%dma_start3A_117 : memref<80x128xf32, #tpu.memory_space<vmem_shared>>) target_semaphore(%run_scoped3A : memref<!tpu.dma_semaphore, #tpu.memory_space<semaphore_mem>>)
        %dma_wait3A = arith.constant 9680 : i32
        %dma_wait3A_118 = arith.constant 0 : i32
        %dma_wait3A_119 = tpu.memref_slice %arg8[%dma_wait3A, %dma_wait3A_118] : memref<10000x128xf32, #tpu.memory_space<vmem_shared>> -> memref<80x128xf32, #tpu.memory_space<vmem_shared>>
        %dma_wait3A_120 = arith.constant 9680 : i32
        %dma_wait3A_121 = arith.constant 0 : i32
        %dma_wait3A_122 = tpu.memref_slice %arg8[%dma_wait3A_120, %dma_wait3A_121] : memref<10000x128xf32, #tpu.memory_space<vmem_shared>> -> memref<80x128xf32, #tpu.memory_space<vmem_shared>>
        tpu.wait_dma2 semaphore(%run_scoped3A : memref<!tpu.dma_semaphore, #tpu.memory_space<semaphore_mem>>) src(%arg7 : memref<80x128xf32, #tpu.memory_space<vmem>>) dst(%dma_wait3A_122 : memref<80x128xf32, #tpu.memory_space<vmem_shared>>)
        tpu.yield
      }) : () -> ()
      "tpu.region"() ({
        %run_scoped3A = tpu.sem_alloc : memref<!tpu.dma_semaphore, #tpu.memory_space<semaphore_mem>>
        %dma_start3A = arith.constant 9760 : i32
        %dma_start3A_113 = arith.constant 0 : i32
        %dma_start3A_114 = tpu.memref_slice %arg8[%dma_start3A, %dma_start3A_113] : memref<10000x128xf32, #tpu.memory_space<vmem_shared>> -> memref<80x128xf32, #tpu.memory_space<vmem_shared>>
        %dma_start3A_115 = arith.constant 9760 : i32
        %dma_start3A_116 = arith.constant 0 : i32
        %dma_start3A_117 = tpu.memref_slice %arg8[%dma_start3A_115, %dma_start3A_116] : memref<10000x128xf32, #tpu.memory_space<vmem_shared>> -> memref<80x128xf32, #tpu.memory_space<vmem_shared>>
        tpu.enqueue_dma source(%arg7 : memref<80x128xf32, #tpu.memory_space<vmem>>) target(%dma_start3A_117 : memref<80x128xf32, #tpu.memory_space<vmem_shared>>) target_semaphore(%run_scoped3A : memref<!tpu.dma_semaphore, #tpu.memory_space<semaphore_mem>>)
        %dma_wait3A = arith.constant 9760 : i32
        %dma_wait3A_118 = arith.constant 0 : i32
        %dma_wait3A_119 = tpu.memref_slice %arg8[%dma_wait3A, %dma_wait3A_118] : memref<10000x128xf32, #tpu.memory_space<vmem_shared>> -> memref<80x128xf32, #tpu.memory_space<vmem_shared>>
        %dma_wait3A_120 = arith.constant 9760 : i32
        %dma_wait3A_121 = arith.constant 0 : i32
        %dma_wait3A_122 = tpu.memref_slice %arg8[%dma_wait3A_120, %dma_wait3A_121] : memref<10000x128xf32, #tpu.memory_space<vmem_shared>> -> memref<80x128xf32, #tpu.memory_space<vmem_shared>>
        tpu.wait_dma2 semaphore(%run_scoped3A : memref<!tpu.dma_semaphore, #tpu.memory_space<semaphore_mem>>) src(%arg7 : memref<80x128xf32, #tpu.memory_space<vmem>>) dst(%dma_wait3A_122 : memref<80x128xf32, #tpu.memory_space<vmem_shared>>)
        tpu.yield
      }) : () -> ()
      "tpu.region"() ({
        %run_scoped3A = tpu.sem_alloc : memref<!tpu.dma_semaphore, #tpu.memory_space<semaphore_mem>>
        %dma_start3A = arith.constant 9840 : i32
        %dma_start3A_113 = arith.constant 0 : i32
        %dma_start3A_114 = tpu.memref_slice %arg8[%dma_start3A, %dma_start3A_113] : memref<10000x128xf32, #tpu.memory_space<vmem_shared>> -> memref<80x128xf32, #tpu.memory_space<vmem_shared>>
        %dma_start3A_115 = arith.constant 9840 : i32
        %dma_start3A_116 = arith.constant 0 : i32
        %dma_start3A_117 = tpu.memref_slice %arg8[%dma_start3A_115, %dma_start3A_116] : memref<10000x128xf32, #tpu.memory_space<vmem_shared>> -> memref<80x128xf32, #tpu.memory_space<vmem_shared>>
        tpu.enqueue_dma source(%arg7 : memref<80x128xf32, #tpu.memory_space<vmem>>) target(%dma_start3A_117 : memref<80x128xf32, #tpu.memory_space<vmem_shared>>) target_semaphore(%run_scoped3A : memref<!tpu.dma_semaphore, #tpu.memory_space<semaphore_mem>>)
        %dma_wait3A = arith.constant 9840 : i32
        %dma_wait3A_118 = arith.constant 0 : i32
        %dma_wait3A_119 = tpu.memref_slice %arg8[%dma_wait3A, %dma_wait3A_118] : memref<10000x128xf32, #tpu.memory_space<vmem_shared>> -> memref<80x128xf32, #tpu.memory_space<vmem_shared>>
        %dma_wait3A_120 = arith.constant 9840 : i32
        %dma_wait3A_121 = arith.constant 0 : i32
        %dma_wait3A_122 = tpu.memref_slice %arg8[%dma_wait3A_120, %dma_wait3A_121] : memref<10000x128xf32, #tpu.memory_space<vmem_shared>> -> memref<80x128xf32, #tpu.memory_space<vmem_shared>>
        tpu.wait_dma2 semaphore(%run_scoped3A : memref<!tpu.dma_semaphore, #tpu.memory_space<semaphore_mem>>) src(%arg7 : memref<80x128xf32, #tpu.memory_space<vmem>>) dst(%dma_wait3A_122 : memref<80x128xf32, #tpu.memory_space<vmem_shared>>)
        tpu.yield
      }) : () -> ()
      "tpu.region"() ({
        %run_scoped3A = tpu.sem_alloc : memref<!tpu.dma_semaphore, #tpu.memory_space<semaphore_mem>>
        %dma_start3A = arith.constant 9920 : i32
        %dma_start3A_113 = arith.constant 0 : i32
        %dma_start3A_114 = tpu.memref_slice %arg8[%dma_start3A, %dma_start3A_113] : memref<10000x128xf32, #tpu.memory_space<vmem_shared>> -> memref<80x128xf32, #tpu.memory_space<vmem_shared>>
        %dma_start3A_115 = arith.constant 9920 : i32
        %dma_start3A_116 = arith.constant 0 : i32
        %dma_start3A_117 = tpu.memref_slice %arg8[%dma_start3A_115, %dma_start3A_116] : memref<10000x128xf32, #tpu.memory_space<vmem_shared>> -> memref<80x128xf32, #tpu.memory_space<vmem_shared>>
        tpu.enqueue_dma source(%arg7 : memref<80x128xf32, #tpu.memory_space<vmem>>) target(%dma_start3A_117 : memref<80x128xf32, #tpu.memory_space<vmem_shared>>) target_semaphore(%run_scoped3A : memref<!tpu.dma_semaphore, #tpu.memory_space<semaphore_mem>>)
        %dma_wait3A = arith.constant 9920 : i32
        %dma_wait3A_118 = arith.constant 0 : i32
        %dma_wait3A_119 = tpu.memref_slice %arg8[%dma_wait3A, %dma_wait3A_118] : memref<10000x128xf32, #tpu.memory_space<vmem_shared>> -> memref<80x128xf32, #tpu.memory_space<vmem_shared>>
        %dma_wait3A_120 = arith.constant 9920 : i32
        %dma_wait3A_121 = arith.constant 0 : i32
        %dma_wait3A_122 = tpu.memref_slice %arg8[%dma_wait3A_120, %dma_wait3A_121] : memref<10000x128xf32, #tpu.memory_space<vmem_shared>> -> memref<80x128xf32, #tpu.memory_space<vmem_shared>>
        tpu.wait_dma2 semaphore(%run_scoped3A : memref<!tpu.dma_semaphore, #tpu.memory_space<semaphore_mem>>) src(%arg7 : memref<80x128xf32, #tpu.memory_space<vmem>>) dst(%dma_wait3A_122 : memref<80x128xf32, #tpu.memory_space<vmem_shared>>)
        tpu.yield
      }) : () -> ()
    } else {
    }
    %barrier3A_93 = arith.constant 0 : index
    tpu.barrier barrier_id(%barrier3A_93)
    %scan3A_94 = arith.constant 0 : i32
    %scan3A_95 = arith.constant 0 : i32
    %scan3A_96 = arith.constant 125 : i32
    %scan3A_97 = arith.addi %scan3A_95, %scan3A_96 : i32
    %scan3A_98 = arith.constant 1 : i32
    %scan3A_99 = scf.for %scan3A_113 = %scan3A_95 to %scan3A_97 step %scan3A_98 iter_args(%scan3A_114 = %scan3A_94) -> (i32)  : i32 {
      %mul3A_115 = arith.constant 10000 : i32
      %mul3A_116 = arith.muli %add3A, %mul3A_115 : i32
      %mul3A_117 = arith.constant 80 : i32
      %mul3A_118 = arith.muli %scan3A_113, %mul3A_117 : i32
      %add3A_119 = arith.addi %mul3A_116, %mul3A_118 : i32
      %add3A_120 = arith.constant 1280000 : i32
      %add3A_121 = arith.addi %add3A_120, %add3A_119 : i32
      %add3A_122 = arith.constant 320000 : i32
      %add3A_123 = arith.addi %add3A_121, %add3A_122 : i32
      "tpu.region"() ({
        %run_scoped3A = tpu.sem_alloc : memref<!tpu.dma_semaphore, #tpu.memory_space<semaphore_mem>>
        %dma_start3A = tpu.memref_slice %arg2[%add3A_123] : memref<1920000xi32, #tpu.memory_space<hbm>> -> memref<80xi32, #tpu.memory_space<hbm>>
        %dma_start3A_136 = tpu.memref_slice %arg2[%add3A_123] : memref<1920000xi32, #tpu.memory_space<hbm>> -> memref<80xi32, #tpu.memory_space<hbm>>
        tpu.enqueue_dma source(%dma_start3A_136 : memref<80xi32, #tpu.memory_space<hbm>>) target(%arg5 : memref<80xi32, #tpu.memory_space<vmem>>) target_semaphore(%run_scoped3A : memref<!tpu.dma_semaphore, #tpu.memory_space<semaphore_mem>>)
        %dma_wait3A = tpu.memref_slice %arg2[%add3A_123] : memref<1920000xi32, #tpu.memory_space<hbm>> -> memref<80xi32, #tpu.memory_space<hbm>>
        %dma_wait3A_137 = tpu.memref_slice %arg2[%add3A_123] : memref<1920000xi32, #tpu.memory_space<hbm>> -> memref<80xi32, #tpu.memory_space<hbm>>
        tpu.wait_dma2 semaphore(%run_scoped3A : memref<!tpu.dma_semaphore, #tpu.memory_space<semaphore_mem>>) src(%dma_wait3A_137 : memref<80xi32, #tpu.memory_space<hbm>>) dst(%arg5 : memref<80xi32, #tpu.memory_space<vmem>>)
        tpu.yield
      }) : () -> ()
      %add3A_124 = arith.constant 640000 : i32
      %add3A_125 = arith.addi %add3A_124, %add3A_119 : i32
      %mul3A_126 = arith.constant 16 : i32
      %mul3A_127 = arith.muli %add3A_125, %mul3A_126 : i32
      "tpu.region"() ({
        %run_scoped3A = tpu.sem_alloc : memref<!tpu.dma_semaphore, #tpu.memory_space<semaphore_mem>>
        %dma_start3A = tpu.memref_slice %arg3[%mul3A_127] : memref<15360000xf32, #tpu.memory_space<hbm>> -> memref<1280xf32, #tpu.memory_space<hbm>>
        %dma_start3A_136 = tpu.memref_slice %arg3[%mul3A_127] : memref<15360000xf32, #tpu.memory_space<hbm>> -> memref<1280xf32, #tpu.memory_space<hbm>>
        tpu.enqueue_dma source(%dma_start3A_136 : memref<1280xf32, #tpu.memory_space<hbm>>) target(%arg6 : memref<1280xf32, #tpu.memory_space<vmem>>) target_semaphore(%run_scoped3A : memref<!tpu.dma_semaphore, #tpu.memory_space<semaphore_mem>>)
        %dma_wait3A = tpu.memref_slice %arg3[%mul3A_127] : memref<15360000xf32, #tpu.memory_space<hbm>> -> memref<1280xf32, #tpu.memory_space<hbm>>
        %dma_wait3A_137 = tpu.memref_slice %arg3[%mul3A_127] : memref<15360000xf32, #tpu.memory_space<hbm>> -> memref<1280xf32, #tpu.memory_space<hbm>>
        tpu.wait_dma2 semaphore(%run_scoped3A : memref<!tpu.dma_semaphore, #tpu.memory_space<semaphore_mem>>) src(%dma_wait3A_137 : memref<1280xf32, #tpu.memory_space<hbm>>) dst(%arg6 : memref<1280xf32, #tpu.memory_space<vmem>>)
        tpu.yield
      }) : () -> ()
      %scan3A_128 = arith.constant 0 : i32
      %scan3A_129 = arith.constant 0 : i32
      %scan3A_130 = arith.constant 80 : i32
      %scan3A_131 = arith.addi %scan3A_129, %scan3A_130 : i32
      %scan3A_132 = arith.constant 1 : i32
      %scan3A_133 = scf.for %scan3A_136 = %scan3A_129 to %scan3A_131 step %scan3A_132 iter_args(%scan3A_137 = %scan3A_128) -> (i32)  : i32 {
        %mul3A_138 = arith.constant 16 : i32
        %mul3A_139 = arith.muli %mul3A_138, %scan3A_136 : i32
        %get3A = arith.index_cast %mul3A_139 : i32 to index
        %get3A_140 = tpu.vector_load %arg6[%get3A] {strides = array<i32>} : memref<1280xf32, #tpu.memory_space<vmem>>, vector<16xf32>,
        %get3A_141 = vector.shape_cast %get3A_140 : vector<16xf32> to vector<16xf32>
        %swap3A = arith.index_cast %scan3A_136 : i32 to index
        %swap3A_142 = arith.constant 0 : index
        %swap3A_143 = tpu.vector_load %arg7[%swap3A, %swap3A_142] {strides = array<i32>} : memref<80x128xf32, #tpu.memory_space<vmem>>, vector<1x16xf32>,
        %swap3A_144 = vector.shape_cast %swap3A_143 : vector<1x16xf32> to vector<16xf32>
        %swap3A_145 = vector.shape_cast %get3A_141 : vector<16xf32> to vector<1x16xf32>
        tpu.vector_store %arg7[%swap3A, %swap3A_142], %swap3A_145 {strides = array<i32>} : memref<80x128xf32, #tpu.memory_space<vmem>>, vector<1x16xf32>,
        %scan3A_146 = arith.constant 0 : i32
        scf.yield %scan3A_146 : i32
      }
      %scan3A_134 = arith.constant 80 : i32
      "tpu.region"() ({
        %run_scoped3A = tpu.sem_alloc : memref<!tpu.dma_semaphore, #tpu.memory_space<semaphore_mem>>
        %dma_start3A = arith.constant 0 : i32
        %dma_start3A_136 = arith.constant 0 : i32
        %dma_start3A_137 = tpu.memref_slice %arg8[%dma_start3A, %dma_start3A_136] : memref<10000x128xf32, #tpu.memory_space<vmem_shared>> -> memref<10000x128xf32, #tpu.memory_space<vmem_shared>>
        tpu.enqueue_indirect_dma source(%arg7 : memref<80x128xf32, #tpu.memory_space<vmem>>) target(%dma_start3A_137 : memref<10000x128xf32, #tpu.memory_space<vmem_shared>>) offsets(%arg5 : memref<80xi32, #tpu.memory_space<vmem>>) semaphore(%run_scoped3A : memref<!tpu.dma_semaphore, #tpu.memory_space<semaphore_mem>>) {add = true}
        %dma_wait3A = arith.constant 0 : i32
        %dma_wait3A_138 = arith.constant 0 : i32
        %dma_wait3A_139 = tpu.memref_slice %arg8[%dma_wait3A, %dma_wait3A_138] : memref<10000x128xf32, #tpu.memory_space<vmem_shared>> -> memref<10000x128xf32, #tpu.memory_space<vmem_shared>>
        tpu.wait_indirect_dma semaphore(%run_scoped3A : memref<!tpu.dma_semaphore, #tpu.memory_space<semaphore_mem>>) src(%arg7 : memref<80x128xf32, #tpu.memory_space<vmem>>) dst(%dma_wait3A_139 : memref<10000x128xf32, #tpu.memory_space<vmem_shared>>)
        tpu.yield
      }) : () -> ()
      %scan3A_135 = arith.constant 0 : i32
      scf.yield %scan3A_135 : i32
    }
    %scan3A_100 = arith.constant 125 : i32
    %barrier3A_101 = arith.constant 0 : index
    tpu.barrier barrier_id(%barrier3A_101)
    %lt3A_102 = arith.constant 15 : i32
    %lt3A_103 = arith.cmpi slt, %arg1, %lt3A_102 : i32
    %convert_element_type3A_104 = arith.extui %lt3A_103 : i1 to i32
    %cond3A_105 = arith.constant 0 : i32
    %cond3A_106 = arith.cmpi ne, %convert_element_type3A_104, %cond3A_105 : i32
    scf.if %cond3A_106 {
      %mul3A_113 = arith.constant 640 : i32
      %mul3A_114 = arith.muli %arg1, %mul3A_113 : i32
      %mul3A_115 = arith.constant 640 : i32
      %mul3A_116 = arith.muli %arg1, %mul3A_115 : i32
      "tpu.region"() ({
        %run_scoped3A = tpu.sem_alloc : memref<!tpu.dma_semaphore, #tpu.memory_space<semaphore_mem>>
        %dma_start3A = arith.constant 0 : i32
        %dma_start3A_117 = tpu.memref_slice %arg4[%add3A_75, %mul3A_116, %dma_start3A] : memref<6x10000x128xf32, #tpu.memory_space<hbm>> -> memref<1x640x128xf32, #tpu.memory_space<hbm>>
        %dma_start3A_118 = tpu.memref_squeeze %dma_start3A_117 : memref<1x640x128xf32, #tpu.memory_space<hbm>> -> memref<640x128xf32, #tpu.memory_space<hbm>>
        %dma_start3A_119 = arith.constant 0 : i32
        %dma_start3A_120 = tpu.memref_slice %arg8[%mul3A_114, %dma_start3A_119] : memref<10000x128xf32, #tpu.memory_space<vmem_shared>> -> memref<640x128xf32, #tpu.memory_space<vmem_shared>>
        tpu.enqueue_dma source(%dma_start3A_120 : memref<640x128xf32, #tpu.memory_space<vmem_shared>>) target(%dma_start3A_118 : memref<640x128xf32, #tpu.memory_space<hbm>>) target_semaphore(%run_scoped3A : memref<!tpu.dma_semaphore, #tpu.memory_space<semaphore_mem>>)
        %dma_wait3A = arith.constant 0 : i32
        %dma_wait3A_121 = tpu.memref_slice %arg4[%add3A_75, %mul3A_116, %dma_wait3A] : memref<6x10000x128xf32, #tpu.memory_space<hbm>> -> memref<1x640x128xf32, #tpu.memory_space<hbm>>
        %dma_wait3A_122 = tpu.memref_squeeze %dma_wait3A_121 : memref<1x640x128xf32, #tpu.memory_space<hbm>> -> memref<640x128xf32, #tpu.memory_space<hbm>>
        %dma_wait3A_123 = arith.constant 0 : i32
        %dma_wait3A_124 = tpu.memref_slice %arg8[%mul3A_114, %dma_wait3A_123] : memref<10000x128xf32, #tpu.memory_space<vmem_shared>> -> memref<640x128xf32, #tpu.memory_space<vmem_shared>>
        tpu.wait_dma2 semaphore(%run_scoped3A : memref<!tpu.dma_semaphore, #tpu.memory_space<semaphore_mem>>) src(%dma_wait3A_124 : memref<640x128xf32, #tpu.memory_space<vmem_shared>>) dst(%dma_wait3A_122 : memref<640x128xf32, #tpu.memory_space<hbm>>)
        tpu.yield
      }) : () -> ()
    } else {
    }
    %eq3A_107 = arith.constant 15 : i32
    %eq3A_108 = arith.cmpi eq, %arg1, %eq3A_107 : i32
    %convert_element_type3A_109 = arith.extui %eq3A_108 : i1 to i32
    %cond3A_110 = arith.constant 0 : i32
    %cond3A_111 = arith.cmpi ne, %convert_element_type3A_109, %cond3A_110 : i32
    scf.if %cond3A_111 {
      "tpu.region"() ({
        %run_scoped3A = tpu.sem_alloc : memref<!tpu.dma_semaphore, #tpu.memory_space<semaphore_mem>>
        %dma_start3A = arith.constant 9600 : i32
        %dma_start3A_113 = arith.constant 0 : i32
        %dma_start3A_114 = tpu.memref_slice %arg4[%add3A_75, %dma_start3A, %dma_start3A_113] : memref<6x10000x128xf32, #tpu.memory_space<hbm>> -> memref<1x400x128xf32, #tpu.memory_space<hbm>>
        %dma_start3A_115 = tpu.memref_squeeze %dma_start3A_114 : memref<1x400x128xf32, #tpu.memory_space<hbm>> -> memref<400x128xf32, #tpu.memory_space<hbm>>
        %dma_start3A_116 = arith.constant 9600 : i32
        %dma_start3A_117 = arith.constant 0 : i32
        %dma_start3A_118 = tpu.memref_slice %arg8[%dma_start3A_116, %dma_start3A_117] : memref<10000x128xf32, #tpu.memory_space<vmem_shared>> -> memref<400x128xf32, #tpu.memory_space<vmem_shared>>
        tpu.enqueue_dma source(%dma_start3A_118 : memref<400x128xf32, #tpu.memory_space<vmem_shared>>) target(%dma_start3A_115 : memref<400x128xf32, #tpu.memory_space<hbm>>) target_semaphore(%run_scoped3A : memref<!tpu.dma_semaphore, #tpu.memory_space<semaphore_mem>>)
        %dma_wait3A = arith.constant 9600 : i32
        %dma_wait3A_119 = arith.constant 0 : i32
        %dma_wait3A_120 = tpu.memref_slice %arg4[%add3A_75, %dma_wait3A, %dma_wait3A_119] : memref<6x10000x128xf32, #tpu.memory_space<hbm>> -> memref<1x400x128xf32, #tpu.memory_space<hbm>>
        %dma_wait3A_121 = tpu.memref_squeeze %dma_wait3A_120 : memref<1x400x128xf32, #tpu.memory_space<hbm>> -> memref<400x128xf32, #tpu.memory_space<hbm>>
        %dma_wait3A_122 = arith.constant 9600 : i32
        %dma_wait3A_123 = arith.constant 0 : i32
        %dma_wait3A_124 = tpu.memref_slice %arg8[%dma_wait3A_122, %dma_wait3A_123] : memref<10000x128xf32, #tpu.memory_space<vmem_shared>> -> memref<400x128xf32, #tpu.memory_space<vmem_shared>>
        tpu.wait_dma2 semaphore(%run_scoped3A : memref<!tpu.dma_semaphore, #tpu.memory_space<semaphore_mem>>) src(%dma_wait3A_124 : memref<400x128xf32, #tpu.memory_space<vmem_shared>>) dst(%dma_wait3A_121 : memref<400x128xf32, #tpu.memory_space<hbm>>)
        tpu.yield
      }) : () -> ()
    } else {
    }
    %barrier3A_112 = arith.constant 0 : index
    tpu.barrier barrier_id(%barrier3A_112)
    return
  }
}

module attributes {stable_mosaic.version = 14 : i64} {
  func.func @_prep_body(%arg0: i32, %arg1: i32, %arg2: memref<1000x128xf32, #tpu.memory_space<vmem>>, %arg3: memref<1x128x128xf32, #tpu.memory_space<vmem>>, %arg4: memref<1x128x8xf32, #tpu.memory_space<vmem>>, %arg5: memref<1x128x8xf32, #tpu.memory_space<vmem>>, %arg6: memref<1x1000x128xf32, #tpu.memory_space<vmem>>, %arg7: memref<1x1000x8xf32, #tpu.memory_space<vmem>>, %arg8: memref<1x1000x8xf32, #tpu.memory_space<vmem>>, %arg9: memref<1x1x8xf32, #tpu.memory_space<vmem>>, %arg10: memref<1x1x8xf32, #tpu.memory_space<vmem>>) attributes {dimension_semantics = [#tpu.dimension_semantics<arbitrary>, #tpu.dimension_semantics<arbitrary>], iteration_bounds = array<i64: 3, 10>, scalar_prefetch = 0 : i64, scratch_operands = 0 : i64, tpu.core_type = #tpu.core_type<tc>, window_params = [{transform_indices = @transform_0, window_bounds = array<i64: 1000, 128>}, {transform_indices = @transform_1, window_bounds = array<i64: 1, 128, 128>}, {transform_indices = @transform_2, window_bounds = array<i64: 1, 128, 8>}, {transform_indices = @transform_3, window_bounds = array<i64: 1, 128, 8>}, {transform_indices = @transform_4, window_bounds = array<i64: 1, 1000, 128>}, {transform_indices = @transform_5, window_bounds = array<i64: 1, 1000, 8>}, {transform_indices = @transform_6, window_bounds = array<i64: 1, 1000, 8>}, {transform_indices = @transform_7, window_bounds = array<i64: 1, 1, 8>}, {transform_indices = @transform_8, window_bounds = array<i64: 1, 1, 8>}]} {
    %get3A = arith.constant 0 : index
    %get3A_0 = arith.constant 0 : index
    %get3A_1 = vector.load %arg2[%get3A, %get3A_0] : memref<1000x128xf32, #tpu.memory_space<vmem>>, vector<1000x128xf32>
    %get3A_2 = arith.constant 0 : index
    %get3A_3 = arith.constant 0 : index
    %get3A_4 = arith.constant 0 : index
    %get3A_5 = vector.load %arg3[%get3A_2, %get3A_3, %get3A_4] : memref<1x128x128xf32, #tpu.memory_space<vmem>>, vector<1x128x128xf32>
    %get3A_6 = vector.shape_cast %get3A_5 : vector<1x128x128xf32> to vector<128x128xf32>
    %dot_general3A = arith.constant dense<0.000000e+00> : vector<1000x128xf32>
    %dot_general3A_7 = tpu.matmul %get3A_1, %get3A_6, %dot_general3A {dimension_numbers = #tpu.dot_dimension_numbers<[1], [0], [0], [1], [0, 0, 1, 1], [], []>, transpose_lhs_hint = false} : vector<1000x128xf32>, vector<128x128xf32>, vector<1000x128xf32> -> vector<1000x128xf32>
    %swap3A = arith.constant 0 : index
    %swap3A_8 = arith.constant 0 : index
    %swap3A_9 = arith.constant 0 : index
    %swap3A_10 = vector.load %arg6[%swap3A, %swap3A_8, %swap3A_9] : memref<1x1000x128xf32, #tpu.memory_space<vmem>>, vector<1x1000x128xf32>
    %swap3A_11 = vector.shape_cast %swap3A_10 : vector<1x1000x128xf32> to vector<1000x128xf32>
    %swap3A_12 = vector.shape_cast %dot_general3A_7 : vector<1000x128xf32> to vector<1x1000x128xf32>
    tpu.vector_store %arg6[%swap3A, %swap3A_8, %swap3A_9], %swap3A_12 {strides = array<i32>} : memref<1x1000x128xf32, #tpu.memory_space<vmem>>, vector<1x1000x128xf32>,
    %get3A_13 = arith.constant 0 : index
    %get3A_14 = arith.constant 0 : index
    %get3A_15 = arith.constant 0 : index
    %get3A_16 = vector.load %arg4[%get3A_13, %get3A_14, %get3A_15] : memref<1x128x8xf32, #tpu.memory_space<vmem>>, vector<1x128x8xf32>
    %get3A_17 = vector.shape_cast %get3A_16 : vector<1x128x8xf32> to vector<128x8xf32>
    %dot_general3A_18 = arith.constant dense<0.000000e+00> : vector<1000x8xf32>
    %dot_general3A_19 = tpu.matmul %dot_general3A_7, %get3A_17, %dot_general3A_18 {dimension_numbers = #tpu.dot_dimension_numbers<[1], [0], [0], [1], [0, 0, 1, 1], [], []>, transpose_lhs_hint = false} : vector<1000x128xf32>, vector<128x8xf32>, vector<1000x8xf32> -> vector<1000x8xf32>
    %get3A_20 = arith.constant 0 : index
    %get3A_21 = arith.constant 0 : index
    %get3A_22 = arith.constant 0 : index
    %get3A_23 = vector.load %arg5[%get3A_20, %get3A_21, %get3A_22] : memref<1x128x8xf32, #tpu.memory_space<vmem>>, vector<1x128x8xf32>
    %get3A_24 = vector.shape_cast %get3A_23 : vector<1x128x8xf32> to vector<128x8xf32>
    %dot_general3A_25 = arith.constant dense<0.000000e+00> : vector<1000x8xf32>
    %dot_general3A_26 = tpu.matmul %dot_general3A_7, %get3A_24, %dot_general3A_25 {dimension_numbers = #tpu.dot_dimension_numbers<[1], [0], [0], [1], [0, 0, 1, 1], [], []>, transpose_lhs_hint = false} : vector<1000x128xf32>, vector<128x8xf32>, vector<1000x8xf32> -> vector<1000x8xf32>
    %swap3A_27 = arith.constant 0 : index
    %swap3A_28 = arith.constant 0 : index
    %swap3A_29 = arith.constant 0 : index
    %swap3A_30 = vector.load %arg7[%swap3A_27, %swap3A_28, %swap3A_29] : memref<1x1000x8xf32, #tpu.memory_space<vmem>>, vector<1x1000x8xf32>
    %swap3A_31 = vector.shape_cast %swap3A_30 : vector<1x1000x8xf32> to vector<1000x8xf32>
    %swap3A_32 = vector.shape_cast %dot_general3A_19 : vector<1000x8xf32> to vector<1x1000x8xf32>
    tpu.vector_store %arg7[%swap3A_27, %swap3A_28, %swap3A_29], %swap3A_32 {strides = array<i32>} : memref<1x1000x8xf32, #tpu.memory_space<vmem>>, vector<1x1000x8xf32>,
    %swap3A_33 = arith.constant 0 : index
    %swap3A_34 = arith.constant 0 : index
    %swap3A_35 = arith.constant 0 : index
    %swap3A_36 = vector.load %arg8[%swap3A_33, %swap3A_34, %swap3A_35] : memref<1x1000x8xf32, #tpu.memory_space<vmem>>, vector<1x1000x8xf32>
    %swap3A_37 = vector.shape_cast %swap3A_36 : vector<1x1000x8xf32> to vector<1000x8xf32>
    %swap3A_38 = vector.shape_cast %dot_general3A_26 : vector<1000x8xf32> to vector<1x1000x8xf32>
    tpu.vector_store %arg8[%swap3A_33, %swap3A_34, %swap3A_35], %swap3A_38 {strides = array<i32>} : memref<1x1000x8xf32, #tpu.memory_space<vmem>>, vector<1x1000x8xf32>,
    %reduce_max3A = arith.constant dense<0xFF800000> : vector<8xf32>
    %reduce_max3A_39 = vector.multi_reduction <maximumf>, %dot_general3A_19, %reduce_max3A [0] : vector<1000x8xf32> to vector<8xf32>
    %broadcast_in_dim3A = vector.shape_cast %reduce_max3A_39 : vector<8xf32> to vector<1x1x8xf32>
    %reduce_max3A_40 = arith.constant dense<0xFF800000> : vector<8xf32>
    %reduce_max3A_41 = vector.multi_reduction <maximumf>, %dot_general3A_26, %reduce_max3A_40 [0] : vector<1000x8xf32> to vector<8xf32>
    %broadcast_in_dim3A_42 = vector.shape_cast %reduce_max3A_41 : vector<8xf32> to vector<1x1x8xf32>
    %eq3A = arith.constant 0 : i32
    %eq3A_43 = arith.cmpi eq, %arg1, %eq3A : i32
    %convert_element_type3A = arith.extui %eq3A_43 : i1 to i32
    %cond3A = arith.constant 0 : i32
    %cond3A_44 = arith.cmpi ne, %convert_element_type3A, %cond3A : i32
    scf.if %cond3A_44 {
      %swap3A_49 = arith.constant 0 : index
      %swap3A_50 = arith.constant 0 : index
      %swap3A_51 = arith.constant 0 : index
      %swap3A_52 = vector.load %arg9[%swap3A_49, %swap3A_50, %swap3A_51] : memref<1x1x8xf32, #tpu.memory_space<vmem>>, vector<1x1x8xf32>
      tpu.vector_store %arg9[%swap3A_49, %swap3A_50, %swap3A_51], %broadcast_in_dim3A {strides = array<i32>} : memref<1x1x8xf32, #tpu.memory_space<vmem>>, vector<1x1x8xf32>,
      %swap3A_53 = arith.constant 0 : index
      %swap3A_54 = arith.constant 0 : index
      %swap3A_55 = arith.constant 0 : index
      %swap3A_56 = vector.load %arg10[%swap3A_53, %swap3A_54, %swap3A_55] : memref<1x1x8xf32, #tpu.memory_space<vmem>>, vector<1x1x8xf32>
      tpu.vector_store %arg10[%swap3A_53, %swap3A_54, %swap3A_55], %broadcast_in_dim3A_42 {strides = array<i32>} : memref<1x1x8xf32, #tpu.memory_space<vmem>>, vector<1x1x8xf32>,
    } else {
    }
    %gt3A = arith.constant 0 : i32
    %gt3A_45 = arith.cmpi sgt, %arg1, %gt3A : i32
    %convert_element_type3A_46 = arith.extui %gt3A_45 : i1 to i32
    %cond3A_47 = arith.constant 0 : i32
    %cond3A_48 = arith.cmpi ne, %convert_element_type3A_46, %cond3A_47 : i32
    scf.if %cond3A_48 {
      %get3A_49 = arith.constant 0 : index
      %get3A_50 = arith.constant 0 : index
      %get3A_51 = arith.constant 0 : index
      %get3A_52 = vector.load %arg9[%get3A_49, %get3A_50, %get3A_51] : memref<1x1x8xf32, #tpu.memory_space<vmem>>, vector<1x1x8xf32>
      %max3A = arith.maximumf %get3A_52, %broadcast_in_dim3A : vector<1x1x8xf32>
      %swap3A_53 = arith.constant 0 : index
      %swap3A_54 = arith.constant 0 : index
      %swap3A_55 = arith.constant 0 : index
      %swap3A_56 = vector.load %arg9[%swap3A_53, %swap3A_54, %swap3A_55] : memref<1x1x8xf32, #tpu.memory_space<vmem>>, vector<1x1x8xf32>
      tpu.vector_store %arg9[%swap3A_53, %swap3A_54, %swap3A_55], %max3A {strides = array<i32>} : memref<1x1x8xf32, #tpu.memory_space<vmem>>, vector<1x1x8xf32>,
      %get3A_57 = arith.constant 0 : index
      %get3A_58 = arith.constant 0 : index
      %get3A_59 = arith.constant 0 : index
      %get3A_60 = vector.load %arg10[%get3A_57, %get3A_58, %get3A_59] : memref<1x1x8xf32, #tpu.memory_space<vmem>>, vector<1x1x8xf32>
      %max3A_61 = arith.maximumf %get3A_60, %broadcast_in_dim3A_42 : vector<1x1x8xf32>
      %swap3A_62 = arith.constant 0 : index
      %swap3A_63 = arith.constant 0 : index
      %swap3A_64 = arith.constant 0 : index
      %swap3A_65 = vector.load %arg10[%swap3A_62, %swap3A_63, %swap3A_64] : memref<1x1x8xf32, #tpu.memory_space<vmem>>, vector<1x1x8xf32>
      tpu.vector_store %arg10[%swap3A_62, %swap3A_63, %swap3A_64], %max3A_61 {strides = array<i32>} : memref<1x1x8xf32, #tpu.memory_space<vmem>>, vector<1x1x8xf32>,
    } else {
    }
    return
  }
  func.func @transform_0(%arg0: i32, %arg1: i32) -> (i32, i32) {
    %c0_i32 = arith.constant 0 : i32
    %c0_i32_0 = arith.constant 0 : i32
    return %arg1, %c0_i32 : i32, i32
  }
  func.func @transform_1(%arg0: i32, %arg1: i32) -> (i32, i32, i32) {
    %c0_i32 = arith.constant 0 : i32
    %c0_i32_0 = arith.constant 0 : i32
    %c0_i32_1 = arith.constant 0 : i32
    return %arg0, %c0_i32, %c0_i32_0 : i32, i32, i32
  }
  func.func @transform_2(%arg0: i32, %arg1: i32) -> (i32, i32, i32) {
    %c0_i32 = arith.constant 0 : i32
    %c0_i32_0 = arith.constant 0 : i32
    %c0_i32_1 = arith.constant 0 : i32
    return %arg0, %c0_i32, %c0_i32_0 : i32, i32, i32
  }
  func.func @transform_3(%arg0: i32, %arg1: i32) -> (i32, i32, i32) {
    %c0_i32 = arith.constant 0 : i32
    %c0_i32_0 = arith.constant 0 : i32
    %c0_i32_1 = arith.constant 0 : i32
    return %arg0, %c0_i32, %c0_i32_0 : i32, i32, i32
  }
  func.func @transform_4(%arg0: i32, %arg1: i32) -> (i32, i32, i32) {
    %c0_i32 = arith.constant 0 : i32
    %c0_i32_0 = arith.constant 0 : i32
    return %arg0, %arg1, %c0_i32 : i32, i32, i32
  }
  func.func @transform_5(%arg0: i32, %arg1: i32) -> (i32, i32, i32) {
    %c0_i32 = arith.constant 0 : i32
    %c0_i32_0 = arith.constant 0 : i32
    return %arg0, %arg1, %c0_i32 : i32, i32, i32
  }
  func.func @transform_6(%arg0: i32, %arg1: i32) -> (i32, i32, i32) {
    %c0_i32 = arith.constant 0 : i32
    %c0_i32_0 = arith.constant 0 : i32
    return %arg0, %arg1, %c0_i32 : i32, i32, i32
  }
  func.func @transform_7(%arg0: i32, %arg1: i32) -> (i32, i32, i32) {
    %c0_i32 = arith.constant 0 : i32
    %c0_i32_0 = arith.constant 0 : i32
    %c0_i32_1 = arith.constant 0 : i32
    return %arg0, %c0_i32, %c0_i32_0 : i32, i32, i32
  }
  func.func @transform_8(%arg0: i32, %arg1: i32) -> (i32, i32, i32) {
    %c0_i32 = arith.constant 0 : i32
    %c0_i32_0 = arith.constant 0 : i32
    %c0_i32_1 = arith.constant 0 : i32
    return %arg0, %c0_i32, %c0_i32_0 : i32, i32, i32
  }
}

module attributes {stable_mosaic.version = 14 : i64} {
  func.func @_decode_body(%arg0: i32, %arg1: memref<3x1000x128xf32, #tpu.memory_space<vmem>>, %arg2: memref<3x1000x8xf32, #tpu.memory_space<vmem>>, %arg3: memref<3x1000x8xf32, #tpu.memory_space<vmem>>, %arg4: memref<3x8xf32, #tpu.memory_space<vmem>>, %arg5: memref<6x1000x128xf32, #tpu.memory_space<vmem>>, %arg6: memref<6x1000x128xf32, #tpu.memory_space<vmem>>, %arg7: memref<3x128xf32, #tpu.memory_space<vmem>>, %arg8: memref<3x128x128xf32, #tpu.memory_space<vmem>>, %arg9: memref<3x128xf32, #tpu.memory_space<vmem>>, %arg10: memref<8x128xf32, #tpu.memory_space<vmem>>, %arg11: memref<1000x128xf32, #tpu.memory_space<vmem>>) attributes {dimension_semantics = [#tpu.dimension_semantics<arbitrary>], iteration_bounds = array<i64: 10>, scalar_prefetch = 0 : i64, scratch_operands = 0 : i64, tpu.core_type = #tpu.core_type<tc>, window_params = [{transform_indices = @transform_0, window_bounds = array<i64: 3, 1000, 128>}, {transform_indices = @transform_1, window_bounds = array<i64: 3, 1000, 8>}, {transform_indices = @transform_2, window_bounds = array<i64: 3, 1000, 8>}, {pipeline_mode = #tpu.pipeline_mode<synchronous>, transform_indices = @transform_3, window_bounds = array<i64: 3, 8>}, {transform_indices = @transform_4, window_bounds = array<i64: 6, 1000, 128>}, {transform_indices = @transform_5, window_bounds = array<i64: 6, 1000, 128>}, {pipeline_mode = #tpu.pipeline_mode<synchronous>, transform_indices = @transform_6, window_bounds = array<i64: 3, 128>}, {pipeline_mode = #tpu.pipeline_mode<synchronous>, transform_indices = @transform_7, window_bounds = array<i64: 3, 128, 128>}, {pipeline_mode = #tpu.pipeline_mode<synchronous>, transform_indices = @transform_8, window_bounds = array<i64: 3, 128>}, {pipeline_mode = #tpu.pipeline_mode<synchronous>, transform_indices = @transform_9, window_bounds = array<i64: 8, 128>}, {transform_indices = @transform_10, window_bounds = array<i64: 1000, 128>}]} {
    %broadcast_in_dim3A = arith.constant 0.000000e+00 : f32
    %broadcast_in_dim3A_0 = vector.broadcast %broadcast_in_dim3A : f32 to vector<1000x128xf32>
    %get3A = arith.constant 0 : index
    %get3A_1 = arith.constant 0 : index
    %get3A_2 = vector.load %arg10[%get3A, %get3A_1] : memref<8x128xf32, #tpu.memory_space<vmem>>, vector<8x128xf32>
    %get3A_3 = arith.constant 0 : index
    %get3A_4 = arith.constant 0 : index
    %get3A_5 = arith.constant 0 : index
    %get3A_6 = vector.load %arg2[%get3A_3, %get3A_4, %get3A_5] : memref<3x1000x8xf32, #tpu.memory_space<vmem>>, vector<1x1000x8xf32>
    %get3A_7 = vector.shape_cast %get3A_6 : vector<1x1000x8xf32> to vector<1000x8xf32>
    %get3A_8 = arith.constant 0 : index
    %get3A_9 = arith.constant 0 : index
    %get3A_10 = arith.constant 0 : index
    %get3A_11 = vector.load %arg3[%get3A_8, %get3A_9, %get3A_10] : memref<3x1000x8xf32, #tpu.memory_space<vmem>>, vector<1x1000x8xf32>
    %get3A_12 = vector.shape_cast %get3A_11 : vector<1x1000x8xf32> to vector<1000x8xf32>
    %add3A = arith.addf %get3A_7, %get3A_12 : vector<1000x8xf32>
    %gt3A = arith.constant 0.000000e+00 : f32
    %gt3A_13 = vector.broadcast %gt3A : f32 to vector<1000x8xf32>
    %gt3A_14 = arith.cmpf ogt, %add3A, %gt3A_13 : vector<1000x8xf32>
    %mul3A = arith.constant 2.000000e-01 : f32
    %mul3A_15 = vector.broadcast %mul3A : f32 to vector<1000x8xf32>
    %mul3A_16 = arith.mulf %add3A, %mul3A_15 : vector<1000x8xf32>
    %select_n3A = arith.select %gt3A_14, %add3A, %mul3A_16 : vector<1000x8xi1>, vector<1000x8xf32>
    %get3A_17 = arith.constant 0 : index
    %get3A_18 = arith.constant 0 : index
    %get3A_19 = vector.load %arg4[%get3A_17, %get3A_18] : memref<3x8xf32, #tpu.memory_space<vmem>>, vector<1x8xf32>
    %get3A_20 = vector.shape_cast %get3A_19 : vector<1x8xf32> to vector<8xf32>
    %broadcast_in_dim3A_21 = vector.shape_cast %get3A_20 : vector<8xf32> to vector<1x8xf32>
    %sub3A = vector.broadcast %broadcast_in_dim3A_21 : vector<1x8xf32> to vector<1000x8xf32>
    %sub3A_22 = arith.subf %select_n3A, %sub3A : vector<1000x8xf32>
    %exp3A = math.exp %sub3A_22 : vector<1000x8xf32>
    %get3A_23 = arith.constant 0 : index
    %get3A_24 = arith.constant 0 : index
    %get3A_25 = arith.constant 0 : index
    %get3A_26 = vector.load %arg6[%get3A_23, %get3A_24, %get3A_25] : memref<6x1000x128xf32, #tpu.memory_space<vmem>>, vector<1x1000x128xf32>
    %get3A_27 = vector.shape_cast %get3A_26 : vector<1x1000x128xf32> to vector<1000x128xf32>
    %slice3A = vector.extract_strided_slice %get3A_27 {offsets = [0, 0], sizes = [1000, 8], strides = [1, 1]} : vector<1000x128xf32> to vector<1000x8xf32>
    %get3A_28 = arith.constant 1 : index
    %get3A_29 = arith.constant 0 : index
    %get3A_30 = arith.constant 0 : index
    %get3A_31 = vector.load %arg6[%get3A_28, %get3A_29, %get3A_30] : memref<6x1000x128xf32, #tpu.memory_space<vmem>>, vector<1x1000x128xf32>
    %get3A_32 = vector.shape_cast %get3A_31 : vector<1x1000x128xf32> to vector<1000x128xf32>
    %slice3A_33 = vector.extract_strided_slice %get3A_32 {offsets = [0, 0], sizes = [1000, 8], strides = [1, 1]} : vector<1000x128xf32> to vector<1000x8xf32>
    %add3A_34 = arith.addf %slice3A, %slice3A_33 : vector<1000x8xf32>
    %add3A_35 = arith.addf %add3A_34, %exp3A : vector<1000x8xf32>
    %dot_general3A = arith.constant dense<0.000000e+00> : vector<1000x128xf32>
    %dot_general3A_36 = tpu.matmul %exp3A, %get3A_2, %dot_general3A {dimension_numbers = #tpu.dot_dimension_numbers<[1], [0], [0], [1], [0, 0, 1, 1], [], []>, transpose_lhs_hint = false} : vector<1000x8xf32>, vector<8x128xf32>, vector<1000x128xf32> -> vector<1000x128xf32>
    %div3A = arith.constant 1.000000e+00 : f32
    %div3A_37 = vector.broadcast %div3A : f32 to vector<1000x8xf32>
    %div3A_38 = arith.divf %div3A_37, %add3A_35 : vector<1000x8xf32>
    %dot_general3A_39 = arith.constant dense<0.000000e+00> : vector<1000x128xf32>
    %dot_general3A_40 = tpu.matmul %div3A_38, %get3A_2, %dot_general3A_39 {dimension_numbers = #tpu.dot_dimension_numbers<[1], [0], [0], [1], [0, 0, 1, 1], [], []>, transpose_lhs_hint = false} : vector<1000x8xf32>, vector<8x128xf32>, vector<1000x128xf32> -> vector<1000x128xf32>
    %get3A_41 = arith.constant 0 : index
    %get3A_42 = arith.constant 0 : index
    %get3A_43 = arith.constant 0 : index
    %get3A_44 = vector.load %arg5[%get3A_41, %get3A_42, %get3A_43] : memref<6x1000x128xf32, #tpu.memory_space<vmem>>, vector<1x1000x128xf32>
    %get3A_45 = vector.shape_cast %get3A_44 : vector<1x1000x128xf32> to vector<1000x128xf32>
    %get3A_46 = arith.constant 1 : index
    %get3A_47 = arith.constant 0 : index
    %get3A_48 = arith.constant 0 : index
    %get3A_49 = vector.load %arg5[%get3A_46, %get3A_47, %get3A_48] : memref<6x1000x128xf32, #tpu.memory_space<vmem>>, vector<1x1000x128xf32>
    %get3A_50 = vector.shape_cast %get3A_49 : vector<1x1000x128xf32> to vector<1000x128xf32>
    %add3A_51 = arith.addf %get3A_45, %get3A_50 : vector<1000x128xf32>
    %get3A_52 = arith.constant 0 : index
    %get3A_53 = arith.constant 0 : index
    %get3A_54 = arith.constant 0 : index
    %get3A_55 = vector.load %arg1[%get3A_52, %get3A_53, %get3A_54] : memref<3x1000x128xf32, #tpu.memory_space<vmem>>, vector<1x1000x128xf32>
    %get3A_56 = vector.shape_cast %get3A_55 : vector<1x1000x128xf32> to vector<1000x128xf32>
    %mul3A_57 = arith.mulf %get3A_56, %dot_general3A_36 : vector<1000x128xf32>
    %add3A_58 = arith.addf %add3A_51, %mul3A_57 : vector<1000x128xf32>
    %mul3A_59 = arith.mulf %add3A_58, %dot_general3A_40 : vector<1000x128xf32>
    %get3A_60 = arith.constant 0 : index
    %get3A_61 = arith.constant 0 : index
    %get3A_62 = vector.load %arg7[%get3A_60, %get3A_61] : memref<3x128xf32, #tpu.memory_space<vmem>>, vector<1x128xf32>
    %get3A_63 = vector.shape_cast %get3A_62 : vector<1x128xf32> to vector<128xf32>
    %broadcast_in_dim3A_64 = vector.shape_cast %get3A_63 : vector<128xf32> to vector<1x128xf32>
    %add3A_65 = vector.broadcast %broadcast_in_dim3A_64 : vector<1x128xf32> to vector<1000x128xf32>
    %add3A_66 = arith.addf %mul3A_59, %add3A_65 : vector<1000x128xf32>
    %get3A_67 = arith.constant 0 : index
    %get3A_68 = arith.constant 0 : index
    %get3A_69 = arith.constant 0 : index
    %get3A_70 = vector.load %arg8[%get3A_67, %get3A_68, %get3A_69] : memref<3x128x128xf32, #tpu.memory_space<vmem>>, vector<1x128x128xf32>
    %get3A_71 = vector.shape_cast %get3A_70 : vector<1x128x128xf32> to vector<128x128xf32>
    %dot_general3A_72 = arith.constant dense<0.000000e+00> : vector<1000x128xf32>
    %dot_general3A_73 = tpu.matmul %add3A_66, %get3A_71, %dot_general3A_72 {dimension_numbers = #tpu.dot_dimension_numbers<[1], [0], [0], [1], [0, 0, 1, 1], [], []>, transpose_lhs_hint = false} : vector<1000x128xf32>, vector<128x128xf32>, vector<1000x128xf32> -> vector<1000x128xf32>
    %get3A_74 = arith.constant 0 : index
    %get3A_75 = arith.constant 0 : index
    %get3A_76 = vector.load %arg9[%get3A_74, %get3A_75] : memref<3x128xf32, #tpu.memory_space<vmem>>, vector<1x128xf32>
    %get3A_77 = vector.shape_cast %get3A_76 : vector<1x128xf32> to vector<128xf32>
    %broadcast_in_dim3A_78 = vector.shape_cast %get3A_77 : vector<128xf32> to vector<1x128xf32>
    %add3A_79 = vector.broadcast %broadcast_in_dim3A_78 : vector<1x128xf32> to vector<1000x128xf32>
    %add3A_80 = arith.addf %dot_general3A_73, %add3A_79 : vector<1000x128xf32>
    %gt3A_81 = arith.constant 0.000000e+00 : f32
    %gt3A_82 = vector.broadcast %gt3A_81 : f32 to vector<1000x128xf32>
    %gt3A_83 = arith.cmpf ogt, %add3A_80, %gt3A_82 : vector<1000x128xf32>
    %mul3A_84 = arith.constant 0.00999999977 : f32
    %mul3A_85 = vector.broadcast %mul3A_84 : f32 to vector<1000x128xf32>
    %mul3A_86 = arith.mulf %add3A_80, %mul3A_85 : vector<1000x128xf32>
    %select_n3A_87 = arith.select %gt3A_83, %add3A_80, %mul3A_86 : vector<1000x128xi1>, vector<1000x128xf32>
    %mul3A_88 = arith.constant 6.000000e-01 : f32
    %mul3A_89 = vector.broadcast %mul3A_88 : f32 to vector<1000x128xf32>
    %mul3A_90 = arith.mulf %mul3A_89, %select_n3A_87 : vector<1000x128xf32>
    %add3A_91 = arith.addf %broadcast_in_dim3A_0, %mul3A_90 : vector<1000x128xf32>
    %get3A_92 = arith.constant 1 : index
    %get3A_93 = arith.constant 0 : index
    %get3A_94 = arith.constant 0 : index
    %get3A_95 = vector.load %arg2[%get3A_92, %get3A_93, %get3A_94] : memref<3x1000x8xf32, #tpu.memory_space<vmem>>, vector<1x1000x8xf32>
    %get3A_96 = vector.shape_cast %get3A_95 : vector<1x1000x8xf32> to vector<1000x8xf32>
    %get3A_97 = arith.constant 1 : index
    %get3A_98 = arith.constant 0 : index
    %get3A_99 = arith.constant 0 : index
    %get3A_100 = vector.load %arg3[%get3A_97, %get3A_98, %get3A_99] : memref<3x1000x8xf32, #tpu.memory_space<vmem>>, vector<1x1000x8xf32>
    %get3A_101 = vector.shape_cast %get3A_100 : vector<1x1000x8xf32> to vector<1000x8xf32>
    %add3A_102 = arith.addf %get3A_96, %get3A_101 : vector<1000x8xf32>
    %gt3A_103 = arith.constant 0.000000e+00 : f32
    %gt3A_104 = vector.broadcast %gt3A_103 : f32 to vector<1000x8xf32>
    %gt3A_105 = arith.cmpf ogt, %add3A_102, %gt3A_104 : vector<1000x8xf32>
    %mul3A_106 = arith.constant 2.000000e-01 : f32
    %mul3A_107 = vector.broadcast %mul3A_106 : f32 to vector<1000x8xf32>
    %mul3A_108 = arith.mulf %add3A_102, %mul3A_107 : vector<1000x8xf32>
    %select_n3A_109 = arith.select %gt3A_105, %add3A_102, %mul3A_108 : vector<1000x8xi1>, vector<1000x8xf32>
    %get3A_110 = arith.constant 1 : index
    %get3A_111 = arith.constant 0 : index
    %get3A_112 = vector.load %arg4[%get3A_110, %get3A_111] : memref<3x8xf32, #tpu.memory_space<vmem>>, vector<1x8xf32>
    %get3A_113 = vector.shape_cast %get3A_112 : vector<1x8xf32> to vector<8xf32>
    %broadcast_in_dim3A_114 = vector.shape_cast %get3A_113 : vector<8xf32> to vector<1x8xf32>
    %sub3A_115 = vector.broadcast %broadcast_in_dim3A_114 : vector<1x8xf32> to vector<1000x8xf32>
    %sub3A_116 = arith.subf %select_n3A_109, %sub3A_115 : vector<1000x8xf32>
    %exp3A_117 = math.exp %sub3A_116 : vector<1000x8xf32>
    %get3A_118 = arith.constant 2 : index
    %get3A_119 = arith.constant 0 : index
    %get3A_120 = arith.constant 0 : index
    %get3A_121 = vector.load %arg6[%get3A_118, %get3A_119, %get3A_120] : memref<6x1000x128xf32, #tpu.memory_space<vmem>>, vector<1x1000x128xf32>
    %get3A_122 = vector.shape_cast %get3A_121 : vector<1x1000x128xf32> to vector<1000x128xf32>
    %slice3A_123 = vector.extract_strided_slice %get3A_122 {offsets = [0, 0], sizes = [1000, 8], strides = [1, 1]} : vector<1000x128xf32> to vector<1000x8xf32>
    %get3A_124 = arith.constant 3 : index
    %get3A_125 = arith.constant 0 : index
    %get3A_126 = arith.constant 0 : index
    %get3A_127 = vector.load %arg6[%get3A_124, %get3A_125, %get3A_126] : memref<6x1000x128xf32, #tpu.memory_space<vmem>>, vector<1x1000x128xf32>
    %get3A_128 = vector.shape_cast %get3A_127 : vector<1x1000x128xf32> to vector<1000x128xf32>
    %slice3A_129 = vector.extract_strided_slice %get3A_128 {offsets = [0, 0], sizes = [1000, 8], strides = [1, 1]} : vector<1000x128xf32> to vector<1000x8xf32>
    %add3A_130 = arith.addf %slice3A_123, %slice3A_129 : vector<1000x8xf32>
    %add3A_131 = arith.addf %add3A_130, %exp3A_117 : vector<1000x8xf32>
    %dot_general3A_132 = arith.constant dense<0.000000e+00> : vector<1000x128xf32>
    %dot_general3A_133 = tpu.matmul %exp3A_117, %get3A_2, %dot_general3A_132 {dimension_numbers = #tpu.dot_dimension_numbers<[1], [0], [0], [1], [0, 0, 1, 1], [], []>, transpose_lhs_hint = false} : vector<1000x8xf32>, vector<8x128xf32>, vector<1000x128xf32> -> vector<1000x128xf32>
    %div3A_134 = arith.constant 1.000000e+00 : f32
    %div3A_135 = vector.broadcast %div3A_134 : f32 to vector<1000x8xf32>
    %div3A_136 = arith.divf %div3A_135, %add3A_131 : vector<1000x8xf32>
    %dot_general3A_137 = arith.constant dense<0.000000e+00> : vector<1000x128xf32>
    %dot_general3A_138 = tpu.matmul %div3A_136, %get3A_2, %dot_general3A_137 {dimension_numbers = #tpu.dot_dimension_numbers<[1], [0], [0], [1], [0, 0, 1, 1], [], []>, transpose_lhs_hint = false} : vector<1000x8xf32>, vector<8x128xf32>, vector<1000x128xf32> -> vector<1000x128xf32>
    %get3A_139 = arith.constant 2 : index
    %get3A_140 = arith.constant 0 : index
    %get3A_141 = arith.constant 0 : index
    %get3A_142 = vector.load %arg5[%get3A_139, %get3A_140, %get3A_141] : memref<6x1000x128xf32, #tpu.memory_space<vmem>>, vector<1x1000x128xf32>
    %get3A_143 = vector.shape_cast %get3A_142 : vector<1x1000x128xf32> to vector<1000x128xf32>
    %get3A_144 = arith.constant 3 : index
    %get3A_145 = arith.constant 0 : index
    %get3A_146 = arith.constant 0 : index
    %get3A_147 = vector.load %arg5[%get3A_144, %get3A_145, %get3A_146] : memref<6x1000x128xf32, #tpu.memory_space<vmem>>, vector<1x1000x128xf32>
    %get3A_148 = vector.shape_cast %get3A_147 : vector<1x1000x128xf32> to vector<1000x128xf32>
    %add3A_149 = arith.addf %get3A_143, %get3A_148 : vector<1000x128xf32>
    %get3A_150 = arith.constant 1 : index
    %get3A_151 = arith.constant 0 : index
    %get3A_152 = arith.constant 0 : index
    %get3A_153 = vector.load %arg1[%get3A_150, %get3A_151, %get3A_152] : memref<3x1000x128xf32, #tpu.memory_space<vmem>>, vector<1x1000x128xf32>
    %get3A_154 = vector.shape_cast %get3A_153 : vector<1x1000x128xf32> to vector<1000x128xf32>
    %mul3A_155 = arith.mulf %get3A_154, %dot_general3A_133 : vector<1000x128xf32>
    %add3A_156 = arith.addf %add3A_149, %mul3A_155 : vector<1000x128xf32>
    %mul3A_157 = arith.mulf %add3A_156, %dot_general3A_138 : vector<1000x128xf32>
    %get3A_158 = arith.constant 1 : index
    %get3A_159 = arith.constant 0 : index
    %get3A_160 = vector.load %arg7[%get3A_158, %get3A_159] : memref<3x128xf32, #tpu.memory_space<vmem>>, vector<1x128xf32>
    %get3A_161 = vector.shape_cast %get3A_160 : vector<1x128xf32> to vector<128xf32>
    %broadcast_in_dim3A_162 = vector.shape_cast %get3A_161 : vector<128xf32> to vector<1x128xf32>
    %add3A_163 = vector.broadcast %broadcast_in_dim3A_162 : vector<1x128xf32> to vector<1000x128xf32>
    %add3A_164 = arith.addf %mul3A_157, %add3A_163 : vector<1000x128xf32>
    %get3A_165 = arith.constant 1 : index
    %get3A_166 = arith.constant 0 : index
    %get3A_167 = arith.constant 0 : index
    %get3A_168 = vector.load %arg8[%get3A_165, %get3A_166, %get3A_167] : memref<3x128x128xf32, #tpu.memory_space<vmem>>, vector<1x128x128xf32>
    %get3A_169 = vector.shape_cast %get3A_168 : vector<1x128x128xf32> to vector<128x128xf32>
    %dot_general3A_170 = arith.constant dense<0.000000e+00> : vector<1000x128xf32>
    %dot_general3A_171 = tpu.matmul %add3A_164, %get3A_169, %dot_general3A_170 {dimension_numbers = #tpu.dot_dimension_numbers<[1], [0], [0], [1], [0, 0, 1, 1], [], []>, transpose_lhs_hint = false} : vector<1000x128xf32>, vector<128x128xf32>, vector<1000x128xf32> -> vector<1000x128xf32>
    %get3A_172 = arith.constant 1 : index
    %get3A_173 = arith.constant 0 : index
    %get3A_174 = vector.load %arg9[%get3A_172, %get3A_173] : memref<3x128xf32, #tpu.memory_space<vmem>>, vector<1x128xf32>
    %get3A_175 = vector.shape_cast %get3A_174 : vector<1x128xf32> to vector<128xf32>
    %broadcast_in_dim3A_176 = vector.shape_cast %get3A_175 : vector<128xf32> to vector<1x128xf32>
    %add3A_177 = vector.broadcast %broadcast_in_dim3A_176 : vector<1x128xf32> to vector<1000x128xf32>
    %add3A_178 = arith.addf %dot_general3A_171, %add3A_177 : vector<1000x128xf32>
    %gt3A_179 = arith.constant 0.000000e+00 : f32
    %gt3A_180 = vector.broadcast %gt3A_179 : f32 to vector<1000x128xf32>
    %gt3A_181 = arith.cmpf ogt, %add3A_178, %gt3A_180 : vector<1000x128xf32>
    %mul3A_182 = arith.constant 0.00999999977 : f32
    %mul3A_183 = vector.broadcast %mul3A_182 : f32 to vector<1000x128xf32>
    %mul3A_184 = arith.mulf %add3A_178, %mul3A_183 : vector<1000x128xf32>
    %select_n3A_185 = arith.select %gt3A_181, %add3A_178, %mul3A_184 : vector<1000x128xi1>, vector<1000x128xf32>
    %mul3A_186 = arith.constant 3.000000e-01 : f32
    %mul3A_187 = vector.broadcast %mul3A_186 : f32 to vector<1000x128xf32>
    %mul3A_188 = arith.mulf %mul3A_187, %select_n3A_185 : vector<1000x128xf32>
    %add3A_189 = arith.addf %add3A_91, %mul3A_188 : vector<1000x128xf32>
    %get3A_190 = arith.constant 2 : index
    %get3A_191 = arith.constant 0 : index
    %get3A_192 = arith.constant 0 : index
    %get3A_193 = vector.load %arg2[%get3A_190, %get3A_191, %get3A_192] : memref<3x1000x8xf32, #tpu.memory_space<vmem>>, vector<1x1000x8xf32>
    %get3A_194 = vector.shape_cast %get3A_193 : vector<1x1000x8xf32> to vector<1000x8xf32>
    %get3A_195 = arith.constant 2 : index
    %get3A_196 = arith.constant 0 : index
    %get3A_197 = arith.constant 0 : index
    %get3A_198 = vector.load %arg3[%get3A_195, %get3A_196, %get3A_197] : memref<3x1000x8xf32, #tpu.memory_space<vmem>>, vector<1x1000x8xf32>
    %get3A_199 = vector.shape_cast %get3A_198 : vector<1x1000x8xf32> to vector<1000x8xf32>
    %add3A_200 = arith.addf %get3A_194, %get3A_199 : vector<1000x8xf32>
    %gt3A_201 = arith.constant 0.000000e+00 : f32
    %gt3A_202 = vector.broadcast %gt3A_201 : f32 to vector<1000x8xf32>
    %gt3A_203 = arith.cmpf ogt, %add3A_200, %gt3A_202 : vector<1000x8xf32>
    %mul3A_204 = arith.constant 2.000000e-01 : f32
    %mul3A_205 = vector.broadcast %mul3A_204 : f32 to vector<1000x8xf32>
    %mul3A_206 = arith.mulf %add3A_200, %mul3A_205 : vector<1000x8xf32>
    %select_n3A_207 = arith.select %gt3A_203, %add3A_200, %mul3A_206 : vector<1000x8xi1>, vector<1000x8xf32>
    %get3A_208 = arith.constant 2 : index
    %get3A_209 = arith.constant 0 : index
    %get3A_210 = vector.load %arg4[%get3A_208, %get3A_209] : memref<3x8xf32, #tpu.memory_space<vmem>>, vector<1x8xf32>
    %get3A_211 = vector.shape_cast %get3A_210 : vector<1x8xf32> to vector<8xf32>
    %broadcast_in_dim3A_212 = vector.shape_cast %get3A_211 : vector<8xf32> to vector<1x8xf32>
    %sub3A_213 = vector.broadcast %broadcast_in_dim3A_212 : vector<1x8xf32> to vector<1000x8xf32>
    %sub3A_214 = arith.subf %select_n3A_207, %sub3A_213 : vector<1000x8xf32>
    %exp3A_215 = math.exp %sub3A_214 : vector<1000x8xf32>
    %get3A_216 = arith.constant 4 : index
    %get3A_217 = arith.constant 0 : index
    %get3A_218 = arith.constant 0 : index
    %get3A_219 = vector.load %arg6[%get3A_216, %get3A_217, %get3A_218] : memref<6x1000x128xf32, #tpu.memory_space<vmem>>, vector<1x1000x128xf32>
    %get3A_220 = vector.shape_cast %get3A_219 : vector<1x1000x128xf32> to vector<1000x128xf32>
    %slice3A_221 = vector.extract_strided_slice %get3A_220 {offsets = [0, 0], sizes = [1000, 8], strides = [1, 1]} : vector<1000x128xf32> to vector<1000x8xf32>
    %get3A_222 = arith.constant 5 : index
    %get3A_223 = arith.constant 0 : index
    %get3A_224 = arith.constant 0 : index
    %get3A_225 = vector.load %arg6[%get3A_222, %get3A_223, %get3A_224] : memref<6x1000x128xf32, #tpu.memory_space<vmem>>, vector<1x1000x128xf32>
    %get3A_226 = vector.shape_cast %get3A_225 : vector<1x1000x128xf32> to vector<1000x128xf32>
    %slice3A_227 = vector.extract_strided_slice %get3A_226 {offsets = [0, 0], sizes = [1000, 8], strides = [1, 1]} : vector<1000x128xf32> to vector<1000x8xf32>
    %add3A_228 = arith.addf %slice3A_221, %slice3A_227 : vector<1000x8xf32>
    %add3A_229 = arith.addf %add3A_228, %exp3A_215 : vector<1000x8xf32>
    %dot_general3A_230 = arith.constant dense<0.000000e+00> : vector<1000x128xf32>
    %dot_general3A_231 = tpu.matmul %exp3A_215, %get3A_2, %dot_general3A_230 {dimension_numbers = #tpu.dot_dimension_numbers<[1], [0], [0], [1], [0, 0, 1, 1], [], []>, transpose_lhs_hint = false} : vector<1000x8xf32>, vector<8x128xf32>, vector<1000x128xf32> -> vector<1000x128xf32>
    %div3A_232 = arith.constant 1.000000e+00 : f32
    %div3A_233 = vector.broadcast %div3A_232 : f32 to vector<1000x8xf32>
    %div3A_234 = arith.divf %div3A_233, %add3A_229 : vector<1000x8xf32>
    %dot_general3A_235 = arith.constant dense<0.000000e+00> : vector<1000x128xf32>
    %dot_general3A_236 = tpu.matmul %div3A_234, %get3A_2, %dot_general3A_235 {dimension_numbers = #tpu.dot_dimension_numbers<[1], [0], [0], [1], [0, 0, 1, 1], [], []>, transpose_lhs_hint = false} : vector<1000x8xf32>, vector<8x128xf32>, vector<1000x128xf32> -> vector<1000x128xf32>
    %get3A_237 = arith.constant 4 : index
    %get3A_238 = arith.constant 0 : index
    %get3A_239 = arith.constant 0 : index
    %get3A_240 = vector.load %arg5[%get3A_237, %get3A_238, %get3A_239] : memref<6x1000x128xf32, #tpu.memory_space<vmem>>, vector<1x1000x128xf32>
    %get3A_241 = vector.shape_cast %get3A_240 : vector<1x1000x128xf32> to vector<1000x128xf32>
    %get3A_242 = arith.constant 5 : index
    %get3A_243 = arith.constant 0 : index
    %get3A_244 = arith.constant 0 : index
    %get3A_245 = vector.load %arg5[%get3A_242, %get3A_243, %get3A_244] : memref<6x1000x128xf32, #tpu.memory_space<vmem>>, vector<1x1000x128xf32>
    %get3A_246 = vector.shape_cast %get3A_245 : vector<1x1000x128xf32> to vector<1000x128xf32>
    %add3A_247 = arith.addf %get3A_241, %get3A_246 : vector<1000x128xf32>
    %get3A_248 = arith.constant 2 : index
    %get3A_249 = arith.constant 0 : index
    %get3A_250 = arith.constant 0 : index
    %get3A_251 = vector.load %arg1[%get3A_248, %get3A_249, %get3A_250] : memref<3x1000x128xf32, #tpu.memory_space<vmem>>, vector<1x1000x128xf32>
    %get3A_252 = vector.shape_cast %get3A_251 : vector<1x1000x128xf32> to vector<1000x128xf32>
    %mul3A_253 = arith.mulf %get3A_252, %dot_general3A_231 : vector<1000x128xf32>
    %add3A_254 = arith.addf %add3A_247, %mul3A_253 : vector<1000x128xf32>
    %mul3A_255 = arith.mulf %add3A_254, %dot_general3A_236 : vector<1000x128xf32>
    %get3A_256 = arith.constant 2 : index
    %get3A_257 = arith.constant 0 : index
    %get3A_258 = vector.load %arg7[%get3A_256, %get3A_257] : memref<3x128xf32, #tpu.memory_space<vmem>>, vector<1x128xf32>
    %get3A_259 = vector.shape_cast %get3A_258 : vector<1x128xf32> to vector<128xf32>
    %broadcast_in_dim3A_260 = vector.shape_cast %get3A_259 : vector<128xf32> to vector<1x128xf32>
    %add3A_261 = vector.broadcast %broadcast_in_dim3A_260 : vector<1x128xf32> to vector<1000x128xf32>
    %add3A_262 = arith.addf %mul3A_255, %add3A_261 : vector<1000x128xf32>
    %get3A_263 = arith.constant 2 : index
    %get3A_264 = arith.constant 0 : index
    %get3A_265 = arith.constant 0 : index
    %get3A_266 = vector.load %arg8[%get3A_263, %get3A_264, %get3A_265] : memref<3x128x128xf32, #tpu.memory_space<vmem>>, vector<1x128x128xf32>
    %get3A_267 = vector.shape_cast %get3A_266 : vector<1x128x128xf32> to vector<128x128xf32>
    %dot_general3A_268 = arith.constant dense<0.000000e+00> : vector<1000x128xf32>
    %dot_general3A_269 = tpu.matmul %add3A_262, %get3A_267, %dot_general3A_268 {dimension_numbers = #tpu.dot_dimension_numbers<[1], [0], [0], [1], [0, 0, 1, 1], [], []>, transpose_lhs_hint = false} : vector<1000x128xf32>, vector<128x128xf32>, vector<1000x128xf32> -> vector<1000x128xf32>
    %get3A_270 = arith.constant 2 : index
    %get3A_271 = arith.constant 0 : index
    %get3A_272 = vector.load %arg9[%get3A_270, %get3A_271] : memref<3x128xf32, #tpu.memory_space<vmem>>, vector<1x128xf32>
    %get3A_273 = vector.shape_cast %get3A_272 : vector<1x128xf32> to vector<128xf32>
    %broadcast_in_dim3A_274 = vector.shape_cast %get3A_273 : vector<128xf32> to vector<1x128xf32>
    %add3A_275 = vector.broadcast %broadcast_in_dim3A_274 : vector<1x128xf32> to vector<1000x128xf32>
    %add3A_276 = arith.addf %dot_general3A_269, %add3A_275 : vector<1000x128xf32>
    %gt3A_277 = arith.constant 0.000000e+00 : f32
    %gt3A_278 = vector.broadcast %gt3A_277 : f32 to vector<1000x128xf32>
    %gt3A_279 = arith.cmpf ogt, %add3A_276, %gt3A_278 : vector<1000x128xf32>
    %mul3A_280 = arith.constant 0.00999999977 : f32
    %mul3A_281 = vector.broadcast %mul3A_280 : f32 to vector<1000x128xf32>
    %mul3A_282 = arith.mulf %add3A_276, %mul3A_281 : vector<1000x128xf32>
    %select_n3A_283 = arith.select %gt3A_279, %add3A_276, %mul3A_282 : vector<1000x128xi1>, vector<1000x128xf32>
    %mul3A_284 = arith.constant 1.000000e-01 : f32
    %mul3A_285 = vector.broadcast %mul3A_284 : f32 to vector<1000x128xf32>
    %mul3A_286 = arith.mulf %mul3A_285, %select_n3A_283 : vector<1000x128xf32>
    %add3A_287 = arith.addf %add3A_189, %mul3A_286 : vector<1000x128xf32>
    %swap3A = arith.constant 0 : index
    %swap3A_288 = arith.constant 0 : index
    %swap3A_289 = vector.load %arg11[%swap3A, %swap3A_288] : memref<1000x128xf32, #tpu.memory_space<vmem>>, vector<1000x128xf32>
    tpu.vector_store %arg11[%swap3A, %swap3A_288], %add3A_287 {strides = array<i32>} : memref<1000x128xf32, #tpu.memory_space<vmem>>, vector<1000x128xf32>,
    return
  }
  func.func @transform_0(%arg0: i32) -> (i32, i32, i32) {
    %c0_i32 = arith.constant 0 : i32
    %c0_i32_0 = arith.constant 0 : i32
    %c0_i32_1 = arith.constant 0 : i32
    return %c0_i32, %arg0, %c0_i32_0 : i32, i32, i32
  }
  func.func @transform_1(%arg0: i32) -> (i32, i32, i32) {
    %c0_i32 = arith.constant 0 : i32
    %c0_i32_0 = arith.constant 0 : i32
    %c0_i32_1 = arith.constant 0 : i32
    return %c0_i32, %arg0, %c0_i32_0 : i32, i32, i32
  }
  func.func @transform_2(%arg0: i32) -> (i32, i32, i32) {
    %c0_i32 = arith.constant 0 : i32
    %c0_i32_0 = arith.constant 0 : i32
    %c0_i32_1 = arith.constant 0 : i32
    return %c0_i32, %arg0, %c0_i32_0 : i32, i32, i32
  }
  func.func @transform_3(%arg0: i32) -> (i32, i32) {
    %c0_i32 = arith.constant 0 : i32
    %c0_i32_0 = arith.constant 0 : i32
    %c0_i32_1 = arith.constant 0 : i32
    return %c0_i32, %c0_i32_0 : i32, i32
  }
  func.func @transform_4(%arg0: i32) -> (i32, i32, i32) {
    %c0_i32 = arith.constant 0 : i32
    %c0_i32_0 = arith.constant 0 : i32
    %c0_i32_1 = arith.constant 0 : i32
    return %c0_i32, %arg0, %c0_i32_0 : i32, i32, i32
  }
  func.func @transform_5(%arg0: i32) -> (i32, i32, i32) {
    %c0_i32 = arith.constant 0 : i32
    %c0_i32_0 = arith.constant 0 : i32
    %c0_i32_1 = arith.constant 0 : i32
    return %c0_i32, %arg0, %c0_i32_0 : i32, i32, i32
  }
  func.func @transform_6(%arg0: i32) -> (i32, i32) {
    %c0_i32 = arith.constant 0 : i32
    %c0_i32_0 = arith.constant 0 : i32
    %c0_i32_1 = arith.constant 0 : i32
    return %c0_i32, %c0_i32_0 : i32, i32
  }
  func.func @transform_7(%arg0: i32) -> (i32, i32, i32) {
    %c0_i32 = arith.constant 0 : i32
    %c0_i32_0 = arith.constant 0 : i32
    %c0_i32_1 = arith.constant 0 : i32
    %c0_i32_2 = arith.constant 0 : i32
    return %c0_i32, %c0_i32_0, %c0_i32_1 : i32, i32, i32
  }
  func.func @transform_8(%arg0: i32) -> (i32, i32) {
    %c0_i32 = arith.constant 0 : i32
    %c0_i32_0 = arith.constant 0 : i32
    %c0_i32_1 = arith.constant 0 : i32
    return %c0_i32, %c0_i32_0 : i32, i32
  }
  func.func @transform_9(%arg0: i32) -> (i32, i32) {
    %c0_i32 = arith.constant 0 : i32
    %c0_i32_0 = arith.constant 0 : i32
    %c0_i32_1 = arith.constant 0 : i32
    return %c0_i32, %c0_i32_0 : i32, i32
  }
  func.func @transform_10(%arg0: i32) -> (i32, i32) {
    %c0_i32 = arith.constant 0 : i32
    %c0_i32_0 = arith.constant 0 : i32
    return %arg0, %c0_i32 : i32, i32
  }
}

</mosaic_0001>

<sc_bundles>
// kernel: kernel.6.cloned.1.call-start
scs
__scs_entry_jumppad:
0x0: {  	(pc) =	sbr.rel $0x88, $3  }
0x1: {  	(tag) =	ssettag $0x0;
	lr =	simm.s32 $0x1  }
0x2: {  	[smem:$0x3F99] =	sst lr;
	_ =	strace $0xD0000000  }
0x3: {  	_ = 	snop  }
0x4: {  	_ = 	snop  }
0x5: {  	_ = 	snop  }
0x6: {  	_ = 	snop  }
0x7: {  	_ = 	snop  }
__scs_overlays_trampoline_lowered:
0x8: {  	[smem:$0x3FA8] =	sst s0  }
0x9: {  	[smem:$0x3FA9] =	sst s1  }
0xa: {  	[smem:$0x3FAA] =	sst s2  }
0xb: {  	[smem:$0x3FAB] =	sst s3  }
0xc: {  	[smem:$0x3FAC] =	sst s4  }
0xd: {  	[smem:$0x3FAD] =	sst s5  }
0xe: {  	[smem:$0x3FAE] =	sst s6  }
0xf: {  	[smem:$0x3FAF] =	sst s7  }
0x10: {  	[smem:$0x3FB0] =	sst s8  }
0x11: {  	[smem:$0x3FB1] =	sst s9;
	s0 =	simm.s32 @!p0 $0x0  }
0x12: {  	s1 =	sld [smem:$0x3F97];
	s0 =	simm.s32 @p0 $0x1  }
0x13: {  	[smem:$0x3FB2] =	sst s0;
	s0 =	simm.s32 @!p1 $0x0  }
0x14: {  	s2 =	sld [smem:$0x3F96];
	s0 =	simm.s32 @p1 $0x1  }
0x15: {  	[smem:$0x3FB3] =	sst s0;
	s0 =	simm.s32 @!p2 $0x0  }
0x16: {  	s3 =	sld [smem:$0x3FDB];
	s0 =	simm.s32 @p2 $0x1  }
0x17: {  	s4 =	simm.s32 $0x1BF5;
	[smem:$0x3FB5] =	sst s0  }
0x18: {  	s0 =	sld [smem:$0x3F98];
	_ =	swait.ge [sflag:s4], $0x0  }
0x19: {  	s7 =	sld [smem:$0x3F99]  }
0x1a: {  	s8 =	sadd.s32 $0xFFFFE003, lr  }
0x1b: {  	s9 =	sadd.s32 $0xFFFFFEF7, lr;
	s5 =	simm.s32 $0xFFFFFFFF;
	p2 =	slt.u32 s8, $0xFFFFF086  }
0x1c: {  	p1 =	slt.u32 s9, $0xF7A;
	s5 =	simm.s32 @!p2 $0x0  }
0x1d: {  	s5 =	simm.s32 @p1 $0x1;
	p0 =	seq.s32 s7, s2  }
0x1e: {  	s7 =	smul.u32 @!p0 $0xF7A, s2;
	p2 =	seq.s32 @!p0 s5, $0x0  }
0x1f: {  	s9 =	smul.u32 $0xF7A, s1;
	s8 =	simm.s32 @!p0 $0x1BF5;
	p2 =	por !p2, p0  }
0x20: {  	[sflag:s8] =	ssyncset.s32 @!p0 $0xFFFFF086;
	s6 =	sadd.s32 @!p0 s3, s7;
	s7 =	simm.s32 @!p0 $0x108  }
0x21: {  	s3 =	sadd.s32 s3, s9;
	s6 =	sadd.s32 @!p0 $0x88, s6;
	s7 =	simm.s32 @p2 $0x1082  }
0x22: {  	[simem:s7], [sflag:s8] =	dma.local @!p0 [hbm:s6], $0xF7A  }
0x23: {  	s9 =	sor.u32 $0xD0000000, s2;
	s6 =	simm.s32 $0x108;
	_ =	swait.ge @!p0 [sflag:s8], $0x0  }
0x24: {  	s3 =	sadd.s32 $0x88, s3;
	s6 =	simm.s32 @!p1 $0x1082;
	[sflag:s4] =	ssyncset.s32 $0xFFFFF086  }
0x25: {  	[simem:s6], [sflag:s4] =	dma.local [hbm:s3], $0xF7A  }
0x26: {  	[smem:$0x3F99] =	sst s1;
	(tag) =	ssettag s2;
	_ =	strace s9  }
0x27: {  	s1 =	sld [smem:$0x3FA9]  }
0x28: {  	s2 =	sld [smem:$0x3FAA]  }
0x29: {  	s4 =	sld [smem:$0x3FAC]  }
0x2a: {  	p0 =	seq.s32 s5, $0x0;
	s5 =	sld [smem:$0x3FAD]  }
0x2b: {  	s6 =	sld [smem:$0x3FAE]  }
0x2c: {  	s7 =	sld [smem:$0x3FAF]  }
0x2d: {  	s3 =	simm.s32 $0x108;
	s8 =	sld [smem:$0x3FB0]  }
0x2e: {  	s3 =	simm.s32 @!p0 $0x1082;
	s9 =	sld [smem:$0x3FB1]  }
0x2f: {  	lr =	sadd.s32 s0, s3;
	s0 =	sld [smem:$0x3FA8]  }
0x30: {  	s3 =	sld [smem:$0x3FAB]  }
0x31: {  	[smem:$0x3FB4] =	sst s10  }
0x32: {  	s10 =	sld [smem:$0x3FB2];
	_ =	sdelay $0x3  }
0x33: {  	p0 =	seq.s32 s10, $0x1;
	s10 =	sld [smem:$0x3FB4];
	_ =	sdelay $0x3  }
0x34: {  	[smem:$0x3FB4] =	sst s10  }
0x35: {  	s10 =	sld [smem:$0x3FB3];
	_ =	sdelay $0x3  }
0x36: {  	p1 =	seq.s32 s10, $0x1;
	s10 =	sld [smem:$0x3FB4];
	_ =	sdelay $0x3  }
0x37: {  	[smem:$0x3FB4] =	sst s10  }
0x38: {  	s10 =	sld [smem:$0x3FB5]  }
0x39: {  	_ = 	snop;
	(pc) =	sbr.ind lr, $3  }
0x3a: {  	_ = 	snop  }
0x3b: {  	_ = 	snop  }
0x3c: {  	p2 =	seq.s32 s10, $0x1;
	s10 =	sld [smem:$0x3FB4]  }
0x3d: {  	_ =	shalt  }
0x3e: {  	_ =	shalt  }
0x3f: {  	_ =	shalt  }
0x40: {  	_ =	shalt  }
0x41: {  	_ =	shalt  }
0x42: {  	_ =	shalt  }
0x43: {  	_ =	shalt  }
0x44: {  	_ =	shalt  }
0x45: {  	_ =	shalt  }
0x46: {  	_ =	shalt  }
0x47: {  	_ =	shalt  }
0x48: {  	_ =	shalt  }
0x49: {  	_ =	shalt  }
0x4a: {  	_ =	shalt  }
0x4b: {  	_ =	shalt  }
0x4c: {  	_ =	shalt  }
0x4d: {  	_ =	shalt  }
0x4e: {  	_ =	shalt  }
0x4f: {  	_ =	shalt  }
0x50: {  	_ =	shalt  }
0x51: {  	_ =	shalt  }
0x52: {  	_ =	shalt  }
0x53: {  	_ =	shalt  }
0x54: {  	_ =	shalt  }
0x55: {  	_ =	shalt  }
0x56: {  	_ =	shalt  }
0x57: {  	_ =	shalt  }
0x58: {  	_ =	shalt  }
0x59: {  	_ =	shalt  }
0x5a: {  	_ =	shalt  }
0x5b: {  	_ =	shalt  }
0x5c: {  	_ =	shalt  }
0x5d: {  	_ =	shalt  }
0x5e: {  	_ =	shalt  }
0x5f: {  	_ =	shalt  }
0x60: {  	_ =	shalt  }
0x61: {  	_ =	shalt  }
0x62: {  	_ =	shalt  }
0x63: {  	_ =	shalt  }
0x64: {  	_ =	shalt  }
0x65: {  	_ =	shalt  }
0x66: {  	_ =	shalt  }
0x67: {  	_ =	shalt  }
0x68: {  	_ =	shalt  }
0x69: {  	_ =	shalt  }
0x6a: {  	_ =	shalt  }
0x6b: {  	_ =	shalt  }
0x6c: {  	_ =	shalt  }
0x6d: {  	_ =	shalt  }
0x6e: {  	_ =	shalt  }
0x6f: {  	_ =	shalt  }
0x70: {  	_ =	shalt  }
0x71: {  	_ =	shalt  }
0x72: {  	_ =	shalt  }
0x73: {  	_ =	shalt  }
0x74: {  	_ =	shalt  }
0x75: {  	_ =	shalt  }
0x76: {  	_ =	shalt  }
0x77: {  	_ =	shalt  }
0x78: {  	_ =	shalt  }
0x79: {  	_ =	shalt  }
0x7a: {  	_ =	shalt  }
0x7b: {  	_ =	shalt  }
0x7c: {  	_ =	shalt  }
0x7d: {  	_ =	shalt  }
0x7e: {  	_ =	shalt  }
0x7f: {  	_ =	shalt  }
0x80: {  	_ =	shalt  }
0x81: {  	_ =	shalt  }
0x82: {  	_ =	shalt  }
0x83: {  	_ =	shalt  }
0x84: {  	_ =	shalt  }
0x85: {  	_ =	shalt  }
0x86: {  	_ =	shalt  }
0x87: {  	_ =	shalt  }
.Lfunc_end0:
.L_simem_size_0:
called_computation_lowered:
.L_overlay_start_0:
0x88: {  	s2 =	sld [smem:$0x3FD9]  }
0x89: {  	s3 =	sld [smem:$0x3FFE];
	_ =	sdelay $0x1  }
0x8a: {  	s1 =	srdreg.scid  }
0x8b: {  	s0 =	sand.u32 $0x1, s1  }
0x8c: {  	s17 =	sshll.u32 s0, $0xA;
	s2 =	sadd.s32 s3, s2  }
0x8d: {  	s2 =	sadd.s32 s2, s17  }
0x8e: {  	[smem:$0x3FC0] =	sst s2  }
0x8f: {  	_ = 	snop  }
0x90: {  	s2 =	sld [smem:$0x3FD0];
	(tm) =	ssettm $0x1  }
0x91: {  	s18 =	sld [smem:$0x3FFB];
	_ =	sdelay $0x3  }
0x92: {  	_ =	strace s18  }
0x93: {  	s3 =	sld [smem:$0x3FFC];
	_ =	sdelay $0x3  }
0x94: {  	_ =	strace s3  }
0x95: {  	s3 =	sld [smem:$0x3FFD];
	_ =	sdelay $0x3  }
0x96: {  	_ =	strace s3  }
0x97: {  	_ =	strace $0x8FFFFFFF  }
0x98: {  	s19 =	sld [smem:$0x3FDB];
	_ =	sdelay $0x1  }
0x99: {  	s4 =	simm.s32 $_scs_section_size  }
0x9a: {  	s5 =	simm.s32 $_size__tile_overlayer_lowered;
	s6 =	simm.s32 $_tile_overlayer_lowered  }
0x9b: {  	s22 =	simm.s32 $0x1BFF;
	s21 =	sshll.u32 s6, $0x1;
	s3 =	sadd.s32 s4, s19  }
0x9c: {  	s7 =	simm.s32 $0x0;
	s20 =	sshll.u32 s5, $0x1;
	s5 =	sadd.s32 s21, s3  }
0x9d: {  	[timem:s7], [sflag:s22] =	dma.local [hbm:s5], s20  }
0x9e: {  	_ =	swait.ge [sflag:s22], s20  }
0x9f: {  	s4 =	ssub.s32 $0x0, s20;
	[sflag:s22] =	ssyncset.done $0x0  }
0xa0: {  	[sflag:s22] =	ssyncadd.s32 s4;
	_ =	sdelay $0x1  }
0xa1: {  	s23 =	simm.s32 $0x1B8B  }
0xa2: {  	_ =	swait.ge [sflag:s23], $0x1  }
0xa3: {  	[sflag:s23] =	ssyncset.done $0x0  }
0xa4: {  	s25 =	simm.s32 $0x1B8E;
	s24 =	sld [smem:$0x3FFE];
	[sflag:s23] =	ssyncadd.s32 $0xFFFFFFFF  }
0xa5: {  	s26 =	simm.s32 $execute0_lowered;
	[smem:$0x3FD2] =	sst s25  }
0xa6: {  	s5 =	sshll.u32 s26, $0x1;
	_ =	strace $0x80000046;
	[dreg:$0x1] =	wrdreg $0xFFFFFFFF  }
0xa7: {  	s28 =	simm.s32 $_size_execute0_lowered;
	s3 =	sadd.s32 s3, s5;
	[dreg:$0x0] =	wrdreg $0x0  }
0xa8: {  	s5 =	sshll.u32 s28, $0x1;
	[dreg:$0x2] =	wrdreg s3  }
0xa9: {  	[dreg:$0x3] =	wrdreg s5  }
0xaa: {  	[dreg:$0x4] =	wrdreg $0xC0  }
0xab: {  	_ =	task [dreg:s7], $0x5FFFF  }
0xac: {  	[dreg:$0x1] =	wrdreg $0xFFFFFFFF  }
0xad: {  	[dreg:$0x0] =	wrdreg $0x60  }
0xae: {  	[dreg:$0x2] =	wrdreg s24  }
0xaf: {  	[dreg:$0x3] =	wrdreg s2  }
0xb0: {  	[dreg:$0x4] =	wrdreg $0xA7000  }
0xb1: {  	[dreg:$0x5] =	wrdreg $0x9  }
0xb2: {  	_ =	task.clear_ibuf [dreg:s7], $0x6FFFF;
	_ =	strace $0x90000046  }
0xb3: {  	s29 =	simm.s32 $0x9;
	_ =	strace $0x80000048  }
0xb4: {  	_ =	swait.ge [sflag:s29], $0x1  }
0xb5: {  	[sflag:s29] =	ssyncadd.s32 $0xFFFFFFFF  }
0xb6: {  	_ =	strace $0x90000048  }
0xb7: {  	_ =	sfence  }
0xb8: {  	s30 =	sld [smem:$0x0];
	_ =	sdelay $0x2  }
0xb9: {  	s31 =	sshll.u32 s1, $0xD;
	s1 =	sshrl.u32 s1, $0x2  }
0xba: {  	s3 =	sand.u32 $0x4000, s31;
	s1 =	sadd.s32 s1, s30  }
0xbb: {  	s0 =	sor.u32 s3, s0;
	s1 =	sshll.u32 s1, $0x11  }
0xbc: {  	s0 =	sor.u32 s1, s0  }
0xbd: {  	s0 =	sadd.s32 $0x8F2B, s0  }
0xbe: {  	[sflag:s0] =	ssyncadd.remote.s32 $0x1  }
0xbf: {  	_ =	sfence.sel $0xFFFF  }
0xc0: {  	[dreg:$0x0] =	wrdreg $0xFFFFFFFF;
	(pc) =	sbr.abs _section_cstart, $3  }
0xc1: {  	[dreg:$0x1] =	wrdreg $0xFFFFFFFF  }
0xc2: {  	_ =	task.clear_ibuf [dreg:s7], $0x2FFFF;
	_ =	strace $0x9FFFFFFF  }
0xc3: {  	(tm) =	ssettm $0x7FFFFFFF  }
tec
execute0_lowered:
.L_overlay_start_1:
0x0: {  	(tag) =	ssettag $0x1  }
0x1: {  	s0 =	rddreg [dreg:$0x0]  }
0x2: {  	s12 =	rddreg [dreg:$0x1]  }
0x3: {  	s2 =	rddreg [dreg:$0x2]  }
0x4: {  	s3 =	simm.s32 $0x0;
	s1 =	srdreg.scid;
	s13 =	stileid.u32  }
0x5: {  	s28 =	simm.s32 $0x3;
	s29 =	simm.s32 $0x7980;
	[smem:$0x7FF] =	sst s3  }
0x6: {  	s5 =	sadd.s32 $0x3200, s0;
	s6 =	sadd.s32 $0x128400, s0;
	s4 =	smul.u32 $0x50000, s13  }
0x7: {  	s1 =	sand.u32 $0x1, s1;
	s17 =	sshll.u32 s13, $0x1;
	s22 =	smul.u32 $0x14000, s13  }
0x8: {  	s26 =	sadd.s32 $0x12E800, s2;
	_ =	strace $0x80000047;
	s10 =	ssub.s32 $0x2, s1  }
0x9: {  	s18 =	sor.u32 s1, s17;
	[dreg:$0xc] =	wrdreg s26;
	s17 =	sadd.s32 $0x12C000, s2  }
0xa: {  	s1 =	smul.u32 $0x138800, s1;
	s26 =	sadd.s32 $0x4, s12;
	[dreg:$0x12] =	wrdreg s17  }
0xb: {  	s11 =	sshrl.u32 s10, $0x1;
	s4 =	sshrl.u32 s4, $0x2;
	[dreg:$0x18] =	wrdreg s26  }
0xc: {  	s10 =	ssub.s32 s10, s11;
	s11 =	sadd.s32 s22, s1;
	s22 =	sadd.s32 $0x136000, s2  }
0xd: {  	s7 =	sadd.s32 $0x19D800, s0;
	s30 =	sadd.s32 s4, s2;
	[dreg:$0x15] =	wrdreg s22  }
0xe: {  	s9 =	sadd.s32 $0x3E7800, s0;
	s19 =	sadd.s32 $0x2800, s30;
	[dreg:$0x4] =	wrdreg s30  }
0xf: {  	s8 =	sadd.s32 $0x212C00, s0;
	s20 =	sadd.s32 $0x5000, s30;
	[dreg:$0x5] =	wrdreg s19  }
0x10: {  	p0 =	seq.s32 s13, $0xF;
	s21 =	sadd.s32 $0x7800, s30;
	[dreg:$0x6] =	wrdreg s20  }
0x11: {  	s18 =	smul.u32 $0x2710, s18;
	s14 =	sadd.s32 $0xA000, s30;
	[dreg:$0x7] =	wrdreg s21  }
0x12: {  	s17 =	simm.s32 $0x7E80;
	s23 =	sadd.s32 $0xC800, s30;
	[dreg:$0x8] =	wrdreg s14  }
0x13: {  	s1 =	sshrl.u32 s1, $0x3;
	s24 =	sadd.s32 $0xF000, s30;
	[dreg:$0x9] =	wrdreg s23  }
0x14: {  	s25 =	sadd.s32 $0x11800, s30;
	s11 =	sshrl.u32 s11, $0x3;
	[dreg:$0xa] =	wrdreg s24  }
0x15: {  	s1 =	sadd.s32 s9, s1;
	s16 =	smax.u32 s10, $0x1;
	[dreg:$0xb] =	wrdreg s25  }
0x16: {  	s31 =	sadd.s32 s9, s11;
	s11 =	sadd.s32 $0x25800, s1;
	[dreg:$0x11] =	wrdreg s16  }
0x17: {  	s22 =	simm.s32 $0x180;
	s14 =	sadd.s32 $0x73A00, s1;
	[dreg:$0xe] =	wrdreg s11  }
0x18: {  	v0 =	vimm.s32 $0xFEDCBA98;
	s21 =	sadd.s32 $0x2AF000, s0;
	s15 =	sadd.s32 $0xC1C00, s1;
	[dreg:$0xf] =	wrdreg s14  }
0x19: {  	v1 =	vimm.s32 $0x76543210;
	v0 =	vunpack.c.l.s4.s8 v0;
	s23 =	sadd.s32 $0x34B400, s0;
	s19 =	sadd.s32 $0x131000, s2;
	[dreg:$0x10] =	wrdreg s15  }
0x1a: {  	v1 =	vunpack.c.l.s4.s8 v1;
	s20 =	sadd.s32 $0x133800, s2;
	s24 =	sadd.s32 $0x2, s12;
	[dreg:$0x13] =	wrdreg s19  }
0x1b: {  	v0 =	vunpack.c.0.s8.s32 v0;
	s12 =	simm.s32 $0x4;
	s16 =	simm.s32 $0x2980;
	[dreg:$0x14] =	wrdreg s20  }
0x1c: {  	v1 =	vunpack.c.0.s8.s32 v1;
	s1 =	simm.s32 $0x0;
	[dreg:$0x16] =	wrdreg s24;
	s25 =	sadd.s32 $0x4E200, s31  }
0x1d: {  	v2 =	vand.u32 $0xF, v0;
	[dreg:$0xd] =	wrdreg s31;
	s31 =	sadd.s32 $0x9C400, s31;
	s20 =	simm.s32 $0x80  }
0x1e: {  	v1 =	vcombine.low v2, v1;
	s14 =	simm.s32 $0x50;
	s15 =	simm.s32 $0x100;
	[dreg:$0x17] =	wrdreg s25  }
0x1f: {  	v0 =	vimm.f32 $0.0e+00;
	s24 =	simm.s32 $0x1;
	[dreg:$0x19] =	wrdreg s31;
	s25 =	simm.s32 $0x2  }
.LBB2_1:
0x20: {  	[dreg:$0x1a] =	wrdreg s1;
	s0 =	simm.s32 $0x0;
	s1 =	simm.s32 $0x200  }
.LBB2_2:
0x21: {  	p1 =	sne.s32 s1, $0x9E00;
	[tilespmem:s0+$0x5180] =	vst v0  }
0x22: {  	[tilespmem:s0+$0x7E80] =	vst v0  }
0x23: {  	[tilespmem:s0+$0x7E90] =	vst v0  }
0x24: {  	[tilespmem:s0+$0x7EA0] =	vst v0  }
.Ltmp0:
0x25: {  	[tilespmem:s0+$0x7EB0] =	vst v0;
	(pc) =	sbr.rel @p1 .LBB2_2-.Ltmp0, $4  }
0x26: {  	[tilespmem:s0+$0x7EC0] =	vst v0  }
0x27: {  	[tilespmem:s0+$0x7ED0] =	vst v0  }
0x28: {  	[tilespmem:s0+$0x7EE0] =	vst v0  }
0x29: {  	[tilespmem:s0+$0x7EF0] =	vst v0;
	s0 =	sshra.s32 s1, $0x2;
	s1 =	sadd.s32 $0x200, s1  }
0x2a: {  	[tilespmem:s0+$0x5180] =	vst v0  }
0x2b: {  	[tilespmem:s0+$0x7E80] =	vst v0  }
0x2c: {  	[tilespmem:s0+$0x7E90] =	vst v0  }
0x2d: {  	[tilespmem:s0+$0x7EA0] =	vst v0  }
0x2e: {  	[tilespmem:s0+$0x7EB0] =	vst v0  }
0x2f: {  	[tilespmem:s0+$0x7EC0] =	vst v0  }
0x30: {  	[tilespmem:s0+$0x7ED0] =	vst v0  }
0x31: {  	[tilespmem:s0+$0x7EE0] =	vst v0  }
0x32: {  	[tilespmem:s0+$0x7EF0] =	vst v0;
	s0 =	simm.s32 @!p0 $0x7E80;
	s1 =	simm.s32 @!p0 $0x4  }
0x33: {  	[spmem:s30] =	stream.linear.scatter @!p0 [tilespmem:s0], [sflag:$0x4], $0x2800, $0x38;
	[tilespmem:$0x1DF80] =	vst v63  }
0x34: {  	_ =	swait.ge @!p0 [sflag:s1], $0x2800  }
0x35: {  	[sflag:s1] =	ssyncset.done @!p0 $0x0  }
0x36: {  	s4 =	rddreg [dreg:$0x5];
	[sflag:s1] =	ssyncadd.s32 @!p0 $0xFFFFD800  }
0x37: {  	[spmem:s4] =	stream.linear.scatter @!p0 [tilespmem:s0], [sflag:$0x4], $0x2800, $0x38;
	[tilespmem:$0x1DF80] =	vst v63  }
0x38: {  	_ =	swait.ge @!p0 [sflag:s1], $0x2800  }
0x39: {  	[sflag:s1] =	ssyncset.done @!p0 $0x0  }
0x3a: {  	s4 =	rddreg [dreg:$0x6];
	[sflag:s1] =	ssyncadd.s32 @!p0 $0xFFFFD800  }
0x3b: {  	[spmem:s4] =	stream.linear.scatter @!p0 [tilespmem:s0], [sflag:$0x4], $0x2800, $0x38;
	[tilespmem:$0x1DF80] =	vst v63  }
0x3c: {  	_ =	swait.ge @!p0 [sflag:s1], $0x2800  }
0x3d: {  	s4 =	rddreg [dreg:$0x7]  }
0x3e: {  	s0 =	rddreg [dreg:$0x12]  }
0x3f: {  	[sflag:s1] =	ssyncset.done @!p0 $0x0;
	s4 =	smov.u32 @p0 s0  }
0x40: {  	[sflag:s1] =	ssyncadd.s32 @!p0 $0xFFFFD800;
	[dreg:$0x1e] =	wrdreg s4  }
0x41: {  	[spmem:s4] =	stream.linear.scatter [tilespmem:s17], [sflag:$0x4], $0x2800, $0x38;
	[tilespmem:$0x1DF80] =	vst v63  }
0x42: {  	_ =	swait.ge [sflag:s12], $0x2800  }
0x43: {  	s1 =	rddreg [dreg:$0x8]  }
0x44: {  	s0 =	rddreg [dreg:$0xc]  }
0x45: {  	[sflag:s12] =	ssyncset.done $0x0;
	s1 =	smov.u32 @p0 s0  }
0x46: {  	[sflag:s12] =	ssyncadd.s32 $0xFFFFD800;
	[dreg:$0x1f] =	wrdreg s1  }
0x47: {  	[spmem:s1] =	stream.linear.scatter [tilespmem:s17], [sflag:$0x4], $0x2800, $0x38;
	[tilespmem:$0x1DF80] =	vst v63  }
0x48: {  	_ =	swait.ge [sflag:s12], $0x2800  }
0x49: {  	s1 =	rddreg [dreg:$0x9]  }
0x4a: {  	s0 =	rddreg [dreg:$0x13]  }
0x4b: {  	[sflag:s12] =	ssyncset.done $0x0;
	s1 =	smov.u32 @p0 s0  }
0x4c: {  	[sflag:s12] =	ssyncadd.s32 $0xFFFFD800;
	[smem:$0x7FD] =	sst s1  }
0x4d: {  	[spmem:s1] =	stream.linear.scatter [tilespmem:s17], [sflag:$0x4], $0x2800, $0x38;
	[tilespmem:$0x1DF80] =	vst v63  }
0x4e: {  	_ =	swait.ge [sflag:s12], $0x2800  }
0x4f: {  	s26 =	rddreg [dreg:$0xa]  }
0x50: {  	[sflag:s12] =	ssyncset.done $0x0;
	s0 =	rddreg [dreg:$0x14]  }
0x51: {  	s26 =	smov.u32 @p0 s0;
	[sflag:s12] =	ssyncadd.s32 $0xFFFFD800  }
0x52: {  	[spmem:s26] =	stream.linear.scatter [tilespmem:s17], [sflag:$0x4], $0x2800, $0x38;
	[tilespmem:$0x1DF80] =	vst v63  }
0x53: {  	_ =	swait.ge [sflag:s12], $0x2800  }
0x54: {  	s10 =	rddreg [dreg:$0xb]  }
0x55: {  	[sflag:s12] =	ssyncset.done $0x0;
	s0 =	rddreg [dreg:$0x15]  }
0x56: {  	s10 =	smov.u32 @p0 s0;
	[sflag:s12] =	ssyncadd.s32 $0xFFFFD800  }
0x57: {  	[spmem:s10] =	stream.linear.scatter [tilespmem:s17], [sflag:$0x4], $0x2800, $0x38;
	[tilespmem:$0x1DF80] =	vst v63  }
0x58: {  	_ =	swait.ge [sflag:s12], $0x2800  }
0x59: {  	[sflag:s12] =	ssyncset.done $0x0  }
0x5a: {  	[sflag:s12] =	ssyncadd.s32 $0xFFFFD800  }
0x5b: {  	s31 =	simm.s32 $0xA680;
	s0 =	simm.s32 $0x0;
	s30 =	rddreg [dreg:$0x1]  }
0x5c: {  	[tilespmem:s31], [sflag:$0x4] =	stream.linear.gather [hbm4b:s30+s0], $0x10, $0x38;
	[tilespmem:$0x1DF80] =	vst v63  }
0x5d: {  	_ =	swait.ge [sflag:s12], $0x10  }
0x5e: {  	[sflag:s12] =	ssyncset.done $0x0  }
0x5f: {  	[sflag:s12] =	ssyncadd.s32 $0xFFFFFFF0  }
0x60: {  	s1 =	simm.s32 $0x0;
	[bflag:$0x0] =	sbarrier.arrive $0xFFFF  }
.LBB2_4:
0x61: {  	s4 =	smul.u32 $0x50, s1;
	_ =	sdelay $0x1  }
0x62: {  	s9 =	sadd.s32 s18, s4  }
0x63: {  	s4 =	sshrl.u32 s9, $0x3  }
0x64: {  	s4 =	sadd.s32 s5, s4  }
0x65: {  	[tilespmem:s0], [sflag:$0x4] =	stream.linear.gather [hbm4b:s4+s0], $0x50, $0x38;
	[tilespmem:$0x1DF80] =	vst v63  }
0x66: {  	_ =	swait.ge [sflag:s12], $0x50  }
0x67: {  	[sflag:s12] =	ssyncset.done $0x0  }
0x68: {  	s4 =	sadd.s32 $0x9C40, s4;
	[sflag:s12] =	ssyncadd.s32 $0xFFFFFFB0  }
0x69: {  	[tilespmem:s20], [sflag:$0x4] =	stream.linear.gather [hbm4b:s4+s0], $0x50, $0x38;
	[tilespmem:$0x1DF80] =	vst v63  }
0x6a: {  	_ =	swait.ge [sflag:s12], $0x50  }
0x6b: {  	[sflag:s12] =	ssyncset.done $0x0  }
0x6c: {  	[sflag:s12] =	ssyncadd.s32 $0xFFFFFFB0  }
0x6d: {  	v2 =	vld [tilespmem:$0x80]  }
0x6e: {  	v3 =	vld [tilespmem:$0x90]  }
0x6f: {  	v4 =	vld [tilespmem:$0xA0]  }
0x70: {  	v5 =	vld [tilespmem:$0xB0]  }
0x71: {  	v6 =	vld [tilespmem:$0xC0]  }
0x72: {  	[tilespmem:$0x100] =	vst v2  }
0x73: {  	[tilespmem:$0x110] =	vst v3  }
0x74: {  	[tilespmem:$0x120] =	vst v4  }
0x75: {  	[tilespmem:$0x130] =	vst v5  }
0x76: {  	[tilespmem:$0x140] =	vst v6  }
0x77: {  	[tilespmem:s17], [sflag:$0x3] =	stream.indirect.gather [hbm4b:s6+s14], $0x80, s0, s14, $0xb8;
	[tilespmem:$0x1DF80] =	vst v63  }
0x78: {  	_ = 	snop  }
0x79: {  	[tilespmem:s22], [sflag:$0x1] =	stream.indirect.gather [hbm4b:s7+s14], $0x80, s15, s14, $0xb8;
	[tilespmem:$0x1DF80] =	vst v63  }
0x7a: {  	_ = 	snop  }
0x7b: {  	[tilespmem:s16], [sflag:$0x2] =	stream.indirect.gather [hbm4b:s7+s14], $0x80, s0, s14, $0xb8;
	[tilespmem:$0x1DF80] =	vst v63  }
0x7c: {  	_ =	swait.ge [sflag:s24], $0x2800  }
0x7d: {  	[sflag:s24] =	ssyncset.done $0x0  }
0x7e: {  	[sflag:s24] =	ssyncadd.s32 $0xFFFFD800  }
0x7f: {  	_ =	swait.ge [sflag:s25], $0x2800  }
0x80: {  	[sflag:s25] =	ssyncset.done $0x0  }
0x81: {  	s11 =	simm.s32 $0x0;
	[sflag:s25] =	ssyncadd.s32 $0xFFFFD800  }
0x82: {  	s31 =	simm.s32 $0x80;
	v2 =	vld [tilespmem:s11+$0x180]  }
0x83: {  	v3 =	vld [tilespmem:s31+$0x180]  }
0x84: {  	v4 =	vld [tilespmem:s11+$0x2980];
	_ =	sdelay $0x1  }
0x85: {  	v5 =	vld [tilespmem:s31+$0x2980]  }
0x86: {  	v6 =	vperm.xlane v2, v1;
	_ =	sdelay $0x1  }
0x87: {  	v3 =	vperm.xlane v3, v1;
	v2 =	vld [tilespmem:$0xA680];
	v4 =	vadd.f32 v4, v6;
	_ =	sdelay $0x1  }
0x88: {  	s30 =	simm.s32 $0x100;
	v3 =	vadd.f32 v5, v3;
	v5 =	vmul.f32 $2.000000030e-01, v4  }
0x89: {  	v6 =	vld [tilespmem:s30+$0x180];
	vm0 =	vgt.f32 v4, $0.0e+00  }
0x8a: {  	v4 =	vsel vm0, v4, v5  }
0x8b: {  	v7 =	vld [tilespmem:s30+$0x2980];
	v8 =	vmul.f32 $2.000000030e-01, v3;
	v4 =	vsub.f32 v4, v2  }
0x8c: {  	vm0 =	vgt.f32 v3, $0.0e+00  }
0x8d: {  	v3 =	vsel vm0, v3, v8;
	v4 =	vmul.f32 $1.442695020e+00, v4  }
0x8e: {  	v5 =	vperm.xlane v6, v1;
	v6 =	vsub.f32 v3, v2  }
0x8f: {  	(erf) = vpow2.f32 v4  }
0x90: {  	s4 =	simm.s32 $0x180;
	v3 =	vadd.f32 v7, v5;
	v7 =	vmul.f32 $1.442695020e+00, v6  }
0x91: {  	v4 =	vld [tilespmem:s4+$0x180]  }
0x92: {  	(erf) = vpow2.f32 v7  }
0x93: {  	v5 =	vld [tilespmem:s4+$0x2980]  }
0x94: {  	v6 =	vmul.f32 $2.000000030e-01, v3  }
0x95: {  	s19 =	simm.s32 $0x800;
	vm0 =	vgt.f32 v3, $0.0e+00  }
.LBB2_5:
0x96: {  	s13 =	sshra.s32 s19, $0x2;
	p1 =	sne.s32 s19, $0x9E00;
	s19 =	sadd.s32 $0x200, s19;
	v8 =	vperm.xlane v4, v1;
	v3 =	vsel vm0, v3, v6  }
.Ltmp1:
0x97: {  	v4 =	vld [tilespmem:s13+$0x180];
	v6 =	vsub.f32 v3, v2;
	(pc) =	sbr.rel @p1 .LBB2_5-.Ltmp1, $4  }
0x98: {  	v3 =	vadd.f32 v5, v8;
	v7 =	vpop (erf)  }
0x99: {  	v5 =	vld [tilespmem:s13+$0x2980];
	v8 =	vmul.f32 $1.442695020e+00, v6;
	[tilespmem:s11+$0x5180] =	vst v7;
	s11 =	smov.u32 s31;
	s31 =	smov.u32 s30;
	s30 =	smov.u32 s4  }
0x9a: {  	s4 =	smov.u32 s13;
	v6 =	vmul.f32 $2.000000030e-01, v3  }
0x9b: {  	vm0 =	vgt.f32 v3, $0.0e+00;
	(erf) = vpow2.f32 v8  }
0x9c: {  	v4 =	vperm.xlane v4, v1;
	_ =	sdelay $0x1  }
0x9d: {  	v4 =	vadd.f32 v5, v4;
	_ =	sdelay $0x1  }
0x9e: {  	v5 =	vmul.f32 $2.000000030e-01, v4  }
0x9f: {  	v3 =	vsel vm0, v3, v6;
	vm15 =	vgt.f32 v4, $0.0e+00  }
0xa0: {  	v3 =	vsub.f32 v3, v2;
	v4 =	vsel vm15, v4, v5  }
0xa1: {  	v2 =	vsub.f32 v4, v2  }
0xa2: {  	v3 =	vmul.f32 $1.442695020e+00, v3  }
0xa3: {  	v2 =	vmul.f32 $1.442695020e+00, v2  }
0xa4: {  	(erf) = vpow2.f32 v3  }
0xa5: {  	(erf) = vpow2.f32 v2;
	_ =	sdelay $0x5  }
0xa6: {  	v2 =	vpop (erf)  }
0xa7: {  	v3 =	vpop (erf);
	[tilespmem:s11+$0x5180] =	vst v2  }
0xa8: {  	[tilespmem:s31+$0x5180] =	vst v3;
	v2 =	vpop (erf)  }
0xa9: {  	[tilespmem:s30+$0x5180] =	vst v2;
	v2 =	vpop (erf)  }
0xaa: {  	[tilespmem:s4+$0x5180] =	vst v2  }
0xab: {  	_ =	swait.ge [sflag:s28], $0x2800  }
0xac: {  	[sflag:s28] =	ssyncset.done $0x0  }
0xad: {  	s11 =	simm.s32 $0x0;
	[sflag:s28] =	ssyncadd.s32 $0xFFFFD800  }
0xae: {  	v2 =	vld [tilespmem:s11+$0x5180];
	_ =	sdelay $0x3  }
0xaf: {  	s31 =	simm.s32 $0x7980  }
0xb0: {  	[tilespmem:s31+$0x0] =	vst v2  }
0xb1: {  	v10 =	vld [tilespmem:s11+$0x7EF0]  }
0xb2: {  	v8 =	vld [tilespmem:s11+$0x7EA0]  }
0xb3: {  	v7 =	vld [tilespmem:s11+$0x7ED0]  }
0xb4: {  	v12 =	vbroadcast v2, $0x7;
	v5 =	vld [tilespmem:s11+$0x7EE0]  }
0xb5: {  	v3 =	vbroadcast v2, $0x6;
	v11 =	vbroadcast v2, $0x2;
	v6 =	vld [tilespmem:s11+$0x7EC0]  }
0xb6: {  	s30 =	simm.s32 $0x200;
	v9 =	vbroadcast v2, $0x5;
	v4 =	vld [tilespmem:s11+$0x7EB0];
	v10 =	vmul.f32 v10, v12  }
.LBB2_7:
0xb7: {  	p1 =	sne.s32 s30, $0x9E00  }
0xb8: {  	v12 =	vld [tilespmem:s11+$0x7E80];
	v8 =	vmul.f32 v8, v11;
	s31 =	sadd.s32 $0x10, s31;
	s4 =	smov.u32 s30;
	s30 =	sadd.s32 $0x200, s30  }
0xb9: {  	v13 =	vbroadcast v2, $0x4;
	v11 =	vld [tilespmem:s11+$0x7E90];
	v7 =	vmul.f32 v7, v9;
	[tilespmem:s11+$0x7EF0] =	vst v10  }
0xba: {  	s4 =	sshra.s32 s4, $0x2;
	[tilespmem:s11+$0x7EA0] =	vst v8;
	v8 =	vbroadcast v2, $0x3;
	v3 =	vmul.f32 v5, v3  }
0xbb: {  	v9 =	vbroadcast v2, $0x0;
	v5 =	vld [tilespmem:s4+$0x5180];
	v6 =	vmul.f32 v6, v13;
	[tilespmem:s11+$0x7ED0] =	vst v7  }
0xbc: {  	v2 =	vbroadcast v2, $0x1;
	v4 =	vmul.f32 v4, v8;
	[tilespmem:s11+$0x7EE0] =	vst v3  }
0xbd: {  	v3 =	vmul.f32 v12, v9;
	[tilespmem:s11+$0x7EC0] =	vst v6  }
0xbe: {  	v6 =	vmul.f32 v11, v2;
	[tilespmem:s11+$0x7EB0] =	vst v4  }
0xbf: {  	[tilespmem:s11+$0x7E80] =	vst v3  }
0xc0: {  	v3 =	vbroadcast v5, $0x6;
	[tilespmem:s11+$0x7E90] =	vst v6;
	v2 =	vmov v5;
	s11 =	smov.u32 s4  }
0xc1: {  	[tilespmem:s31+$0x0] =	vst v2  }
0xc2: {  	v10 =	vld [tilespmem:s11+$0x7EF0]  }
.Ltmp2:
0xc3: {  	v8 =	vld [tilespmem:s11+$0x7EA0];
	(pc) =	sbr.rel @p1 .LBB2_7-.Ltmp2, $4  }
0xc4: {  	v12 =	vbroadcast v2, $0x7;
	v7 =	vld [tilespmem:s11+$0x7ED0]  }
0xc5: {  	v5 =	vld [tilespmem:s11+$0x7EE0]  }
0xc6: {  	v11 =	vbroadcast v2, $0x2;
	v6 =	vld [tilespmem:s11+$0x7EC0]  }
0xc7: {  	v9 =	vbroadcast v2, $0x5;
	v4 =	vld [tilespmem:s11+$0x7EB0];
	v10 =	vmul.f32 v10, v12  }
0xc8: {  	v12 =	vld [tilespmem:s11+$0x7E80];
	v8 =	vmul.f32 v8, v11  }
0xc9: {  	v61 =	vld [tilespmem:s11+$0x7E90];
	v13 =	vbroadcast v2, $0x4;
	v7 =	vmul.f32 v7, v9;
	[tilespmem:s11+$0x7EF0] =	vst v10  }
0xca: {  	v62 =	vbroadcast v2, $0x3;
	[tilespmem:s11+$0x7EA0] =	vst v8;
	v3 =	vmul.f32 v5, v3  }
0xcb: {  	v63 =	vbroadcast v2, $0x0;
	v6 =	vmul.f32 v6, v13;
	[tilespmem:s11+$0x7ED0] =	vst v7  }
0xcc: {  	v2 =	vbroadcast v2, $0x1;
	v4 =	vmul.f32 v4, v62;
	[tilespmem:s11+$0x7EE0] =	vst v3  }
0xcd: {  	v3 =	vmul.f32 v12, v63;
	[tilespmem:s11+$0x7EC0] =	vst v6  }
0xce: {  	v2 =	vmul.f32 v61, v2;
	[tilespmem:s11+$0x7EB0] =	vst v4  }
0xcf: {  	[tilespmem:s11+$0x7E80] =	vst v3  }
0xd0: {  	[tilespmem:s11+$0x7E90] =	vst v2  }
0xd1: {  	[spmem:s2] =	stream.indirect.scatter.add.f32 [tilespmem:s17], [sflag:$0x4], $0x80, s20, s14, $0xb8;
	[tilespmem:$0x1DF80] =	vst v63  }
0xd2: {  	s1 =	sadd.s32 $0x1, s1;
	_ =	swait.ge [sflag:s12], $0x2800  }
0xd3: {  	s4 =	sshll.u32 s9, $0x1;
	p1 =	sne.s32 s1, $0x7D;
	[sflag:s12] =	ssyncset.done $0x0  }
.Ltmp3:
0xd4: {  	s4 =	sadd.s32 s8, s4;
	[sflag:s12] =	ssyncadd.s32 $0xFFFFD800;
	(pc) =	sbr.rel @p1 .LBB2_4-.Ltmp3, $4  }
0xd5: {  	[hbm4b:s4+s3] =	stream.linear.scatter [tilespmem:s29], [sflag:$0x4], $0x500, $0x38;
	[tilespmem:$0x1DF80] =	vst v63  }
0xd6: {  	_ =	swait.ge [sflag:s12], $0x500  }
0xd7: {  	[sflag:s12] =	ssyncset.done $0x0  }
0xd8: {  	[sflag:s12] =	ssyncadd.s32 $0xFFFFFB00  }
0xd9: {  	[bflag:$0x0] =	sbarrier.arrive $0xFFFF  }
0xda: {  	s0 =	rddreg [dreg:$0x12]  }
0xdb: {  	s1 =	rddreg [dreg:$0xe];
	s4 =	sshrl.u32 @p0 s0, $0x3  }
0xdc: {  	s0 =	simm.s32 @p0 $0x1FC4;
	[dreg:$0x1b] =	wrdreg s4  }
0xdd: {  	[hbm:s1], [sflag:s0] =	dma.local @p0 [spmem:s4], $0x1900  }
0xde: {  	s0 =	simm.s32 @p0 $0x4  }
0xdf: {  	s1 =	stileid.u32;
	_ =	swait.ge @p0 [sflag:s0], $0x1900  }
0xe0: {  	s1 =	sshll.u32 @!p0 s1, $0x6;
	[sflag:s0] =	ssyncset.done @p0 $0x0;
	s4 =	rddreg [dreg:$0x4]  }
0xe1: {  	s1 =	sor.u32 @!p0 $0x1C04, s1;
	[sflag:s0] =	ssyncadd.s32 @p0 $0xFFFFE700;
	s0 =	rddreg [dreg:$0xd]  }
0xe2: {  	s9 =	sshrl.u32 @!p0 s4, $0x3;
	[dreg:$0x1c] =	wrdreg s1  }
0xe3: {  	[dreg:$0x1d] =	wrdreg s9  }
0xe4: {  	[hbm:s0], [sflag:s1] =	dma.local @!p0 [spmem:s9], $0x2800  }
0xe5: {  	s0 =	simm.s32 @!p0 $0x4  }
0xe6: {  	_ =	swait.ge @!p0 [sflag:s0], $0x2800  }
0xe7: {  	[sflag:s0] =	ssyncset.done @!p0 $0x0  }
0xe8: {  	[sflag:s0] =	ssyncadd.s32 @!p0 $0xFFFFD800  }
0xe9: {  	s1 =	simm.s32 $0x200;
	s0 =	simm.s32 $0x0;
	[bflag:$0x0] =	sbarrier.arrive $0xFFFF  }
.LBB2_10:
0xea: {  	p1 =	sne.s32 s1, $0x9E00;
	[tilespmem:s0+$0x5180] =	vst v0  }
0xeb: {  	[tilespmem:s0+$0x7E80] =	vst v0  }
0xec: {  	[tilespmem:s0+$0x7E90] =	vst v0  }
0xed: {  	[tilespmem:s0+$0x7EA0] =	vst v0  }
.Ltmp4:
0xee: {  	[tilespmem:s0+$0x7EB0] =	vst v0;
	(pc) =	sbr.rel @p1 .LBB2_10-.Ltmp4, $4  }
0xef: {  	[tilespmem:s0+$0x7EC0] =	vst v0  }
0xf0: {  	[tilespmem:s0+$0x7ED0] =	vst v0  }
0xf1: {  	[tilespmem:s0+$0x7EE0] =	vst v0  }
0xf2: {  	[tilespmem:s0+$0x7EF0] =	vst v0;
	s0 =	sshra.s32 s1, $0x2;
	s1 =	sadd.s32 $0x200, s1  }
0xf3: {  	[tilespmem:s0+$0x5180] =	vst v0  }
0xf4: {  	[tilespmem:s0+$0x7E80] =	vst v0  }
0xf5: {  	[tilespmem:s0+$0x7E90] =	vst v0  }
0xf6: {  	[tilespmem:s0+$0x7EA0] =	vst v0  }
0xf7: {  	[tilespmem:s0+$0x7EB0] =	vst v0  }
0xf8: {  	[tilespmem:s0+$0x7EC0] =	vst v0  }
0xf9: {  	[tilespmem:s0+$0x7ED0] =	vst v0  }
0xfa: {  	[tilespmem:s0+$0x7EE0] =	vst v0  }
0xfb: {  	[tilespmem:s0+$0x7EF0] =	vst v0;
	s0 =	simm.s32 @!p0 $0x7E80;
	s1 =	simm.s32 @!p0 $0x4  }
0xfc: {  	[spmem:s4] =	stream.linear.scatter @!p0 [tilespmem:s0], [sflag:$0x4], $0x2800, $0x38;
	[tilespmem:$0x1DF80] =	vst v63  }
0xfd: {  	_ =	swait.ge @!p0 [sflag:s1], $0x2800  }
0xfe: {  	[sflag:s1] =	ssyncset.done @!p0 $0x0  }
0xff: {  	s4 =	rddreg [dreg:$0x5];
	[sflag:s1] =	ssyncadd.s32 @!p0 $0xFFFFD800  }
0x100: {  	[spmem:s4] =	stream.linear.scatter @!p0 [tilespmem:s0], [sflag:$0x4], $0x2800, $0x38;
	[tilespmem:$0x1DF80] =	vst v63  }
0x101: {  	_ =	swait.ge @!p0 [sflag:s1], $0x2800  }
0x102: {  	[sflag:s1] =	ssyncset.done @!p0 $0x0  }
0x103: {  	s4 =	rddreg [dreg:$0x6];
	[sflag:s1] =	ssyncadd.s32 @!p0 $0xFFFFD800  }
0x104: {  	[spmem:s4] =	stream.linear.scatter @!p0 [tilespmem:s0], [sflag:$0x4], $0x2800, $0x38;
	[tilespmem:$0x1DF80] =	vst v63  }
0x105: {  	_ =	swait.ge @!p0 [sflag:s1], $0x2800  }
0x106: {  	[sflag:s1] =	ssyncset.done @!p0 $0x0  }
0x107: {  	s11 =	rddreg [dreg:$0x1e];
	[sflag:s1] =	ssyncadd.s32 @!p0 $0xFFFFD800  }
0x108: {  	[spmem:s11] =	stream.linear.scatter [tilespmem:s17], [sflag:$0x4], $0x2800, $0x38;
	[tilespmem:$0x1DF80] =	vst v63  }
0x109: {  	_ =	swait.ge [sflag:s12], $0x2800  }
0x10a: {  	[sflag:s12] =	ssyncset.done $0x0  }
0x10b: {  	s13 =	rddreg [dreg:$0x1f];
	[sflag:s12] =	ssyncadd.s32 $0xFFFFD800  }
0x10c: {  	[spmem:s13] =	stream.linear.scatter [tilespmem:s17], [sflag:$0x4], $0x2800, $0x38;
	[tilespmem:$0x1DF80] =	vst v63  }
0x10d: {  	_ =	swait.ge [sflag:s12], $0x2800  }
0x10e: {  	s19 =	sld [smem:$0x7FD]  }
0x10f: {  	[sflag:s12] =	ssyncset.done $0x0  }
0x110: {  	[sflag:s12] =	ssyncadd.s32 $0xFFFFD800  }
0x111: {  	[spmem:s19] =	stream.linear.scatter [tilespmem:s17], [sflag:$0x4], $0x2800, $0x38;
	[tilespmem:$0x1DF80] =	vst v63  }
0x112: {  	_ =	swait.ge [sflag:s12], $0x2800  }
0x113: {  	[sflag:s12] =	ssyncset.done $0x0  }
0x114: {  	[sflag:s12] =	ssyncadd.s32 $0xFFFFD800  }
0x115: {  	[spmem:s26] =	stream.linear.scatter [tilespmem:s17], [sflag:$0x4], $0x2800, $0x38;
	[tilespmem:$0x1DF80] =	vst v63  }
0x116: {  	_ =	swait.ge [sflag:s12], $0x2800  }
0x117: {  	[sflag:s12] =	ssyncset.done $0x0  }
0x118: {  	[sflag:s12] =	ssyncadd.s32 $0xFFFFD800  }
0x119: {  	[spmem:s10] =	stream.linear.scatter [tilespmem:s17], [sflag:$0x4], $0x2800, $0x38;
	[tilespmem:$0x1DF80] =	vst v63  }
0x11a: {  	_ =	swait.ge [sflag:s12], $0x2800  }
0x11b: {  	s31 =	simm.s32 $0xA680;
	[sflag:s12] =	ssyncset.done $0x0  }
0x11c: {  	s11 =	simm.s32 $0x0;
	s30 =	rddreg [dreg:$0x16];
	[sflag:s12] =	ssyncadd.s32 $0xFFFFD800  }
0x11d: {  	[tilespmem:s31], [sflag:$0x4] =	stream.linear.gather [hbm4b:s30+s11], $0x10, $0x38;
	[tilespmem:$0x1DF80] =	vst v63  }
0x11e: {  	_ =	swait.ge [sflag:s12], $0x10  }
0x11f: {  	[sflag:s12] =	ssyncset.done $0x0  }
0x120: {  	[sflag:s12] =	ssyncadd.s32 $0xFFFFFFF0  }
0x121: {  	s9 =	simm.s32 $0x0;
	[bflag:$0x0] =	sbarrier.arrive $0xFFFF  }
.LBB2_12:
0x122: {  	s0 =	smul.u32 $0x50, s9;
	_ =	sdelay $0x1  }
0x123: {  	s31 =	sadd.s32 s18, s0  }
0x124: {  	s0 =	sshrl.u32 s31, $0x3  }
0x125: {  	s0 =	sadd.s32 s5, s0  }
0x126: {  	s1 =	sadd.s32 $0x13880, s0  }
0x127: {  	[tilespmem:s11], [sflag:$0x4] =	stream.linear.gather [hbm4b:s1+s11], $0x50, $0x38;
	[tilespmem:$0x1DF80] =	vst v63  }
0x128: {  	_ =	swait.ge [sflag:s12], $0x50  }
0x129: {  	[sflag:s12] =	ssyncset.done $0x0  }
0x12a: {  	s0 =	sadd.s32 $0x1D4C0, s0;
	[sflag:s12] =	ssyncadd.s32 $0xFFFFFFB0  }
0x12b: {  	[tilespmem:s20], [sflag:$0x4] =	stream.linear.gather [hbm4b:s0+s11], $0x50, $0x38;
	[tilespmem:$0x1DF80] =	vst v63  }
0x12c: {  	_ =	swait.ge [sflag:s12], $0x50  }
0x12d: {  	[sflag:s12] =	ssyncset.done $0x0  }
0x12e: {  	[sflag:s12] =	ssyncadd.s32 $0xFFFFFFB0  }
0x12f: {  	v2 =	vld [tilespmem:$0x0]  }
0x130: {  	v3 =	vld [tilespmem:$0x80]  }
0x131: {  	v4 =	vld [tilespmem:$0x10]  }
0x132: {  	v5 =	vld [tilespmem:$0x90]  }
0x133: {  	v6 =	vld [tilespmem:$0x20]  }
0x134: {  	v7 =	vld [tilespmem:$0xA0];
	v2 =	vadd.s32 $0x2710, v2  }
0x135: {  	[tilespmem:$0x0] =	vst v2;
	v2 =	vadd.s32 $0x2710, v3;
	v3 =	vld [tilespmem:$0x30]  }
0x136: {  	[tilespmem:$0x100] =	vst v2;
	v2 =	vadd.s32 $0x2710, v4;
	v4 =	vld [tilespmem:$0xB0]  }
0x137: {  	[tilespmem:$0x10] =	vst v2;
	v2 =	vadd.s32 $0x2710, v5;
	v5 =	vld [tilespmem:$0x40]  }
0x138: {  	[tilespmem:$0x110] =	vst v2;
	v2 =	vadd.s32 $0x2710, v6;
	v6 =	vld [tilespmem:$0xC0]  }
0x139: {  	[tilespmem:$0x20] =	vst v2;
	v2 =	vadd.s32 $0x2710, v7  }
0x13a: {  	[tilespmem:$0x120] =	vst v2;
	v2 =	vadd.s32 $0x2710, v3  }
0x13b: {  	[tilespmem:$0x30] =	vst v2;
	v2 =	vadd.s32 $0x2710, v4  }
0x13c: {  	[tilespmem:$0x130] =	vst v2;
	v2 =	vadd.s32 $0x2710, v5  }
0x13d: {  	[tilespmem:$0x40] =	vst v2;
	v2 =	vadd.s32 $0x2710, v6  }
0x13e: {  	[tilespmem:$0x140] =	vst v2  }
0x13f: {  	[tilespmem:s17], [sflag:$0x3] =	stream.indirect.gather [hbm4b:s6+s14], $0x80, s11, s14, $0xb8;
	[tilespmem:$0x1DF80] =	vst v63  }
0x140: {  	_ = 	snop  }
0x141: {  	[tilespmem:s22], [sflag:$0x1] =	stream.indirect.gather [hbm4b:s7+s14], $0x80, s15, s14, $0xb8;
	[tilespmem:$0x1DF80] =	vst v63  }
0x142: {  	_ = 	snop  }
0x143: {  	[tilespmem:s16], [sflag:$0x2] =	stream.indirect.gather [hbm4b:s7+s14], $0x80, s11, s14, $0xb8;
	[tilespmem:$0x1DF80] =	vst v63  }
0x144: {  	_ =	swait.ge [sflag:s24], $0x2800  }
0x145: {  	[sflag:s24] =	ssyncset.done $0x0  }
0x146: {  	[sflag:s24] =	ssyncadd.s32 $0xFFFFD800  }
0x147: {  	_ =	swait.ge [sflag:s25], $0x2800  }
0x148: {  	[sflag:s25] =	ssyncset.done $0x0  }
0x149: {  	s0 =	simm.s32 $0x0;
	[sflag:s25] =	ssyncadd.s32 $0xFFFFD800  }
0x14a: {  	s1 =	simm.s32 $0x80;
	v2 =	vld [tilespmem:s0+$0x180]  }
0x14b: {  	v3 =	vld [tilespmem:s1+$0x180]  }
0x14c: {  	v4 =	vld [tilespmem:s0+$0x2980];
	_ =	sdelay $0x1  }
0x14d: {  	v5 =	vld [tilespmem:s1+$0x2980]  }
0x14e: {  	v6 =	vperm.xlane v2, v1;
	_ =	sdelay $0x1  }
0x14f: {  	v3 =	vperm.xlane v3, v1;
	v2 =	vld [tilespmem:$0xA680];
	v4 =	vadd.f32 v4, v6;
	_ =	sdelay $0x1  }
0x150: {  	s30 =	simm.s32 $0x100;
	v3 =	vadd.f32 v5, v3;
	v5 =	vmul.f32 $2.000000030e-01, v4  }
0x151: {  	v6 =	vld [tilespmem:s30+$0x180];
	vm0 =	vgt.f32 v4, $0.0e+00  }
0x152: {  	v4 =	vsel vm0, v4, v5  }
0x153: {  	v7 =	vld [tilespmem:s30+$0x2980];
	v8 =	vmul.f32 $2.000000030e-01, v3;
	v4 =	vsub.f32 v4, v2  }
0x154: {  	vm0 =	vgt.f32 v3, $0.0e+00  }
0x155: {  	v3 =	vsel vm0, v3, v8;
	v4 =	vmul.f32 $1.442695020e+00, v4  }
0x156: {  	v5 =	vperm.xlane v6, v1;
	v6 =	vsub.f32 v3, v2  }
0x157: {  	(erf) = vpow2.f32 v4  }
0x158: {  	s4 =	simm.s32 $0x180;
	v3 =	vadd.f32 v7, v5;
	v7 =	vmul.f32 $1.442695020e+00, v6  }
0x159: {  	v4 =	vld [tilespmem:s4+$0x180]  }
0x15a: {  	(erf) = vpow2.f32 v7  }
0x15b: {  	v5 =	vld [tilespmem:s4+$0x2980]  }
0x15c: {  	v6 =	vmul.f32 $2.000000030e-01, v3  }
0x15d: {  	s19 =	simm.s32 $0x800;
	vm0 =	vgt.f32 v3, $0.0e+00  }
.LBB2_13:
0x15e: {  	s13 =	sshra.s32 s19, $0x2;
	p1 =	sne.s32 s19, $0x9E00;
	s19 =	sadd.s32 $0x200, s19;
	v8 =	vperm.xlane v4, v1;
	v3 =	vsel vm0, v3, v6  }
.Ltmp5:
0x15f: {  	v4 =	vld [tilespmem:s13+$0x180];
	v6 =	vsub.f32 v3, v2;
	(pc) =	sbr.rel @p1 .LBB2_13-.Ltmp5, $4  }
0x160: {  	v3 =	vadd.f32 v5, v8;
	v7 =	vpop (erf)  }
0x161: {  	v5 =	vld [tilespmem:s13+$0x2980];
	v8 =	vmul.f32 $1.442695020e+00, v6;
	[tilespmem:s0+$0x5180] =	vst v7;
	s0 =	smov.u32 s1;
	s1 =	smov.u32 s30;
	s30 =	smov.u32 s4  }
0x162: {  	s4 =	smov.u32 s13;
	v6 =	vmul.f32 $2.000000030e-01, v3  }
0x163: {  	vm0 =	vgt.f32 v3, $0.0e+00;
	(erf) = vpow2.f32 v8  }
0x164: {  	v4 =	vperm.xlane v4, v1;
	_ =	sdelay $0x1  }
0x165: {  	v4 =	vadd.f32 v5, v4;
	_ =	sdelay $0x1  }
0x166: {  	v5 =	vmul.f32 $2.000000030e-01, v4  }
0x167: {  	v3 =	vsel vm0, v3, v6;
	vm15 =	vgt.f32 v4, $0.0e+00  }
0x168: {  	v3 =	vsub.f32 v3, v2;
	v4 =	vsel vm15, v4, v5  }
0x169: {  	v2 =	vsub.f32 v4, v2  }
0x16a: {  	v3 =	vmul.f32 $1.442695020e+00, v3  }
0x16b: {  	v2 =	vmul.f32 $1.442695020e+00, v2  }
0x16c: {  	(erf) = vpow2.f32 v3  }
0x16d: {  	(erf) = vpow2.f32 v2;
	_ =	sdelay $0x5  }
0x16e: {  	v2 =	vpop (erf)  }
0x16f: {  	v3 =	vpop (erf);
	[tilespmem:s0+$0x5180] =	vst v2  }
0x170: {  	[tilespmem:s1+$0x5180] =	vst v3;
	v2 =	vpop (erf)  }
0x171: {  	[tilespmem:s30+$0x5180] =	vst v2;
	v2 =	vpop (erf)  }
0x172: {  	[tilespmem:s4+$0x5180] =	vst v2  }
0x173: {  	_ =	swait.ge [sflag:s28], $0x2800  }
0x174: {  	[sflag:s28] =	ssyncset.done $0x0  }
0x175: {  	s0 =	simm.s32 $0x0;
	[sflag:s28] =	ssyncadd.s32 $0xFFFFD800  }
0x176: {  	v2 =	vld [tilespmem:s0+$0x5180];
	_ =	sdelay $0x3  }
0x177: {  	s1 =	simm.s32 $0x7980  }
0x178: {  	[tilespmem:s1+$0x0] =	vst v2  }
0x179: {  	v10 =	vld [tilespmem:s0+$0x7EF0]  }
0x17a: {  	v8 =	vld [tilespmem:s0+$0x7EA0]  }
0x17b: {  	v7 =	vld [tilespmem:s0+$0x7ED0]  }
0x17c: {  	v12 =	vbroadcast v2, $0x7;
	v5 =	vld [tilespmem:s0+$0x7EE0]  }
0x17d: {  	v3 =	vbroadcast v2, $0x6;
	v11 =	vbroadcast v2, $0x2;
	v6 =	vld [tilespmem:s0+$0x7EC0]  }
0x17e: {  	s30 =	simm.s32 $0x200;
	v9 =	vbroadcast v2, $0x5;
	v4 =	vld [tilespmem:s0+$0x7EB0];
	v10 =	vmul.f32 v10, v12  }
.LBB2_15:
0x17f: {  	p1 =	sne.s32 s30, $0x9E00  }
0x180: {  	v12 =	vld [tilespmem:s0+$0x7E80];
	v8 =	vmul.f32 v8, v11;
	s1 =	sadd.s32 $0x10, s1;
	s4 =	smov.u32 s30;
	s30 =	sadd.s32 $0x200, s30  }
0x181: {  	v13 =	vbroadcast v2, $0x4;
	v11 =	vld [tilespmem:s0+$0x7E90];
	v7 =	vmul.f32 v7, v9;
	[tilespmem:s0+$0x7EF0] =	vst v10  }
0x182: {  	s4 =	sshra.s32 s4, $0x2;
	[tilespmem:s0+$0x7EA0] =	vst v8;
	v8 =	vbroadcast v2, $0x3;
	v3 =	vmul.f32 v5, v3  }
0x183: {  	v9 =	vbroadcast v2, $0x0;
	v5 =	vld [tilespmem:s4+$0x5180];
	v6 =	vmul.f32 v6, v13;
	[tilespmem:s0+$0x7ED0] =	vst v7  }
0x184: {  	v2 =	vbroadcast v2, $0x1;
	v4 =	vmul.f32 v4, v8;
	[tilespmem:s0+$0x7EE0] =	vst v3  }
0x185: {  	v3 =	vmul.f32 v12, v9;
	[tilespmem:s0+$0x7EC0] =	vst v6  }
0x186: {  	v6 =	vmul.f32 v11, v2;
	[tilespmem:s0+$0x7EB0] =	vst v4  }
0x187: {  	[tilespmem:s0+$0x7E80] =	vst v3  }
0x188: {  	v3 =	vbroadcast v5, $0x6;
	[tilespmem:s0+$0x7E90] =	vst v6;
	v2 =	vmov v5;
	s0 =	smov.u32 s4  }
0x189: {  	[tilespmem:s1+$0x0] =	vst v2  }
0x18a: {  	v10 =	vld [tilespmem:s0+$0x7EF0]  }
.Ltmp6:
0x18b: {  	v8 =	vld [tilespmem:s0+$0x7EA0];
	(pc) =	sbr.rel @p1 .LBB2_15-.Ltmp6, $4  }
0x18c: {  	v12 =	vbroadcast v2, $0x7;
	v7 =	vld [tilespmem:s0+$0x7ED0]  }
0x18d: {  	v5 =	vld [tilespmem:s0+$0x7EE0]  }
0x18e: {  	v11 =	vbroadcast v2, $0x2;
	v6 =	vld [tilespmem:s0+$0x7EC0]  }
0x18f: {  	v9 =	vbroadcast v2, $0x5;
	v4 =	vld [tilespmem:s0+$0x7EB0];
	v10 =	vmul.f32 v10, v12  }
0x190: {  	v12 =	vld [tilespmem:s0+$0x7E80];
	v8 =	vmul.f32 v8, v11  }
0x191: {  	v61 =	vld [tilespmem:s0+$0x7E90];
	v13 =	vbroadcast v2, $0x4;
	v7 =	vmul.f32 v7, v9;
	[tilespmem:s0+$0x7EF0] =	vst v10  }
0x192: {  	v62 =	vbroadcast v2, $0x3;
	[tilespmem:s0+$0x7EA0] =	vst v8;
	v3 =	vmul.f32 v5, v3  }
0x193: {  	v63 =	vbroadcast v2, $0x0;
	v6 =	vmul.f32 v6, v13;
	[tilespmem:s0+$0x7ED0] =	vst v7  }
0x194: {  	v2 =	vbroadcast v2, $0x1;
	v4 =	vmul.f32 v4, v62;
	[tilespmem:s0+$0x7EE0] =	vst v3  }
0x195: {  	v3 =	vmul.f32 v12, v63;
	[tilespmem:s0+$0x7EC0] =	vst v6  }
0x196: {  	v2 =	vmul.f32 v61, v2;
	[tilespmem:s0+$0x7EB0] =	vst v4  }
0x197: {  	[tilespmem:s0+$0x7E80] =	vst v3  }
0x198: {  	[tilespmem:s0+$0x7E90] =	vst v2  }
0x199: {  	[spmem:s2] =	stream.indirect.scatter.add.f32 [tilespmem:s17], [sflag:$0x4], $0x80, s20, s14, $0xb8;
	[tilespmem:$0x1DF80] =	vst v63  }
0x19a: {  	s9 =	sadd.s32 $0x1, s9;
	_ =	swait.ge [sflag:s12], $0x2800  }
0x19b: {  	s31 =	sshll.u32 s31, $0x1;
	p1 =	sne.s32 s9, $0x7D;
	[sflag:s12] =	ssyncset.done $0x0  }
.Ltmp7:
0x19c: {  	s0 =	sadd.s32 s31, s21;
	[sflag:s12] =	ssyncadd.s32 $0xFFFFD800;
	(pc) =	sbr.rel @p1 .LBB2_12-.Ltmp7, $4  }
0x19d: {  	[hbm4b:s0+s3] =	stream.linear.scatter [tilespmem:s29], [sflag:$0x4], $0x500, $0x38;
	[tilespmem:$0x1DF80] =	vst v63  }
0x19e: {  	_ =	swait.ge [sflag:s12], $0x500  }
0x19f: {  	[sflag:s12] =	ssyncset.done $0x0  }
0x1a0: {  	[sflag:s12] =	ssyncadd.s32 $0xFFFFFB00  }
0x1a1: {  	[bflag:$0x0] =	sbarrier.arrive $0xFFFF  }
0x1a2: {  	s1 =	rddreg [dreg:$0xf]  }
0x1a3: {  	s0 =	simm.s32 @p0 $0x1FC4;
	s31 =	rddreg [dreg:$0x1b]  }
0x1a4: {  	[hbm:s1], [sflag:s0] =	dma.local @p0 [spmem:s31], $0x1900  }
0x1a5: {  	s0 =	simm.s32 @p0 $0x4  }
0x1a6: {  	_ =	swait.ge @p0 [sflag:s0], $0x1900  }
0x1a7: {  	s1 =	rddreg [dreg:$0x1c]  }
0x1a8: {  	[sflag:s0] =	ssyncset.done @p0 $0x0;
	s4 =	rddreg [dreg:$0x1d]  }
0x1a9: {  	[sflag:s0] =	ssyncadd.s32 @p0 $0xFFFFE700;
	s0 =	rddreg [dreg:$0x17]  }
0x1aa: {  	[hbm:s0], [sflag:s1] =	dma.local @!p0 [spmem:s4], $0x2800  }
0x1ab: {  	s0 =	simm.s32 @!p0 $0x4  }
0x1ac: {  	_ =	swait.ge @!p0 [sflag:s0], $0x2800  }
0x1ad: {  	[sflag:s0] =	ssyncset.done @!p0 $0x0  }
0x1ae: {  	[sflag:s0] =	ssyncadd.s32 @!p0 $0xFFFFD800  }
0x1af: {  	s1 =	simm.s32 $0x200;
	s0 =	simm.s32 $0x0;
	[bflag:$0x0] =	sbarrier.arrive $0xFFFF  }
.LBB2_18:
0x1b0: {  	p1 =	sne.s32 s1, $0x9E00;
	[tilespmem:s0+$0x5180] =	vst v0  }
0x1b1: {  	[tilespmem:s0+$0x7E80] =	vst v0  }
0x1b2: {  	[tilespmem:s0+$0x7E90] =	vst v0  }
0x1b3: {  	[tilespmem:s0+$0x7EA0] =	vst v0  }
.Ltmp8:
0x1b4: {  	[tilespmem:s0+$0x7EB0] =	vst v0;
	(pc) =	sbr.rel @p1 .LBB2_18-.Ltmp8, $4  }
0x1b5: {  	[tilespmem:s0+$0x7EC0] =	vst v0  }
0x1b6: {  	[tilespmem:s0+$0x7ED0] =	vst v0  }
0x1b7: {  	[tilespmem:s0+$0x7EE0] =	vst v0  }
0x1b8: {  	[tilespmem:s0+$0x7EF0] =	vst v0;
	s0 =	sshra.s32 s1, $0x2;
	s1 =	sadd.s32 $0x200, s1  }
0x1b9: {  	[tilespmem:s0+$0x5180] =	vst v0  }
0x1ba: {  	[tilespmem:s0+$0x7E80] =	vst v0  }
0x1bb: {  	[tilespmem:s0+$0x7E90] =	vst v0  }
0x1bc: {  	[tilespmem:s0+$0x7EA0] =	vst v0  }
0x1bd: {  	[tilespmem:s0+$0x7EB0] =	vst v0  }
0x1be: {  	[tilespmem:s0+$0x7EC0] =	vst v0  }
0x1bf: {  	[tilespmem:s0+$0x7ED0] =	vst v0  }
0x1c0: {  	[tilespmem:s0+$0x7EE0] =	vst v0  }
0x1c1: {  	[tilespmem:s0+$0x7EF0] =	vst v0;
	s0 =	simm.s32 @!p0 $0x7E80;
	s30 =	rddreg [dreg:$0x4];
	s1 =	simm.s32 @!p0 $0x4  }
0x1c2: {  	[spmem:s30] =	stream.linear.scatter @!p0 [tilespmem:s0], [sflag:$0x4], $0x2800, $0x38;
	[tilespmem:$0x1DF80] =	vst v63  }
0x1c3: {  	_ =	swait.ge @!p0 [sflag:s1], $0x2800  }
0x1c4: {  	[sflag:s1] =	ssyncset.done @!p0 $0x0  }
0x1c5: {  	s4 =	rddreg [dreg:$0x5];
	[sflag:s1] =	ssyncadd.s32 @!p0 $0xFFFFD800  }
0x1c6: {  	[spmem:s4] =	stream.linear.scatter @!p0 [tilespmem:s0], [sflag:$0x4], $0x2800, $0x38;
	[tilespmem:$0x1DF80] =	vst v63  }
0x1c7: {  	_ =	swait.ge @!p0 [sflag:s1], $0x2800  }
0x1c8: {  	[sflag:s1] =	ssyncset.done @!p0 $0x0  }
0x1c9: {  	s4 =	rddreg [dreg:$0x6];
	[sflag:s1] =	ssyncadd.s32 @!p0 $0xFFFFD800  }
0x1ca: {  	[spmem:s4] =	stream.linear.scatter @!p0 [tilespmem:s0], [sflag:$0x4], $0x2800, $0x38;
	[tilespmem:$0x1DF80] =	vst v63  }
0x1cb: {  	_ =	swait.ge @!p0 [sflag:s1], $0x2800  }
0x1cc: {  	[sflag:s1] =	ssyncset.done @!p0 $0x0  }
0x1cd: {  	s9 =	rddreg [dreg:$0x1e];
	[sflag:s1] =	ssyncadd.s32 @!p0 $0xFFFFD800  }
0x1ce: {  	[spmem:s9] =	stream.linear.scatter [tilespmem:s17], [sflag:$0x4], $0x2800, $0x38;
	[tilespmem:$0x1DF80] =	vst v63  }
0x1cf: {  	_ =	swait.ge [sflag:s12], $0x2800  }
0x1d0: {  	[sflag:s12] =	ssyncset.done $0x0  }
0x1d1: {  	s11 =	rddreg [dreg:$0x1f];
	[sflag:s12] =	ssyncadd.s32 $0xFFFFD800  }
0x1d2: {  	[spmem:s11] =	stream.linear.scatter [tilespmem:s17], [sflag:$0x4], $0x2800, $0x38;
	[tilespmem:$0x1DF80] =	vst v63  }
0x1d3: {  	_ =	swait.ge [sflag:s12], $0x2800  }
0x1d4: {  	s13 =	sld [smem:$0x7FD]  }
0x1d5: {  	[sflag:s12] =	ssyncset.done $0x0  }
0x1d6: {  	[sflag:s12] =	ssyncadd.s32 $0xFFFFD800  }
0x1d7: {  	[spmem:s13] =	stream.linear.scatter [tilespmem:s17], [sflag:$0x4], $0x2800, $0x38;
	[tilespmem:$0x1DF80] =	vst v63  }
0x1d8: {  	_ =	swait.ge [sflag:s12], $0x2800  }
0x1d9: {  	[sflag:s12] =	ssyncset.done $0x0  }
0x1da: {  	[sflag:s12] =	ssyncadd.s32 $0xFFFFD800  }
0x1db: {  	[spmem:s26] =	stream.linear.scatter [tilespmem:s17], [sflag:$0x4], $0x2800, $0x38;
	[tilespmem:$0x1DF80] =	vst v63  }
0x1dc: {  	_ =	swait.ge [sflag:s12], $0x2800  }
0x1dd: {  	[sflag:s12] =	ssyncset.done $0x0  }
0x1de: {  	[sflag:s12] =	ssyncadd.s32 $0xFFFFD800  }
0x1df: {  	[spmem:s10] =	stream.linear.scatter [tilespmem:s17], [sflag:$0x4], $0x2800, $0x38;
	[tilespmem:$0x1DF80] =	vst v63  }
0x1e0: {  	_ =	swait.ge [sflag:s12], $0x2800  }
0x1e1: {  	s4 =	simm.s32 $0x0;
	[sflag:s12] =	ssyncset.done $0x0  }
0x1e2: {  	s26 =	simm.s32 $0xA680;
	s19 =	rddreg [dreg:$0x18];
	[sflag:s12] =	ssyncadd.s32 $0xFFFFD800  }
0x1e3: {  	[tilespmem:s26], [sflag:$0x4] =	stream.linear.gather [hbm4b:s19+s4], $0x10, $0x38;
	[tilespmem:$0x1DF80] =	vst v63  }
0x1e4: {  	_ =	swait.ge [sflag:s12], $0x10  }
0x1e5: {  	[sflag:s12] =	ssyncset.done $0x0  }
0x1e6: {  	[sflag:s12] =	ssyncadd.s32 $0xFFFFFFF0  }
0x1e7: {  	s9 =	simm.s32 $0x0;
	[bflag:$0x0] =	sbarrier.arrive $0xFFFF  }
.LBB2_20:
0x1e8: {  	s0 =	smul.u32 $0x50, s9;
	_ =	sdelay $0x1  }
0x1e9: {  	s10 =	sadd.s32 s18, s0  }
0x1ea: {  	s0 =	sshrl.u32 s10, $0x3  }
0x1eb: {  	s0 =	sadd.s32 s5, s0  }
0x1ec: {  	s1 =	sadd.s32 $0x27100, s0  }
0x1ed: {  	[tilespmem:s4], [sflag:$0x4] =	stream.linear.gather [hbm4b:s1+s4], $0x50, $0x38;
	[tilespmem:$0x1DF80] =	vst v63  }
0x1ee: {  	_ =	swait.ge [sflag:s12], $0x50  }
0x1ef: {  	[sflag:s12] =	ssyncset.done $0x0  }
0x1f0: {  	s0 =	sadd.s32 $0x30D40, s0;
	[sflag:s12] =	ssyncadd.s32 $0xFFFFFFB0  }
0x1f1: {  	[tilespmem:s20], [sflag:$0x4] =	stream.linear.gather [hbm4b:s0+s4], $0x50, $0x38;
	[tilespmem:$0x1DF80] =	vst v63  }
0x1f2: {  	_ =	swait.ge [sflag:s12], $0x50  }
0x1f3: {  	[sflag:s12] =	ssyncset.done $0x0  }
0x1f4: {  	[sflag:s12] =	ssyncadd.s32 $0xFFFFFFB0  }
0x1f5: {  	v2 =	vld [tilespmem:$0x0]  }
0x1f6: {  	v3 =	vld [tilespmem:$0x80]  }
0x1f7: {  	v4 =	vld [tilespmem:$0x10]  }
0x1f8: {  	v5 =	vld [tilespmem:$0x90]  }
0x1f9: {  	v6 =	vld [tilespmem:$0x20]  }
0x1fa: {  	v7 =	vld [tilespmem:$0xA0];
	v2 =	vadd.s32 $0x4E20, v2  }
0x1fb: {  	[tilespmem:$0x0] =	vst v2;
	v2 =	vadd.s32 $0x4E20, v3;
	v3 =	vld [tilespmem:$0x30]  }
0x1fc: {  	[tilespmem:$0x100] =	vst v2;
	v2 =	vadd.s32 $0x4E20, v4;
	v4 =	vld [tilespmem:$0xB0]  }
0x1fd: {  	[tilespmem:$0x10] =	vst v2;
	v2 =	vadd.s32 $0x4E20, v5;
	v5 =	vld [tilespmem:$0x40]  }
0x1fe: {  	[tilespmem:$0x110] =	vst v2;
	v2 =	vadd.s32 $0x4E20, v6;
	v6 =	vld [tilespmem:$0xC0]  }
0x1ff: {  	[tilespmem:$0x20] =	vst v2;
	v2 =	vadd.s32 $0x4E20, v7  }
0x200: {  	[tilespmem:$0x120] =	vst v2;
	v2 =	vadd.s32 $0x4E20, v3  }
0x201: {  	[tilespmem:$0x30] =	vst v2;
	v2 =	vadd.s32 $0x4E20, v4  }
0x202: {  	[tilespmem:$0x130] =	vst v2;
	v2 =	vadd.s32 $0x4E20, v5  }
0x203: {  	[tilespmem:$0x40] =	vst v2;
	v2 =	vadd.s32 $0x4E20, v6  }
0x204: {  	[tilespmem:$0x140] =	vst v2  }
0x205: {  	[tilespmem:s17], [sflag:$0x3] =	stream.indirect.gather [hbm4b:s6+s14], $0x80, s4, s14, $0xb8;
	[tilespmem:$0x1DF80] =	vst v63  }
0x206: {  	_ = 	snop  }
0x207: {  	[tilespmem:s22], [sflag:$0x1] =	stream.indirect.gather [hbm4b:s7+s14], $0x80, s15, s14, $0xb8;
	[tilespmem:$0x1DF80] =	vst v63  }
0x208: {  	_ = 	snop  }
0x209: {  	[tilespmem:s16], [sflag:$0x2] =	stream.indirect.gather [hbm4b:s7+s14], $0x80, s4, s14, $0xb8;
	[tilespmem:$0x1DF80] =	vst v63  }
0x20a: {  	_ =	swait.ge [sflag:s24], $0x2800  }
0x20b: {  	[sflag:s24] =	ssyncset.done $0x0  }
0x20c: {  	[sflag:s24] =	ssyncadd.s32 $0xFFFFD800  }
0x20d: {  	_ =	swait.ge [sflag:s25], $0x2800  }
0x20e: {  	[sflag:s25] =	ssyncset.done $0x0  }
0x20f: {  	s0 =	simm.s32 $0x0;
	[sflag:s25] =	ssyncadd.s32 $0xFFFFD800  }
0x210: {  	s1 =	simm.s32 $0x80;
	v2 =	vld [tilespmem:s0+$0x180]  }
0x211: {  	v3 =	vld [tilespmem:s1+$0x180]  }
0x212: {  	v4 =	vld [tilespmem:s0+$0x2980];
	_ =	sdelay $0x1  }
0x213: {  	v5 =	vld [tilespmem:s1+$0x2980]  }
0x214: {  	v6 =	vperm.xlane v2, v1;
	_ =	sdelay $0x1  }
0x215: {  	v3 =	vperm.xlane v3, v1;
	v2 =	vld [tilespmem:$0xA680];
	v4 =	vadd.f32 v4, v6;
	_ =	sdelay $0x1  }
0x216: {  	s11 =	simm.s32 $0x100;
	v3 =	vadd.f32 v5, v3;
	v5 =	vmul.f32 $2.000000030e-01, v4  }
0x217: {  	v6 =	vld [tilespmem:s11+$0x180];
	vm0 =	vgt.f32 v4, $0.0e+00  }
0x218: {  	v4 =	vsel vm0, v4, v5  }
0x219: {  	v7 =	vld [tilespmem:s11+$0x2980];
	v8 =	vmul.f32 $2.000000030e-01, v3;
	v4 =	vsub.f32 v4, v2  }
0x21a: {  	vm0 =	vgt.f32 v3, $0.0e+00  }
0x21b: {  	v3 =	vsel vm0, v3, v8;
	v4 =	vmul.f32 $1.442695020e+00, v4  }
0x21c: {  	v5 =	vperm.xlane v6, v1;
	v6 =	vsub.f32 v3, v2  }
0x21d: {  	(erf) = vpow2.f32 v4  }
0x21e: {  	s13 =	simm.s32 $0x180;
	v3 =	vadd.f32 v7, v5;
	v7 =	vmul.f32 $1.442695020e+00, v6  }
0x21f: {  	v4 =	vld [tilespmem:s13+$0x180]  }
0x220: {  	(erf) = vpow2.f32 v7  }
0x221: {  	v5 =	vld [tilespmem:s13+$0x2980]  }
0x222: {  	v6 =	vmul.f32 $2.000000030e-01, v3  }
0x223: {  	s19 =	simm.s32 $0x800;
	vm0 =	vgt.f32 v3, $0.0e+00  }
.LBB2_21:
0x224: {  	s26 =	sshra.s32 s19, $0x2;
	p1 =	sne.s32 s19, $0x9E00;
	s19 =	sadd.s32 $0x200, s19;
	v8 =	vperm.xlane v4, v1;
	v3 =	vsel vm0, v3, v6  }
.Ltmp9:
0x225: {  	v4 =	vld [tilespmem:s26+$0x180];
	v6 =	vsub.f32 v3, v2;
	(pc) =	sbr.rel @p1 .LBB2_21-.Ltmp9, $4  }
0x226: {  	v3 =	vadd.f32 v5, v8;
	v7 =	vpop (erf)  }
0x227: {  	v5 =	vld [tilespmem:s26+$0x2980];
	v8 =	vmul.f32 $1.442695020e+00, v6;
	[tilespmem:s0+$0x5180] =	vst v7;
	s0 =	smov.u32 s1;
	s1 =	smov.u32 s11;
	s11 =	smov.u32 s13  }
0x228: {  	s13 =	smov.u32 s26;
	v6 =	vmul.f32 $2.000000030e-01, v3  }
0x229: {  	vm0 =	vgt.f32 v3, $0.0e+00;
	(erf) = vpow2.f32 v8  }
0x22a: {  	v4 =	vperm.xlane v4, v1;
	_ =	sdelay $0x1  }
0x22b: {  	v4 =	vadd.f32 v5, v4;
	_ =	sdelay $0x1  }
0x22c: {  	v5 =	vmul.f32 $2.000000030e-01, v4  }
0x22d: {  	v3 =	vsel vm0, v3, v6;
	vm15 =	vgt.f32 v4, $0.0e+00  }
0x22e: {  	v3 =	vsub.f32 v3, v2;
	v4 =	vsel vm15, v4, v5  }
0x22f: {  	v2 =	vsub.f32 v4, v2  }
0x230: {  	v3 =	vmul.f32 $1.442695020e+00, v3  }
0x231: {  	v2 =	vmul.f32 $1.442695020e+00, v2  }
0x232: {  	(erf) = vpow2.f32 v3  }
0x233: {  	(erf) = vpow2.f32 v2;
	_ =	sdelay $0x5  }
0x234: {  	v2 =	vpop (erf)  }
0x235: {  	v3 =	vpop (erf);
	[tilespmem:s0+$0x5180] =	vst v2  }
0x236: {  	[tilespmem:s1+$0x5180] =	vst v3;
	v2 =	vpop (erf)  }
0x237: {  	[tilespmem:s11+$0x5180] =	vst v2;
	v2 =	vpop (erf)  }
0x238: {  	[tilespmem:s13+$0x5180] =	vst v2  }
0x239: {  	_ =	swait.ge [sflag:s28], $0x2800  }
0x23a: {  	[sflag:s28] =	ssyncset.done $0x0  }
0x23b: {  	s0 =	simm.s32 $0x0;
	[sflag:s28] =	ssyncadd.s32 $0xFFFFD800  }
0x23c: {  	v2 =	vld [tilespmem:s0+$0x5180];
	_ =	sdelay $0x3  }
0x23d: {  	s1 =	simm.s32 $0x7980  }
0x23e: {  	[tilespmem:s1+$0x0] =	vst v2  }
0x23f: {  	v10 =	vld [tilespmem:s0+$0x7EF0]  }
0x240: {  	v8 =	vld [tilespmem:s0+$0x7EA0]  }
0x241: {  	v7 =	vld [tilespmem:s0+$0x7ED0]  }
0x242: {  	v12 =	vbroadcast v2, $0x7;
	v5 =	vld [tilespmem:s0+$0x7EE0]  }
0x243: {  	v3 =	vbroadcast v2, $0x6;
	v11 =	vbroadcast v2, $0x2;
	v6 =	vld [tilespmem:s0+$0x7EC0]  }
0x244: {  	s11 =	simm.s32 $0x200;
	v9 =	vbroadcast v2, $0x5;
	v4 =	vld [tilespmem:s0+$0x7EB0];
	v10 =	vmul.f32 v10, v12  }
.LBB2_23:
0x245: {  	p1 =	sne.s32 s11, $0x9E00  }
0x246: {  	v12 =	vld [tilespmem:s0+$0x7E80];
	v8 =	vmul.f32 v8, v11;
	s1 =	sadd.s32 $0x10, s1;
	s13 =	smov.u32 s11;
	s11 =	sadd.s32 $0x200, s11  }
0x247: {  	v13 =	vbroadcast v2, $0x4;
	v11 =	vld [tilespmem:s0+$0x7E90];
	v7 =	vmul.f32 v7, v9;
	[tilespmem:s0+$0x7EF0] =	vst v10  }
0x248: {  	s13 =	sshra.s32 s13, $0x2;
	[tilespmem:s0+$0x7EA0] =	vst v8;
	v8 =	vbroadcast v2, $0x3;
	v3 =	vmul.f32 v5, v3  }
0x249: {  	v9 =	vbroadcast v2, $0x0;
	v5 =	vld [tilespmem:s13+$0x5180];
	v6 =	vmul.f32 v6, v13;
	[tilespmem:s0+$0x7ED0] =	vst v7  }
0x24a: {  	v2 =	vbroadcast v2, $0x1;
	v4 =	vmul.f32 v4, v8;
	[tilespmem:s0+$0x7EE0] =	vst v3  }
0x24b: {  	v3 =	vmul.f32 v12, v9;
	[tilespmem:s0+$0x7EC0] =	vst v6  }
0x24c: {  	v6 =	vmul.f32 v11, v2;
	[tilespmem:s0+$0x7EB0] =	vst v4  }
0x24d: {  	[tilespmem:s0+$0x7E80] =	vst v3  }
0x24e: {  	v3 =	vbroadcast v5, $0x6;
	[tilespmem:s0+$0x7E90] =	vst v6;
	v2 =	vmov v5;
	s0 =	smov.u32 s13  }
0x24f: {  	[tilespmem:s1+$0x0] =	vst v2  }
0x250: {  	v10 =	vld [tilespmem:s0+$0x7EF0]  }
.Ltmp10:
0x251: {  	v8 =	vld [tilespmem:s0+$0x7EA0];
	(pc) =	sbr.rel @p1 .LBB2_23-.Ltmp10, $4  }
0x252: {  	v12 =	vbroadcast v2, $0x7;
	v7 =	vld [tilespmem:s0+$0x7ED0]  }
0x253: {  	v5 =	vld [tilespmem:s0+$0x7EE0]  }
0x254: {  	v11 =	vbroadcast v2, $0x2;
	v6 =	vld [tilespmem:s0+$0x7EC0]  }
0x255: {  	v9 =	vbroadcast v2, $0x5;
	v4 =	vld [tilespmem:s0+$0x7EB0];
	v10 =	vmul.f32 v10, v12  }
0x256: {  	v12 =	vld [tilespmem:s0+$0x7E80];
	v8 =	vmul.f32 v8, v11  }
0x257: {  	v61 =	vld [tilespmem:s0+$0x7E90];
	v13 =	vbroadcast v2, $0x4;
	v7 =	vmul.f32 v7, v9;
	[tilespmem:s0+$0x7EF0] =	vst v10  }
0x258: {  	v62 =	vbroadcast v2, $0x3;
	[tilespmem:s0+$0x7EA0] =	vst v8;
	v3 =	vmul.f32 v5, v3  }
0x259: {  	v63 =	vbroadcast v2, $0x0;
	v6 =	vmul.f32 v6, v13;
	[tilespmem:s0+$0x7ED0] =	vst v7  }
0x25a: {  	v2 =	vbroadcast v2, $0x1;
	v4 =	vmul.f32 v4, v62;
	[tilespmem:s0+$0x7EE0] =	vst v3  }
0x25b: {  	v3 =	vmul.f32 v12, v63;
	[tilespmem:s0+$0x7EC0] =	vst v6  }
0x25c: {  	v2 =	vmul.f32 v61, v2;
	[tilespmem:s0+$0x7EB0] =	vst v4  }
0x25d: {  	[tilespmem:s0+$0x7E80] =	vst v3  }
0x25e: {  	[tilespmem:s0+$0x7E90] =	vst v2  }
0x25f: {  	[spmem:s2] =	stream.indirect.scatter.add.f32 [tilespmem:s17], [sflag:$0x4], $0x80, s20, s14, $0xb8;
	[tilespmem:$0x1DF80] =	vst v63  }
0x260: {  	s9 =	sadd.s32 $0x1, s9;
	_ =	swait.ge [sflag:s12], $0x2800  }
0x261: {  	s26 =	sshll.u32 s10, $0x1;
	p1 =	sne.s32 s9, $0x7D;
	[sflag:s12] =	ssyncset.done $0x0  }
.Ltmp11:
0x262: {  	s0 =	sadd.s32 s26, s23;
	[sflag:s12] =	ssyncadd.s32 $0xFFFFD800;
	(pc) =	sbr.rel @p1 .LBB2_20-.Ltmp11, $4  }
0x263: {  	[hbm4b:s0+s3] =	stream.linear.scatter [tilespmem:s29], [sflag:$0x4], $0x500, $0x38;
	[tilespmem:$0x1DF80] =	vst v63  }
0x264: {  	_ =	swait.ge [sflag:s12], $0x500  }
0x265: {  	[sflag:s12] =	ssyncset.done $0x0  }
0x266: {  	[sflag:s12] =	ssyncadd.s32 $0xFFFFFB00  }
0x267: {  	[bflag:$0x0] =	sbarrier.arrive $0xFFFF  }
0x268: {  	s0 =	simm.s32 @p0 $0x1FC4;
	s1 =	rddreg [dreg:$0x10]  }
0x269: {  	[hbm:s1], [sflag:s0] =	dma.local @p0 [spmem:s31], $0x1900  }
0x26a: {  	s0 =	simm.s32 @p0 $0x4  }
0x26b: {  	_ =	swait.ge @p0 [sflag:s0], $0x1900  }
0x26c: {  	s1 =	rddreg [dreg:$0x1c]  }
0x26d: {  	[sflag:s0] =	ssyncset.done @p0 $0x0;
	s4 =	rddreg [dreg:$0x1d]  }
0x26e: {  	[sflag:s0] =	ssyncadd.s32 @p0 $0xFFFFE700;
	s0 =	rddreg [dreg:$0x19]  }
0x26f: {  	[hbm:s0], [sflag:s1] =	dma.local @!p0 [spmem:s4], $0x2800  }
0x270: {  	s0 =	simm.s32 @!p0 $0x4  }
0x271: {  	_ =	swait.ge @!p0 [sflag:s0], $0x2800  }
0x272: {  	s26 =	rddreg [dreg:$0x1a]  }
0x273: {  	s31 =	rddreg [dreg:$0x11];
	s1 =	sadd.s32 $0x1, s26  }
0x274: {  	p1 =	sne.s32 s1, s31  }
.Ltmp12:
0x275: {  	_ = 	snop;
	(pc) =	sbr.rel @p1 .LBB2_1-.Ltmp12, $3  }
0x276: {  	[sflag:s0] =	ssyncset.done @!p0 $0x0  }
0x277: {  	[sflag:s0] =	ssyncadd.s32 @!p0 $0xFFFFD800  }
0x278: {  	[bflag:$0x0] =	sbarrier.arrive $0xFFFF;
	_ =	sdelay $0x1  }
0x279: {  	_ =	sfence.sel $0x180000  }
0x27a: {  	[bflag:$0x0] =	sbarrier.arrive $0xFFFF  }
0x27b: {  	_ =	strace $0x90000047  }
0x27c: {  	s0 =	stileid.u32;
	[bflag:$0x2] =	sbarrier.arrive $0xFFFF  }
0x27d: {  	p0 =	sne.s32 s0, $0x0;
	s0 =	rddreg [dreg:$0x3]  }
0x27e: {  	s0 =	sadd.s32 @!p0 $0x100000, s0  }
0x27f: {  	[sflag:s0] =	ssyncadd.tile.s32 @!p0 $0x1;
	_ =	shalt  }
.Lfunc_end2:
_tile_overlayer_lowered:
.L_overlay_start_2:
0x280: {  	(tag) =	ssettag $0x2  }
0x281: {  	s0 =	rddreg [dreg:$0x0];
	s2 =	stileid.u32  }
0x282: {  	s1 =	rddreg [dreg:$0x1];
	p0 =	sne.s32 s2, $0x0  }
0x283: {  	s3 =	rddreg [dreg:$0x2];
	[bflag:$0x3] =	sbarrier.arrive $0xFFFF;
	s2 =	simm.s32 @!p0 $0x1C04  }
0x284: {  	[timem:s3], [sflag:s2] =	dma.local @!p0 [hbm:s0], s1  }
0x285: {  	s0 =	simm.s32 @!p0 $0x4  }
0x286: {  	_ =	swait.ge @!p0 [sflag:s0], s1  }
0x287: {  	s1 =	ssub.s32 @!p0 $0x0, s1;
	[sflag:s0] =	ssyncset.done @!p0 $0x0  }
0x288: {  	[sflag:s0] =	ssyncadd.s32 @!p0 s1  }
0x289: {  	[bflag:$0x3] =	sbarrier.arrive $0xFFFF  }
0x28a: {  	_ =	shalt  }

// kernel: kernel.9.cloned.1.call-start
scs
__scs_entry_jumppad:
0x0: {  	(pc) =	sbr.rel $0x88, $3  }
0x1: {  	(tag) =	ssettag $0x0;
	lr =	simm.s32 $0x1  }
0x2: {  	[smem:$0x3F99] =	sst lr;
	_ =	strace $0xD0000000  }
0x3: {  	_ = 	snop  }
0x4: {  	_ = 	snop  }
0x5: {  	_ = 	snop  }
0x6: {  	_ = 	snop  }
0x7: {  	_ = 	snop  }
__scs_overlays_trampoline_lowered:
0x8: {  	[smem:$0x3FA8] =	sst s0  }
0x9: {  	[smem:$0x3FA9] =	sst s1  }
0xa: {  	[smem:$0x3FAA] =	sst s2  }
0xb: {  	[smem:$0x3FAB] =	sst s3  }
0xc: {  	[smem:$0x3FAC] =	sst s4  }
0xd: {  	[smem:$0x3FAD] =	sst s5  }
0xe: {  	[smem:$0x3FAE] =	sst s6  }
0xf: {  	[smem:$0x3FAF] =	sst s7  }
0x10: {  	[smem:$0x3FB0] =	sst s8  }
0x11: {  	[smem:$0x3FB1] =	sst s9;
	s0 =	simm.s32 @!p0 $0x0  }
0x12: {  	s1 =	sld [smem:$0x3F97];
	s0 =	simm.s32 @p0 $0x1  }
0x13: {  	[smem:$0x3FB2] =	sst s0;
	s0 =	simm.s32 @!p1 $0x0  }
0x14: {  	s2 =	sld [smem:$0x3F96];
	s0 =	simm.s32 @p1 $0x1  }
0x15: {  	[smem:$0x3FB3] =	sst s0;
	s0 =	simm.s32 @!p2 $0x0  }
0x16: {  	s3 =	sld [smem:$0x3FDB];
	s0 =	simm.s32 @p2 $0x1  }
0x17: {  	s4 =	simm.s32 $0x1BF5;
	[smem:$0x3FB5] =	sst s0  }
0x18: {  	s0 =	sld [smem:$0x3F98];
	_ =	swait.ge [sflag:s4], $0x0  }
0x19: {  	s7 =	sld [smem:$0x3F99]  }
0x1a: {  	s8 =	sadd.s32 $0xFFFFE003, lr  }
0x1b: {  	s9 =	sadd.s32 $0xFFFFFEF7, lr;
	s5 =	simm.s32 $0xFFFFFFFF;
	p2 =	slt.u32 s8, $0xFFFFF086  }
0x1c: {  	p1 =	slt.u32 s9, $0xF7A;
	s5 =	simm.s32 @!p2 $0x0  }
0x1d: {  	s5 =	simm.s32 @p1 $0x1;
	p0 =	seq.s32 s7, s2  }
0x1e: {  	s7 =	smul.u32 @!p0 $0xF7A, s2;
	p2 =	seq.s32 @!p0 s5, $0x0  }
0x1f: {  	s9 =	smul.u32 $0xF7A, s1;
	s8 =	simm.s32 @!p0 $0x1BF5;
	p2 =	por !p2, p0  }
0x20: {  	[sflag:s8] =	ssyncset.s32 @!p0 $0xFFFFF086;
	s6 =	sadd.s32 @!p0 s3, s7;
	s7 =	simm.s32 @!p0 $0x108  }
0x21: {  	s3 =	sadd.s32 s3, s9;
	s6 =	sadd.s32 @!p0 $0x88, s6;
	s7 =	simm.s32 @p2 $0x1082  }
0x22: {  	[simem:s7], [sflag:s8] =	dma.local @!p0 [hbm:s6], $0xF7A  }
0x23: {  	s9 =	sor.u32 $0xD0000000, s2;
	s6 =	simm.s32 $0x108;
	_ =	swait.ge @!p0 [sflag:s8], $0x0  }
0x24: {  	s3 =	sadd.s32 $0x88, s3;
	s6 =	simm.s32 @!p1 $0x1082;
	[sflag:s4] =	ssyncset.s32 $0xFFFFF086  }
0x25: {  	[simem:s6], [sflag:s4] =	dma.local [hbm:s3], $0xF7A  }
0x26: {  	[smem:$0x3F99] =	sst s1;
	(tag) =	ssettag s2;
	_ =	strace s9  }
0x27: {  	s1 =	sld [smem:$0x3FA9]  }
0x28: {  	s2 =	sld [smem:$0x3FAA]  }
0x29: {  	s4 =	sld [smem:$0x3FAC]  }
0x2a: {  	p0 =	seq.s32 s5, $0x0;
	s5 =	sld [smem:$0x3FAD]  }
0x2b: {  	s6 =	sld [smem:$0x3FAE]  }
0x2c: {  	s7 =	sld [smem:$0x3FAF]  }
0x2d: {  	s3 =	simm.s32 $0x108;
	s8 =	sld [smem:$0x3FB0]  }
0x2e: {  	s3 =	simm.s32 @!p0 $0x1082;
	s9 =	sld [smem:$0x3FB1]  }
0x2f: {  	lr =	sadd.s32 s0, s3;
	s0 =	sld [smem:$0x3FA8]  }
0x30: {  	s3 =	sld [smem:$0x3FAB]  }
0x31: {  	[smem:$0x3FB4] =	sst s10  }
0x32: {  	s10 =	sld [smem:$0x3FB2];
	_ =	sdelay $0x3  }
0x33: {  	p0 =	seq.s32 s10, $0x1;
	s10 =	sld [smem:$0x3FB4];
	_ =	sdelay $0x3  }
0x34: {  	[smem:$0x3FB4] =	sst s10  }
0x35: {  	s10 =	sld [smem:$0x3FB3];
	_ =	sdelay $0x3  }
0x36: {  	p1 =	seq.s32 s10, $0x1;
	s10 =	sld [smem:$0x3FB4];
	_ =	sdelay $0x3  }
0x37: {  	[smem:$0x3FB4] =	sst s10  }
0x38: {  	s10 =	sld [smem:$0x3FB5]  }
0x39: {  	_ = 	snop;
	(pc) =	sbr.ind lr, $3  }
0x3a: {  	_ = 	snop  }
0x3b: {  	_ = 	snop  }
0x3c: {  	p2 =	seq.s32 s10, $0x1;
	s10 =	sld [smem:$0x3FB4]  }
0x3d: {  	_ =	shalt  }
0x3e: {  	_ =	shalt  }
0x3f: {  	_ =	shalt  }
0x40: {  	_ =	shalt  }
0x41: {  	_ =	shalt  }
0x42: {  	_ =	shalt  }
0x43: {  	_ =	shalt  }
0x44: {  	_ =	shalt  }
0x45: {  	_ =	shalt  }
0x46: {  	_ =	shalt  }
0x47: {  	_ =	shalt  }
0x48: {  	_ =	shalt  }
0x49: {  	_ =	shalt  }
0x4a: {  	_ =	shalt  }
0x4b: {  	_ =	shalt  }
0x4c: {  	_ =	shalt  }
0x4d: {  	_ =	shalt  }
0x4e: {  	_ =	shalt  }
0x4f: {  	_ =	shalt  }
0x50: {  	_ =	shalt  }
0x51: {  	_ =	shalt  }
0x52: {  	_ =	shalt  }
0x53: {  	_ =	shalt  }
0x54: {  	_ =	shalt  }
0x55: {  	_ =	shalt  }
0x56: {  	_ =	shalt  }
0x57: {  	_ =	shalt  }
0x58: {  	_ =	shalt  }
0x59: {  	_ =	shalt  }
0x5a: {  	_ =	shalt  }
0x5b: {  	_ =	shalt  }
0x5c: {  	_ =	shalt  }
0x5d: {  	_ =	shalt  }
0x5e: {  	_ =	shalt  }
0x5f: {  	_ =	shalt  }
0x60: {  	_ =	shalt  }
0x61: {  	_ =	shalt  }
0x62: {  	_ =	shalt  }
0x63: {  	_ =	shalt  }
0x64: {  	_ =	shalt  }
0x65: {  	_ =	shalt  }
0x66: {  	_ =	shalt  }
0x67: {  	_ =	shalt  }
0x68: {  	_ =	shalt  }
0x69: {  	_ =	shalt  }
0x6a: {  	_ =	shalt  }
0x6b: {  	_ =	shalt  }
0x6c: {  	_ =	shalt  }
0x6d: {  	_ =	shalt  }
0x6e: {  	_ =	shalt  }
0x6f: {  	_ =	shalt  }
0x70: {  	_ =	shalt  }
0x71: {  	_ =	shalt  }
0x72: {  	_ =	shalt  }
0x73: {  	_ =	shalt  }
0x74: {  	_ =	shalt  }
0x75: {  	_ =	shalt  }
0x76: {  	_ =	shalt  }
0x77: {  	_ =	shalt  }
0x78: {  	_ =	shalt  }
0x79: {  	_ =	shalt  }
0x7a: {  	_ =	shalt  }
0x7b: {  	_ =	shalt  }
0x7c: {  	_ =	shalt  }
0x7d: {  	_ =	shalt  }
0x7e: {  	_ =	shalt  }
0x7f: {  	_ =	shalt  }
0x80: {  	_ =	shalt  }
0x81: {  	_ =	shalt  }
0x82: {  	_ =	shalt  }
0x83: {  	_ =	shalt  }
0x84: {  	_ =	shalt  }
0x85: {  	_ =	shalt  }
0x86: {  	_ =	shalt  }
0x87: {  	_ =	shalt  }
.Lfunc_end0:
.L_simem_size_0:
called_computation.1_lowered:
.L_overlay_start_0:
0x88: {  	s2 =	sld [smem:$0x3FD9]  }
0x89: {  	s3 =	sld [smem:$0x3FFE];
	_ =	sdelay $0x1  }
0x8a: {  	s1 =	srdreg.scid  }
0x8b: {  	s0 =	sand.u32 $0x1, s1  }
0x8c: {  	s16 =	sshll.u32 s0, $0xA;
	s2 =	sadd.s32 s3, s2  }
0x8d: {  	s2 =	sadd.s32 s2, s16  }
0x8e: {  	[smem:$0x3FC0] =	sst s2  }
0x8f: {  	_ = 	snop  }
0x90: {  	(tm) =	ssettm $0x1  }
0x91: {  	s17 =	sld [smem:$0x3FFB];
	_ =	sdelay $0x3  }
0x92: {  	_ =	strace s17  }
0x93: {  	s2 =	sld [smem:$0x3FFC];
	_ =	sdelay $0x3  }
0x94: {  	_ =	strace s2  }
0x95: {  	s2 =	sld [smem:$0x3FFD];
	_ =	sdelay $0x3  }
0x96: {  	_ =	strace s2  }
0x97: {  	_ =	strace $0x8FFFFFFF  }
0x98: {  	s18 =	sld [smem:$0x3FDB];
	_ =	sdelay $0x1  }
0x99: {  	s19 =	simm.s32 $_scs_section_size  }
0x9a: {  	s4 =	simm.s32 $_size__tile_overlayer_lowered;
	s5 =	simm.s32 $_tile_overlayer_lowered  }
0x9b: {  	s22 =	simm.s32 $0x1BFF;
	s21 =	sshll.u32 s5, $0x1;
	s2 =	sadd.s32 s19, s18  }
0x9c: {  	s6 =	simm.s32 $0x0;
	s20 =	sshll.u32 s4, $0x1;
	s4 =	sadd.s32 s21, s2  }
0x9d: {  	[timem:s6], [sflag:s22] =	dma.local [hbm:s4], s20  }
0x9e: {  	_ =	swait.ge [sflag:s22], s20  }
0x9f: {  	s3 =	ssub.s32 $0x0, s20;
	[sflag:s22] =	ssyncset.done $0x0  }
0xa0: {  	[sflag:s22] =	ssyncadd.s32 s3;
	_ =	sdelay $0x1  }
0xa1: {  	s23 =	simm.s32 $0x1B8B  }
0xa2: {  	_ =	swait.ge [sflag:s23], $0x1  }
0xa3: {  	[sflag:s23] =	ssyncset.done $0x0  }
0xa4: {  	s25 =	simm.s32 $0x1B8E;
	s24 =	sld [smem:$0x3FFE];
	[sflag:s23] =	ssyncadd.s32 $0xFFFFFFFF  }
0xa5: {  	s26 =	simm.s32 $execute0_lowered;
	[smem:$0x3FD2] =	sst s25  }
0xa6: {  	s4 =	sshll.u32 s26, $0x1;
	_ =	strace $0x80000049;
	[dreg:$0x1] =	wrdreg $0xFFFFFFFF  }
0xa7: {  	s28 =	simm.s32 $_size_execute0_lowered;
	s2 =	sadd.s32 s2, s4;
	[dreg:$0x0] =	wrdreg $0x0  }
0xa8: {  	s4 =	sshll.u32 s28, $0x1;
	[dreg:$0x2] =	wrdreg s2  }
0xa9: {  	[dreg:$0x3] =	wrdreg s4  }
0xaa: {  	[dreg:$0x4] =	wrdreg $0xC0  }
0xab: {  	_ =	task [dreg:s6], $0x5FFFF  }
0xac: {  	[dreg:$0x1] =	wrdreg $0xFFFFFFFF  }
0xad: {  	[dreg:$0x0] =	wrdreg $0x60  }
0xae: {  	[dreg:$0x2] =	wrdreg s24  }
0xaf: {  	[dreg:$0x3] =	wrdreg $0x2D800  }
0xb0: {  	[dreg:$0x4] =	wrdreg $0x9  }
0xb1: {  	_ =	task.clear_ibuf [dreg:s6], $0x5FFFF;
	_ =	strace $0x90000049  }
0xb2: {  	s29 =	simm.s32 $0x9;
	_ =	strace $0x8000004B  }
0xb3: {  	_ =	swait.ge [sflag:s29], $0x1  }
0xb4: {  	[sflag:s29] =	ssyncadd.s32 $0xFFFFFFFF  }
0xb5: {  	_ =	strace $0x9000004B  }
0xb6: {  	_ =	sfence  }
0xb7: {  	s30 =	sld [smem:$0x0];
	_ =	sdelay $0x2  }
0xb8: {  	s31 =	sshll.u32 s1, $0xD;
	s1 =	sshrl.u32 s1, $0x2  }
0xb9: {  	s3 =	sand.u32 $0x4000, s31;
	s1 =	sadd.s32 s1, s30  }
0xba: {  	s0 =	sor.u32 s3, s0;
	s1 =	sshll.u32 s1, $0x11  }
0xbb: {  	s0 =	sor.u32 s1, s0  }
0xbc: {  	s0 =	sadd.s32 $0x8F2B, s0  }
0xbd: {  	[sflag:s0] =	ssyncadd.remote.s32 $0x1  }
0xbe: {  	_ =	sfence.sel $0xFFFF  }
0xbf: {  	[dreg:$0x0] =	wrdreg $0xFFFFFFFF;
	(pc) =	sbr.abs _section_cstart, $3  }
0xc0: {  	[dreg:$0x1] =	wrdreg $0xFFFFFFFF  }
0xc1: {  	_ =	task.clear_ibuf [dreg:s6], $0x2FFFF;
	_ =	strace $0x9FFFFFFF  }
0xc2: {  	(tm) =	ssettm $0x7FFFFFFF  }
0xc3: {  	_ =	shalt  }
tec
execute0_lowered:
.L_overlay_start_1:
0x0: {  	(tag) =	ssettag $0x1  }
0x1: {  	s0 =	rddreg [dreg:$0x0]  }
0x2: {  	s2 =	rddreg [dreg:$0x1];
	s3 =	simm.s32 $0x0;
	s13 =	stileid.u32  }
0x3: {  	s1 =	srdreg.scid;
	s30 =	simm.s32 $0x580;
	s31 =	simm.s32 $0x1  }
0x4: {  	[smem:$0x7FF] =	sst s3;
	s6 =	smul.u32 $0x50000, s13;
	s4 =	sadd.s32 $0x3200, s0  }
0x5: {  	s5 =	sadd.s32 $0x212C00, s0;
	s1 =	sand.u32 $0x1, s1;
	s9 =	sadd.s32 $0x4D1E00, s0  }
0x6: {  	s10 =	sshll.u32 s13, $0x1;
	s19 =	smul.u32 $0x14000, s13;
	s15 =	sadd.s32 $0x12E800, s2  }
0x7: {  	s21 =	sadd.s32 $0x131000, s2;
	s22 =	sadd.s32 $0x133800, s2;
	p0 =	seq.s32 s13, $0xF  }
0x8: {  	s26 =	sadd.s32 $0x136000, s2;
	_ =	strace $0x8000004A;
	[dreg:$0x8] =	wrdreg s15  }
0x9: {  	s7 =	ssub.s32 $0x2, s1;
	[dreg:$0x9] =	wrdreg s21;
	s6 =	sshrl.u32 s6, $0x2  }
0xa: {  	s10 =	sor.u32 s1, s10;
	[dreg:$0xa] =	wrdreg s22;
	s6 =	sadd.s32 s6, s2  }
0xb: {  	s1 =	smul.u32 $0x138800, s1;
	[dreg:$0xf] =	wrdreg s26;
	s12 =	sadd.s32 $0x7800, s6  }
0xc: {  	s21 =	sadd.s32 $0x2AF000, s0;
	s17 =	sadd.s32 $0xA000, s6;
	[dreg:$0x3] =	wrdreg s12  }
0xd: {  	s8 =	sshrl.u32 s7, $0x1;
	s18 =	sadd.s32 $0xC800, s6;
	[dreg:$0x4] =	wrdreg s17  }
0xe: {  	s11 =	ssub.s32 s7, s8;
	s14 =	sadd.s32 $0xF000, s6;
	[dreg:$0x5] =	wrdreg s18  }
0xf: {  	s7 =	sadd.s32 $0x2800, s6;
	s20 =	sadd.s32 $0x11800, s6;
	[dreg:$0x6] =	wrdreg s14  }
0x10: {  	s8 =	sadd.s32 $0x5000, s6;
	s25 =	smax.u32 s11, $0x1;
	[dreg:$0x7] =	wrdreg s20  }
0x11: {  	s14 =	sadd.s32 $0x12C000, s2;
	s12 =	sadd.s32 s19, s1;
	s1 =	sshrl.u32 s1, $0x3  }
0x12: {  	s18 =	smul.u32 $0x2710, s10;
	s12 =	sshrl.u32 s12, $0x3;
	s1 =	sadd.s32 s9, s1  }
0x13: {  	[dreg:$0xe] =	wrdreg s25;
	s19 =	sadd.s32 s9, s12;
	s9 =	sadd.s32 $0x25800, s1  }
0x14: {  	s23 =	sadd.s32 $0x73A00, s1;
	s24 =	sadd.s32 $0xC1C00, s1;
	[dreg:$0xb] =	wrdreg s9  }
0x15: {  	s1 =	simm.s32 $0x50;
	[dreg:$0xc] =	wrdreg s23;
	s23 =	sadd.s32 $0x34B400, s0  }
0x16: {  	[dreg:$0xd] =	wrdreg s24;
	s28 =	sadd.s32 $0x4E200, s19;
	s29 =	sadd.s32 $0x9C400, s19  }
0x17: {  	v0 =	vimm.f32 $0.0e+00;
	s0 =	simm.s32 $0x80;
	s9 =	simm.s32 $0x0;
	[dreg:$0x10] =	wrdreg s28  }
.LBB2_1:
0x18: {  	s10 =	simm.s32 $0x0;
	s11 =	simm.s32 $0x200  }
.LBB2_2:
0x19: {  	p1 =	sne.s32 s11, $0x9E00;
	[tilespmem:s10+$0x5F0] =	vst v0  }
0x1a: {  	[tilespmem:s10+$0x580] =	vst v0  }
0x1b: {  	[tilespmem:s10+$0x590] =	vst v0  }
.Ltmp0:
0x1c: {  	[tilespmem:s10+$0x5A0] =	vst v0;
	(pc) =	sbr.rel @p1 .LBB2_2-.Ltmp0, $4  }
0x1d: {  	[tilespmem:s10+$0x5B0] =	vst v0  }
0x1e: {  	[tilespmem:s10+$0x5C0] =	vst v0  }
0x1f: {  	[tilespmem:s10+$0x5D0] =	vst v0  }
0x20: {  	[tilespmem:s10+$0x5E0] =	vst v0;
	s10 =	sshra.s32 s11, $0x2;
	s11 =	sadd.s32 $0x200, s11  }
0x21: {  	[tilespmem:s10+$0x5F0] =	vst v0  }
0x22: {  	[tilespmem:s10+$0x580] =	vst v0  }
0x23: {  	[tilespmem:s10+$0x590] =	vst v0  }
0x24: {  	[tilespmem:s10+$0x5A0] =	vst v0  }
0x25: {  	[tilespmem:s10+$0x5B0] =	vst v0  }
0x26: {  	[tilespmem:s10+$0x5C0] =	vst v0  }
0x27: {  	[tilespmem:s10+$0x5D0] =	vst v0  }
0x28: {  	[tilespmem:s10+$0x5E0] =	vst v0;
	s10 =	simm.s32 @!p0 $0x580;
	s11 =	simm.s32 @!p0 $0x1  }
0x29: {  	[spmem:s6] =	stream.linear.scatter @!p0 [tilespmem:s10], [sflag:$0x1], $0x2800, $0x38;
	[tilespmem:$0x16600] =	vst v63  }
0x2a: {  	_ =	swait.ge @!p0 [sflag:s11], $0x2800  }
0x2b: {  	[sflag:s11] =	ssyncset.done @!p0 $0x0  }
0x2c: {  	[sflag:s11] =	ssyncadd.s32 @!p0 $0xFFFFD800  }
0x2d: {  	[spmem:s7] =	stream.linear.scatter @!p0 [tilespmem:s10], [sflag:$0x1], $0x2800, $0x38;
	[tilespmem:$0x16600] =	vst v63  }
0x2e: {  	_ =	swait.ge @!p0 [sflag:s11], $0x2800  }
0x2f: {  	[sflag:s11] =	ssyncset.done @!p0 $0x0  }
0x30: {  	[sflag:s11] =	ssyncadd.s32 @!p0 $0xFFFFD800  }
0x31: {  	[spmem:s8] =	stream.linear.scatter @!p0 [tilespmem:s10], [sflag:$0x1], $0x2800, $0x38;
	[tilespmem:$0x16600] =	vst v63  }
0x32: {  	_ =	swait.ge @!p0 [sflag:s11], $0x2800  }
0x33: {  	[sflag:s11] =	ssyncset.done @!p0 $0x0;
	s10 =	rddreg [dreg:$0x3]  }
0x34: {  	[sflag:s11] =	ssyncadd.s32 @!p0 $0xFFFFD800;
	s10 =	smov.u32 @p0 s14  }
0x35: {  	[spmem:s10] =	stream.linear.scatter [tilespmem:s30], [sflag:$0x1], $0x2800, $0x38;
	[tilespmem:$0x16600] =	vst v63  }
0x36: {  	_ =	swait.ge [sflag:s31], $0x2800  }
0x37: {  	s11 =	rddreg [dreg:$0x4]  }
0x38: {  	[sflag:s31] =	ssyncset.done $0x0;
	s12 =	rddreg [dreg:$0x8]  }
0x39: {  	s11 =	smov.u32 @p0 s12;
	[sflag:s31] =	ssyncadd.s32 $0xFFFFD800  }
0x3a: {  	[spmem:s11] =	stream.linear.scatter [tilespmem:s30], [sflag:$0x1], $0x2800, $0x38;
	[tilespmem:$0x16600] =	vst v63  }
0x3b: {  	_ =	swait.ge [sflag:s31], $0x2800  }
0x3c: {  	s15 =	rddreg [dreg:$0x5]  }
0x3d: {  	[sflag:s31] =	ssyncset.done $0x0;
	s12 =	rddreg [dreg:$0x9]  }
0x3e: {  	s15 =	smov.u32 @p0 s12;
	[sflag:s31] =	ssyncadd.s32 $0xFFFFD800  }
0x3f: {  	[spmem:s15] =	stream.linear.scatter [tilespmem:s30], [sflag:$0x1], $0x2800, $0x38;
	[tilespmem:$0x16600] =	vst v63  }
0x40: {  	_ =	swait.ge [sflag:s31], $0x2800  }
0x41: {  	s12 =	rddreg [dreg:$0x6]  }
0x42: {  	[sflag:s31] =	ssyncset.done $0x0;
	s13 =	rddreg [dreg:$0xa]  }
0x43: {  	s12 =	smov.u32 @p0 s13;
	[sflag:s31] =	ssyncadd.s32 $0xFFFFD800  }
0x44: {  	[spmem:s12] =	stream.linear.scatter [tilespmem:s30], [sflag:$0x1], $0x2800, $0x38;
	[tilespmem:$0x16600] =	vst v63  }
0x45: {  	_ =	swait.ge [sflag:s31], $0x2800  }
0x46: {  	s13 =	rddreg [dreg:$0x7]  }
0x47: {  	[sflag:s31] =	ssyncset.done $0x0;
	s16 =	rddreg [dreg:$0xf]  }
0x48: {  	s13 =	smov.u32 @p0 s16;
	[sflag:s31] =	ssyncadd.s32 $0xFFFFD800  }
0x49: {  	[spmem:s13] =	stream.linear.scatter [tilespmem:s30], [sflag:$0x1], $0x2800, $0x38;
	[tilespmem:$0x16600] =	vst v63  }
0x4a: {  	_ =	swait.ge [sflag:s31], $0x2800  }
0x4b: {  	[sflag:s31] =	ssyncset.done $0x0  }
0x4c: {  	[sflag:s31] =	ssyncadd.s32 $0xFFFFD800  }
0x4d: {  	s17 =	simm.s32 $0x0;
	s16 =	simm.s32 $0x0;
	[bflag:$0x0] =	sbarrier.arrive $0xFFFF  }
.LBB2_4:
0x4e: {  	s20 =	smul.u32 $0x50, s17;
	_ =	sdelay $0x1  }
0x4f: {  	s20 =	sadd.s32 s18, s20  }
0x50: {  	s22 =	sshrl.u32 s20, $0x3  }
0x51: {  	s22 =	sadd.s32 s4, s22  }
0x52: {  	s22 =	sadd.s32 $0x9C40, s22  }
0x53: {  	[tilespmem:s16], [sflag:$0x1] =	stream.linear.gather [hbm4b:s22+s16], $0x50, $0x38;
	[tilespmem:$0x16600] =	vst v63  }
0x54: {  	_ =	swait.ge [sflag:s31], $0x50  }
0x55: {  	s20 =	sshll.u32 s20, $0x1;
	[sflag:s31] =	ssyncset.done $0x0  }
0x56: {  	s20 =	sadd.s32 s5, s20;
	[sflag:s31] =	ssyncadd.s32 $0xFFFFFFB0  }
0x57: {  	[tilespmem:s0], [sflag:$0x1] =	stream.linear.gather [hbm4b:s20+s16], $0x500, $0x38;
	[tilespmem:$0x16600] =	vst v63  }
0x58: {  	_ =	swait.ge [sflag:s31], $0x500  }
0x59: {  	[sflag:s31] =	ssyncset.done $0x0  }
0x5a: {  	s24 =	simm.s32 $0x0;
	[sflag:s31] =	ssyncadd.s32 $0xFFFFFB00  }
0x5b: {  	v1 =	vld [tilespmem:s24+$0x80];
	_ =	sdelay $0x3  }
0x5c: {  	s22 =	simm.s32 $0x40;
	s20 =	simm.s32 $0x580  }
.LBB2_5:
0x5d: {  	s24 =	sshra.s32 s22, $0x2;
	p1 =	sne.s32 s22, $0x13C0;
	s22 =	sadd.s32 $0x40, s22;
	[tilespmem:s20+$0x0] =	vst v1  }
.Ltmp1:
0x5e: {  	v1 =	vld [tilespmem:s24+$0x80];
	(pc) =	sbr.rel @p1 .LBB2_5-.Ltmp1, $2  }
0x5f: {  	_ =	sdelay $0x2  }
0x60: {  	s20 =	sadd.s32 $0x80, s20  }
0x61: {  	s17 =	sadd.s32 $0x1, s17  }
0x62: {  	p1 =	sne.s32 s17, $0x7D  }
.Ltmp2:
0x63: {  	[tilespmem:s20+$0x0] =	vst v1;
	(pc) =	sbr.rel @p1 .LBB2_4-.Ltmp2, $4  }
0x64: {  	[spmem:s2] =	stream.indirect.scatter.add.f32 [tilespmem:s30], [sflag:$0x1], $0x80, s3, s1, $0xb8;
	[tilespmem:$0x16600] =	vst v63  }
0x65: {  	_ =	swait.ge [sflag:s31], $0x2800  }
0x66: {  	[sflag:s31] =	ssyncset.done $0x0  }
0x67: {  	[sflag:s31] =	ssyncadd.s32 $0xFFFFD800  }
0x68: {  	[bflag:$0x0] =	sbarrier.arrive $0xFFFF  }
0x69: {  	s16 =	sshrl.u32 @p0 s14, $0x3;
	s17 =	simm.s32 @p0 $0x1FC1;
	s20 =	rddreg [dreg:$0xb]  }
0x6a: {  	[hbm:s20], [sflag:s17] =	dma.local @p0 [spmem:s16], $0x1900  }
0x6b: {  	s17 =	simm.s32 @p0 $0x1  }
0x6c: {  	s20 =	stileid.u32;
	_ =	swait.ge @p0 [sflag:s17], $0x1900  }
0x6d: {  	s22 =	simm.s32 @!p0 $0x1;
	s20 =	sshll.u32 @!p0 s20, $0x6;
	[sflag:s17] =	ssyncset.done @p0 $0x0  }
0x6e: {  	[sflag:s17] =	ssyncadd.s32 @p0 $0xFFFFE700;
	s17 =	sor.u32 @!p0 $0x1C01, s20;
	s20 =	sshrl.u32 @!p0 s6, $0x3  }
0x6f: {  	[hbm:s19], [sflag:s17] =	dma.local @!p0 [spmem:s20], $0x2800  }
0x70: {  	_ =	swait.ge @!p0 [sflag:s22], $0x2800  }
0x71: {  	[sflag:s22] =	ssyncset.done @!p0 $0x0  }
0x72: {  	[sflag:s22] =	ssyncadd.s32 @!p0 $0xFFFFD800  }
0x73: {  	s24 =	simm.s32 $0x200;
	s22 =	simm.s32 $0x0;
	[bflag:$0x0] =	sbarrier.arrive $0xFFFF  }
.LBB2_8:
0x74: {  	p1 =	sne.s32 s24, $0x9E00;
	[tilespmem:s22+$0x5F0] =	vst v0  }
0x75: {  	[tilespmem:s22+$0x580] =	vst v0  }
0x76: {  	[tilespmem:s22+$0x590] =	vst v0  }
.Ltmp3:
0x77: {  	[tilespmem:s22+$0x5A0] =	vst v0;
	(pc) =	sbr.rel @p1 .LBB2_8-.Ltmp3, $4  }
0x78: {  	[tilespmem:s22+$0x5B0] =	vst v0  }
0x79: {  	[tilespmem:s22+$0x5C0] =	vst v0  }
0x7a: {  	[tilespmem:s22+$0x5D0] =	vst v0  }
0x7b: {  	[tilespmem:s22+$0x5E0] =	vst v0;
	s22 =	sshra.s32 s24, $0x2;
	s24 =	sadd.s32 $0x200, s24  }
0x7c: {  	[tilespmem:s22+$0x5F0] =	vst v0  }
0x7d: {  	[tilespmem:s22+$0x580] =	vst v0  }
0x7e: {  	[tilespmem:s22+$0x590] =	vst v0  }
0x7f: {  	[tilespmem:s22+$0x5A0] =	vst v0  }
0x80: {  	[tilespmem:s22+$0x5B0] =	vst v0  }
0x81: {  	[tilespmem:s22+$0x5C0] =	vst v0  }
0x82: {  	[tilespmem:s22+$0x5D0] =	vst v0  }
0x83: {  	[tilespmem:s22+$0x5E0] =	vst v0;
	s22 =	simm.s32 @!p0 $0x580;
	s24 =	simm.s32 @!p0 $0x1  }
0x84: {  	[spmem:s6] =	stream.linear.scatter @!p0 [tilespmem:s22], [sflag:$0x1], $0x2800, $0x38;
	[tilespmem:$0x16600] =	vst v63  }
0x85: {  	_ =	swait.ge @!p0 [sflag:s24], $0x2800  }
0x86: {  	[sflag:s24] =	ssyncset.done @!p0 $0x0  }
0x87: {  	[sflag:s24] =	ssyncadd.s32 @!p0 $0xFFFFD800  }
0x88: {  	[spmem:s7] =	stream.linear.scatter @!p0 [tilespmem:s22], [sflag:$0x1], $0x2800, $0x38;
	[tilespmem:$0x16600] =	vst v63  }
0x89: {  	_ =	swait.ge @!p0 [sflag:s24], $0x2800  }
0x8a: {  	[sflag:s24] =	ssyncset.done @!p0 $0x0  }
0x8b: {  	[sflag:s24] =	ssyncadd.s32 @!p0 $0xFFFFD800  }
0x8c: {  	[spmem:s8] =	stream.linear.scatter @!p0 [tilespmem:s22], [sflag:$0x1], $0x2800, $0x38;
	[tilespmem:$0x16600] =	vst v63  }
0x8d: {  	_ =	swait.ge @!p0 [sflag:s24], $0x2800  }
0x8e: {  	[sflag:s24] =	ssyncset.done @!p0 $0x0  }
0x8f: {  	[sflag:s24] =	ssyncadd.s32 @!p0 $0xFFFFD800  }
0x90: {  	[spmem:s10] =	stream.linear.scatter [tilespmem:s30], [sflag:$0x1], $0x2800, $0x38;
	[tilespmem:$0x16600] =	vst v63  }
0x91: {  	_ =	swait.ge [sflag:s31], $0x2800  }
0x92: {  	[sflag:s31] =	ssyncset.done $0x0  }
0x93: {  	[sflag:s31] =	ssyncadd.s32 $0xFFFFD800  }
0x94: {  	[spmem:s11] =	stream.linear.scatter [tilespmem:s30], [sflag:$0x1], $0x2800, $0x38;
	[tilespmem:$0x16600] =	vst v63  }
0x95: {  	_ =	swait.ge [sflag:s31], $0x2800  }
0x96: {  	[sflag:s31] =	ssyncset.done $0x0  }
0x97: {  	[sflag:s31] =	ssyncadd.s32 $0xFFFFD800  }
0x98: {  	[spmem:s15] =	stream.linear.scatter [tilespmem:s30], [sflag:$0x1], $0x2800, $0x38;
	[tilespmem:$0x16600] =	vst v63  }
0x99: {  	_ =	swait.ge [sflag:s31], $0x2800  }
0x9a: {  	[sflag:s31] =	ssyncset.done $0x0  }
0x9b: {  	[sflag:s31] =	ssyncadd.s32 $0xFFFFD800  }
0x9c: {  	[spmem:s12] =	stream.linear.scatter [tilespmem:s30], [sflag:$0x1], $0x2800, $0x38;
	[tilespmem:$0x16600] =	vst v63  }
0x9d: {  	_ =	swait.ge [sflag:s31], $0x2800  }
0x9e: {  	[sflag:s31] =	ssyncset.done $0x0  }
0x9f: {  	[sflag:s31] =	ssyncadd.s32 $0xFFFFD800  }
0xa0: {  	[spmem:s13] =	stream.linear.scatter [tilespmem:s30], [sflag:$0x1], $0x2800, $0x38;
	[tilespmem:$0x16600] =	vst v63  }
0xa1: {  	_ =	swait.ge [sflag:s31], $0x2800  }
0xa2: {  	[sflag:s31] =	ssyncset.done $0x0  }
0xa3: {  	[sflag:s31] =	ssyncadd.s32 $0xFFFFD800  }
0xa4: {  	s22 =	simm.s32 $0x0;
	s24 =	simm.s32 $0x0;
	[bflag:$0x0] =	sbarrier.arrive $0xFFFF  }
.LBB2_10:
0xa5: {  	s25 =	smul.u32 $0x50, s24;
	_ =	sdelay $0x1  }
0xa6: {  	s25 =	sadd.s32 s18, s25  }
0xa7: {  	s26 =	sshrl.u32 s25, $0x3  }
0xa8: {  	s26 =	sadd.s32 s4, s26  }
0xa9: {  	s26 =	sadd.s32 $0x1D4C0, s26  }
0xaa: {  	[tilespmem:s22], [sflag:$0x1] =	stream.linear.gather [hbm4b:s26+s22], $0x50, $0x38;
	[tilespmem:$0x16600] =	vst v63  }
0xab: {  	_ =	swait.ge [sflag:s31], $0x50  }
0xac: {  	s25 =	sshll.u32 s25, $0x1;
	[sflag:s31] =	ssyncset.done $0x0  }
0xad: {  	s25 =	sadd.s32 s25, s21;
	[sflag:s31] =	ssyncadd.s32 $0xFFFFFFB0  }
0xae: {  	[tilespmem:s0], [sflag:$0x1] =	stream.linear.gather [hbm4b:s25+s22], $0x500, $0x38;
	[tilespmem:$0x16600] =	vst v63  }
0xaf: {  	_ =	swait.ge [sflag:s31], $0x500  }
0xb0: {  	[sflag:s31] =	ssyncset.done $0x0  }
0xb1: {  	s28 =	simm.s32 $0x0;
	[sflag:s31] =	ssyncadd.s32 $0xFFFFFB00  }
0xb2: {  	v1 =	vld [tilespmem:s28+$0x80];
	_ =	sdelay $0x3  }
0xb3: {  	s26 =	simm.s32 $0x40;
	s25 =	simm.s32 $0x580  }
.LBB2_11:
0xb4: {  	s28 =	sshra.s32 s26, $0x2;
	p1 =	sne.s32 s26, $0x13C0;
	s26 =	sadd.s32 $0x40, s26;
	[tilespmem:s25+$0x0] =	vst v1  }
.Ltmp4:
0xb5: {  	v1 =	vld [tilespmem:s28+$0x80];
	(pc) =	sbr.rel @p1 .LBB2_11-.Ltmp4, $2  }
0xb6: {  	_ =	sdelay $0x2  }
0xb7: {  	s25 =	sadd.s32 $0x80, s25  }
0xb8: {  	s24 =	sadd.s32 $0x1, s24  }
0xb9: {  	p1 =	sne.s32 s24, $0x7D  }
.Ltmp5:
0xba: {  	[tilespmem:s25+$0x0] =	vst v1;
	(pc) =	sbr.rel @p1 .LBB2_10-.Ltmp5, $4  }
0xbb: {  	[spmem:s2] =	stream.indirect.scatter.add.f32 [tilespmem:s30], [sflag:$0x1], $0x80, s3, s1, $0xb8;
	[tilespmem:$0x16600] =	vst v63  }
0xbc: {  	_ =	swait.ge [sflag:s31], $0x2800  }
0xbd: {  	[sflag:s31] =	ssyncset.done $0x0  }
0xbe: {  	[sflag:s31] =	ssyncadd.s32 $0xFFFFD800  }
0xbf: {  	[bflag:$0x0] =	sbarrier.arrive $0xFFFF  }
0xc0: {  	s22 =	simm.s32 @p0 $0x1FC1;
	s24 =	rddreg [dreg:$0xc]  }
0xc1: {  	[hbm:s24], [sflag:s22] =	dma.local @p0 [spmem:s16], $0x1900  }
0xc2: {  	s22 =	simm.s32 @p0 $0x1  }
0xc3: {  	_ =	swait.ge @p0 [sflag:s22], $0x1900  }
0xc4: {  	[sflag:s22] =	ssyncset.done @p0 $0x0  }
0xc5: {  	[sflag:s22] =	ssyncadd.s32 @p0 $0xFFFFE700;
	s22 =	rddreg [dreg:$0x10]  }
0xc6: {  	[hbm:s22], [sflag:s17] =	dma.local @!p0 [spmem:s20], $0x2800  }
0xc7: {  	s22 =	simm.s32 @!p0 $0x1  }
0xc8: {  	_ =	swait.ge @!p0 [sflag:s22], $0x2800  }
0xc9: {  	[sflag:s22] =	ssyncset.done @!p0 $0x0  }
0xca: {  	[sflag:s22] =	ssyncadd.s32 @!p0 $0xFFFFD800  }
0xcb: {  	s24 =	simm.s32 $0x200;
	s22 =	simm.s32 $0x0;
	[bflag:$0x0] =	sbarrier.arrive $0xFFFF  }
.LBB2_14:
0xcc: {  	p1 =	sne.s32 s24, $0x9E00;
	[tilespmem:s22+$0x5F0] =	vst v0  }
0xcd: {  	[tilespmem:s22+$0x580] =	vst v0  }
0xce: {  	[tilespmem:s22+$0x590] =	vst v0  }
.Ltmp6:
0xcf: {  	[tilespmem:s22+$0x5A0] =	vst v0;
	(pc) =	sbr.rel @p1 .LBB2_14-.Ltmp6, $4  }
0xd0: {  	[tilespmem:s22+$0x5B0] =	vst v0  }
0xd1: {  	[tilespmem:s22+$0x5C0] =	vst v0  }
0xd2: {  	[tilespmem:s22+$0x5D0] =	vst v0  }
0xd3: {  	[tilespmem:s22+$0x5E0] =	vst v0;
	s22 =	sshra.s32 s24, $0x2;
	s24 =	sadd.s32 $0x200, s24  }
0xd4: {  	[tilespmem:s22+$0x5F0] =	vst v0  }
0xd5: {  	[tilespmem:s22+$0x580] =	vst v0  }
0xd6: {  	[tilespmem:s22+$0x590] =	vst v0  }
0xd7: {  	[tilespmem:s22+$0x5A0] =	vst v0  }
0xd8: {  	[tilespmem:s22+$0x5B0] =	vst v0  }
0xd9: {  	[tilespmem:s22+$0x5C0] =	vst v0  }
0xda: {  	[tilespmem:s22+$0x5D0] =	vst v0  }
0xdb: {  	[tilespmem:s22+$0x5E0] =	vst v0;
	s22 =	simm.s32 @!p0 $0x580;
	s24 =	simm.s32 @!p0 $0x1  }
0xdc: {  	[spmem:s6] =	stream.linear.scatter @!p0 [tilespmem:s22], [sflag:$0x1], $0x2800, $0x38;
	[tilespmem:$0x16600] =	vst v63  }
0xdd: {  	_ =	swait.ge @!p0 [sflag:s24], $0x2800  }
0xde: {  	[sflag:s24] =	ssyncset.done @!p0 $0x0  }
0xdf: {  	[sflag:s24] =	ssyncadd.s32 @!p0 $0xFFFFD800  }
0xe0: {  	[spmem:s7] =	stream.linear.scatter @!p0 [tilespmem:s22], [sflag:$0x1], $0x2800, $0x38;
	[tilespmem:$0x16600] =	vst v63  }
0xe1: {  	_ =	swait.ge @!p0 [sflag:s24], $0x2800  }
0xe2: {  	[sflag:s24] =	ssyncset.done @!p0 $0x0  }
0xe3: {  	[sflag:s24] =	ssyncadd.s32 @!p0 $0xFFFFD800  }
0xe4: {  	[spmem:s8] =	stream.linear.scatter @!p0 [tilespmem:s22], [sflag:$0x1], $0x2800, $0x38;
	[tilespmem:$0x16600] =	vst v63  }
0xe5: {  	_ =	swait.ge @!p0 [sflag:s24], $0x2800  }
0xe6: {  	[sflag:s24] =	ssyncset.done @!p0 $0x0  }
0xe7: {  	[sflag:s24] =	ssyncadd.s32 @!p0 $0xFFFFD800  }
0xe8: {  	[spmem:s10] =	stream.linear.scatter [tilespmem:s30], [sflag:$0x1], $0x2800, $0x38;
	[tilespmem:$0x16600] =	vst v63  }
0xe9: {  	_ =	swait.ge [sflag:s31], $0x2800  }
0xea: {  	[sflag:s31] =	ssyncset.done $0x0  }
0xeb: {  	[sflag:s31] =	ssyncadd.s32 $0xFFFFD800  }
0xec: {  	[spmem:s11] =	stream.linear.scatter [tilespmem:s30], [sflag:$0x1], $0x2800, $0x38;
	[tilespmem:$0x16600] =	vst v63  }
0xed: {  	_ =	swait.ge [sflag:s31], $0x2800  }
0xee: {  	[sflag:s31] =	ssyncset.done $0x0  }
0xef: {  	[sflag:s31] =	ssyncadd.s32 $0xFFFFD800  }
0xf0: {  	[spmem:s15] =	stream.linear.scatter [tilespmem:s30], [sflag:$0x1], $0x2800, $0x38;
	[tilespmem:$0x16600] =	vst v63  }
0xf1: {  	_ =	swait.ge [sflag:s31], $0x2800  }
0xf2: {  	[sflag:s31] =	ssyncset.done $0x0  }
0xf3: {  	[sflag:s31] =	ssyncadd.s32 $0xFFFFD800  }
0xf4: {  	[spmem:s12] =	stream.linear.scatter [tilespmem:s30], [sflag:$0x1], $0x2800, $0x38;
	[tilespmem:$0x16600] =	vst v63  }
0xf5: {  	_ =	swait.ge [sflag:s31], $0x2800  }
0xf6: {  	[sflag:s31] =	ssyncset.done $0x0  }
0xf7: {  	[sflag:s31] =	ssyncadd.s32 $0xFFFFD800  }
0xf8: {  	[spmem:s13] =	stream.linear.scatter [tilespmem:s30], [sflag:$0x1], $0x2800, $0x38;
	[tilespmem:$0x16600] =	vst v63  }
0xf9: {  	_ =	swait.ge [sflag:s31], $0x2800  }
0xfa: {  	[sflag:s31] =	ssyncset.done $0x0  }
0xfb: {  	[sflag:s31] =	ssyncadd.s32 $0xFFFFD800  }
0xfc: {  	s10 =	simm.s32 $0x0;
	s11 =	simm.s32 $0x0;
	[bflag:$0x0] =	sbarrier.arrive $0xFFFF  }
.LBB2_16:
0xfd: {  	s12 =	smul.u32 $0x50, s11;
	_ =	sdelay $0x1  }
0xfe: {  	s12 =	sadd.s32 s18, s12  }
0xff: {  	s13 =	sshrl.u32 s12, $0x3  }
0x100: {  	s13 =	sadd.s32 s4, s13  }
0x101: {  	s13 =	sadd.s32 $0x30D40, s13  }
0x102: {  	[tilespmem:s10], [sflag:$0x1] =	stream.linear.gather [hbm4b:s13+s10], $0x50, $0x38;
	[tilespmem:$0x16600] =	vst v63  }
0x103: {  	_ =	swait.ge [sflag:s31], $0x50  }
0x104: {  	s12 =	sshll.u32 s12, $0x1;
	[sflag:s31] =	ssyncset.done $0x0  }
0x105: {  	s12 =	sadd.s32 s12, s23;
	[sflag:s31] =	ssyncadd.s32 $0xFFFFFFB0  }
0x106: {  	[tilespmem:s0], [sflag:$0x1] =	stream.linear.gather [hbm4b:s12+s10], $0x500, $0x38;
	[tilespmem:$0x16600] =	vst v63  }
0x107: {  	_ =	swait.ge [sflag:s31], $0x500  }
0x108: {  	[sflag:s31] =	ssyncset.done $0x0  }
0x109: {  	s15 =	simm.s32 $0x0;
	[sflag:s31] =	ssyncadd.s32 $0xFFFFFB00  }
0x10a: {  	v1 =	vld [tilespmem:s15+$0x80];
	_ =	sdelay $0x3  }
0x10b: {  	s13 =	simm.s32 $0x40;
	s12 =	simm.s32 $0x580  }
.LBB2_17:
0x10c: {  	s15 =	sshra.s32 s13, $0x2;
	p1 =	sne.s32 s13, $0x13C0;
	s13 =	sadd.s32 $0x40, s13;
	[tilespmem:s12+$0x0] =	vst v1  }
.Ltmp7:
0x10d: {  	v1 =	vld [tilespmem:s15+$0x80];
	(pc) =	sbr.rel @p1 .LBB2_17-.Ltmp7, $2  }
0x10e: {  	_ =	sdelay $0x2  }
0x10f: {  	s12 =	sadd.s32 $0x80, s12  }
0x110: {  	s11 =	sadd.s32 $0x1, s11  }
0x111: {  	p1 =	sne.s32 s11, $0x7D  }
.Ltmp8:
0x112: {  	[tilespmem:s12+$0x0] =	vst v1;
	(pc) =	sbr.rel @p1 .LBB2_16-.Ltmp8, $4  }
0x113: {  	[spmem:s2] =	stream.indirect.scatter.add.f32 [tilespmem:s30], [sflag:$0x1], $0x80, s3, s1, $0xb8;
	[tilespmem:$0x16600] =	vst v63  }
0x114: {  	_ =	swait.ge [sflag:s31], $0x2800  }
0x115: {  	[sflag:s31] =	ssyncset.done $0x0  }
0x116: {  	[sflag:s31] =	ssyncadd.s32 $0xFFFFD800  }
0x117: {  	[bflag:$0x0] =	sbarrier.arrive $0xFFFF  }
0x118: {  	s10 =	simm.s32 @p0 $0x1FC1;
	s11 =	rddreg [dreg:$0xd]  }
0x119: {  	[hbm:s11], [sflag:s10] =	dma.local @p0 [spmem:s16], $0x1900  }
0x11a: {  	s10 =	simm.s32 @p0 $0x1  }
0x11b: {  	_ =	swait.ge @p0 [sflag:s10], $0x1900  }
0x11c: {  	[sflag:s10] =	ssyncset.done @p0 $0x0  }
0x11d: {  	[sflag:s10] =	ssyncadd.s32 @p0 $0xFFFFE700;
	s10 =	simm.s32 @!p0 $0x1  }
0x11e: {  	[hbm:s29], [sflag:s17] =	dma.local @!p0 [spmem:s20], $0x2800  }
0x11f: {  	_ =	swait.ge @!p0 [sflag:s10], $0x2800  }
0x120: {  	s9 =	sadd.s32 $0x1, s9;
	s28 =	rddreg [dreg:$0xe]  }
0x121: {  	p1 =	sne.s32 s9, s28  }
.Ltmp9:
0x122: {  	_ = 	snop;
	(pc) =	sbr.rel @p1 .LBB2_1-.Ltmp9, $3  }
0x123: {  	[sflag:s10] =	ssyncset.done @!p0 $0x0  }
0x124: {  	[sflag:s10] =	ssyncadd.s32 @!p0 $0xFFFFD800  }
0x125: {  	[bflag:$0x0] =	sbarrier.arrive $0xFFFF;
	_ =	sdelay $0x1  }
0x126: {  	_ =	sfence.sel $0x180000  }
0x127: {  	[bflag:$0x0] =	sbarrier.arrive $0xFFFF  }
0x128: {  	_ =	strace $0x9000004A  }
0x129: {  	s0 =	stileid.u32;
	[bflag:$0x2] =	sbarrier.arrive $0xFFFF  }
0x12a: {  	p0 =	sne.s32 s0, $0x0;
	s0 =	rddreg [dreg:$0x2]  }
0x12b: {  	s0 =	sadd.s32 @!p0 $0x100000, s0  }
0x12c: {  	[sflag:s0] =	ssyncadd.tile.s32 @!p0 $0x1;
	_ =	shalt  }
.Lfunc_end2:
_tile_overlayer_lowered:
.L_overlay_start_2:
0x12d: {  	(tag) =	ssettag $0x2  }
0x12e: {  	s0 =	rddreg [dreg:$0x0];
	s2 =	stileid.u32  }
0x12f: {  	s1 =	rddreg [dreg:$0x1];
	p0 =	sne.s32 s2, $0x0  }
0x130: {  	s3 =	rddreg [dreg:$0x2];
	[bflag:$0x3] =	sbarrier.arrive $0xFFFF;
	s2 =	simm.s32 @!p0 $0x1C01  }
0x131: {  	[timem:s3], [sflag:s2] =	dma.local @!p0 [hbm:s0], s1  }
0x132: {  	s0 =	simm.s32 @!p0 $0x1  }
0x133: {  	_ =	swait.ge @!p0 [sflag:s0], s1  }
0x134: {  	s1 =	ssub.s32 @!p0 $0x0, s1;
	[sflag:s0] =	ssyncset.done @!p0 $0x0  }
0x135: {  	[sflag:s0] =	ssyncadd.s32 @!p0 s1  }
0x136: {  	[bflag:$0x3] =	sbarrier.arrive $0xFFFF  }
0x137: {  	_ =	shalt  }

</sc_bundles>
